<compile_context>
chip_gen: v7x
topology: tpu7x:2x2x1
jax: 0.10.2.dev20260603
libtpu: 0.0.44.dev20260713+nightly
codegen_flags: <defaults>
</compile_context>

<pallas_src>
import jax
import jax.numpy as jnp
from jax import lax
from jax.experimental import pallas as pl
from jax.experimental.pallas import tpu as pltpu
from jax.experimental.pallas import tpu_sc as plsc

B = 4096
L = 200
WDIM = 50
PDIM = 5
ODIM = 60
TPAD = 64
PLEN = 400

NC = 2
NS = 16
NW = NC * NS
ROWS_W = B // NW
R = 4
C = R * L
CHUNKS = ROWS_W // R


def _body(word_hbm, p1_hbm, p2_hbm, wt_hbm, p1t_hbm, p2t_hbm, out_hbm,
          widx, p1idx, p2idx, t64, p1t, p2t, semi, semg, semo):
  wid = lax.axis_index("s") * NC + lax.axis_index("c")
  base = wid * ROWS_W
  pltpu.sync_copy(p1t_hbm, p1t)
  pltpu.sync_copy(p2t_hbm, p2t)

  def fire_idx(g, b):
    row = base + g * R
    pltpu.async_copy(word_hbm.at[pl.ds(row, R)], widx.at[b], semi[b])
    pltpu.async_copy(p1_hbm.at[pl.ds(row, R)], p1idx.at[b], semi[b])
    pltpu.async_copy(p2_hbm.at[pl.ds(row, R)], p2idx.at[b], semi[b])

  def wait_idx(b):
    pltpu.make_async_copy(word_hbm.at[pl.ds(0, R)], widx.at[b], semi[b]).wait()
    pltpu.make_async_copy(p1_hbm.at[pl.ds(0, R)], p1idx.at[b], semi[b]).wait()
    pltpu.make_async_copy(p2_hbm.at[pl.ds(0, R)], p2idx.at[b], semi[b]).wait()

  def fire_gathers(b):
    for r in range(R):
      pltpu.async_copy(wt_hbm.at[widx.at[b, r, pl.ds(0, 128)]],
                       t64.at[b, pl.ds(r * L, 128)], semg[b])
      pltpu.async_copy(wt_hbm.at[widx.at[b, r, pl.ds(128, L - 128)]],
                       t64.at[b, pl.ds(r * L + 128, L - 128)], semg[b])

  def wait_gathers(b):
    pltpu.make_async_copy(wt_hbm.at[pl.ds(0, C)], t64.at[b], semg[b]).wait()

  def fire_out(g, b):
    cb = pl.multiple_of((base + g * R) * L, 8)
    pltpu.async_copy(t64.at[b], out_hbm.at[pl.ds(cb, C)], semo[b])

  def wait_out(b):
    pltpu.make_async_copy(t64.at[b], out_hbm.at[pl.ds(0, C)], semo[b]).wait()

  fire_idx(0, 0)
  fire_idx(1, 1)
  wait_idx(0)
  fire_gathers(0)

  @pl.loop(0, CHUNKS // 2)
  def _outer(go):
    for b in range(2):
      g = go * 2 + b
      nb = 1 - b

      @pl.when((g >= 1) & (g + 1 < CHUNKS))
      def _():
        wait_out(nb)

      @pl.when(g + 1 < CHUNKS)
      def _():
        wait_idx(nb)
        fire_gathers(nb)

      wait_gathers(b)

      for r in range(R):
        @plsc.parallel_loop(0, 13, unroll=2)
        def _grp(i):
          off = jnp.minimum(i * 16, L - 16)
          rows = lax.iota(jnp.int32, 16) + (r * L + off)
          i1 = p1idx.at[b, r][pl.ds(off, 16)] * PDIM
          i2 = p2idx.at[b, r][pl.ds(off, 16)] * PDIM
          v1s = [plsc.load_gather(p1t, [i1 + jnp.full((16,), j, jnp.int32)])
                 for j in range(PDIM)]
          v2s = [plsc.load_gather(p2t, [i2 + jnp.full((16,), j, jnp.int32)])
                 for j in range(PDIM)]
          for j in range(PDIM):
            plsc.store_scatter(
                t64.at[b], [rows, jnp.full((16,), WDIM + j, jnp.int32)], v1s[j])
            plsc.store_scatter(
                t64.at[b], [rows, jnp.full((16,), WDIM + PDIM + j, jnp.int32)], v2s[j])

      fire_out(g, b)

      @pl.when(g + 2 < CHUNKS)
      def _():
        fire_idx(g + 2, b)

  wait_out(1)


def kernel(word, pos1, pos2, word_table, pos1_table, pos2_table):
  mesh = plsc.VectorSubcoreMesh(core_axis_name="c", subcore_axis_name="s")
  run = pl.kernel(
      _body,
      out_type=jax.ShapeDtypeStruct((B * L, TPAD), jnp.float32),
      mesh=mesh,
      scratch_types=[
          pltpu.VMEM((2, R, L), jnp.int32),
          pltpu.VMEM((2, R, L), jnp.int32),
          pltpu.VMEM((2, R, L), jnp.int32),
          pltpu.VMEM((2, C, TPAD), jnp.float32),
          pltpu.VMEM((PLEN * PDIM,), jnp.float32),
          pltpu.VMEM((PLEN * PDIM,), jnp.float32),
          [pltpu.SemaphoreType.DMA, pltpu.SemaphoreType.DMA],
          [pltpu.SemaphoreType.DMA, pltpu.SemaphoreType.DMA],
          [pltpu.SemaphoreType.DMA, pltpu.SemaphoreType.DMA],
      ],
      compiler_params=pltpu.CompilerParams(
          use_tc_tiling_on_sc=False, needs_layout_passes=False),
  )
  wt_pad = jnp.pad(word_table.astype(jnp.float32), ((0, 0), (0, TPAD - WDIM)))
  out = run(
      word.astype(jnp.int32),
      pos1.astype(jnp.int32),
      pos2.astype(jnp.int32),
      wt_pad,
      pos1_table.astype(jnp.float32).reshape(PLEN * PDIM),
      pos2_table.astype(jnp.float32).reshape(PLEN * PDIM),
  )
  return out[:, :ODIM].reshape(B, L, ODIM)

# --- scband reference (transcript-rebuilt; emitter-appended) ---
"""Pipeline reference for scband-embedding-36859409335041 (READ-ONLY COPY).

The authoritative reference and input builder live on the scoring server;
editing this copy changes nothing except your own understanding.
"""

import jax, jax.numpy as jnp
import numpy as np

VOCAB = 100000
WDIM = 50
PDIM = 5
MAXLEN = 200
B = 4096
L = 200

def setup_inputs(seed: int = 0) -> dict:
    key = jax.random.key(seed)
    k1, k2, k3, k4, k5, k6 = jax.random.split(key, 6)
    word = jax.random.randint(k1, (B, L), 0, VOCAB + 1)
    pos1 = jax.random.randint(k2, (B, L), 0, 2 * MAXLEN)
    pos2 = jax.random.randint(k3, (B, L), 0, 2 * MAXLEN)
    # word embedding table: pretrained rows [0..VOCAB-1], unk row VOCAB (zeros at init per module),
    # pad row VOCAB+1 (padding_idx -> zeros). We emulate pretrained word_vec_mat with randn.
    word_table = jax.random.normal(k4, (VOCAB + 2, WDIM), dtype=jnp.float32)
    word_table = word_table.at[VOCAB].set(0.0)      # unk initialized to zeros
    word_table = word_table.at[VOCAB + 1].set(0.0)  # padding_idx row
    pos1_table = jax.random.normal(k5, (2 * MAXLEN, PDIM), dtype=jnp.float32).at[0].set(0.0)  # padding_idx=0
    pos2_table = jax.random.normal(k6, (2 * MAXLEN, PDIM), dtype=jnp.float32).at[0].set(0.0)  # padding_idx=0
    return {
        'word': word, 'pos1': pos1, 'pos2': pos2,
        'word_table': word_table, 'pos1_table': pos1_table, 'pos2_table': pos2_table,
    }

def reference(word, pos1, pos2, word_table, pos1_table, pos2_table):
    # x = cat([word_emb(word), pos1_emb(pos1), pos2_emb(pos2)], dim=2)
    w = jnp.take(word_table, word, axis=0)   # [B, L, 50]
    p1 = jnp.take(pos1_table, pos1, axis=0)  # [B, L, 5]
    p2 = jnp.take(pos2_table, pos2, axis=0)  # [B, L, 5]
    return jnp.concatenate([w, p1, p2], axis=2)  # [B, L, 60]

if __name__ == "__main__":
    import jax
    _d = setup_inputs()
    print(jax.jit(kernel)(*tuple(_d.values())))

</pallas_src>

<mosaic_0001>
#map = affine_map<(d0, d1) -> (0, 0)>
#map1 = affine_map<(d0, d1) -> (0)>
module attributes {stable_mosaic.version = 14 : i64} {
  func.func @_body(%arg0: i32, %arg1: i32, %arg2: memref<4096x200xi32, #tpu.memory_space<hbm>>, %arg3: memref<4096x200xi32, #tpu.memory_space<hbm>>, %arg4: memref<4096x200xi32, #tpu.memory_space<hbm>>, %arg5: memref<100002x64xf32, #tpu.memory_space<hbm>>, %arg6: memref<2000xf32, #tpu.memory_space<hbm>>, %arg7: memref<2000xf32, #tpu.memory_space<hbm>>, %arg8: memref<819200x64xf32, #tpu.memory_space<hbm>>, %arg9: memref<2x4x200xi32, #tpu.memory_space<vmem>>, %arg10: memref<2x4x200xi32, #tpu.memory_space<vmem>>, %arg11: memref<2x4x200xi32, #tpu.memory_space<vmem>>, %arg12: memref<2x800x64xf32, #tpu.memory_space<vmem>>, %arg13: memref<2000xf32, #tpu.memory_space<vmem>>, %arg14: memref<2000xf32, #tpu.memory_space<vmem>>, %arg15: memref<!tpu.dma_semaphore, #tpu.memory_space<semaphore_mem>>, %arg16: memref<!tpu.dma_semaphore, #tpu.memory_space<semaphore_mem>>, %arg17: memref<!tpu.dma_semaphore, #tpu.memory_space<semaphore_mem>>, %arg18: memref<!tpu.dma_semaphore, #tpu.memory_space<semaphore_mem>>, %arg19: memref<!tpu.dma_semaphore, #tpu.memory_space<semaphore_mem>>, %arg20: memref<!tpu.dma_semaphore, #tpu.memory_space<semaphore_mem>>) attributes {dimension_semantics = [#tpu.dimension_semantics<core_parallel>, #tpu.dimension_semantics<subcore_parallel>], iteration_bounds = array<i64: 2, 16>, scalar_prefetch = 0 : i64, scratch_operands = 12 : i64, tpu.core_type = #tpu.core_type<sc_vector_subcore>, window_params = [{transform_indices = #map}, {transform_indices = #map}, {transform_indices = #map}, {transform_indices = #map}, {transform_indices = #map1}, {transform_indices = #map1}, {transform_indices = #map}]} {
    %mul3A = arith.constant 2 : i32
    %mul3A_0 = arith.muli %arg1, %mul3A : i32
    %add3A = arith.addi %mul3A_0, %arg0 : i32
    %mul3A_1 = arith.constant 128 : i32
    %mul3A_2 = arith.muli %add3A, %mul3A_1 : i32
    "tpu.region"() ({
      %run_scoped3A = tpu.sem_alloc : memref<!tpu.dma_semaphore, #tpu.memory_space<semaphore_mem>>
      tpu.enqueue_dma source(%arg6 : memref<2000xf32, #tpu.memory_space<hbm>>) target(%arg13 : memref<2000xf32, #tpu.memory_space<vmem>>) target_semaphore(%run_scoped3A : memref<!tpu.dma_semaphore, #tpu.memory_space<semaphore_mem>>)
      tpu.wait_dma2 semaphore(%run_scoped3A : memref<!tpu.dma_semaphore, #tpu.memory_space<semaphore_mem>>) src(%arg6 : memref<2000xf32, #tpu.memory_space<hbm>>) dst(%arg13 : memref<2000xf32, #tpu.memory_space<vmem>>)
      tpu.yield
    }) : () -> ()
    "tpu.region"() ({
      %run_scoped3A = tpu.sem_alloc : memref<!tpu.dma_semaphore, #tpu.memory_space<semaphore_mem>>
      tpu.enqueue_dma source(%arg7 : memref<2000xf32, #tpu.memory_space<hbm>>) target(%arg14 : memref<2000xf32, #tpu.memory_space<vmem>>) target_semaphore(%run_scoped3A : memref<!tpu.dma_semaphore, #tpu.memory_space<semaphore_mem>>)
      tpu.wait_dma2 semaphore(%run_scoped3A : memref<!tpu.dma_semaphore, #tpu.memory_space<semaphore_mem>>) src(%arg7 : memref<2000xf32, #tpu.memory_space<hbm>>) dst(%arg14 : memref<2000xf32, #tpu.memory_space<vmem>>)
      tpu.yield
    }) : () -> ()
    %add3A_3 = arith.constant 0 : i32
    %add3A_4 = arith.addi %mul3A_2, %add3A_3 : i32
    %dma_start3A = arith.constant 0 : i32
    %dma_start3A_5 = arith.constant 0 : i32
    %dma_start3A_6 = arith.constant 0 : i32
    %dma_start3A_7 = tpu.memref_slice %arg9[%dma_start3A, %dma_start3A_5, %dma_start3A_6] : memref<2x4x200xi32, #tpu.memory_space<vmem>> -> memref<1x4x200xi32, #tpu.memory_space<vmem>>
    %dma_start3A_8 = tpu.memref_squeeze %dma_start3A_7 : memref<1x4x200xi32, #tpu.memory_space<vmem>> -> memref<4x200xi32, #tpu.memory_space<vmem>>
    %dma_start3A_9 = arith.constant 0 : i32
    %dma_start3A_10 = tpu.memref_slice %arg2[%add3A_4, %dma_start3A_9] : memref<4096x200xi32, #tpu.memory_space<hbm>> -> memref<4x200xi32, #tpu.memory_space<hbm>>
    %dma_start3A_11 = arith.constant 0 : i32
    %dma_start3A_12 = arith.constant 0 : i32
    %dma_start3A_13 = tpu.memref_slice %arg9[%dma_start3A, %dma_start3A_11, %dma_start3A_12] : memref<2x4x200xi32, #tpu.memory_space<vmem>> -> memref<1x4x200xi32, #tpu.memory_space<vmem>>
    %dma_start3A_14 = tpu.memref_squeeze %dma_start3A_13 : memref<1x4x200xi32, #tpu.memory_space<vmem>> -> memref<4x200xi32, #tpu.memory_space<vmem>>
    %dma_start3A_15 = arith.constant 0 : i32
    %dma_start3A_16 = tpu.memref_slice %arg2[%add3A_4, %dma_start3A_15] : memref<4096x200xi32, #tpu.memory_space<hbm>> -> memref<4x200xi32, #tpu.memory_space<hbm>>
    tpu.enqueue_dma source(%dma_start3A_16 : memref<4x200xi32, #tpu.memory_space<hbm>>) target(%dma_start3A_14 : memref<4x200xi32, #tpu.memory_space<vmem>>) target_semaphore(%arg15 : memref<!tpu.dma_semaphore, #tpu.memory_space<semaphore_mem>>)
    %dma_start3A_17 = arith.constant 0 : i32
    %dma_start3A_18 = arith.constant 0 : i32
    %dma_start3A_19 = arith.constant 0 : i32
    %dma_start3A_20 = tpu.memref_slice %arg10[%dma_start3A_17, %dma_start3A_18, %dma_start3A_19] : memref<2x4x200xi32, #tpu.memory_space<vmem>> -> memref<1x4x200xi32, #tpu.memory_space<vmem>>
    %dma_start3A_21 = tpu.memref_squeeze %dma_start3A_20 : memref<1x4x200xi32, #tpu.memory_space<vmem>> -> memref<4x200xi32, #tpu.memory_space<vmem>>
    %dma_start3A_22 = arith.constant 0 : i32
    %dma_start3A_23 = tpu.memref_slice %arg3[%add3A_4, %dma_start3A_22] : memref<4096x200xi32, #tpu.memory_space<hbm>> -> memref<4x200xi32, #tpu.memory_space<hbm>>
    %dma_start3A_24 = arith.constant 0 : i32
    %dma_start3A_25 = arith.constant 0 : i32
    %dma_start3A_26 = tpu.memref_slice %arg10[%dma_start3A_17, %dma_start3A_24, %dma_start3A_25] : memref<2x4x200xi32, #tpu.memory_space<vmem>> -> memref<1x4x200xi32, #tpu.memory_space<vmem>>
    %dma_start3A_27 = tpu.memref_squeeze %dma_start3A_26 : memref<1x4x200xi32, #tpu.memory_space<vmem>> -> memref<4x200xi32, #tpu.memory_space<vmem>>
    %dma_start3A_28 = arith.constant 0 : i32
    %dma_start3A_29 = tpu.memref_slice %arg3[%add3A_4, %dma_start3A_28] : memref<4096x200xi32, #tpu.memory_space<hbm>> -> memref<4x200xi32, #tpu.memory_space<hbm>>
    tpu.enqueue_dma source(%dma_start3A_29 : memref<4x200xi32, #tpu.memory_space<hbm>>) target(%dma_start3A_27 : memref<4x200xi32, #tpu.memory_space<vmem>>) target_semaphore(%arg15 : memref<!tpu.dma_semaphore, #tpu.memory_space<semaphore_mem>>)
    %dma_start3A_30 = arith.constant 0 : i32
    %dma_start3A_31 = arith.constant 0 : i32
    %dma_start3A_32 = arith.constant 0 : i32
    %dma_start3A_33 = tpu.memref_slice %arg11[%dma_start3A_30, %dma_start3A_31, %dma_start3A_32] : memref<2x4x200xi32, #tpu.memory_space<vmem>> -> memref<1x4x200xi32, #tpu.memory_space<vmem>>
    %dma_start3A_34 = tpu.memref_squeeze %dma_start3A_33 : memref<1x4x200xi32, #tpu.memory_space<vmem>> -> memref<4x200xi32, #tpu.memory_space<vmem>>
    %dma_start3A_35 = arith.constant 0 : i32
    %dma_start3A_36 = tpu.memref_slice %arg4[%add3A_4, %dma_start3A_35] : memref<4096x200xi32, #tpu.memory_space<hbm>> -> memref<4x200xi32, #tpu.memory_space<hbm>>
    %dma_start3A_37 = arith.constant 0 : i32
    %dma_start3A_38 = arith.constant 0 : i32
    %dma_start3A_39 = tpu.memref_slice %arg11[%dma_start3A_30, %dma_start3A_37, %dma_start3A_38] : memref<2x4x200xi32, #tpu.memory_space<vmem>> -> memref<1x4x200xi32, #tpu.memory_space<vmem>>
    %dma_start3A_40 = tpu.memref_squeeze %dma_start3A_39 : memref<1x4x200xi32, #tpu.memory_space<vmem>> -> memref<4x200xi32, #tpu.memory_space<vmem>>
    %dma_start3A_41 = arith.constant 0 : i32
    %dma_start3A_42 = tpu.memref_slice %arg4[%add3A_4, %dma_start3A_41] : memref<4096x200xi32, #tpu.memory_space<hbm>> -> memref<4x200xi32, #tpu.memory_space<hbm>>
    tpu.enqueue_dma source(%dma_start3A_42 : memref<4x200xi32, #tpu.memory_space<hbm>>) target(%dma_start3A_40 : memref<4x200xi32, #tpu.memory_space<vmem>>) target_semaphore(%arg15 : memref<!tpu.dma_semaphore, #tpu.memory_space<semaphore_mem>>)
    %add3A_43 = arith.constant 4 : i32
    %add3A_44 = arith.addi %mul3A_2, %add3A_43 : i32
    %dma_start3A_45 = arith.constant 1 : i32
    %dma_start3A_46 = arith.constant 0 : i32
    %dma_start3A_47 = arith.constant 0 : i32
    %dma_start3A_48 = tpu.memref_slice %arg9[%dma_start3A_45, %dma_start3A_46, %dma_start3A_47] : memref<2x4x200xi32, #tpu.memory_space<vmem>> -> memref<1x4x200xi32, #tpu.memory_space<vmem>>
    %dma_start3A_49 = tpu.memref_squeeze %dma_start3A_48 : memref<1x4x200xi32, #tpu.memory_space<vmem>> -> memref<4x200xi32, #tpu.memory_space<vmem>>
    %dma_start3A_50 = arith.constant 0 : i32
    %dma_start3A_51 = tpu.memref_slice %arg2[%add3A_44, %dma_start3A_50] : memref<4096x200xi32, #tpu.memory_space<hbm>> -> memref<4x200xi32, #tpu.memory_space<hbm>>
    %dma_start3A_52 = arith.constant 0 : i32
    %dma_start3A_53 = arith.constant 0 : i32
    %dma_start3A_54 = tpu.memref_slice %arg9[%dma_start3A_45, %dma_start3A_52, %dma_start3A_53] : memref<2x4x200xi32, #tpu.memory_space<vmem>> -> memref<1x4x200xi32, #tpu.memory_space<vmem>>
    %dma_start3A_55 = tpu.memref_squeeze %dma_start3A_54 : memref<1x4x200xi32, #tpu.memory_space<vmem>> -> memref<4x200xi32, #tpu.memory_space<vmem>>
    %dma_start3A_56 = arith.constant 0 : i32
    %dma_start3A_57 = tpu.memref_slice %arg2[%add3A_44, %dma_start3A_56] : memref<4096x200xi32, #tpu.memory_space<hbm>> -> memref<4x200xi32, #tpu.memory_space<hbm>>
    tpu.enqueue_dma source(%dma_start3A_57 : memref<4x200xi32, #tpu.memory_space<hbm>>) target(%dma_start3A_55 : memref<4x200xi32, #tpu.memory_space<vmem>>) target_semaphore(%arg16 : memref<!tpu.dma_semaphore, #tpu.memory_space<semaphore_mem>>)
    %dma_start3A_58 = arith.constant 1 : i32
    %dma_start3A_59 = arith.constant 0 : i32
    %dma_start3A_60 = arith.constant 0 : i32
    %dma_start3A_61 = tpu.memref_slice %arg10[%dma_start3A_58, %dma_start3A_59, %dma_start3A_60] : memref<2x4x200xi32, #tpu.memory_space<vmem>> -> memref<1x4x200xi32, #tpu.memory_space<vmem>>
    %dma_start3A_62 = tpu.memref_squeeze %dma_start3A_61 : memref<1x4x200xi32, #tpu.memory_space<vmem>> -> memref<4x200xi32, #tpu.memory_space<vmem>>
    %dma_start3A_63 = arith.constant 0 : i32
    %dma_start3A_64 = tpu.memref_slice %arg3[%add3A_44, %dma_start3A_63] : memref<4096x200xi32, #tpu.memory_space<hbm>> -> memref<4x200xi32, #tpu.memory_space<hbm>>
    %dma_start3A_65 = arith.constant 0 : i32
    %dma_start3A_66 = arith.constant 0 : i32
    %dma_start3A_67 = tpu.memref_slice %arg10[%dma_start3A_58, %dma_start3A_65, %dma_start3A_66] : memref<2x4x200xi32, #tpu.memory_space<vmem>> -> memref<1x4x200xi32, #tpu.memory_space<vmem>>
    %dma_start3A_68 = tpu.memref_squeeze %dma_start3A_67 : memref<1x4x200xi32, #tpu.memory_space<vmem>> -> memref<4x200xi32, #tpu.memory_space<vmem>>
    %dma_start3A_69 = arith.constant 0 : i32
    %dma_start3A_70 = tpu.memref_slice %arg3[%add3A_44, %dma_start3A_69] : memref<4096x200xi32, #tpu.memory_space<hbm>> -> memref<4x200xi32, #tpu.memory_space<hbm>>
    tpu.enqueue_dma source(%dma_start3A_70 : memref<4x200xi32, #tpu.memory_space<hbm>>) target(%dma_start3A_68 : memref<4x200xi32, #tpu.memory_space<vmem>>) target_semaphore(%arg16 : memref<!tpu.dma_semaphore, #tpu.memory_space<semaphore_mem>>)
    %dma_start3A_71 = arith.constant 1 : i32
    %dma_start3A_72 = arith.constant 0 : i32
    %dma_start3A_73 = arith.constant 0 : i32
    %dma_start3A_74 = tpu.memref_slice %arg11[%dma_start3A_71, %dma_start3A_72, %dma_start3A_73] : memref<2x4x200xi32, #tpu.memory_space<vmem>> -> memref<1x4x200xi32, #tpu.memory_space<vmem>>
    %dma_start3A_75 = tpu.memref_squeeze %dma_start3A_74 : memref<1x4x200xi32, #tpu.memory_space<vmem>> -> memref<4x200xi32, #tpu.memory_space<vmem>>
    %dma_start3A_76 = arith.constant 0 : i32
    %dma_start3A_77 = tpu.memref_slice %arg4[%add3A_44, %dma_start3A_76] : memref<4096x200xi32, #tpu.memory_space<hbm>> -> memref<4x200xi32, #tpu.memory_space<hbm>>
    %dma_start3A_78 = arith.constant 0 : i32
    %dma_start3A_79 = arith.constant 0 : i32
    %dma_start3A_80 = tpu.memref_slice %arg11[%dma_start3A_71, %dma_start3A_78, %dma_start3A_79] : memref<2x4x200xi32, #tpu.memory_space<vmem>> -> memref<1x4x200xi32, #tpu.memory_space<vmem>>
    %dma_start3A_81 = tpu.memref_squeeze %dma_start3A_80 : memref<1x4x200xi32, #tpu.memory_space<vmem>> -> memref<4x200xi32, #tpu.memory_space<vmem>>
    %dma_start3A_82 = arith.constant 0 : i32
    %dma_start3A_83 = tpu.memref_slice %arg4[%add3A_44, %dma_start3A_82] : memref<4096x200xi32, #tpu.memory_space<hbm>> -> memref<4x200xi32, #tpu.memory_space<hbm>>
    tpu.enqueue_dma source(%dma_start3A_83 : memref<4x200xi32, #tpu.memory_space<hbm>>) target(%dma_start3A_81 : memref<4x200xi32, #tpu.memory_space<vmem>>) target_semaphore(%arg16 : memref<!tpu.dma_semaphore, #tpu.memory_space<semaphore_mem>>)
    %dma_wait3A = arith.constant 0 : i32
    %dma_wait3A_84 = arith.constant 0 : i32
    %dma_wait3A_85 = arith.constant 0 : i32
    %dma_wait3A_86 = tpu.memref_slice %arg9[%dma_wait3A, %dma_wait3A_84, %dma_wait3A_85] : memref<2x4x200xi32, #tpu.memory_space<vmem>> -> memref<1x4x200xi32, #tpu.memory_space<vmem>>
    %dma_wait3A_87 = tpu.memref_squeeze %dma_wait3A_86 : memref<1x4x200xi32, #tpu.memory_space<vmem>> -> memref<4x200xi32, #tpu.memory_space<vmem>>
    %dma_wait3A_88 = arith.constant 0 : i32
    %dma_wait3A_89 = arith.constant 0 : i32
    %dma_wait3A_90 = tpu.memref_slice %arg2[%dma_wait3A_88, %dma_wait3A_89] : memref<4096x200xi32, #tpu.memory_space<hbm>> -> memref<4x200xi32, #tpu.memory_space<hbm>>
    %dma_wait3A_91 = arith.constant 0 : i32
    %dma_wait3A_92 = arith.constant 0 : i32
    %dma_wait3A_93 = tpu.memref_slice %arg9[%dma_wait3A, %dma_wait3A_91, %dma_wait3A_92] : memref<2x4x200xi32, #tpu.memory_space<vmem>> -> memref<1x4x200xi32, #tpu.memory_space<vmem>>
    %dma_wait3A_94 = tpu.memref_squeeze %dma_wait3A_93 : memref<1x4x200xi32, #tpu.memory_space<vmem>> -> memref<4x200xi32, #tpu.memory_space<vmem>>
    %dma_wait3A_95 = arith.constant 0 : i32
    %dma_wait3A_96 = arith.constant 0 : i32
    %dma_wait3A_97 = tpu.memref_slice %arg2[%dma_wait3A_95, %dma_wait3A_96] : memref<4096x200xi32, #tpu.memory_space<hbm>> -> memref<4x200xi32, #tpu.memory_space<hbm>>
    tpu.wait_dma2 semaphore(%arg15 : memref<!tpu.dma_semaphore, #tpu.memory_space<semaphore_mem>>) src(%dma_wait3A_97 : memref<4x200xi32, #tpu.memory_space<hbm>>) dst(%dma_wait3A_94 : memref<4x200xi32, #tpu.memory_space<vmem>>)
    %dma_wait3A_98 = arith.constant 0 : i32
    %dma_wait3A_99 = arith.constant 0 : i32
    %dma_wait3A_100 = arith.constant 0 : i32
    %dma_wait3A_101 = tpu.memref_slice %arg10[%dma_wait3A_98, %dma_wait3A_99, %dma_wait3A_100] : memref<2x4x200xi32, #tpu.memory_space<vmem>> -> memref<1x4x200xi32, #tpu.memory_space<vmem>>
    %dma_wait3A_102 = tpu.memref_squeeze %dma_wait3A_101 : memref<1x4x200xi32, #tpu.memory_space<vmem>> -> memref<4x200xi32, #tpu.memory_space<vmem>>
    %dma_wait3A_103 = arith.constant 0 : i32
    %dma_wait3A_104 = arith.constant 0 : i32
    %dma_wait3A_105 = tpu.memref_slice %arg3[%dma_wait3A_103, %dma_wait3A_104] : memref<4096x200xi32, #tpu.memory_space<hbm>> -> memref<4x200xi32, #tpu.memory_space<hbm>>
    %dma_wait3A_106 = arith.constant 0 : i32
    %dma_wait3A_107 = arith.constant 0 : i32
    %dma_wait3A_108 = tpu.memref_slice %arg10[%dma_wait3A_98, %dma_wait3A_106, %dma_wait3A_107] : memref<2x4x200xi32, #tpu.memory_space<vmem>> -> memref<1x4x200xi32, #tpu.memory_space<vmem>>
    %dma_wait3A_109 = tpu.memref_squeeze %dma_wait3A_108 : memref<1x4x200xi32, #tpu.memory_space<vmem>> -> memref<4x200xi32, #tpu.memory_space<vmem>>
    %dma_wait3A_110 = arith.constant 0 : i32
    %dma_wait3A_111 = arith.constant 0 : i32
    %dma_wait3A_112 = tpu.memref_slice %arg3[%dma_wait3A_110, %dma_wait3A_111] : memref<4096x200xi32, #tpu.memory_space<hbm>> -> memref<4x200xi32, #tpu.memory_space<hbm>>
    tpu.wait_dma2 semaphore(%arg15 : memref<!tpu.dma_semaphore, #tpu.memory_space<semaphore_mem>>) src(%dma_wait3A_112 : memref<4x200xi32, #tpu.memory_space<hbm>>) dst(%dma_wait3A_109 : memref<4x200xi32, #tpu.memory_space<vmem>>)
    %dma_wait3A_113 = arith.constant 0 : i32
    %dma_wait3A_114 = arith.constant 0 : i32
    %dma_wait3A_115 = arith.constant 0 : i32
    %dma_wait3A_116 = tpu.memref_slice %arg11[%dma_wait3A_113, %dma_wait3A_114, %dma_wait3A_115] : memref<2x4x200xi32, #tpu.memory_space<vmem>> -> memref<1x4x200xi32, #tpu.memory_space<vmem>>
    %dma_wait3A_117 = tpu.memref_squeeze %dma_wait3A_116 : memref<1x4x200xi32, #tpu.memory_space<vmem>> -> memref<4x200xi32, #tpu.memory_space<vmem>>
    %dma_wait3A_118 = arith.constant 0 : i32
    %dma_wait3A_119 = arith.constant 0 : i32
    %dma_wait3A_120 = tpu.memref_slice %arg4[%dma_wait3A_118, %dma_wait3A_119] : memref<4096x200xi32, #tpu.memory_space<hbm>> -> memref<4x200xi32, #tpu.memory_space<hbm>>
    %dma_wait3A_121 = arith.constant 0 : i32
    %dma_wait3A_122 = arith.constant 0 : i32
    %dma_wait3A_123 = tpu.memref_slice %arg11[%dma_wait3A_113, %dma_wait3A_121, %dma_wait3A_122] : memref<2x4x200xi32, #tpu.memory_space<vmem>> -> memref<1x4x200xi32, #tpu.memory_space<vmem>>
    %dma_wait3A_124 = tpu.memref_squeeze %dma_wait3A_123 : memref<1x4x200xi32, #tpu.memory_space<vmem>> -> memref<4x200xi32, #tpu.memory_space<vmem>>
    %dma_wait3A_125 = arith.constant 0 : i32
    %dma_wait3A_126 = arith.constant 0 : i32
    %dma_wait3A_127 = tpu.memref_slice %arg4[%dma_wait3A_125, %dma_wait3A_126] : memref<4096x200xi32, #tpu.memory_space<hbm>> -> memref<4x200xi32, #tpu.memory_space<hbm>>
    tpu.wait_dma2 semaphore(%arg15 : memref<!tpu.dma_semaphore, #tpu.memory_space<semaphore_mem>>) src(%dma_wait3A_127 : memref<4x200xi32, #tpu.memory_space<hbm>>) dst(%dma_wait3A_124 : memref<4x200xi32, #tpu.memory_space<vmem>>)
    %dma_start3A_128 = arith.constant 0 : i32
    %dma_start3A_129 = arith.constant 0 : i32
    %dma_start3A_130 = arith.constant 0 : i32
    %dma_start3A_131 = arith.constant 0 : i32
    %dma_start3A_132 = arith.constant 0 : i32
    %dma_start3A_133 = tpu.memref_slice %arg12[%dma_start3A_130, %dma_start3A_131, %dma_start3A_132] : memref<2x800x64xf32, #tpu.memory_space<vmem>> -> memref<1x128x64xf32, #tpu.memory_space<vmem>>
    %dma_start3A_134 = tpu.memref_squeeze %dma_start3A_133 : memref<1x128x64xf32, #tpu.memory_space<vmem>> -> memref<128x64xf32, #tpu.memory_space<vmem>>
    %dma_start3A_135 = arith.constant 0 : i32
    %dma_start3A_136 = tpu.memref_slice %arg9[%dma_start3A_128, %dma_start3A_129, %dma_start3A_135] : memref<2x4x200xi32, #tpu.memory_space<vmem>> -> memref<1x1x128xi32, #tpu.memory_space<vmem>>
    %dma_start3A_137 = tpu.memref_squeeze %dma_start3A_136 : memref<1x1x128xi32, #tpu.memory_space<vmem>> -> memref<128xi32, #tpu.memory_space<vmem>>
    %dma_start3A_138 = arith.constant 0 : i32
    %dma_start3A_139 = arith.constant 0 : i32
    %dma_start3A_140 = tpu.memref_slice %arg5[%dma_start3A_138, %dma_start3A_139] : memref<100002x64xf32, #tpu.memory_space<hbm>> -> memref<100002x64xf32, #tpu.memory_space<hbm>>
    tpu.enqueue_indirect_dma source(%dma_start3A_140 : memref<100002x64xf32, #tpu.memory_space<hbm>>) target(%dma_start3A_134 : memref<128x64xf32, #tpu.memory_space<vmem>>) offsets(%dma_start3A_137 : memref<128xi32, #tpu.memory_space<vmem>>) semaphore(%arg17 : memref<!tpu.dma_semaphore, #tpu.memory_space<semaphore_mem>>)
    %dma_start3A_141 = arith.constant 0 : i32
    %dma_start3A_142 = arith.constant 0 : i32
    %dma_start3A_143 = arith.constant 0 : i32
    %dma_start3A_144 = arith.constant 128 : i32
    %dma_start3A_145 = arith.constant 0 : i32
    %dma_start3A_146 = tpu.memref_slice %arg12[%dma_start3A_143, %dma_start3A_144, %dma_start3A_145] : memref<2x800x64xf32, #tpu.memory_space<vmem>> -> memref<1x72x64xf32, #tpu.memory_space<vmem>>
    %dma_start3A_147 = tpu.memref_squeeze %dma_start3A_146 : memref<1x72x64xf32, #tpu.memory_space<vmem>> -> memref<72x64xf32, #tpu.memory_space<vmem>>
    %dma_start3A_148 = arith.constant 128 : i32
    %dma_start3A_149 = tpu.memref_slice %arg9[%dma_start3A_141, %dma_start3A_142, %dma_start3A_148] : memref<2x4x200xi32, #tpu.memory_space<vmem>> -> memref<1x1x72xi32, #tpu.memory_space<vmem>>
    %dma_start3A_150 = tpu.memref_squeeze %dma_start3A_149 : memref<1x1x72xi32, #tpu.memory_space<vmem>> -> memref<72xi32, #tpu.memory_space<vmem>>
    %dma_start3A_151 = arith.constant 0 : i32
    %dma_start3A_152 = arith.constant 0 : i32
    %dma_start3A_153 = tpu.memref_slice %arg5[%dma_start3A_151, %dma_start3A_152] : memref<100002x64xf32, #tpu.memory_space<hbm>> -> memref<100002x64xf32, #tpu.memory_space<hbm>>
    tpu.enqueue_indirect_dma source(%dma_start3A_153 : memref<100002x64xf32, #tpu.memory_space<hbm>>) target(%dma_start3A_147 : memref<72x64xf32, #tpu.memory_space<vmem>>) offsets(%dma_start3A_150 : memref<72xi32, #tpu.memory_space<vmem>>) semaphore(%arg17 : memref<!tpu.dma_semaphore, #tpu.memory_space<semaphore_mem>>)
    %dma_start3A_154 = arith.constant 0 : i32
    %dma_start3A_155 = arith.constant 1 : i32
    %dma_start3A_156 = arith.constant 0 : i32
    %dma_start3A_157 = arith.constant 200 : i32
    %dma_start3A_158 = arith.constant 0 : i32
    %dma_start3A_159 = tpu.memref_slice %arg12[%dma_start3A_156, %dma_start3A_157, %dma_start3A_158] : memref<2x800x64xf32, #tpu.memory_space<vmem>> -> memref<1x128x64xf32, #tpu.memory_space<vmem>>
    %dma_start3A_160 = tpu.memref_squeeze %dma_start3A_159 : memref<1x128x64xf32, #tpu.memory_space<vmem>> -> memref<128x64xf32, #tpu.memory_space<vmem>>
    %dma_start3A_161 = arith.constant 0 : i32
    %dma_start3A_162 = tpu.memref_slice %arg9[%dma_start3A_154, %dma_start3A_155, %dma_start3A_161] : memref<2x4x200xi32, #tpu.memory_space<vmem>> -> memref<1x1x128xi32, #tpu.memory_space<vmem>>
    %dma_start3A_163 = tpu.memref_squeeze %dma_start3A_162 : memref<1x1x128xi32, #tpu.memory_space<vmem>> -> memref<128xi32, #tpu.memory_space<vmem>>
    %dma_start3A_164 = arith.constant 0 : i32
    %dma_start3A_165 = arith.constant 0 : i32
    %dma_start3A_166 = tpu.memref_slice %arg5[%dma_start3A_164, %dma_start3A_165] : memref<100002x64xf32, #tpu.memory_space<hbm>> -> memref<100002x64xf32, #tpu.memory_space<hbm>>
    tpu.enqueue_indirect_dma source(%dma_start3A_166 : memref<100002x64xf32, #tpu.memory_space<hbm>>) target(%dma_start3A_160 : memref<128x64xf32, #tpu.memory_space<vmem>>) offsets(%dma_start3A_163 : memref<128xi32, #tpu.memory_space<vmem>>) semaphore(%arg17 : memref<!tpu.dma_semaphore, #tpu.memory_space<semaphore_mem>>)
    %dma_start3A_167 = arith.constant 0 : i32
    %dma_start3A_168 = arith.constant 1 : i32
    %dma_start3A_169 = arith.constant 0 : i32
    %dma_start3A_170 = arith.constant 328 : i32
    %dma_start3A_171 = arith.constant 0 : i32
    %dma_start3A_172 = tpu.memref_slice %arg12[%dma_start3A_169, %dma_start3A_170, %dma_start3A_171] : memref<2x800x64xf32, #tpu.memory_space<vmem>> -> memref<1x72x64xf32, #tpu.memory_space<vmem>>
    %dma_start3A_173 = tpu.memref_squeeze %dma_start3A_172 : memref<1x72x64xf32, #tpu.memory_space<vmem>> -> memref<72x64xf32, #tpu.memory_space<vmem>>
    %dma_start3A_174 = arith.constant 128 : i32
    %dma_start3A_175 = tpu.memref_slice %arg9[%dma_start3A_167, %dma_start3A_168, %dma_start3A_174] : memref<2x4x200xi32, #tpu.memory_space<vmem>> -> memref<1x1x72xi32, #tpu.memory_space<vmem>>
    %dma_start3A_176 = tpu.memref_squeeze %dma_start3A_175 : memref<1x1x72xi32, #tpu.memory_space<vmem>> -> memref<72xi32, #tpu.memory_space<vmem>>
    %dma_start3A_177 = arith.constant 0 : i32
    %dma_start3A_178 = arith.constant 0 : i32
    %dma_start3A_179 = tpu.memref_slice %arg5[%dma_start3A_177, %dma_start3A_178] : memref<100002x64xf32, #tpu.memory_space<hbm>> -> memref<100002x64xf32, #tpu.memory_space<hbm>>
    tpu.enqueue_indirect_dma source(%dma_start3A_179 : memref<100002x64xf32, #tpu.memory_space<hbm>>) target(%dma_start3A_173 : memref<72x64xf32, #tpu.memory_space<vmem>>) offsets(%dma_start3A_176 : memref<72xi32, #tpu.memory_space<vmem>>) semaphore(%arg17 : memref<!tpu.dma_semaphore, #tpu.memory_space<semaphore_mem>>)
    %dma_start3A_180 = arith.constant 0 : i32
    %dma_start3A_181 = arith.constant 2 : i32
    %dma_start3A_182 = arith.constant 0 : i32
    %dma_start3A_183 = arith.constant 400 : i32
    %dma_start3A_184 = arith.constant 0 : i32
    %dma_start3A_185 = tpu.memref_slice %arg12[%dma_start3A_182, %dma_start3A_183, %dma_start3A_184] : memref<2x800x64xf32, #tpu.memory_space<vmem>> -> memref<1x128x64xf32, #tpu.memory_space<vmem>>
    %dma_start3A_186 = tpu.memref_squeeze %dma_start3A_185 : memref<1x128x64xf32, #tpu.memory_space<vmem>> -> memref<128x64xf32, #tpu.memory_space<vmem>>
    %dma_start3A_187 = arith.constant 0 : i32
    %dma_start3A_188 = tpu.memref_slice %arg9[%dma_start3A_180, %dma_start3A_181, %dma_start3A_187] : memref<2x4x200xi32, #tpu.memory_space<vmem>> -> memref<1x1x128xi32, #tpu.memory_space<vmem>>
    %dma_start3A_189 = tpu.memref_squeeze %dma_start3A_188 : memref<1x1x128xi32, #tpu.memory_space<vmem>> -> memref<128xi32, #tpu.memory_space<vmem>>
    %dma_start3A_190 = arith.constant 0 : i32
    %dma_start3A_191 = arith.constant 0 : i32
    %dma_start3A_192 = tpu.memref_slice %arg5[%dma_start3A_190, %dma_start3A_191] : memref<100002x64xf32, #tpu.memory_space<hbm>> -> memref<100002x64xf32, #tpu.memory_space<hbm>>
    tpu.enqueue_indirect_dma source(%dma_start3A_192 : memref<100002x64xf32, #tpu.memory_space<hbm>>) target(%dma_start3A_186 : memref<128x64xf32, #tpu.memory_space<vmem>>) offsets(%dma_start3A_189 : memref<128xi32, #tpu.memory_space<vmem>>) semaphore(%arg17 : memref<!tpu.dma_semaphore, #tpu.memory_space<semaphore_mem>>)
    %dma_start3A_193 = arith.constant 0 : i32
    %dma_start3A_194 = arith.constant 2 : i32
    %dma_start3A_195 = arith.constant 0 : i32
    %dma_start3A_196 = arith.constant 528 : i32
    %dma_start3A_197 = arith.constant 0 : i32
    %dma_start3A_198 = tpu.memref_slice %arg12[%dma_start3A_195, %dma_start3A_196, %dma_start3A_197] : memref<2x800x64xf32, #tpu.memory_space<vmem>> -> memref<1x72x64xf32, #tpu.memory_space<vmem>>
    %dma_start3A_199 = tpu.memref_squeeze %dma_start3A_198 : memref<1x72x64xf32, #tpu.memory_space<vmem>> -> memref<72x64xf32, #tpu.memory_space<vmem>>
    %dma_start3A_200 = arith.constant 128 : i32
    %dma_start3A_201 = tpu.memref_slice %arg9[%dma_start3A_193, %dma_start3A_194, %dma_start3A_200] : memref<2x4x200xi32, #tpu.memory_space<vmem>> -> memref<1x1x72xi32, #tpu.memory_space<vmem>>
    %dma_start3A_202 = tpu.memref_squeeze %dma_start3A_201 : memref<1x1x72xi32, #tpu.memory_space<vmem>> -> memref<72xi32, #tpu.memory_space<vmem>>
    %dma_start3A_203 = arith.constant 0 : i32
    %dma_start3A_204 = arith.constant 0 : i32
    %dma_start3A_205 = tpu.memref_slice %arg5[%dma_start3A_203, %dma_start3A_204] : memref<100002x64xf32, #tpu.memory_space<hbm>> -> memref<100002x64xf32, #tpu.memory_space<hbm>>
    tpu.enqueue_indirect_dma source(%dma_start3A_205 : memref<100002x64xf32, #tpu.memory_space<hbm>>) target(%dma_start3A_199 : memref<72x64xf32, #tpu.memory_space<vmem>>) offsets(%dma_start3A_202 : memref<72xi32, #tpu.memory_space<vmem>>) semaphore(%arg17 : memref<!tpu.dma_semaphore, #tpu.memory_space<semaphore_mem>>)
    %dma_start3A_206 = arith.constant 0 : i32
    %dma_start3A_207 = arith.constant 3 : i32
    %dma_start3A_208 = arith.constant 0 : i32
    %dma_start3A_209 = arith.constant 600 : i32
    %dma_start3A_210 = arith.constant 0 : i32
    %dma_start3A_211 = tpu.memref_slice %arg12[%dma_start3A_208, %dma_start3A_209, %dma_start3A_210] : memref<2x800x64xf32, #tpu.memory_space<vmem>> -> memref<1x128x64xf32, #tpu.memory_space<vmem>>
    %dma_start3A_212 = tpu.memref_squeeze %dma_start3A_211 : memref<1x128x64xf32, #tpu.memory_space<vmem>> -> memref<128x64xf32, #tpu.memory_space<vmem>>
    %dma_start3A_213 = arith.constant 0 : i32
    %dma_start3A_214 = tpu.memref_slice %arg9[%dma_start3A_206, %dma_start3A_207, %dma_start3A_213] : memref<2x4x200xi32, #tpu.memory_space<vmem>> -> memref<1x1x128xi32, #tpu.memory_space<vmem>>
    %dma_start3A_215 = tpu.memref_squeeze %dma_start3A_214 : memref<1x1x128xi32, #tpu.memory_space<vmem>> -> memref<128xi32, #tpu.memory_space<vmem>>
    %dma_start3A_216 = arith.constant 0 : i32
    %dma_start3A_217 = arith.constant 0 : i32
    %dma_start3A_218 = tpu.memref_slice %arg5[%dma_start3A_216, %dma_start3A_217] : memref<100002x64xf32, #tpu.memory_space<hbm>> -> memref<100002x64xf32, #tpu.memory_space<hbm>>
    tpu.enqueue_indirect_dma source(%dma_start3A_218 : memref<100002x64xf32, #tpu.memory_space<hbm>>) target(%dma_start3A_212 : memref<128x64xf32, #tpu.memory_space<vmem>>) offsets(%dma_start3A_215 : memref<128xi32, #tpu.memory_space<vmem>>) semaphore(%arg17 : memref<!tpu.dma_semaphore, #tpu.memory_space<semaphore_mem>>)
    %dma_start3A_219 = arith.constant 0 : i32
    %dma_start3A_220 = arith.constant 3 : i32
    %dma_start3A_221 = arith.constant 0 : i32
    %dma_start3A_222 = arith.constant 728 : i32
    %dma_start3A_223 = arith.constant 0 : i32
    %dma_start3A_224 = tpu.memref_slice %arg12[%dma_start3A_221, %dma_start3A_222, %dma_start3A_223] : memref<2x800x64xf32, #tpu.memory_space<vmem>> -> memref<1x72x64xf32, #tpu.memory_space<vmem>>
    %dma_start3A_225 = tpu.memref_squeeze %dma_start3A_224 : memref<1x72x64xf32, #tpu.memory_space<vmem>> -> memref<72x64xf32, #tpu.memory_space<vmem>>
    %dma_start3A_226 = arith.constant 128 : i32
    %dma_start3A_227 = tpu.memref_slice %arg9[%dma_start3A_219, %dma_start3A_220, %dma_start3A_226] : memref<2x4x200xi32, #tpu.memory_space<vmem>> -> memref<1x1x72xi32, #tpu.memory_space<vmem>>
    %dma_start3A_228 = tpu.memref_squeeze %dma_start3A_227 : memref<1x1x72xi32, #tpu.memory_space<vmem>> -> memref<72xi32, #tpu.memory_space<vmem>>
    %dma_start3A_229 = arith.constant 0 : i32
    %dma_start3A_230 = arith.constant 0 : i32
    %dma_start3A_231 = tpu.memref_slice %arg5[%dma_start3A_229, %dma_start3A_230] : memref<100002x64xf32, #tpu.memory_space<hbm>> -> memref<100002x64xf32, #tpu.memory_space<hbm>>
    tpu.enqueue_indirect_dma source(%dma_start3A_231 : memref<100002x64xf32, #tpu.memory_space<hbm>>) target(%dma_start3A_225 : memref<72x64xf32, #tpu.memory_space<vmem>>) offsets(%dma_start3A_228 : memref<72xi32, #tpu.memory_space<vmem>>) semaphore(%arg17 : memref<!tpu.dma_semaphore, #tpu.memory_space<semaphore_mem>>)
    %scan3A = arith.constant 0 : i32
    %scan3A_232 = arith.constant 16 : i32
    %scan3A_233 = arith.addi %scan3A, %scan3A_232 : i32
    %scan3A_234 = arith.constant 1 : i32
    scf.for %scan3A_251 = %scan3A to %scan3A_233 step %scan3A_234  : i32 {
      %mul3A_252 = arith.constant 1 : i32
      %mul3A_253 = arith.muli %scan3A_251, %mul3A_252 : i32
      %add3A_254 = arith.constant 0 : i32
      %add3A_255 = arith.addi %add3A_254, %mul3A_253 : i32
      %mul3A_256 = arith.constant 2 : i32
      %mul3A_257 = arith.muli %add3A_255, %mul3A_256 : i32
      %add3A_258 = arith.constant 0 : i32
      %add3A_259 = arith.addi %mul3A_257, %add3A_258 : i32
      %ge3A = arith.constant 1 : i32
      %ge3A_260 = arith.cmpi sge, %add3A_259, %ge3A : i32
      %add3A_261 = arith.constant 1 : i32
      %add3A_262 = arith.addi %add3A_259, %add3A_261 : i32
      %lt3A = arith.constant 32 : i32
      %lt3A_263 = arith.cmpi slt, %add3A_262, %lt3A : i32
      %and3A = arith.andi %ge3A_260, %lt3A_263 : i1
      %convert_element_type3A = arith.extui %and3A : i1 to i32
      %cond3A = arith.constant 0 : i32
      %cond3A_264 = arith.cmpi ne, %convert_element_type3A, %cond3A : i32
      scf.if %cond3A_264 {
        %dma_wait3A_397 = arith.constant 1 : i32
        %dma_wait3A_398 = arith.constant 0 : i32
        %dma_wait3A_399 = arith.constant 0 : i32
        %dma_wait3A_400 = tpu.memref_slice %arg12[%dma_wait3A_397, %dma_wait3A_398, %dma_wait3A_399] : memref<2x800x64xf32, #tpu.memory_space<vmem>> -> memref<1x800x64xf32, #tpu.memory_space<vmem>>
        %dma_wait3A_401 = tpu.memref_squeeze %dma_wait3A_400 : memref<1x800x64xf32, #tpu.memory_space<vmem>> -> memref<800x64xf32, #tpu.memory_space<vmem>>
        %dma_wait3A_402 = arith.constant 0 : i32
        %dma_wait3A_403 = arith.constant 0 : i32
        %dma_wait3A_404 = tpu.memref_slice %arg8[%dma_wait3A_402, %dma_wait3A_403] : memref<819200x64xf32, #tpu.memory_space<hbm>> -> memref<800x64xf32, #tpu.memory_space<hbm>>
        %dma_wait3A_405 = arith.constant 0 : i32
        %dma_wait3A_406 = arith.constant 0 : i32
        %dma_wait3A_407 = tpu.memref_slice %arg8[%dma_wait3A_405, %dma_wait3A_406] : memref<819200x64xf32, #tpu.memory_space<hbm>> -> memref<800x64xf32, #tpu.memory_space<hbm>>
        %dma_wait3A_408 = arith.constant 0 : i32
        %dma_wait3A_409 = arith.constant 0 : i32
        %dma_wait3A_410 = tpu.memref_slice %arg12[%dma_wait3A_397, %dma_wait3A_408, %dma_wait3A_409] : memref<2x800x64xf32, #tpu.memory_space<vmem>> -> memref<1x800x64xf32, #tpu.memory_space<vmem>>
        %dma_wait3A_411 = tpu.memref_squeeze %dma_wait3A_410 : memref<1x800x64xf32, #tpu.memory_space<vmem>> -> memref<800x64xf32, #tpu.memory_space<vmem>>
        tpu.wait_dma2 semaphore(%arg20 : memref<!tpu.dma_semaphore, #tpu.memory_space<semaphore_mem>>) src(%dma_wait3A_411 : memref<800x64xf32, #tpu.memory_space<vmem>>) dst(%dma_wait3A_407 : memref<800x64xf32, #tpu.memory_space<hbm>>)
      } else {
      }
      %add3A_265 = arith.constant 1 : i32
      %add3A_266 = arith.addi %add3A_259, %add3A_265 : i32
      %lt3A_267 = arith.constant 32 : i32
      %lt3A_268 = arith.cmpi slt, %add3A_266, %lt3A_267 : i32
      %convert_element_type3A_269 = arith.extui %lt3A_268 : i1 to i32
      %cond3A_270 = arith.constant 0 : i32
      %cond3A_271 = arith.cmpi ne, %convert_element_type3A_269, %cond3A_270 : i32
      scf.if %cond3A_271 {
        %dma_wait3A_397 = arith.constant 1 : i32
        %dma_wait3A_398 = arith.constant 0 : i32
        %dma_wait3A_399 = arith.constant 0 : i32
        %dma_wait3A_400 = tpu.memref_slice %arg9[%dma_wait3A_397, %dma_wait3A_398, %dma_wait3A_399] : memref<2x4x200xi32, #tpu.memory_space<vmem>> -> memref<1x4x200xi32, #tpu.memory_space<vmem>>
        %dma_wait3A_401 = tpu.memref_squeeze %dma_wait3A_400 : memref<1x4x200xi32, #tpu.memory_space<vmem>> -> memref<4x200xi32, #tpu.memory_space<vmem>>
        %dma_wait3A_402 = arith.constant 0 : i32
        %dma_wait3A_403 = arith.constant 0 : i32
        %dma_wait3A_404 = tpu.memref_slice %arg2[%dma_wait3A_402, %dma_wait3A_403] : memref<4096x200xi32, #tpu.memory_space<hbm>> -> memref<4x200xi32, #tpu.memory_space<hbm>>
        %dma_wait3A_405 = arith.constant 0 : i32
        %dma_wait3A_406 = arith.constant 0 : i32
        %dma_wait3A_407 = tpu.memref_slice %arg9[%dma_wait3A_397, %dma_wait3A_405, %dma_wait3A_406] : memref<2x4x200xi32, #tpu.memory_space<vmem>> -> memref<1x4x200xi32, #tpu.memory_space<vmem>>
        %dma_wait3A_408 = tpu.memref_squeeze %dma_wait3A_407 : memref<1x4x200xi32, #tpu.memory_space<vmem>> -> memref<4x200xi32, #tpu.memory_space<vmem>>
        %dma_wait3A_409 = arith.constant 0 : i32
        %dma_wait3A_410 = arith.constant 0 : i32
        %dma_wait3A_411 = tpu.memref_slice %arg2[%dma_wait3A_409, %dma_wait3A_410] : memref<4096x200xi32, #tpu.memory_space<hbm>> -> memref<4x200xi32, #tpu.memory_space<hbm>>
        tpu.wait_dma2 semaphore(%arg16 : memref<!tpu.dma_semaphore, #tpu.memory_space<semaphore_mem>>) src(%dma_wait3A_411 : memref<4x200xi32, #tpu.memory_space<hbm>>) dst(%dma_wait3A_408 : memref<4x200xi32, #tpu.memory_space<vmem>>)
        %dma_wait3A_412 = arith.constant 1 : i32
        %dma_wait3A_413 = arith.constant 0 : i32
        %dma_wait3A_414 = arith.constant 0 : i32
        %dma_wait3A_415 = tpu.memref_slice %arg10[%dma_wait3A_412, %dma_wait3A_413, %dma_wait3A_414] : memref<2x4x200xi32, #tpu.memory_space<vmem>> -> memref<1x4x200xi32, #tpu.memory_space<vmem>>
        %dma_wait3A_416 = tpu.memref_squeeze %dma_wait3A_415 : memref<1x4x200xi32, #tpu.memory_space<vmem>> -> memref<4x200xi32, #tpu.memory_space<vmem>>
        %dma_wait3A_417 = arith.constant 0 : i32
        %dma_wait3A_418 = arith.constant 0 : i32
        %dma_wait3A_419 = tpu.memref_slice %arg3[%dma_wait3A_417, %dma_wait3A_418] : memref<4096x200xi32, #tpu.memory_space<hbm>> -> memref<4x200xi32, #tpu.memory_space<hbm>>
        %dma_wait3A_420 = arith.constant 0 : i32
        %dma_wait3A_421 = arith.constant 0 : i32
        %dma_wait3A_422 = tpu.memref_slice %arg10[%dma_wait3A_412, %dma_wait3A_420, %dma_wait3A_421] : memref<2x4x200xi32, #tpu.memory_space<vmem>> -> memref<1x4x200xi32, #tpu.memory_space<vmem>>
        %dma_wait3A_423 = tpu.memref_squeeze %dma_wait3A_422 : memref<1x4x200xi32, #tpu.memory_space<vmem>> -> memref<4x200xi32, #tpu.memory_space<vmem>>
        %dma_wait3A_424 = arith.constant 0 : i32
        %dma_wait3A_425 = arith.constant 0 : i32
        %dma_wait3A_426 = tpu.memref_slice %arg3[%dma_wait3A_424, %dma_wait3A_425] : memref<4096x200xi32, #tpu.memory_space<hbm>> -> memref<4x200xi32, #tpu.memory_space<hbm>>
        tpu.wait_dma2 semaphore(%arg16 : memref<!tpu.dma_semaphore, #tpu.memory_space<semaphore_mem>>) src(%dma_wait3A_426 : memref<4x200xi32, #tpu.memory_space<hbm>>) dst(%dma_wait3A_423 : memref<4x200xi32, #tpu.memory_space<vmem>>)
        %dma_wait3A_427 = arith.constant 1 : i32
        %dma_wait3A_428 = arith.constant 0 : i32
        %dma_wait3A_429 = arith.constant 0 : i32
        %dma_wait3A_430 = tpu.memref_slice %arg11[%dma_wait3A_427, %dma_wait3A_428, %dma_wait3A_429] : memref<2x4x200xi32, #tpu.memory_space<vmem>> -> memref<1x4x200xi32, #tpu.memory_space<vmem>>
        %dma_wait3A_431 = tpu.memref_squeeze %dma_wait3A_430 : memref<1x4x200xi32, #tpu.memory_space<vmem>> -> memref<4x200xi32, #tpu.memory_space<vmem>>
        %dma_wait3A_432 = arith.constant 0 : i32
        %dma_wait3A_433 = arith.constant 0 : i32
        %dma_wait3A_434 = tpu.memref_slice %arg4[%dma_wait3A_432, %dma_wait3A_433] : memref<4096x200xi32, #tpu.memory_space<hbm>> -> memref<4x200xi32, #tpu.memory_space<hbm>>
        %dma_wait3A_435 = arith.constant 0 : i32
        %dma_wait3A_436 = arith.constant 0 : i32
        %dma_wait3A_437 = tpu.memref_slice %arg11[%dma_wait3A_427, %dma_wait3A_435, %dma_wait3A_436] : memref<2x4x200xi32, #tpu.memory_space<vmem>> -> memref<1x4x200xi32, #tpu.memory_space<vmem>>
        %dma_wait3A_438 = tpu.memref_squeeze %dma_wait3A_437 : memref<1x4x200xi32, #tpu.memory_space<vmem>> -> memref<4x200xi32, #tpu.memory_space<vmem>>
        %dma_wait3A_439 = arith.constant 0 : i32
        %dma_wait3A_440 = arith.constant 0 : i32
        %dma_wait3A_441 = tpu.memref_slice %arg4[%dma_wait3A_439, %dma_wait3A_440] : memref<4096x200xi32, #tpu.memory_space<hbm>> -> memref<4x200xi32, #tpu.memory_space<hbm>>
        tpu.wait_dma2 semaphore(%arg16 : memref<!tpu.dma_semaphore, #tpu.memory_space<semaphore_mem>>) src(%dma_wait3A_441 : memref<4x200xi32, #tpu.memory_space<hbm>>) dst(%dma_wait3A_438 : memref<4x200xi32, #tpu.memory_space<vmem>>)
        %dma_start3A_442 = arith.constant 1 : i32
        %dma_start3A_443 = arith.constant 0 : i32
        %dma_start3A_444 = arith.constant 1 : i32
        %dma_start3A_445 = arith.constant 0 : i32
        %dma_start3A_446 = arith.constant 0 : i32
        %dma_start3A_447 = tpu.memref_slice %arg12[%dma_start3A_444, %dma_start3A_445, %dma_start3A_446] : memref<2x800x64xf32, #tpu.memory_space<vmem>> -> memref<1x128x64xf32, #tpu.memory_space<vmem>>
        %dma_start3A_448 = tpu.memref_squeeze %dma_start3A_447 : memref<1x128x64xf32, #tpu.memory_space<vmem>> -> memref<128x64xf32, #tpu.memory_space<vmem>>
        %dma_start3A_449 = arith.constant 0 : i32
        %dma_start3A_450 = tpu.memref_slice %arg9[%dma_start3A_442, %dma_start3A_443, %dma_start3A_449] : memref<2x4x200xi32, #tpu.memory_space<vmem>> -> memref<1x1x128xi32, #tpu.memory_space<vmem>>
        %dma_start3A_451 = tpu.memref_squeeze %dma_start3A_450 : memref<1x1x128xi32, #tpu.memory_space<vmem>> -> memref<128xi32, #tpu.memory_space<vmem>>
        %dma_start3A_452 = arith.constant 0 : i32
        %dma_start3A_453 = arith.constant 0 : i32
        %dma_start3A_454 = tpu.memref_slice %arg5[%dma_start3A_452, %dma_start3A_453] : memref<100002x64xf32, #tpu.memory_space<hbm>> -> memref<100002x64xf32, #tpu.memory_space<hbm>>
        tpu.enqueue_indirect_dma source(%dma_start3A_454 : memref<100002x64xf32, #tpu.memory_space<hbm>>) target(%dma_start3A_448 : memref<128x64xf32, #tpu.memory_space<vmem>>) offsets(%dma_start3A_451 : memref<128xi32, #tpu.memory_space<vmem>>) semaphore(%arg18 : memref<!tpu.dma_semaphore, #tpu.memory_space<semaphore_mem>>)
        %dma_start3A_455 = arith.constant 1 : i32
        %dma_start3A_456 = arith.constant 0 : i32
        %dma_start3A_457 = arith.constant 1 : i32
        %dma_start3A_458 = arith.constant 128 : i32
        %dma_start3A_459 = arith.constant 0 : i32
        %dma_start3A_460 = tpu.memref_slice %arg12[%dma_start3A_457, %dma_start3A_458, %dma_start3A_459] : memref<2x800x64xf32, #tpu.memory_space<vmem>> -> memref<1x72x64xf32, #tpu.memory_space<vmem>>
        %dma_start3A_461 = tpu.memref_squeeze %dma_start3A_460 : memref<1x72x64xf32, #tpu.memory_space<vmem>> -> memref<72x64xf32, #tpu.memory_space<vmem>>
        %dma_start3A_462 = arith.constant 128 : i32
        %dma_start3A_463 = tpu.memref_slice %arg9[%dma_start3A_455, %dma_start3A_456, %dma_start3A_462] : memref<2x4x200xi32, #tpu.memory_space<vmem>> -> memref<1x1x72xi32, #tpu.memory_space<vmem>>
        %dma_start3A_464 = tpu.memref_squeeze %dma_start3A_463 : memref<1x1x72xi32, #tpu.memory_space<vmem>> -> memref<72xi32, #tpu.memory_space<vmem>>
        %dma_start3A_465 = arith.constant 0 : i32
        %dma_start3A_466 = arith.constant 0 : i32
        %dma_start3A_467 = tpu.memref_slice %arg5[%dma_start3A_465, %dma_start3A_466] : memref<100002x64xf32, #tpu.memory_space<hbm>> -> memref<100002x64xf32, #tpu.memory_space<hbm>>
        tpu.enqueue_indirect_dma source(%dma_start3A_467 : memref<100002x64xf32, #tpu.memory_space<hbm>>) target(%dma_start3A_461 : memref<72x64xf32, #tpu.memory_space<vmem>>) offsets(%dma_start3A_464 : memref<72xi32, #tpu.memory_space<vmem>>) semaphore(%arg18 : memref<!tpu.dma_semaphore, #tpu.memory_space<semaphore_mem>>)
        %dma_start3A_468 = arith.constant 1 : i32
        %dma_start3A_469 = arith.constant 1 : i32
        %dma_start3A_470 = arith.constant 1 : i32
        %dma_start3A_471 = arith.constant 200 : i32
        %dma_start3A_472 = arith.constant 0 : i32
        %dma_start3A_473 = tpu.memref_slice %arg12[%dma_start3A_470, %dma_start3A_471, %dma_start3A_472] : memref<2x800x64xf32, #tpu.memory_space<vmem>> -> memref<1x128x64xf32, #tpu.memory_space<vmem>>
        %dma_start3A_474 = tpu.memref_squeeze %dma_start3A_473 : memref<1x128x64xf32, #tpu.memory_space<vmem>> -> memref<128x64xf32, #tpu.memory_space<vmem>>
        %dma_start3A_475 = arith.constant 0 : i32
        %dma_start3A_476 = tpu.memref_slice %arg9[%dma_start3A_468, %dma_start3A_469, %dma_start3A_475] : memref<2x4x200xi32, #tpu.memory_space<vmem>> -> memref<1x1x128xi32, #tpu.memory_space<vmem>>
        %dma_start3A_477 = tpu.memref_squeeze %dma_start3A_476 : memref<1x1x128xi32, #tpu.memory_space<vmem>> -> memref<128xi32, #tpu.memory_space<vmem>>
        %dma_start3A_478 = arith.constant 0 : i32
        %dma_start3A_479 = arith.constant 0 : i32
        %dma_start3A_480 = tpu.memref_slice %arg5[%dma_start3A_478, %dma_start3A_479] : memref<100002x64xf32, #tpu.memory_space<hbm>> -> memref<100002x64xf32, #tpu.memory_space<hbm>>
        tpu.enqueue_indirect_dma source(%dma_start3A_480 : memref<100002x64xf32, #tpu.memory_space<hbm>>) target(%dma_start3A_474 : memref<128x64xf32, #tpu.memory_space<vmem>>) offsets(%dma_start3A_477 : memref<128xi32, #tpu.memory_space<vmem>>) semaphore(%arg18 : memref<!tpu.dma_semaphore, #tpu.memory_space<semaphore_mem>>)
        %dma_start3A_481 = arith.constant 1 : i32
        %dma_start3A_482 = arith.constant 1 : i32
        %dma_start3A_483 = arith.constant 1 : i32
        %dma_start3A_484 = arith.constant 328 : i32
        %dma_start3A_485 = arith.constant 0 : i32
        %dma_start3A_486 = tpu.memref_slice %arg12[%dma_start3A_483, %dma_start3A_484, %dma_start3A_485] : memref<2x800x64xf32, #tpu.memory_space<vmem>> -> memref<1x72x64xf32, #tpu.memory_space<vmem>>
        %dma_start3A_487 = tpu.memref_squeeze %dma_start3A_486 : memref<1x72x64xf32, #tpu.memory_space<vmem>> -> memref<72x64xf32, #tpu.memory_space<vmem>>
        %dma_start3A_488 = arith.constant 128 : i32
        %dma_start3A_489 = tpu.memref_slice %arg9[%dma_start3A_481, %dma_start3A_482, %dma_start3A_488] : memref<2x4x200xi32, #tpu.memory_space<vmem>> -> memref<1x1x72xi32, #tpu.memory_space<vmem>>
        %dma_start3A_490 = tpu.memref_squeeze %dma_start3A_489 : memref<1x1x72xi32, #tpu.memory_space<vmem>> -> memref<72xi32, #tpu.memory_space<vmem>>
        %dma_start3A_491 = arith.constant 0 : i32
        %dma_start3A_492 = arith.constant 0 : i32
        %dma_start3A_493 = tpu.memref_slice %arg5[%dma_start3A_491, %dma_start3A_492] : memref<100002x64xf32, #tpu.memory_space<hbm>> -> memref<100002x64xf32, #tpu.memory_space<hbm>>
        tpu.enqueue_indirect_dma source(%dma_start3A_493 : memref<100002x64xf32, #tpu.memory_space<hbm>>) target(%dma_start3A_487 : memref<72x64xf32, #tpu.memory_space<vmem>>) offsets(%dma_start3A_490 : memref<72xi32, #tpu.memory_space<vmem>>) semaphore(%arg18 : memref<!tpu.dma_semaphore, #tpu.memory_space<semaphore_mem>>)
        %dma_start3A_494 = arith.constant 1 : i32
        %dma_start3A_495 = arith.constant 2 : i32
        %dma_start3A_496 = arith.constant 1 : i32
        %dma_start3A_497 = arith.constant 400 : i32
        %dma_start3A_498 = arith.constant 0 : i32
        %dma_start3A_499 = tpu.memref_slice %arg12[%dma_start3A_496, %dma_start3A_497, %dma_start3A_498] : memref<2x800x64xf32, #tpu.memory_space<vmem>> -> memref<1x128x64xf32, #tpu.memory_space<vmem>>
        %dma_start3A_500 = tpu.memref_squeeze %dma_start3A_499 : memref<1x128x64xf32, #tpu.memory_space<vmem>> -> memref<128x64xf32, #tpu.memory_space<vmem>>
        %dma_start3A_501 = arith.constant 0 : i32
        %dma_start3A_502 = tpu.memref_slice %arg9[%dma_start3A_494, %dma_start3A_495, %dma_start3A_501] : memref<2x4x200xi32, #tpu.memory_space<vmem>> -> memref<1x1x128xi32, #tpu.memory_space<vmem>>
        %dma_start3A_503 = tpu.memref_squeeze %dma_start3A_502 : memref<1x1x128xi32, #tpu.memory_space<vmem>> -> memref<128xi32, #tpu.memory_space<vmem>>
        %dma_start3A_504 = arith.constant 0 : i32
        %dma_start3A_505 = arith.constant 0 : i32
        %dma_start3A_506 = tpu.memref_slice %arg5[%dma_start3A_504, %dma_start3A_505] : memref<100002x64xf32, #tpu.memory_space<hbm>> -> memref<100002x64xf32, #tpu.memory_space<hbm>>
        tpu.enqueue_indirect_dma source(%dma_start3A_506 : memref<100002x64xf32, #tpu.memory_space<hbm>>) target(%dma_start3A_500 : memref<128x64xf32, #tpu.memory_space<vmem>>) offsets(%dma_start3A_503 : memref<128xi32, #tpu.memory_space<vmem>>) semaphore(%arg18 : memref<!tpu.dma_semaphore, #tpu.memory_space<semaphore_mem>>)
        %dma_start3A_507 = arith.constant 1 : i32
        %dma_start3A_508 = arith.constant 2 : i32
        %dma_start3A_509 = arith.constant 1 : i32
        %dma_start3A_510 = arith.constant 528 : i32
        %dma_start3A_511 = arith.constant 0 : i32
        %dma_start3A_512 = tpu.memref_slice %arg12[%dma_start3A_509, %dma_start3A_510, %dma_start3A_511] : memref<2x800x64xf32, #tpu.memory_space<vmem>> -> memref<1x72x64xf32, #tpu.memory_space<vmem>>
        %dma_start3A_513 = tpu.memref_squeeze %dma_start3A_512 : memref<1x72x64xf32, #tpu.memory_space<vmem>> -> memref<72x64xf32, #tpu.memory_space<vmem>>
        %dma_start3A_514 = arith.constant 128 : i32
        %dma_start3A_515 = tpu.memref_slice %arg9[%dma_start3A_507, %dma_start3A_508, %dma_start3A_514] : memref<2x4x200xi32, #tpu.memory_space<vmem>> -> memref<1x1x72xi32, #tpu.memory_space<vmem>>
        %dma_start3A_516 = tpu.memref_squeeze %dma_start3A_515 : memref<1x1x72xi32, #tpu.memory_space<vmem>> -> memref<72xi32, #tpu.memory_space<vmem>>
        %dma_start3A_517 = arith.constant 0 : i32
        %dma_start3A_518 = arith.constant 0 : i32
        %dma_start3A_519 = tpu.memref_slice %arg5[%dma_start3A_517, %dma_start3A_518] : memref<100002x64xf32, #tpu.memory_space<hbm>> -> memref<100002x64xf32, #tpu.memory_space<hbm>>
        tpu.enqueue_indirect_dma source(%dma_start3A_519 : memref<100002x64xf32, #tpu.memory_space<hbm>>) target(%dma_start3A_513 : memref<72x64xf32, #tpu.memory_space<vmem>>) offsets(%dma_start3A_516 : memref<72xi32, #tpu.memory_space<vmem>>) semaphore(%arg18 : memref<!tpu.dma_semaphore, #tpu.memory_space<semaphore_mem>>)
        %dma_start3A_520 = arith.constant 1 : i32
        %dma_start3A_521 = arith.constant 3 : i32
        %dma_start3A_522 = arith.constant 1 : i32
        %dma_start3A_523 = arith.constant 600 : i32
        %dma_start3A_524 = arith.constant 0 : i32
        %dma_start3A_525 = tpu.memref_slice %arg12[%dma_start3A_522, %dma_start3A_523, %dma_start3A_524] : memref<2x800x64xf32, #tpu.memory_space<vmem>> -> memref<1x128x64xf32, #tpu.memory_space<vmem>>
        %dma_start3A_526 = tpu.memref_squeeze %dma_start3A_525 : memref<1x128x64xf32, #tpu.memory_space<vmem>> -> memref<128x64xf32, #tpu.memory_space<vmem>>
        %dma_start3A_527 = arith.constant 0 : i32
        %dma_start3A_528 = tpu.memref_slice %arg9[%dma_start3A_520, %dma_start3A_521, %dma_start3A_527] : memref<2x4x200xi32, #tpu.memory_space<vmem>> -> memref<1x1x128xi32, #tpu.memory_space<vmem>>
        %dma_start3A_529 = tpu.memref_squeeze %dma_start3A_528 : memref<1x1x128xi32, #tpu.memory_space<vmem>> -> memref<128xi32, #tpu.memory_space<vmem>>
        %dma_start3A_530 = arith.constant 0 : i32
        %dma_start3A_531 = arith.constant 0 : i32
        %dma_start3A_532 = tpu.memref_slice %arg5[%dma_start3A_530, %dma_start3A_531] : memref<100002x64xf32, #tpu.memory_space<hbm>> -> memref<100002x64xf32, #tpu.memory_space<hbm>>
        tpu.enqueue_indirect_dma source(%dma_start3A_532 : memref<100002x64xf32, #tpu.memory_space<hbm>>) target(%dma_start3A_526 : memref<128x64xf32, #tpu.memory_space<vmem>>) offsets(%dma_start3A_529 : memref<128xi32, #tpu.memory_space<vmem>>) semaphore(%arg18 : memref<!tpu.dma_semaphore, #tpu.memory_space<semaphore_mem>>)
        %dma_start3A_533 = arith.constant 1 : i32
        %dma_start3A_534 = arith.constant 3 : i32
        %dma_start3A_535 = arith.constant 1 : i32
        %dma_start3A_536 = arith.constant 728 : i32
        %dma_start3A_537 = arith.constant 0 : i32
        %dma_start3A_538 = tpu.memref_slice %arg12[%dma_start3A_535, %dma_start3A_536, %dma_start3A_537] : memref<2x800x64xf32, #tpu.memory_space<vmem>> -> memref<1x72x64xf32, #tpu.memory_space<vmem>>
        %dma_start3A_539 = tpu.memref_squeeze %dma_start3A_538 : memref<1x72x64xf32, #tpu.memory_space<vmem>> -> memref<72x64xf32, #tpu.memory_space<vmem>>
        %dma_start3A_540 = arith.constant 128 : i32
        %dma_start3A_541 = tpu.memref_slice %arg9[%dma_start3A_533, %dma_start3A_534, %dma_start3A_540] : memref<2x4x200xi32, #tpu.memory_space<vmem>> -> memref<1x1x72xi32, #tpu.memory_space<vmem>>
        %dma_start3A_542 = tpu.memref_squeeze %dma_start3A_541 : memref<1x1x72xi32, #tpu.memory_space<vmem>> -> memref<72xi32, #tpu.memory_space<vmem>>
        %dma_start3A_543 = arith.constant 0 : i32
        %dma_start3A_544 = arith.constant 0 : i32
        %dma_start3A_545 = tpu.memref_slice %arg5[%dma_start3A_543, %dma_start3A_544] : memref<100002x64xf32, #tpu.memory_space<hbm>> -> memref<100002x64xf32, #tpu.memory_space<hbm>>
        tpu.enqueue_indirect_dma source(%dma_start3A_545 : memref<100002x64xf32, #tpu.memory_space<hbm>>) target(%dma_start3A_539 : memref<72x64xf32, #tpu.memory_space<vmem>>) offsets(%dma_start3A_542 : memref<72xi32, #tpu.memory_space<vmem>>) semaphore(%arg18 : memref<!tpu.dma_semaphore, #tpu.memory_space<semaphore_mem>>)
      } else {
      }
      %dma_wait3A_272 = arith.constant 0 : i32
      %dma_wait3A_273 = arith.constant 0 : i32
      %dma_wait3A_274 = arith.constant 0 : i32
      %dma_wait3A_275 = tpu.memref_slice %arg12[%dma_wait3A_272, %dma_wait3A_273, %dma_wait3A_274] : memref<2x800x64xf32, #tpu.memory_space<vmem>> -> memref<1x800x64xf32, #tpu.memory_space<vmem>>
      %dma_wait3A_276 = tpu.memref_squeeze %dma_wait3A_275 : memref<1x800x64xf32, #tpu.memory_space<vmem>> -> memref<800x64xf32, #tpu.memory_space<vmem>>
      %dma_wait3A_277 = arith.constant 0 : i32
      %dma_wait3A_278 = arith.constant 0 : i32
      %dma_wait3A_279 = tpu.memref_slice %arg5[%dma_wait3A_277, %dma_wait3A_278] : memref<100002x64xf32, #tpu.memory_space<hbm>> -> memref<800x64xf32, #tpu.memory_space<hbm>>
      %dma_wait3A_280 = arith.constant 0 : i32
      %dma_wait3A_281 = arith.constant 0 : i32
      %dma_wait3A_282 = tpu.memref_slice %arg12[%dma_wait3A_272, %dma_wait3A_280, %dma_wait3A_281] : memref<2x800x64xf32, #tpu.memory_space<vmem>> -> memref<1x800x64xf32, #tpu.memory_space<vmem>>
      %dma_wait3A_283 = tpu.memref_squeeze %dma_wait3A_282 : memref<1x800x64xf32, #tpu.memory_space<vmem>> -> memref<800x64xf32, #tpu.memory_space<vmem>>
      %dma_wait3A_284 = arith.constant 0 : i32
      %dma_wait3A_285 = arith.constant 0 : i32
      %dma_wait3A_286 = tpu.memref_slice %arg5[%dma_wait3A_284, %dma_wait3A_285] : memref<100002x64xf32, #tpu.memory_space<hbm>> -> memref<800x64xf32, #tpu.memory_space<hbm>>
      tpu.wait_dma2 semaphore(%arg17 : memref<!tpu.dma_semaphore, #tpu.memory_space<semaphore_mem>>) src(%dma_wait3A_286 : memref<800x64xf32, #tpu.memory_space<hbm>>) dst(%dma_wait3A_283 : memref<800x64xf32, #tpu.memory_space<vmem>>)
      %parallel_loop3A = arith.constant 0 : i32
      %parallel_loop3A_287 = arith.constant 13 : i32
      %parallel_loop3A_288 = arith.constant 1 : i32
      scf.for %parallel_loop3A_397 = %parallel_loop3A to %parallel_loop3A_287 step %parallel_loop3A_288  : i32 {
        %parallel_loop3A_398 = arith.constant 16 : i32
        %parallel_loop3A_399 = arith.muli %parallel_loop3A_397, %parallel_loop3A_398 : i32
        %parallel_loop3A_400 = arith.constant 184 : i32
        %parallel_loop3A_401 = arith.minsi %parallel_loop3A_399, %parallel_loop3A_400 : i32
        %parallel_loop3A_402 = tpu.iota {dimensions = array<i32: 0>} : vector<16xi32>
        %parallel_loop3A_403 = arith.constant 0 : i32
        %parallel_loop3A_404 = arith.addi %parallel_loop3A_403, %parallel_loop3A_401 : i32
        %parallel_loop3A_405 = vector.broadcast %parallel_loop3A_404 : i32 to vector<16xi32>
        %parallel_loop3A_406 = arith.addi %parallel_loop3A_402, %parallel_loop3A_405 : vector<16xi32>
        %parallel_loop3A_407 = arith.constant 0 : i32
        %parallel_loop3A_408 = arith.constant 0 : i32
        %parallel_loop3A_409 = arith.constant 0 : i32
        %parallel_loop3A_410 = tpu.memref_slice %arg10[%parallel_loop3A_407, %parallel_loop3A_408, %parallel_loop3A_409] : memref<2x4x200xi32, #tpu.memory_space<vmem>> -> memref<1x1x200xi32, #tpu.memory_space<vmem>>
        %parallel_loop3A_411 = tpu.memref_squeeze %parallel_loop3A_410 : memref<1x1x200xi32, #tpu.memory_space<vmem>> -> memref<200xi32, #tpu.memory_space<vmem>>
        %parallel_loop3A_412 = arith.index_cast %parallel_loop3A_401 : i32 to index
        %parallel_loop3A_413 = tpu.vector_load %parallel_loop3A_411[%parallel_loop3A_412] {strides = array<i32>} : memref<200xi32, #tpu.memory_space<vmem>>, vector<16xi32>,
        %parallel_loop3A_414 = arith.constant 5 : i32
        %parallel_loop3A_415 = vector.broadcast %parallel_loop3A_414 : i32 to vector<16xi32>
        %parallel_loop3A_416 = arith.muli %parallel_loop3A_413, %parallel_loop3A_415 : vector<16xi32>
        %parallel_loop3A_417 = arith.constant 0 : i32
        %parallel_loop3A_418 = arith.constant 0 : i32
        %parallel_loop3A_419 = arith.constant 0 : i32
        %parallel_loop3A_420 = tpu.memref_slice %arg11[%parallel_loop3A_417, %parallel_loop3A_418, %parallel_loop3A_419] : memref<2x4x200xi32, #tpu.memory_space<vmem>> -> memref<1x1x200xi32, #tpu.memory_space<vmem>>
        %parallel_loop3A_421 = tpu.memref_squeeze %parallel_loop3A_420 : memref<1x1x200xi32, #tpu.memory_space<vmem>> -> memref<200xi32, #tpu.memory_space<vmem>>
        %parallel_loop3A_422 = arith.index_cast %parallel_loop3A_401 : i32 to index
        %parallel_loop3A_423 = tpu.vector_load %parallel_loop3A_421[%parallel_loop3A_422] {strides = array<i32>} : memref<200xi32, #tpu.memory_space<vmem>>, vector<16xi32>,
        %parallel_loop3A_424 = arith.constant 5 : i32
        %parallel_loop3A_425 = vector.broadcast %parallel_loop3A_424 : i32 to vector<16xi32>
        %parallel_loop3A_426 = arith.muli %parallel_loop3A_423, %parallel_loop3A_425 : vector<16xi32>
        %parallel_loop3A_427 = arith.constant 0 : i32
        %parallel_loop3A_428 = vector.broadcast %parallel_loop3A_427 : i32 to vector<16xi32>
        %parallel_loop3A_429 = arith.addi %parallel_loop3A_416, %parallel_loop3A_428 : vector<16xi32>
        %parallel_loop3A_430 = tpu.vector_load_idx %arg13[%parallel_loop3A_429] : memref<2000xf32, #tpu.memory_space<vmem>>[vector<16xi32>], vector<16xf32>,
        %parallel_loop3A_431 = arith.constant 1 : i32
        %parallel_loop3A_432 = vector.broadcast %parallel_loop3A_431 : i32 to vector<16xi32>
        %parallel_loop3A_433 = arith.addi %parallel_loop3A_416, %parallel_loop3A_432 : vector<16xi32>
        %parallel_loop3A_434 = tpu.vector_load_idx %arg13[%parallel_loop3A_433] : memref<2000xf32, #tpu.memory_space<vmem>>[vector<16xi32>], vector<16xf32>,
        %parallel_loop3A_435 = arith.constant 2 : i32
        %parallel_loop3A_436 = vector.broadcast %parallel_loop3A_435 : i32 to vector<16xi32>
        %parallel_loop3A_437 = arith.addi %parallel_loop3A_416, %parallel_loop3A_436 : vector<16xi32>
        %parallel_loop3A_438 = tpu.vector_load_idx %arg13[%parallel_loop3A_437] : memref<2000xf32, #tpu.memory_space<vmem>>[vector<16xi32>], vector<16xf32>,
        %parallel_loop3A_439 = arith.constant 3 : i32
        %parallel_loop3A_440 = vector.broadcast %parallel_loop3A_439 : i32 to vector<16xi32>
        %parallel_loop3A_441 = arith.addi %parallel_loop3A_416, %parallel_loop3A_440 : vector<16xi32>
        %parallel_loop3A_442 = tpu.vector_load_idx %arg13[%parallel_loop3A_441] : memref<2000xf32, #tpu.memory_space<vmem>>[vector<16xi32>], vector<16xf32>,
        %parallel_loop3A_443 = arith.constant 4 : i32
        %parallel_loop3A_444 = vector.broadcast %parallel_loop3A_443 : i32 to vector<16xi32>
        %parallel_loop3A_445 = arith.addi %parallel_loop3A_416, %parallel_loop3A_444 : vector<16xi32>
        %parallel_loop3A_446 = tpu.vector_load_idx %arg13[%parallel_loop3A_445] : memref<2000xf32, #tpu.memory_space<vmem>>[vector<16xi32>], vector<16xf32>,
        %parallel_loop3A_447 = arith.constant 0 : i32
        %parallel_loop3A_448 = vector.broadcast %parallel_loop3A_447 : i32 to vector<16xi32>
        %parallel_loop3A_449 = arith.addi %parallel_loop3A_426, %parallel_loop3A_448 : vector<16xi32>
        %parallel_loop3A_450 = tpu.vector_load_idx %arg14[%parallel_loop3A_449] : memref<2000xf32, #tpu.memory_space<vmem>>[vector<16xi32>], vector<16xf32>,
        %parallel_loop3A_451 = arith.constant 1 : i32
        %parallel_loop3A_452 = vector.broadcast %parallel_loop3A_451 : i32 to vector<16xi32>
        %parallel_loop3A_453 = arith.addi %parallel_loop3A_426, %parallel_loop3A_452 : vector<16xi32>
        %parallel_loop3A_454 = tpu.vector_load_idx %arg14[%parallel_loop3A_453] : memref<2000xf32, #tpu.memory_space<vmem>>[vector<16xi32>], vector<16xf32>,
        %parallel_loop3A_455 = arith.constant 2 : i32
        %parallel_loop3A_456 = vector.broadcast %parallel_loop3A_455 : i32 to vector<16xi32>
        %parallel_loop3A_457 = arith.addi %parallel_loop3A_426, %parallel_loop3A_456 : vector<16xi32>
        %parallel_loop3A_458 = tpu.vector_load_idx %arg14[%parallel_loop3A_457] : memref<2000xf32, #tpu.memory_space<vmem>>[vector<16xi32>], vector<16xf32>,
        %parallel_loop3A_459 = arith.constant 3 : i32
        %parallel_loop3A_460 = vector.broadcast %parallel_loop3A_459 : i32 to vector<16xi32>
        %parallel_loop3A_461 = arith.addi %parallel_loop3A_426, %parallel_loop3A_460 : vector<16xi32>
        %parallel_loop3A_462 = tpu.vector_load_idx %arg14[%parallel_loop3A_461] : memref<2000xf32, #tpu.memory_space<vmem>>[vector<16xi32>], vector<16xf32>,
        %parallel_loop3A_463 = arith.constant 4 : i32
        %parallel_loop3A_464 = vector.broadcast %parallel_loop3A_463 : i32 to vector<16xi32>
        %parallel_loop3A_465 = arith.addi %parallel_loop3A_426, %parallel_loop3A_464 : vector<16xi32>
        %parallel_loop3A_466 = tpu.vector_load_idx %arg14[%parallel_loop3A_465] : memref<2000xf32, #tpu.memory_space<vmem>>[vector<16xi32>], vector<16xf32>,
        %parallel_loop3A_467 = arith.constant 50 : i32
        %parallel_loop3A_468 = vector.broadcast %parallel_loop3A_467 : i32 to vector<16xi32>
        %parallel_loop3A_469 = arith.constant 0 : i32
        %parallel_loop3A_470 = arith.constant 0 : i32
        %parallel_loop3A_471 = arith.constant 0 : i32
        %parallel_loop3A_472 = tpu.memref_slice %arg12[%parallel_loop3A_469, %parallel_loop3A_470, %parallel_loop3A_471] : memref<2x800x64xf32, #tpu.memory_space<vmem>> -> memref<1x800x64xf32, #tpu.memory_space<vmem>>
        %parallel_loop3A_473 = tpu.memref_squeeze %parallel_loop3A_472 : memref<1x800x64xf32, #tpu.memory_space<vmem>> -> memref<800x64xf32, #tpu.memory_space<vmem>>
        tpu.vector_store_idx %parallel_loop3A_473[%parallel_loop3A_406, %parallel_loop3A_468], %parallel_loop3A_430 : memref<800x64xf32, #tpu.memory_space<vmem>>[vector<16xi32>, vector<16xi32>], vector<16xf32>,
        %parallel_loop3A_474 = arith.constant 55 : i32
        %parallel_loop3A_475 = vector.broadcast %parallel_loop3A_474 : i32 to vector<16xi32>
        %parallel_loop3A_476 = arith.constant 0 : i32
        %parallel_loop3A_477 = arith.constant 0 : i32
        %parallel_loop3A_478 = arith.constant 0 : i32
        %parallel_loop3A_479 = tpu.memref_slice %arg12[%parallel_loop3A_476, %parallel_loop3A_477, %parallel_loop3A_478] : memref<2x800x64xf32, #tpu.memory_space<vmem>> -> memref<1x800x64xf32, #tpu.memory_space<vmem>>
        %parallel_loop3A_480 = tpu.memref_squeeze %parallel_loop3A_479 : memref<1x800x64xf32, #tpu.memory_space<vmem>> -> memref<800x64xf32, #tpu.memory_space<vmem>>
        tpu.vector_store_idx %parallel_loop3A_480[%parallel_loop3A_406, %parallel_loop3A_475], %parallel_loop3A_450 : memref<800x64xf32, #tpu.memory_space<vmem>>[vector<16xi32>, vector<16xi32>], vector<16xf32>,
        %parallel_loop3A_481 = arith.constant 51 : i32
        %parallel_loop3A_482 = vector.broadcast %parallel_loop3A_481 : i32 to vector<16xi32>
        %parallel_loop3A_483 = arith.constant 0 : i32
        %parallel_loop3A_484 = arith.constant 0 : i32
        %parallel_loop3A_485 = arith.constant 0 : i32
        %parallel_loop3A_486 = tpu.memref_slice %arg12[%parallel_loop3A_483, %parallel_loop3A_484, %parallel_loop3A_485] : memref<2x800x64xf32, #tpu.memory_space<vmem>> -> memref<1x800x64xf32, #tpu.memory_space<vmem>>
        %parallel_loop3A_487 = tpu.memref_squeeze %parallel_loop3A_486 : memref<1x800x64xf32, #tpu.memory_space<vmem>> -> memref<800x64xf32, #tpu.memory_space<vmem>>
        tpu.vector_store_idx %parallel_loop3A_487[%parallel_loop3A_406, %parallel_loop3A_482], %parallel_loop3A_434 : memref<800x64xf32, #tpu.memory_space<vmem>>[vector<16xi32>, vector<16xi32>], vector<16xf32>,
        %parallel_loop3A_488 = arith.constant 56 : i32
        %parallel_loop3A_489 = vector.broadcast %parallel_loop3A_488 : i32 to vector<16xi32>
        %parallel_loop3A_490 = arith.constant 0 : i32
        %parallel_loop3A_491 = arith.constant 0 : i32
        %parallel_loop3A_492 = arith.constant 0 : i32
        %parallel_loop3A_493 = tpu.memref_slice %arg12[%parallel_loop3A_490, %parallel_loop3A_491, %parallel_loop3A_492] : memref<2x800x64xf32, #tpu.memory_space<vmem>> -> memref<1x800x64xf32, #tpu.memory_space<vmem>>
        %parallel_loop3A_494 = tpu.memref_squeeze %parallel_loop3A_493 : memref<1x800x64xf32, #tpu.memory_space<vmem>> -> memref<800x64xf32, #tpu.memory_space<vmem>>
        tpu.vector_store_idx %parallel_loop3A_494[%parallel_loop3A_406, %parallel_loop3A_489], %parallel_loop3A_454 : memref<800x64xf32, #tpu.memory_space<vmem>>[vector<16xi32>, vector<16xi32>], vector<16xf32>,
        %parallel_loop3A_495 = arith.constant 52 : i32
        %parallel_loop3A_496 = vector.broadcast %parallel_loop3A_495 : i32 to vector<16xi32>
        %parallel_loop3A_497 = arith.constant 0 : i32
        %parallel_loop3A_498 = arith.constant 0 : i32
        %parallel_loop3A_499 = arith.constant 0 : i32
        %parallel_loop3A_500 = tpu.memref_slice %arg12[%parallel_loop3A_497, %parallel_loop3A_498, %parallel_loop3A_499] : memref<2x800x64xf32, #tpu.memory_space<vmem>> -> memref<1x800x64xf32, #tpu.memory_space<vmem>>
        %parallel_loop3A_501 = tpu.memref_squeeze %parallel_loop3A_500 : memref<1x800x64xf32, #tpu.memory_space<vmem>> -> memref<800x64xf32, #tpu.memory_space<vmem>>
        tpu.vector_store_idx %parallel_loop3A_501[%parallel_loop3A_406, %parallel_loop3A_496], %parallel_loop3A_438 : memref<800x64xf32, #tpu.memory_space<vmem>>[vector<16xi32>, vector<16xi32>], vector<16xf32>,
        %parallel_loop3A_502 = arith.constant 57 : i32
        %parallel_loop3A_503 = vector.broadcast %parallel_loop3A_502 : i32 to vector<16xi32>
        %parallel_loop3A_504 = arith.constant 0 : i32
        %parallel_loop3A_505 = arith.constant 0 : i32
        %parallel_loop3A_506 = arith.constant 0 : i32
        %parallel_loop3A_507 = tpu.memref_slice %arg12[%parallel_loop3A_504, %parallel_loop3A_505, %parallel_loop3A_506] : memref<2x800x64xf32, #tpu.memory_space<vmem>> -> memref<1x800x64xf32, #tpu.memory_space<vmem>>
        %parallel_loop3A_508 = tpu.memref_squeeze %parallel_loop3A_507 : memref<1x800x64xf32, #tpu.memory_space<vmem>> -> memref<800x64xf32, #tpu.memory_space<vmem>>
        tpu.vector_store_idx %parallel_loop3A_508[%parallel_loop3A_406, %parallel_loop3A_503], %parallel_loop3A_458 : memref<800x64xf32, #tpu.memory_space<vmem>>[vector<16xi32>, vector<16xi32>], vector<16xf32>,
        %parallel_loop3A_509 = arith.constant 53 : i32
        %parallel_loop3A_510 = vector.broadcast %parallel_loop3A_509 : i32 to vector<16xi32>
        %parallel_loop3A_511 = arith.constant 0 : i32
        %parallel_loop3A_512 = arith.constant 0 : i32
        %parallel_loop3A_513 = arith.constant 0 : i32
        %parallel_loop3A_514 = tpu.memref_slice %arg12[%parallel_loop3A_511, %parallel_loop3A_512, %parallel_loop3A_513] : memref<2x800x64xf32, #tpu.memory_space<vmem>> -> memref<1x800x64xf32, #tpu.memory_space<vmem>>
        %parallel_loop3A_515 = tpu.memref_squeeze %parallel_loop3A_514 : memref<1x800x64xf32, #tpu.memory_space<vmem>> -> memref<800x64xf32, #tpu.memory_space<vmem>>
        tpu.vector_store_idx %parallel_loop3A_515[%parallel_loop3A_406, %parallel_loop3A_510], %parallel_loop3A_442 : memref<800x64xf32, #tpu.memory_space<vmem>>[vector<16xi32>, vector<16xi32>], vector<16xf32>,
        %parallel_loop3A_516 = arith.constant 58 : i32
        %parallel_loop3A_517 = vector.broadcast %parallel_loop3A_516 : i32 to vector<16xi32>
        %parallel_loop3A_518 = arith.constant 0 : i32
        %parallel_loop3A_519 = arith.constant 0 : i32
        %parallel_loop3A_520 = arith.constant 0 : i32
        %parallel_loop3A_521 = tpu.memref_slice %arg12[%parallel_loop3A_518, %parallel_loop3A_519, %parallel_loop3A_520] : memref<2x800x64xf32, #tpu.memory_space<vmem>> -> memref<1x800x64xf32, #tpu.memory_space<vmem>>
        %parallel_loop3A_522 = tpu.memref_squeeze %parallel_loop3A_521 : memref<1x800x64xf32, #tpu.memory_space<vmem>> -> memref<800x64xf32, #tpu.memory_space<vmem>>
        tpu.vector_store_idx %parallel_loop3A_522[%parallel_loop3A_406, %parallel_loop3A_517], %parallel_loop3A_462 : memref<800x64xf32, #tpu.memory_space<vmem>>[vector<16xi32>, vector<16xi32>], vector<16xf32>,
        %parallel_loop3A_523 = arith.constant 54 : i32
        %parallel_loop3A_524 = vector.broadcast %parallel_loop3A_523 : i32 to vector<16xi32>
        %parallel_loop3A_525 = arith.constant 0 : i32
        %parallel_loop3A_526 = arith.constant 0 : i32
        %parallel_loop3A_527 = arith.constant 0 : i32
        %parallel_loop3A_528 = tpu.memref_slice %arg12[%parallel_loop3A_525, %parallel_loop3A_526, %parallel_loop3A_527] : memref<2x800x64xf32, #tpu.memory_space<vmem>> -> memref<1x800x64xf32, #tpu.memory_space<vmem>>
        %parallel_loop3A_529 = tpu.memref_squeeze %parallel_loop3A_528 : memref<1x800x64xf32, #tpu.memory_space<vmem>> -> memref<800x64xf32, #tpu.memory_space<vmem>>
        tpu.vector_store_idx %parallel_loop3A_529[%parallel_loop3A_406, %parallel_loop3A_524], %parallel_loop3A_446 : memref<800x64xf32, #tpu.memory_space<vmem>>[vector<16xi32>, vector<16xi32>], vector<16xf32>,
        %parallel_loop3A_530 = arith.constant 59 : i32
        %parallel_loop3A_531 = vector.broadcast %parallel_loop3A_530 : i32 to vector<16xi32>
        %parallel_loop3A_532 = arith.constant 0 : i32
        %parallel_loop3A_533 = arith.constant 0 : i32
        %parallel_loop3A_534 = arith.constant 0 : i32
        %parallel_loop3A_535 = tpu.memref_slice %arg12[%parallel_loop3A_532, %parallel_loop3A_533, %parallel_loop3A_534] : memref<2x800x64xf32, #tpu.memory_space<vmem>> -> memref<1x800x64xf32, #tpu.memory_space<vmem>>
        %parallel_loop3A_536 = tpu.memref_squeeze %parallel_loop3A_535 : memref<1x800x64xf32, #tpu.memory_space<vmem>> -> memref<800x64xf32, #tpu.memory_space<vmem>>
        tpu.vector_store_idx %parallel_loop3A_536[%parallel_loop3A_406, %parallel_loop3A_531], %parallel_loop3A_466 : memref<800x64xf32, #tpu.memory_space<vmem>>[vector<16xi32>, vector<16xi32>], vector<16xf32>,
      } {sc.loop_unroll_factor = 2 : i64, sc.parallel_access}
      %parallel_loop3A_289 = arith.constant 0 : i32
      %parallel_loop3A_290 = arith.constant 13 : i32
      %parallel_loop3A_291 = arith.constant 1 : i32
      scf.for %parallel_loop3A_397 = %parallel_loop3A_289 to %parallel_loop3A_290 step %parallel_loop3A_291  : i32 {
        %parallel_loop3A_398 = arith.constant 16 : i32
        %parallel_loop3A_399 = arith.muli %parallel_loop3A_397, %parallel_loop3A_398 : i32
        %parallel_loop3A_400 = arith.constant 184 : i32
        %parallel_loop3A_401 = arith.minsi %parallel_loop3A_399, %parallel_loop3A_400 : i32
        %parallel_loop3A_402 = tpu.iota {dimensions = array<i32: 0>} : vector<16xi32>
        %parallel_loop3A_403 = arith.constant 200 : i32
        %parallel_loop3A_404 = arith.addi %parallel_loop3A_403, %parallel_loop3A_401 : i32
        %parallel_loop3A_405 = vector.broadcast %parallel_loop3A_404 : i32 to vector<16xi32>
        %parallel_loop3A_406 = arith.addi %parallel_loop3A_402, %parallel_loop3A_405 : vector<16xi32>
        %parallel_loop3A_407 = arith.constant 0 : i32
        %parallel_loop3A_408 = arith.constant 1 : i32
        %parallel_loop3A_409 = arith.constant 0 : i32
        %parallel_loop3A_410 = tpu.memref_slice %arg10[%parallel_loop3A_407, %parallel_loop3A_408, %parallel_loop3A_409] : memref<2x4x200xi32, #tpu.memory_space<vmem>> -> memref<1x1x200xi32, #tpu.memory_space<vmem>>
        %parallel_loop3A_411 = tpu.memref_squeeze %parallel_loop3A_410 : memref<1x1x200xi32, #tpu.memory_space<vmem>> -> memref<200xi32, #tpu.memory_space<vmem>>
        %parallel_loop3A_412 = arith.index_cast %parallel_loop3A_401 : i32 to index
        %parallel_loop3A_413 = tpu.vector_load %parallel_loop3A_411[%parallel_loop3A_412] {strides = array<i32>} : memref<200xi32, #tpu.memory_space<vmem>>, vector<16xi32>,
        %parallel_loop3A_414 = arith.constant 5 : i32
        %parallel_loop3A_415 = vector.broadcast %parallel_loop3A_414 : i32 to vector<16xi32>
        %parallel_loop3A_416 = arith.muli %parallel_loop3A_413, %parallel_loop3A_415 : vector<16xi32>
        %parallel_loop3A_417 = arith.constant 0 : i32
        %parallel_loop3A_418 = arith.constant 1 : i32
        %parallel_loop3A_419 = arith.constant 0 : i32
        %parallel_loop3A_420 = tpu.memref_slice %arg11[%parallel_loop3A_417, %parallel_loop3A_418, %parallel_loop3A_419] : memref<2x4x200xi32, #tpu.memory_space<vmem>> -> memref<1x1x200xi32, #tpu.memory_space<vmem>>
        %parallel_loop3A_421 = tpu.memref_squeeze %parallel_loop3A_420 : memref<1x1x200xi32, #tpu.memory_space<vmem>> -> memref<200xi32, #tpu.memory_space<vmem>>
        %parallel_loop3A_422 = arith.index_cast %parallel_loop3A_401 : i32 to index
        %parallel_loop3A_423 = tpu.vector_load %parallel_loop3A_421[%parallel_loop3A_422] {strides = array<i32>} : memref<200xi32, #tpu.memory_space<vmem>>, vector<16xi32>,
        %parallel_loop3A_424 = arith.constant 5 : i32
        %parallel_loop3A_425 = vector.broadcast %parallel_loop3A_424 : i32 to vector<16xi32>
        %parallel_loop3A_426 = arith.muli %parallel_loop3A_423, %parallel_loop3A_425 : vector<16xi32>
        %parallel_loop3A_427 = arith.constant 0 : i32
        %parallel_loop3A_428 = vector.broadcast %parallel_loop3A_427 : i32 to vector<16xi32>
        %parallel_loop3A_429 = arith.addi %parallel_loop3A_416, %parallel_loop3A_428 : vector<16xi32>
        %parallel_loop3A_430 = tpu.vector_load_idx %arg13[%parallel_loop3A_429] : memref<2000xf32, #tpu.memory_space<vmem>>[vector<16xi32>], vector<16xf32>,
        %parallel_loop3A_431 = arith.constant 1 : i32
        %parallel_loop3A_432 = vector.broadcast %parallel_loop3A_431 : i32 to vector<16xi32>
        %parallel_loop3A_433 = arith.addi %parallel_loop3A_416, %parallel_loop3A_432 : vector<16xi32>
        %parallel_loop3A_434 = tpu.vector_load_idx %arg13[%parallel_loop3A_433] : memref<2000xf32, #tpu.memory_space<vmem>>[vector<16xi32>], vector<16xf32>,
        %parallel_loop3A_435 = arith.constant 2 : i32
        %parallel_loop3A_436 = vector.broadcast %parallel_loop3A_435 : i32 to vector<16xi32>
        %parallel_loop3A_437 = arith.addi %parallel_loop3A_416, %parallel_loop3A_436 : vector<16xi32>
        %parallel_loop3A_438 = tpu.vector_load_idx %arg13[%parallel_loop3A_437] : memref<2000xf32, #tpu.memory_space<vmem>>[vector<16xi32>], vector<16xf32>,
        %parallel_loop3A_439 = arith.constant 3 : i32
        %parallel_loop3A_440 = vector.broadcast %parallel_loop3A_439 : i32 to vector<16xi32>
        %parallel_loop3A_441 = arith.addi %parallel_loop3A_416, %parallel_loop3A_440 : vector<16xi32>
        %parallel_loop3A_442 = tpu.vector_load_idx %arg13[%parallel_loop3A_441] : memref<2000xf32, #tpu.memory_space<vmem>>[vector<16xi32>], vector<16xf32>,
        %parallel_loop3A_443 = arith.constant 4 : i32
        %parallel_loop3A_444 = vector.broadcast %parallel_loop3A_443 : i32 to vector<16xi32>
        %parallel_loop3A_445 = arith.addi %parallel_loop3A_416, %parallel_loop3A_444 : vector<16xi32>
        %parallel_loop3A_446 = tpu.vector_load_idx %arg13[%parallel_loop3A_445] : memref<2000xf32, #tpu.memory_space<vmem>>[vector<16xi32>], vector<16xf32>,
        %parallel_loop3A_447 = arith.constant 0 : i32
        %parallel_loop3A_448 = vector.broadcast %parallel_loop3A_447 : i32 to vector<16xi32>
        %parallel_loop3A_449 = arith.addi %parallel_loop3A_426, %parallel_loop3A_448 : vector<16xi32>
        %parallel_loop3A_450 = tpu.vector_load_idx %arg14[%parallel_loop3A_449] : memref<2000xf32, #tpu.memory_space<vmem>>[vector<16xi32>], vector<16xf32>,
        %parallel_loop3A_451 = arith.constant 1 : i32
        %parallel_loop3A_452 = vector.broadcast %parallel_loop3A_451 : i32 to vector<16xi32>
        %parallel_loop3A_453 = arith.addi %parallel_loop3A_426, %parallel_loop3A_452 : vector<16xi32>
        %parallel_loop3A_454 = tpu.vector_load_idx %arg14[%parallel_loop3A_453] : memref<2000xf32, #tpu.memory_space<vmem>>[vector<16xi32>], vector<16xf32>,
        %parallel_loop3A_455 = arith.constant 2 : i32
        %parallel_loop3A_456 = vector.broadcast %parallel_loop3A_455 : i32 to vector<16xi32>
        %parallel_loop3A_457 = arith.addi %parallel_loop3A_426, %parallel_loop3A_456 : vector<16xi32>
        %parallel_loop3A_458 = tpu.vector_load_idx %arg14[%parallel_loop3A_457] : memref<2000xf32, #tpu.memory_space<vmem>>[vector<16xi32>], vector<16xf32>,
        %parallel_loop3A_459 = arith.constant 3 : i32
        %parallel_loop3A_460 = vector.broadcast %parallel_loop3A_459 : i32 to vector<16xi32>
        %parallel_loop3A_461 = arith.addi %parallel_loop3A_426, %parallel_loop3A_460 : vector<16xi32>
        %parallel_loop3A_462 = tpu.vector_load_idx %arg14[%parallel_loop3A_461] : memref<2000xf32, #tpu.memory_space<vmem>>[vector<16xi32>], vector<16xf32>,
        %parallel_loop3A_463 = arith.constant 4 : i32
        %parallel_loop3A_464 = vector.broadcast %parallel_loop3A_463 : i32 to vector<16xi32>
        %parallel_loop3A_465 = arith.addi %parallel_loop3A_426, %parallel_loop3A_464 : vector<16xi32>
        %parallel_loop3A_466 = tpu.vector_load_idx %arg14[%parallel_loop3A_465] : memref<2000xf32, #tpu.memory_space<vmem>>[vector<16xi32>], vector<16xf32>,
        %parallel_loop3A_467 = arith.constant 50 : i32
        %parallel_loop3A_468 = vector.broadcast %parallel_loop3A_467 : i32 to vector<16xi32>
        %parallel_loop3A_469 = arith.constant 0 : i32
        %parallel_loop3A_470 = arith.constant 0 : i32
        %parallel_loop3A_471 = arith.constant 0 : i32
        %parallel_loop3A_472 = tpu.memref_slice %arg12[%parallel_loop3A_469, %parallel_loop3A_470, %parallel_loop3A_471] : memref<2x800x64xf32, #tpu.memory_space<vmem>> -> memref<1x800x64xf32, #tpu.memory_space<vmem>>
        %parallel_loop3A_473 = tpu.memref_squeeze %parallel_loop3A_472 : memref<1x800x64xf32, #tpu.memory_space<vmem>> -> memref<800x64xf32, #tpu.memory_space<vmem>>
        tpu.vector_store_idx %parallel_loop3A_473[%parallel_loop3A_406, %parallel_loop3A_468], %parallel_loop3A_430 : memref<800x64xf32, #tpu.memory_space<vmem>>[vector<16xi32>, vector<16xi32>], vector<16xf32>,
        %parallel_loop3A_474 = arith.constant 55 : i32
        %parallel_loop3A_475 = vector.broadcast %parallel_loop3A_474 : i32 to vector<16xi32>
        %parallel_loop3A_476 = arith.constant 0 : i32
        %parallel_loop3A_477 = arith.constant 0 : i32
        %parallel_loop3A_478 = arith.constant 0 : i32
        %parallel_loop3A_479 = tpu.memref_slice %arg12[%parallel_loop3A_476, %parallel_loop3A_477, %parallel_loop3A_478] : memref<2x800x64xf32, #tpu.memory_space<vmem>> -> memref<1x800x64xf32, #tpu.memory_space<vmem>>
        %parallel_loop3A_480 = tpu.memref_squeeze %parallel_loop3A_479 : memref<1x800x64xf32, #tpu.memory_space<vmem>> -> memref<800x64xf32, #tpu.memory_space<vmem>>
        tpu.vector_store_idx %parallel_loop3A_480[%parallel_loop3A_406, %parallel_loop3A_475], %parallel_loop3A_450 : memref<800x64xf32, #tpu.memory_space<vmem>>[vector<16xi32>, vector<16xi32>], vector<16xf32>,
        %parallel_loop3A_481 = arith.constant 51 : i32
        %parallel_loop3A_482 = vector.broadcast %parallel_loop3A_481 : i32 to vector<16xi32>
        %parallel_loop3A_483 = arith.constant 0 : i32
        %parallel_loop3A_484 = arith.constant 0 : i32
        %parallel_loop3A_485 = arith.constant 0 : i32
        %parallel_loop3A_486 = tpu.memref_slice %arg12[%parallel_loop3A_483, %parallel_loop3A_484, %parallel_loop3A_485] : memref<2x800x64xf32, #tpu.memory_space<vmem>> -> memref<1x800x64xf32, #tpu.memory_space<vmem>>
        %parallel_loop3A_487 = tpu.memref_squeeze %parallel_loop3A_486 : memref<1x800x64xf32, #tpu.memory_space<vmem>> -> memref<800x64xf32, #tpu.memory_space<vmem>>
        tpu.vector_store_idx %parallel_loop3A_487[%parallel_loop3A_406, %parallel_loop3A_482], %parallel_loop3A_434 : memref<800x64xf32, #tpu.memory_space<vmem>>[vector<16xi32>, vector<16xi32>], vector<16xf32>,
        %parallel_loop3A_488 = arith.constant 56 : i32
        %parallel_loop3A_489 = vector.broadcast %parallel_loop3A_488 : i32 to vector<16xi32>
        %parallel_loop3A_490 = arith.constant 0 : i32
        %parallel_loop3A_491 = arith.constant 0 : i32
        %parallel_loop3A_492 = arith.constant 0 : i32
        %parallel_loop3A_493 = tpu.memref_slice %arg12[%parallel_loop3A_490, %parallel_loop3A_491, %parallel_loop3A_492] : memref<2x800x64xf32, #tpu.memory_space<vmem>> -> memref<1x800x64xf32, #tpu.memory_space<vmem>>
        %parallel_loop3A_494 = tpu.memref_squeeze %parallel_loop3A_493 : memref<1x800x64xf32, #tpu.memory_space<vmem>> -> memref<800x64xf32, #tpu.memory_space<vmem>>
        tpu.vector_store_idx %parallel_loop3A_494[%parallel_loop3A_406, %parallel_loop3A_489], %parallel_loop3A_454 : memref<800x64xf32, #tpu.memory_space<vmem>>[vector<16xi32>, vector<16xi32>], vector<16xf32>,
        %parallel_loop3A_495 = arith.constant 52 : i32
        %parallel_loop3A_496 = vector.broadcast %parallel_loop3A_495 : i32 to vector<16xi32>
        %parallel_loop3A_497 = arith.constant 0 : i32
        %parallel_loop3A_498 = arith.constant 0 : i32
        %parallel_loop3A_499 = arith.constant 0 : i32
        %parallel_loop3A_500 = tpu.memref_slice %arg12[%parallel_loop3A_497, %parallel_loop3A_498, %parallel_loop3A_499] : memref<2x800x64xf32, #tpu.memory_space<vmem>> -> memref<1x800x64xf32, #tpu.memory_space<vmem>>
        %parallel_loop3A_501 = tpu.memref_squeeze %parallel_loop3A_500 : memref<1x800x64xf32, #tpu.memory_space<vmem>> -> memref<800x64xf32, #tpu.memory_space<vmem>>
        tpu.vector_store_idx %parallel_loop3A_501[%parallel_loop3A_406, %parallel_loop3A_496], %parallel_loop3A_438 : memref<800x64xf32, #tpu.memory_space<vmem>>[vector<16xi32>, vector<16xi32>], vector<16xf32>,
        %parallel_loop3A_502 = arith.constant 57 : i32
        %parallel_loop3A_503 = vector.broadcast %parallel_loop3A_502 : i32 to vector<16xi32>
        %parallel_loop3A_504 = arith.constant 0 : i32
        %parallel_loop3A_505 = arith.constant 0 : i32
        %parallel_loop3A_506 = arith.constant 0 : i32
        %parallel_loop3A_507 = tpu.memref_slice %arg12[%parallel_loop3A_504, %parallel_loop3A_505, %parallel_loop3A_506] : memref<2x800x64xf32, #tpu.memory_space<vmem>> -> memref<1x800x64xf32, #tpu.memory_space<vmem>>
        %parallel_loop3A_508 = tpu.memref_squeeze %parallel_loop3A_507 : memref<1x800x64xf32, #tpu.memory_space<vmem>> -> memref<800x64xf32, #tpu.memory_space<vmem>>
        tpu.vector_store_idx %parallel_loop3A_508[%parallel_loop3A_406, %parallel_loop3A_503], %parallel_loop3A_458 : memref<800x64xf32, #tpu.memory_space<vmem>>[vector<16xi32>, vector<16xi32>], vector<16xf32>,
        %parallel_loop3A_509 = arith.constant 53 : i32
        %parallel_loop3A_510 = vector.broadcast %parallel_loop3A_509 : i32 to vector<16xi32>
        %parallel_loop3A_511 = arith.constant 0 : i32
        %parallel_loop3A_512 = arith.constant 0 : i32
        %parallel_loop3A_513 = arith.constant 0 : i32
        %parallel_loop3A_514 = tpu.memref_slice %arg12[%parallel_loop3A_511, %parallel_loop3A_512, %parallel_loop3A_513] : memref<2x800x64xf32, #tpu.memory_space<vmem>> -> memref<1x800x64xf32, #tpu.memory_space<vmem>>
        %parallel_loop3A_515 = tpu.memref_squeeze %parallel_loop3A_514 : memref<1x800x64xf32, #tpu.memory_space<vmem>> -> memref<800x64xf32, #tpu.memory_space<vmem>>
        tpu.vector_store_idx %parallel_loop3A_515[%parallel_loop3A_406, %parallel_loop3A_510], %parallel_loop3A_442 : memref<800x64xf32, #tpu.memory_space<vmem>>[vector<16xi32>, vector<16xi32>], vector<16xf32>,
        %parallel_loop3A_516 = arith.constant 58 : i32
        %parallel_loop3A_517 = vector.broadcast %parallel_loop3A_516 : i32 to vector<16xi32>
        %parallel_loop3A_518 = arith.constant 0 : i32
        %parallel_loop3A_519 = arith.constant 0 : i32
        %parallel_loop3A_520 = arith.constant 0 : i32
        %parallel_loop3A_521 = tpu.memref_slice %arg12[%parallel_loop3A_518, %parallel_loop3A_519, %parallel_loop3A_520] : memref<2x800x64xf32, #tpu.memory_space<vmem>> -> memref<1x800x64xf32, #tpu.memory_space<vmem>>
        %parallel_loop3A_522 = tpu.memref_squeeze %parallel_loop3A_521 : memref<1x800x64xf32, #tpu.memory_space<vmem>> -> memref<800x64xf32, #tpu.memory_space<vmem>>
        tpu.vector_store_idx %parallel_loop3A_522[%parallel_loop3A_406, %parallel_loop3A_517], %parallel_loop3A_462 : memref<800x64xf32, #tpu.memory_space<vmem>>[vector<16xi32>, vector<16xi32>], vector<16xf32>,
        %parallel_loop3A_523 = arith.constant 54 : i32
        %parallel_loop3A_524 = vector.broadcast %parallel_loop3A_523 : i32 to vector<16xi32>
        %parallel_loop3A_525 = arith.constant 0 : i32
        %parallel_loop3A_526 = arith.constant 0 : i32
        %parallel_loop3A_527 = arith.constant 0 : i32
        %parallel_loop3A_528 = tpu.memref_slice %arg12[%parallel_loop3A_525, %parallel_loop3A_526, %parallel_loop3A_527] : memref<2x800x64xf32, #tpu.memory_space<vmem>> -> memref<1x800x64xf32, #tpu.memory_space<vmem>>
        %parallel_loop3A_529 = tpu.memref_squeeze %parallel_loop3A_528 : memref<1x800x64xf32, #tpu.memory_space<vmem>> -> memref<800x64xf32, #tpu.memory_space<vmem>>
        tpu.vector_store_idx %parallel_loop3A_529[%parallel_loop3A_406, %parallel_loop3A_524], %parallel_loop3A_446 : memref<800x64xf32, #tpu.memory_space<vmem>>[vector<16xi32>, vector<16xi32>], vector<16xf32>,
        %parallel_loop3A_530 = arith.constant 59 : i32
        %parallel_loop3A_531 = vector.broadcast %parallel_loop3A_530 : i32 to vector<16xi32>
        %parallel_loop3A_532 = arith.constant 0 : i32
        %parallel_loop3A_533 = arith.constant 0 : i32
        %parallel_loop3A_534 = arith.constant 0 : i32
        %parallel_loop3A_535 = tpu.memref_slice %arg12[%parallel_loop3A_532, %parallel_loop3A_533, %parallel_loop3A_534] : memref<2x800x64xf32, #tpu.memory_space<vmem>> -> memref<1x800x64xf32, #tpu.memory_space<vmem>>
        %parallel_loop3A_536 = tpu.memref_squeeze %parallel_loop3A_535 : memref<1x800x64xf32, #tpu.memory_space<vmem>> -> memref<800x64xf32, #tpu.memory_space<vmem>>
        tpu.vector_store_idx %parallel_loop3A_536[%parallel_loop3A_406, %parallel_loop3A_531], %parallel_loop3A_466 : memref<800x64xf32, #tpu.memory_space<vmem>>[vector<16xi32>, vector<16xi32>], vector<16xf32>,
      } {sc.loop_unroll_factor = 2 : i64, sc.parallel_access}
      %parallel_loop3A_292 = arith.constant 0 : i32
      %parallel_loop3A_293 = arith.constant 13 : i32
      %parallel_loop3A_294 = arith.constant 1 : i32
      scf.for %parallel_loop3A_397 = %parallel_loop3A_292 to %parallel_loop3A_293 step %parallel_loop3A_294  : i32 {
        %parallel_loop3A_398 = arith.constant 16 : i32
        %parallel_loop3A_399 = arith.muli %parallel_loop3A_397, %parallel_loop3A_398 : i32
        %parallel_loop3A_400 = arith.constant 184 : i32
        %parallel_loop3A_401 = arith.minsi %parallel_loop3A_399, %parallel_loop3A_400 : i32
        %parallel_loop3A_402 = tpu.iota {dimensions = array<i32: 0>} : vector<16xi32>
        %parallel_loop3A_403 = arith.constant 400 : i32
        %parallel_loop3A_404 = arith.addi %parallel_loop3A_403, %parallel_loop3A_401 : i32
        %parallel_loop3A_405 = vector.broadcast %parallel_loop3A_404 : i32 to vector<16xi32>
        %parallel_loop3A_406 = arith.addi %parallel_loop3A_402, %parallel_loop3A_405 : vector<16xi32>
        %parallel_loop3A_407 = arith.constant 0 : i32
        %parallel_loop3A_408 = arith.constant 2 : i32
        %parallel_loop3A_409 = arith.constant 0 : i32
        %parallel_loop3A_410 = tpu.memref_slice %arg10[%parallel_loop3A_407, %parallel_loop3A_408, %parallel_loop3A_409] : memref<2x4x200xi32, #tpu.memory_space<vmem>> -> memref<1x1x200xi32, #tpu.memory_space<vmem>>
        %parallel_loop3A_411 = tpu.memref_squeeze %parallel_loop3A_410 : memref<1x1x200xi32, #tpu.memory_space<vmem>> -> memref<200xi32, #tpu.memory_space<vmem>>
        %parallel_loop3A_412 = arith.index_cast %parallel_loop3A_401 : i32 to index
        %parallel_loop3A_413 = tpu.vector_load %parallel_loop3A_411[%parallel_loop3A_412] {strides = array<i32>} : memref<200xi32, #tpu.memory_space<vmem>>, vector<16xi32>,
        %parallel_loop3A_414 = arith.constant 5 : i32
        %parallel_loop3A_415 = vector.broadcast %parallel_loop3A_414 : i32 to vector<16xi32>
        %parallel_loop3A_416 = arith.muli %parallel_loop3A_413, %parallel_loop3A_415 : vector<16xi32>
        %parallel_loop3A_417 = arith.constant 0 : i32
        %parallel_loop3A_418 = arith.constant 2 : i32
        %parallel_loop3A_419 = arith.constant 0 : i32
        %parallel_loop3A_420 = tpu.memref_slice %arg11[%parallel_loop3A_417, %parallel_loop3A_418, %parallel_loop3A_419] : memref<2x4x200xi32, #tpu.memory_space<vmem>> -> memref<1x1x200xi32, #tpu.memory_space<vmem>>
        %parallel_loop3A_421 = tpu.memref_squeeze %parallel_loop3A_420 : memref<1x1x200xi32, #tpu.memory_space<vmem>> -> memref<200xi32, #tpu.memory_space<vmem>>
        %parallel_loop3A_422 = arith.index_cast %parallel_loop3A_401 : i32 to index
        %parallel_loop3A_423 = tpu.vector_load %parallel_loop3A_421[%parallel_loop3A_422] {strides = array<i32>} : memref<200xi32, #tpu.memory_space<vmem>>, vector<16xi32>,
        %parallel_loop3A_424 = arith.constant 5 : i32
        %parallel_loop3A_425 = vector.broadcast %parallel_loop3A_424 : i32 to vector<16xi32>
        %parallel_loop3A_426 = arith.muli %parallel_loop3A_423, %parallel_loop3A_425 : vector<16xi32>
        %parallel_loop3A_427 = arith.constant 0 : i32
        %parallel_loop3A_428 = vector.broadcast %parallel_loop3A_427 : i32 to vector<16xi32>
        %parallel_loop3A_429 = arith.addi %parallel_loop3A_416, %parallel_loop3A_428 : vector<16xi32>
        %parallel_loop3A_430 = tpu.vector_load_idx %arg13[%parallel_loop3A_429] : memref<2000xf32, #tpu.memory_space<vmem>>[vector<16xi32>], vector<16xf32>,
        %parallel_loop3A_431 = arith.constant 1 : i32
        %parallel_loop3A_432 = vector.broadcast %parallel_loop3A_431 : i32 to vector<16xi32>
        %parallel_loop3A_433 = arith.addi %parallel_loop3A_416, %parallel_loop3A_432 : vector<16xi32>
        %parallel_loop3A_434 = tpu.vector_load_idx %arg13[%parallel_loop3A_433] : memref<2000xf32, #tpu.memory_space<vmem>>[vector<16xi32>], vector<16xf32>,
        %parallel_loop3A_435 = arith.constant 2 : i32
        %parallel_loop3A_436 = vector.broadcast %parallel_loop3A_435 : i32 to vector<16xi32>
        %parallel_loop3A_437 = arith.addi %parallel_loop3A_416, %parallel_loop3A_436 : vector<16xi32>
        %parallel_loop3A_438 = tpu.vector_load_idx %arg13[%parallel_loop3A_437] : memref<2000xf32, #tpu.memory_space<vmem>>[vector<16xi32>], vector<16xf32>,
        %parallel_loop3A_439 = arith.constant 3 : i32
        %parallel_loop3A_440 = vector.broadcast %parallel_loop3A_439 : i32 to vector<16xi32>
        %parallel_loop3A_441 = arith.addi %parallel_loop3A_416, %parallel_loop3A_440 : vector<16xi32>
        %parallel_loop3A_442 = tpu.vector_load_idx %arg13[%parallel_loop3A_441] : memref<2000xf32, #tpu.memory_space<vmem>>[vector<16xi32>], vector<16xf32>,
        %parallel_loop3A_443 = arith.constant 4 : i32
        %parallel_loop3A_444 = vector.broadcast %parallel_loop3A_443 : i32 to vector<16xi32>
        %parallel_loop3A_445 = arith.addi %parallel_loop3A_416, %parallel_loop3A_444 : vector<16xi32>
        %parallel_loop3A_446 = tpu.vector_load_idx %arg13[%parallel_loop3A_445] : memref<2000xf32, #tpu.memory_space<vmem>>[vector<16xi32>], vector<16xf32>,
        %parallel_loop3A_447 = arith.constant 0 : i32
        %parallel_loop3A_448 = vector.broadcast %parallel_loop3A_447 : i32 to vector<16xi32>
        %parallel_loop3A_449 = arith.addi %parallel_loop3A_426, %parallel_loop3A_448 : vector<16xi32>
        %parallel_loop3A_450 = tpu.vector_load_idx %arg14[%parallel_loop3A_449] : memref<2000xf32, #tpu.memory_space<vmem>>[vector<16xi32>], vector<16xf32>,
        %parallel_loop3A_451 = arith.constant 1 : i32
        %parallel_loop3A_452 = vector.broadcast %parallel_loop3A_451 : i32 to vector<16xi32>
        %parallel_loop3A_453 = arith.addi %parallel_loop3A_426, %parallel_loop3A_452 : vector<16xi32>
        %parallel_loop3A_454 = tpu.vector_load_idx %arg14[%parallel_loop3A_453] : memref<2000xf32, #tpu.memory_space<vmem>>[vector<16xi32>], vector<16xf32>,
        %parallel_loop3A_455 = arith.constant 2 : i32
        %parallel_loop3A_456 = vector.broadcast %parallel_loop3A_455 : i32 to vector<16xi32>
        %parallel_loop3A_457 = arith.addi %parallel_loop3A_426, %parallel_loop3A_456 : vector<16xi32>
        %parallel_loop3A_458 = tpu.vector_load_idx %arg14[%parallel_loop3A_457] : memref<2000xf32, #tpu.memory_space<vmem>>[vector<16xi32>], vector<16xf32>,
        %parallel_loop3A_459 = arith.constant 3 : i32
        %parallel_loop3A_460 = vector.broadcast %parallel_loop3A_459 : i32 to vector<16xi32>
        %parallel_loop3A_461 = arith.addi %parallel_loop3A_426, %parallel_loop3A_460 : vector<16xi32>
        %parallel_loop3A_462 = tpu.vector_load_idx %arg14[%parallel_loop3A_461] : memref<2000xf32, #tpu.memory_space<vmem>>[vector<16xi32>], vector<16xf32>,
        %parallel_loop3A_463 = arith.constant 4 : i32
        %parallel_loop3A_464 = vector.broadcast %parallel_loop3A_463 : i32 to vector<16xi32>
        %parallel_loop3A_465 = arith.addi %parallel_loop3A_426, %parallel_loop3A_464 : vector<16xi32>
        %parallel_loop3A_466 = tpu.vector_load_idx %arg14[%parallel_loop3A_465] : memref<2000xf32, #tpu.memory_space<vmem>>[vector<16xi32>], vector<16xf32>,
        %parallel_loop3A_467 = arith.constant 50 : i32
        %parallel_loop3A_468 = vector.broadcast %parallel_loop3A_467 : i32 to vector<16xi32>
        %parallel_loop3A_469 = arith.constant 0 : i32
        %parallel_loop3A_470 = arith.constant 0 : i32
        %parallel_loop3A_471 = arith.constant 0 : i32
        %parallel_loop3A_472 = tpu.memref_slice %arg12[%parallel_loop3A_469, %parallel_loop3A_470, %parallel_loop3A_471] : memref<2x800x64xf32, #tpu.memory_space<vmem>> -> memref<1x800x64xf32, #tpu.memory_space<vmem>>
        %parallel_loop3A_473 = tpu.memref_squeeze %parallel_loop3A_472 : memref<1x800x64xf32, #tpu.memory_space<vmem>> -> memref<800x64xf32, #tpu.memory_space<vmem>>
        tpu.vector_store_idx %parallel_loop3A_473[%parallel_loop3A_406, %parallel_loop3A_468], %parallel_loop3A_430 : memref<800x64xf32, #tpu.memory_space<vmem>>[vector<16xi32>, vector<16xi32>], vector<16xf32>,
        %parallel_loop3A_474 = arith.constant 55 : i32
        %parallel_loop3A_475 = vector.broadcast %parallel_loop3A_474 : i32 to vector<16xi32>
        %parallel_loop3A_476 = arith.constant 0 : i32
        %parallel_loop3A_477 = arith.constant 0 : i32
        %parallel_loop3A_478 = arith.constant 0 : i32
        %parallel_loop3A_479 = tpu.memref_slice %arg12[%parallel_loop3A_476, %parallel_loop3A_477, %parallel_loop3A_478] : memref<2x800x64xf32, #tpu.memory_space<vmem>> -> memref<1x800x64xf32, #tpu.memory_space<vmem>>
        %parallel_loop3A_480 = tpu.memref_squeeze %parallel_loop3A_479 : memref<1x800x64xf32, #tpu.memory_space<vmem>> -> memref<800x64xf32, #tpu.memory_space<vmem>>
        tpu.vector_store_idx %parallel_loop3A_480[%parallel_loop3A_406, %parallel_loop3A_475], %parallel_loop3A_450 : memref<800x64xf32, #tpu.memory_space<vmem>>[vector<16xi32>, vector<16xi32>], vector<16xf32>,
        %parallel_loop3A_481 = arith.constant 51 : i32
        %parallel_loop3A_482 = vector.broadcast %parallel_loop3A_481 : i32 to vector<16xi32>
        %parallel_loop3A_483 = arith.constant 0 : i32
        %parallel_loop3A_484 = arith.constant 0 : i32
        %parallel_loop3A_485 = arith.constant 0 : i32
        %parallel_loop3A_486 = tpu.memref_slice %arg12[%parallel_loop3A_483, %parallel_loop3A_484, %parallel_loop3A_485] : memref<2x800x64xf32, #tpu.memory_space<vmem>> -> memref<1x800x64xf32, #tpu.memory_space<vmem>>
        %parallel_loop3A_487 = tpu.memref_squeeze %parallel_loop3A_486 : memref<1x800x64xf32, #tpu.memory_space<vmem>> -> memref<800x64xf32, #tpu.memory_space<vmem>>
        tpu.vector_store_idx %parallel_loop3A_487[%parallel_loop3A_406, %parallel_loop3A_482], %parallel_loop3A_434 : memref<800x64xf32, #tpu.memory_space<vmem>>[vector<16xi32>, vector<16xi32>], vector<16xf32>,
        %parallel_loop3A_488 = arith.constant 56 : i32
        %parallel_loop3A_489 = vector.broadcast %parallel_loop3A_488 : i32 to vector<16xi32>
        %parallel_loop3A_490 = arith.constant 0 : i32
        %parallel_loop3A_491 = arith.constant 0 : i32
        %parallel_loop3A_492 = arith.constant 0 : i32
        %parallel_loop3A_493 = tpu.memref_slice %arg12[%parallel_loop3A_490, %parallel_loop3A_491, %parallel_loop3A_492] : memref<2x800x64xf32, #tpu.memory_space<vmem>> -> memref<1x800x64xf32, #tpu.memory_space<vmem>>
        %parallel_loop3A_494 = tpu.memref_squeeze %parallel_loop3A_493 : memref<1x800x64xf32, #tpu.memory_space<vmem>> -> memref<800x64xf32, #tpu.memory_space<vmem>>
        tpu.vector_store_idx %parallel_loop3A_494[%parallel_loop3A_406, %parallel_loop3A_489], %parallel_loop3A_454 : memref<800x64xf32, #tpu.memory_space<vmem>>[vector<16xi32>, vector<16xi32>], vector<16xf32>,
        %parallel_loop3A_495 = arith.constant 52 : i32
        %parallel_loop3A_496 = vector.broadcast %parallel_loop3A_495 : i32 to vector<16xi32>
        %parallel_loop3A_497 = arith.constant 0 : i32
        %parallel_loop3A_498 = arith.constant 0 : i32
        %parallel_loop3A_499 = arith.constant 0 : i32
        %parallel_loop3A_500 = tpu.memref_slice %arg12[%parallel_loop3A_497, %parallel_loop3A_498, %parallel_loop3A_499] : memref<2x800x64xf32, #tpu.memory_space<vmem>> -> memref<1x800x64xf32, #tpu.memory_space<vmem>>
        %parallel_loop3A_501 = tpu.memref_squeeze %parallel_loop3A_500 : memref<1x800x64xf32, #tpu.memory_space<vmem>> -> memref<800x64xf32, #tpu.memory_space<vmem>>
        tpu.vector_store_idx %parallel_loop3A_501[%parallel_loop3A_406, %parallel_loop3A_496], %parallel_loop3A_438 : memref<800x64xf32, #tpu.memory_space<vmem>>[vector<16xi32>, vector<16xi32>], vector<16xf32>,
        %parallel_loop3A_502 = arith.constant 57 : i32
        %parallel_loop3A_503 = vector.broadcast %parallel_loop3A_502 : i32 to vector<16xi32>
        %parallel_loop3A_504 = arith.constant 0 : i32
        %parallel_loop3A_505 = arith.constant 0 : i32
        %parallel_loop3A_506 = arith.constant 0 : i32
        %parallel_loop3A_507 = tpu.memref_slice %arg12[%parallel_loop3A_504, %parallel_loop3A_505, %parallel_loop3A_506] : memref<2x800x64xf32, #tpu.memory_space<vmem>> -> memref<1x800x64xf32, #tpu.memory_space<vmem>>
        %parallel_loop3A_508 = tpu.memref_squeeze %parallel_loop3A_507 : memref<1x800x64xf32, #tpu.memory_space<vmem>> -> memref<800x64xf32, #tpu.memory_space<vmem>>
        tpu.vector_store_idx %parallel_loop3A_508[%parallel_loop3A_406, %parallel_loop3A_503], %parallel_loop3A_458 : memref<800x64xf32, #tpu.memory_space<vmem>>[vector<16xi32>, vector<16xi32>], vector<16xf32>,
        %parallel_loop3A_509 = arith.constant 53 : i32
        %parallel_loop3A_510 = vector.broadcast %parallel_loop3A_509 : i32 to vector<16xi32>
        %parallel_loop3A_511 = arith.constant 0 : i32
        %parallel_loop3A_512 = arith.constant 0 : i32
        %parallel_loop3A_513 = arith.constant 0 : i32
        %parallel_loop3A_514 = tpu.memref_slice %arg12[%parallel_loop3A_511, %parallel_loop3A_512, %parallel_loop3A_513] : memref<2x800x64xf32, #tpu.memory_space<vmem>> -> memref<1x800x64xf32, #tpu.memory_space<vmem>>
        %parallel_loop3A_515 = tpu.memref_squeeze %parallel_loop3A_514 : memref<1x800x64xf32, #tpu.memory_space<vmem>> -> memref<800x64xf32, #tpu.memory_space<vmem>>
        tpu.vector_store_idx %parallel_loop3A_515[%parallel_loop3A_406, %parallel_loop3A_510], %parallel_loop3A_442 : memref<800x64xf32, #tpu.memory_space<vmem>>[vector<16xi32>, vector<16xi32>], vector<16xf32>,
        %parallel_loop3A_516 = arith.constant 58 : i32
        %parallel_loop3A_517 = vector.broadcast %parallel_loop3A_516 : i32 to vector<16xi32>
        %parallel_loop3A_518 = arith.constant 0 : i32
        %parallel_loop3A_519 = arith.constant 0 : i32
        %parallel_loop3A_520 = arith.constant 0 : i32
        %parallel_loop3A_521 = tpu.memref_slice %arg12[%parallel_loop3A_518, %parallel_loop3A_519, %parallel_loop3A_520] : memref<2x800x64xf32, #tpu.memory_space<vmem>> -> memref<1x800x64xf32, #tpu.memory_space<vmem>>
        %parallel_loop3A_522 = tpu.memref_squeeze %parallel_loop3A_521 : memref<1x800x64xf32, #tpu.memory_space<vmem>> -> memref<800x64xf32, #tpu.memory_space<vmem>>
        tpu.vector_store_idx %parallel_loop3A_522[%parallel_loop3A_406, %parallel_loop3A_517], %parallel_loop3A_462 : memref<800x64xf32, #tpu.memory_space<vmem>>[vector<16xi32>, vector<16xi32>], vector<16xf32>,
        %parallel_loop3A_523 = arith.constant 54 : i32
        %parallel_loop3A_524 = vector.broadcast %parallel_loop3A_523 : i32 to vector<16xi32>
        %parallel_loop3A_525 = arith.constant 0 : i32
        %parallel_loop3A_526 = arith.constant 0 : i32
        %parallel_loop3A_527 = arith.constant 0 : i32
        %parallel_loop3A_528 = tpu.memref_slice %arg12[%parallel_loop3A_525, %parallel_loop3A_526, %parallel_loop3A_527] : memref<2x800x64xf32, #tpu.memory_space<vmem>> -> memref<1x800x64xf32, #tpu.memory_space<vmem>>
        %parallel_loop3A_529 = tpu.memref_squeeze %parallel_loop3A_528 : memref<1x800x64xf32, #tpu.memory_space<vmem>> -> memref<800x64xf32, #tpu.memory_space<vmem>>
        tpu.vector_store_idx %parallel_loop3A_529[%parallel_loop3A_406, %parallel_loop3A_524], %parallel_loop3A_446 : memref<800x64xf32, #tpu.memory_space<vmem>>[vector<16xi32>, vector<16xi32>], vector<16xf32>,
        %parallel_loop3A_530 = arith.constant 59 : i32
        %parallel_loop3A_531 = vector.broadcast %parallel_loop3A_530 : i32 to vector<16xi32>
        %parallel_loop3A_532 = arith.constant 0 : i32
        %parallel_loop3A_533 = arith.constant 0 : i32
        %parallel_loop3A_534 = arith.constant 0 : i32
        %parallel_loop3A_535 = tpu.memref_slice %arg12[%parallel_loop3A_532, %parallel_loop3A_533, %parallel_loop3A_534] : memref<2x800x64xf32, #tpu.memory_space<vmem>> -> memref<1x800x64xf32, #tpu.memory_space<vmem>>
        %parallel_loop3A_536 = tpu.memref_squeeze %parallel_loop3A_535 : memref<1x800x64xf32, #tpu.memory_space<vmem>> -> memref<800x64xf32, #tpu.memory_space<vmem>>
        tpu.vector_store_idx %parallel_loop3A_536[%parallel_loop3A_406, %parallel_loop3A_531], %parallel_loop3A_466 : memref<800x64xf32, #tpu.memory_space<vmem>>[vector<16xi32>, vector<16xi32>], vector<16xf32>,
      } {sc.loop_unroll_factor = 2 : i64, sc.parallel_access}
      %parallel_loop3A_295 = arith.constant 0 : i32
      %parallel_loop3A_296 = arith.constant 13 : i32
      %parallel_loop3A_297 = arith.constant 1 : i32
      scf.for %parallel_loop3A_397 = %parallel_loop3A_295 to %parallel_loop3A_296 step %parallel_loop3A_297  : i32 {
        %parallel_loop3A_398 = arith.constant 16 : i32
        %parallel_loop3A_399 = arith.muli %parallel_loop3A_397, %parallel_loop3A_398 : i32
        %parallel_loop3A_400 = arith.constant 184 : i32
        %parallel_loop3A_401 = arith.minsi %parallel_loop3A_399, %parallel_loop3A_400 : i32
        %parallel_loop3A_402 = tpu.iota {dimensions = array<i32: 0>} : vector<16xi32>
        %parallel_loop3A_403 = arith.constant 600 : i32
        %parallel_loop3A_404 = arith.addi %parallel_loop3A_403, %parallel_loop3A_401 : i32
        %parallel_loop3A_405 = vector.broadcast %parallel_loop3A_404 : i32 to vector<16xi32>
        %parallel_loop3A_406 = arith.addi %parallel_loop3A_402, %parallel_loop3A_405 : vector<16xi32>
        %parallel_loop3A_407 = arith.constant 0 : i32
        %parallel_loop3A_408 = arith.constant 3 : i32
        %parallel_loop3A_409 = arith.constant 0 : i32
        %parallel_loop3A_410 = tpu.memref_slice %arg10[%parallel_loop3A_407, %parallel_loop3A_408, %parallel_loop3A_409] : memref<2x4x200xi32, #tpu.memory_space<vmem>> -> memref<1x1x200xi32, #tpu.memory_space<vmem>>
        %parallel_loop3A_411 = tpu.memref_squeeze %parallel_loop3A_410 : memref<1x1x200xi32, #tpu.memory_space<vmem>> -> memref<200xi32, #tpu.memory_space<vmem>>
        %parallel_loop3A_412 = arith.index_cast %parallel_loop3A_401 : i32 to index
        %parallel_loop3A_413 = tpu.vector_load %parallel_loop3A_411[%parallel_loop3A_412] {strides = array<i32>} : memref<200xi32, #tpu.memory_space<vmem>>, vector<16xi32>,
        %parallel_loop3A_414 = arith.constant 5 : i32
        %parallel_loop3A_415 = vector.broadcast %parallel_loop3A_414 : i32 to vector<16xi32>
        %parallel_loop3A_416 = arith.muli %parallel_loop3A_413, %parallel_loop3A_415 : vector<16xi32>
        %parallel_loop3A_417 = arith.constant 0 : i32
        %parallel_loop3A_418 = arith.constant 3 : i32
        %parallel_loop3A_419 = arith.constant 0 : i32
        %parallel_loop3A_420 = tpu.memref_slice %arg11[%parallel_loop3A_417, %parallel_loop3A_418, %parallel_loop3A_419] : memref<2x4x200xi32, #tpu.memory_space<vmem>> -> memref<1x1x200xi32, #tpu.memory_space<vmem>>
        %parallel_loop3A_421 = tpu.memref_squeeze %parallel_loop3A_420 : memref<1x1x200xi32, #tpu.memory_space<vmem>> -> memref<200xi32, #tpu.memory_space<vmem>>
        %parallel_loop3A_422 = arith.index_cast %parallel_loop3A_401 : i32 to index
        %parallel_loop3A_423 = tpu.vector_load %parallel_loop3A_421[%parallel_loop3A_422] {strides = array<i32>} : memref<200xi32, #tpu.memory_space<vmem>>, vector<16xi32>,
        %parallel_loop3A_424 = arith.constant 5 : i32
        %parallel_loop3A_425 = vector.broadcast %parallel_loop3A_424 : i32 to vector<16xi32>
        %parallel_loop3A_426 = arith.muli %parallel_loop3A_423, %parallel_loop3A_425 : vector<16xi32>
        %parallel_loop3A_427 = arith.constant 0 : i32
        %parallel_loop3A_428 = vector.broadcast %parallel_loop3A_427 : i32 to vector<16xi32>
        %parallel_loop3A_429 = arith.addi %parallel_loop3A_416, %parallel_loop3A_428 : vector<16xi32>
        %parallel_loop3A_430 = tpu.vector_load_idx %arg13[%parallel_loop3A_429] : memref<2000xf32, #tpu.memory_space<vmem>>[vector<16xi32>], vector<16xf32>,
        %parallel_loop3A_431 = arith.constant 1 : i32
        %parallel_loop3A_432 = vector.broadcast %parallel_loop3A_431 : i32 to vector<16xi32>
        %parallel_loop3A_433 = arith.addi %parallel_loop3A_416, %parallel_loop3A_432 : vector<16xi32>
        %parallel_loop3A_434 = tpu.vector_load_idx %arg13[%parallel_loop3A_433] : memref<2000xf32, #tpu.memory_space<vmem>>[vector<16xi32>], vector<16xf32>,
        %parallel_loop3A_435 = arith.constant 2 : i32
        %parallel_loop3A_436 = vector.broadcast %parallel_loop3A_435 : i32 to vector<16xi32>
        %parallel_loop3A_437 = arith.addi %parallel_loop3A_416, %parallel_loop3A_436 : vector<16xi32>
        %parallel_loop3A_438 = tpu.vector_load_idx %arg13[%parallel_loop3A_437] : memref<2000xf32, #tpu.memory_space<vmem>>[vector<16xi32>], vector<16xf32>,
        %parallel_loop3A_439 = arith.constant 3 : i32
        %parallel_loop3A_440 = vector.broadcast %parallel_loop3A_439 : i32 to vector<16xi32>
        %parallel_loop3A_441 = arith.addi %parallel_loop3A_416, %parallel_loop3A_440 : vector<16xi32>
        %parallel_loop3A_442 = tpu.vector_load_idx %arg13[%parallel_loop3A_441] : memref<2000xf32, #tpu.memory_space<vmem>>[vector<16xi32>], vector<16xf32>,
        %parallel_loop3A_443 = arith.constant 4 : i32
        %parallel_loop3A_444 = vector.broadcast %parallel_loop3A_443 : i32 to vector<16xi32>
        %parallel_loop3A_445 = arith.addi %parallel_loop3A_416, %parallel_loop3A_444 : vector<16xi32>
        %parallel_loop3A_446 = tpu.vector_load_idx %arg13[%parallel_loop3A_445] : memref<2000xf32, #tpu.memory_space<vmem>>[vector<16xi32>], vector<16xf32>,
        %parallel_loop3A_447 = arith.constant 0 : i32
        %parallel_loop3A_448 = vector.broadcast %parallel_loop3A_447 : i32 to vector<16xi32>
        %parallel_loop3A_449 = arith.addi %parallel_loop3A_426, %parallel_loop3A_448 : vector<16xi32>
        %parallel_loop3A_450 = tpu.vector_load_idx %arg14[%parallel_loop3A_449] : memref<2000xf32, #tpu.memory_space<vmem>>[vector<16xi32>], vector<16xf32>,
        %parallel_loop3A_451 = arith.constant 1 : i32
        %parallel_loop3A_452 = vector.broadcast %parallel_loop3A_451 : i32 to vector<16xi32>
        %parallel_loop3A_453 = arith.addi %parallel_loop3A_426, %parallel_loop3A_452 : vector<16xi32>
        %parallel_loop3A_454 = tpu.vector_load_idx %arg14[%parallel_loop3A_453] : memref<2000xf32, #tpu.memory_space<vmem>>[vector<16xi32>], vector<16xf32>,
        %parallel_loop3A_455 = arith.constant 2 : i32
        %parallel_loop3A_456 = vector.broadcast %parallel_loop3A_455 : i32 to vector<16xi32>
        %parallel_loop3A_457 = arith.addi %parallel_loop3A_426, %parallel_loop3A_456 : vector<16xi32>
        %parallel_loop3A_458 = tpu.vector_load_idx %arg14[%parallel_loop3A_457] : memref<2000xf32, #tpu.memory_space<vmem>>[vector<16xi32>], vector<16xf32>,
        %parallel_loop3A_459 = arith.constant 3 : i32
        %parallel_loop3A_460 = vector.broadcast %parallel_loop3A_459 : i32 to vector<16xi32>
        %parallel_loop3A_461 = arith.addi %parallel_loop3A_426, %parallel_loop3A_460 : vector<16xi32>
        %parallel_loop3A_462 = tpu.vector_load_idx %arg14[%parallel_loop3A_461] : memref<2000xf32, #tpu.memory_space<vmem>>[vector<16xi32>], vector<16xf32>,
        %parallel_loop3A_463 = arith.constant 4 : i32
        %parallel_loop3A_464 = vector.broadcast %parallel_loop3A_463 : i32 to vector<16xi32>
        %parallel_loop3A_465 = arith.addi %parallel_loop3A_426, %parallel_loop3A_464 : vector<16xi32>
        %parallel_loop3A_466 = tpu.vector_load_idx %arg14[%parallel_loop3A_465] : memref<2000xf32, #tpu.memory_space<vmem>>[vector<16xi32>], vector<16xf32>,
        %parallel_loop3A_467 = arith.constant 50 : i32
        %parallel_loop3A_468 = vector.broadcast %parallel_loop3A_467 : i32 to vector<16xi32>
        %parallel_loop3A_469 = arith.constant 0 : i32
        %parallel_loop3A_470 = arith.constant 0 : i32
        %parallel_loop3A_471 = arith.constant 0 : i32
        %parallel_loop3A_472 = tpu.memref_slice %arg12[%parallel_loop3A_469, %parallel_loop3A_470, %parallel_loop3A_471] : memref<2x800x64xf32, #tpu.memory_space<vmem>> -> memref<1x800x64xf32, #tpu.memory_space<vmem>>
        %parallel_loop3A_473 = tpu.memref_squeeze %parallel_loop3A_472 : memref<1x800x64xf32, #tpu.memory_space<vmem>> -> memref<800x64xf32, #tpu.memory_space<vmem>>
        tpu.vector_store_idx %parallel_loop3A_473[%parallel_loop3A_406, %parallel_loop3A_468], %parallel_loop3A_430 : memref<800x64xf32, #tpu.memory_space<vmem>>[vector<16xi32>, vector<16xi32>], vector<16xf32>,
        %parallel_loop3A_474 = arith.constant 55 : i32
        %parallel_loop3A_475 = vector.broadcast %parallel_loop3A_474 : i32 to vector<16xi32>
        %parallel_loop3A_476 = arith.constant 0 : i32
        %parallel_loop3A_477 = arith.constant 0 : i32
        %parallel_loop3A_478 = arith.constant 0 : i32
        %parallel_loop3A_479 = tpu.memref_slice %arg12[%parallel_loop3A_476, %parallel_loop3A_477, %parallel_loop3A_478] : memref<2x800x64xf32, #tpu.memory_space<vmem>> -> memref<1x800x64xf32, #tpu.memory_space<vmem>>
        %parallel_loop3A_480 = tpu.memref_squeeze %parallel_loop3A_479 : memref<1x800x64xf32, #tpu.memory_space<vmem>> -> memref<800x64xf32, #tpu.memory_space<vmem>>
        tpu.vector_store_idx %parallel_loop3A_480[%parallel_loop3A_406, %parallel_loop3A_475], %parallel_loop3A_450 : memref<800x64xf32, #tpu.memory_space<vmem>>[vector<16xi32>, vector<16xi32>], vector<16xf32>,
        %parallel_loop3A_481 = arith.constant 51 : i32
        %parallel_loop3A_482 = vector.broadcast %parallel_loop3A_481 : i32 to vector<16xi32>
        %parallel_loop3A_483 = arith.constant 0 : i32
        %parallel_loop3A_484 = arith.constant 0 : i32
        %parallel_loop3A_485 = arith.constant 0 : i32
        %parallel_loop3A_486 = tpu.memref_slice %arg12[%parallel_loop3A_483, %parallel_loop3A_484, %parallel_loop3A_485] : memref<2x800x64xf32, #tpu.memory_space<vmem>> -> memref<1x800x64xf32, #tpu.memory_space<vmem>>
        %parallel_loop3A_487 = tpu.memref_squeeze %parallel_loop3A_486 : memref<1x800x64xf32, #tpu.memory_space<vmem>> -> memref<800x64xf32, #tpu.memory_space<vmem>>
        tpu.vector_store_idx %parallel_loop3A_487[%parallel_loop3A_406, %parallel_loop3A_482], %parallel_loop3A_434 : memref<800x64xf32, #tpu.memory_space<vmem>>[vector<16xi32>, vector<16xi32>], vector<16xf32>,
        %parallel_loop3A_488 = arith.constant 56 : i32
        %parallel_loop3A_489 = vector.broadcast %parallel_loop3A_488 : i32 to vector<16xi32>
        %parallel_loop3A_490 = arith.constant 0 : i32
        %parallel_loop3A_491 = arith.constant 0 : i32
        %parallel_loop3A_492 = arith.constant 0 : i32
        %parallel_loop3A_493 = tpu.memref_slice %arg12[%parallel_loop3A_490, %parallel_loop3A_491, %parallel_loop3A_492] : memref<2x800x64xf32, #tpu.memory_space<vmem>> -> memref<1x800x64xf32, #tpu.memory_space<vmem>>
        %parallel_loop3A_494 = tpu.memref_squeeze %parallel_loop3A_493 : memref<1x800x64xf32, #tpu.memory_space<vmem>> -> memref<800x64xf32, #tpu.memory_space<vmem>>
        tpu.vector_store_idx %parallel_loop3A_494[%parallel_loop3A_406, %parallel_loop3A_489], %parallel_loop3A_454 : memref<800x64xf32, #tpu.memory_space<vmem>>[vector<16xi32>, vector<16xi32>], vector<16xf32>,
        %parallel_loop3A_495 = arith.constant 52 : i32
        %parallel_loop3A_496 = vector.broadcast %parallel_loop3A_495 : i32 to vector<16xi32>
        %parallel_loop3A_497 = arith.constant 0 : i32
        %parallel_loop3A_498 = arith.constant 0 : i32
        %parallel_loop3A_499 = arith.constant 0 : i32
        %parallel_loop3A_500 = tpu.memref_slice %arg12[%parallel_loop3A_497, %parallel_loop3A_498, %parallel_loop3A_499] : memref<2x800x64xf32, #tpu.memory_space<vmem>> -> memref<1x800x64xf32, #tpu.memory_space<vmem>>
        %parallel_loop3A_501 = tpu.memref_squeeze %parallel_loop3A_500 : memref<1x800x64xf32, #tpu.memory_space<vmem>> -> memref<800x64xf32, #tpu.memory_space<vmem>>
        tpu.vector_store_idx %parallel_loop3A_501[%parallel_loop3A_406, %parallel_loop3A_496], %parallel_loop3A_438 : memref<800x64xf32, #tpu.memory_space<vmem>>[vector<16xi32>, vector<16xi32>], vector<16xf32>,
        %parallel_loop3A_502 = arith.constant 57 : i32
        %parallel_loop3A_503 = vector.broadcast %parallel_loop3A_502 : i32 to vector<16xi32>
        %parallel_loop3A_504 = arith.constant 0 : i32
        %parallel_loop3A_505 = arith.constant 0 : i32
        %parallel_loop3A_506 = arith.constant 0 : i32
        %parallel_loop3A_507 = tpu.memref_slice %arg12[%parallel_loop3A_504, %parallel_loop3A_505, %parallel_loop3A_506] : memref<2x800x64xf32, #tpu.memory_space<vmem>> -> memref<1x800x64xf32, #tpu.memory_space<vmem>>
        %parallel_loop3A_508 = tpu.memref_squeeze %parallel_loop3A_507 : memref<1x800x64xf32, #tpu.memory_space<vmem>> -> memref<800x64xf32, #tpu.memory_space<vmem>>
        tpu.vector_store_idx %parallel_loop3A_508[%parallel_loop3A_406, %parallel_loop3A_503], %parallel_loop3A_458 : memref<800x64xf32, #tpu.memory_space<vmem>>[vector<16xi32>, vector<16xi32>], vector<16xf32>,
        %parallel_loop3A_509 = arith.constant 53 : i32
        %parallel_loop3A_510 = vector.broadcast %parallel_loop3A_509 : i32 to vector<16xi32>
        %parallel_loop3A_511 = arith.constant 0 : i32
        %parallel_loop3A_512 = arith.constant 0 : i32
        %parallel_loop3A_513 = arith.constant 0 : i32
        %parallel_loop3A_514 = tpu.memref_slice %arg12[%parallel_loop3A_511, %parallel_loop3A_512, %parallel_loop3A_513] : memref<2x800x64xf32, #tpu.memory_space<vmem>> -> memref<1x800x64xf32, #tpu.memory_space<vmem>>
        %parallel_loop3A_515 = tpu.memref_squeeze %parallel_loop3A_514 : memref<1x800x64xf32, #tpu.memory_space<vmem>> -> memref<800x64xf32, #tpu.memory_space<vmem>>
        tpu.vector_store_idx %parallel_loop3A_515[%parallel_loop3A_406, %parallel_loop3A_510], %parallel_loop3A_442 : memref<800x64xf32, #tpu.memory_space<vmem>>[vector<16xi32>, vector<16xi32>], vector<16xf32>,
        %parallel_loop3A_516 = arith.constant 58 : i32
        %parallel_loop3A_517 = vector.broadcast %parallel_loop3A_516 : i32 to vector<16xi32>
        %parallel_loop3A_518 = arith.constant 0 : i32
        %parallel_loop3A_519 = arith.constant 0 : i32
        %parallel_loop3A_520 = arith.constant 0 : i32
        %parallel_loop3A_521 = tpu.memref_slice %arg12[%parallel_loop3A_518, %parallel_loop3A_519, %parallel_loop3A_520] : memref<2x800x64xf32, #tpu.memory_space<vmem>> -> memref<1x800x64xf32, #tpu.memory_space<vmem>>
        %parallel_loop3A_522 = tpu.memref_squeeze %parallel_loop3A_521 : memref<1x800x64xf32, #tpu.memory_space<vmem>> -> memref<800x64xf32, #tpu.memory_space<vmem>>
        tpu.vector_store_idx %parallel_loop3A_522[%parallel_loop3A_406, %parallel_loop3A_517], %parallel_loop3A_462 : memref<800x64xf32, #tpu.memory_space<vmem>>[vector<16xi32>, vector<16xi32>], vector<16xf32>,
        %parallel_loop3A_523 = arith.constant 54 : i32
        %parallel_loop3A_524 = vector.broadcast %parallel_loop3A_523 : i32 to vector<16xi32>
        %parallel_loop3A_525 = arith.constant 0 : i32
        %parallel_loop3A_526 = arith.constant 0 : i32
        %parallel_loop3A_527 = arith.constant 0 : i32
        %parallel_loop3A_528 = tpu.memref_slice %arg12[%parallel_loop3A_525, %parallel_loop3A_526, %parallel_loop3A_527] : memref<2x800x64xf32, #tpu.memory_space<vmem>> -> memref<1x800x64xf32, #tpu.memory_space<vmem>>
        %parallel_loop3A_529 = tpu.memref_squeeze %parallel_loop3A_528 : memref<1x800x64xf32, #tpu.memory_space<vmem>> -> memref<800x64xf32, #tpu.memory_space<vmem>>
        tpu.vector_store_idx %parallel_loop3A_529[%parallel_loop3A_406, %parallel_loop3A_524], %parallel_loop3A_446 : memref<800x64xf32, #tpu.memory_space<vmem>>[vector<16xi32>, vector<16xi32>], vector<16xf32>,
        %parallel_loop3A_530 = arith.constant 59 : i32
        %parallel_loop3A_531 = vector.broadcast %parallel_loop3A_530 : i32 to vector<16xi32>
        %parallel_loop3A_532 = arith.constant 0 : i32
        %parallel_loop3A_533 = arith.constant 0 : i32
        %parallel_loop3A_534 = arith.constant 0 : i32
        %parallel_loop3A_535 = tpu.memref_slice %arg12[%parallel_loop3A_532, %parallel_loop3A_533, %parallel_loop3A_534] : memref<2x800x64xf32, #tpu.memory_space<vmem>> -> memref<1x800x64xf32, #tpu.memory_space<vmem>>
        %parallel_loop3A_536 = tpu.memref_squeeze %parallel_loop3A_535 : memref<1x800x64xf32, #tpu.memory_space<vmem>> -> memref<800x64xf32, #tpu.memory_space<vmem>>
        tpu.vector_store_idx %parallel_loop3A_536[%parallel_loop3A_406, %parallel_loop3A_531], %parallel_loop3A_466 : memref<800x64xf32, #tpu.memory_space<vmem>>[vector<16xi32>, vector<16xi32>], vector<16xf32>,
      } {sc.loop_unroll_factor = 2 : i64, sc.parallel_access}
      %mul3A_298 = arith.constant 4 : i32
      %mul3A_299 = arith.muli %add3A_259, %mul3A_298 : i32
      %add3A_300 = arith.addi %mul3A_2, %mul3A_299 : i32
      %mul3A_301 = arith.constant 200 : i32
      %mul3A_302 = arith.muli %add3A_300, %mul3A_301 : i32
      %multiple_of3A = tpu.assume_multiple %mul3A_302, 8 : i32
      %dma_start3A_303 = arith.constant 0 : i32
      %dma_start3A_304 = arith.constant 0 : i32
      %dma_start3A_305 = arith.constant 0 : i32
      %dma_start3A_306 = tpu.memref_slice %arg12[%dma_start3A_303, %dma_start3A_304, %dma_start3A_305] : memref<2x800x64xf32, #tpu.memory_space<vmem>> -> memref<1x800x64xf32, #tpu.memory_space<vmem>>
      %dma_start3A_307 = tpu.memref_squeeze %dma_start3A_306 : memref<1x800x64xf32, #tpu.memory_space<vmem>> -> memref<800x64xf32, #tpu.memory_space<vmem>>
      %dma_start3A_308 = arith.constant 0 : i32
      %dma_start3A_309 = tpu.memref_slice %arg8[%multiple_of3A, %dma_start3A_308] : memref<819200x64xf32, #tpu.memory_space<hbm>> -> memref<800x64xf32, #tpu.memory_space<hbm>>
      %dma_start3A_310 = arith.constant 0 : i32
      %dma_start3A_311 = tpu.memref_slice %arg8[%multiple_of3A, %dma_start3A_310] : memref<819200x64xf32, #tpu.memory_space<hbm>> -> memref<800x64xf32, #tpu.memory_space<hbm>>
      %dma_start3A_312 = arith.constant 0 : i32
      %dma_start3A_313 = arith.constant 0 : i32
      %dma_start3A_314 = tpu.memref_slice %arg12[%dma_start3A_303, %dma_start3A_312, %dma_start3A_313] : memref<2x800x64xf32, #tpu.memory_space<vmem>> -> memref<1x800x64xf32, #tpu.memory_space<vmem>>
      %dma_start3A_315 = tpu.memref_squeeze %dma_start3A_314 : memref<1x800x64xf32, #tpu.memory_space<vmem>> -> memref<800x64xf32, #tpu.memory_space<vmem>>
      tpu.enqueue_dma source(%dma_start3A_315 : memref<800x64xf32, #tpu.memory_space<vmem>>) target(%dma_start3A_311 : memref<800x64xf32, #tpu.memory_space<hbm>>) target_semaphore(%arg19 : memref<!tpu.dma_semaphore, #tpu.memory_space<semaphore_mem>>)
      %add3A_316 = arith.constant 2 : i32
      %add3A_317 = arith.addi %add3A_259, %add3A_316 : i32
      %lt3A_318 = arith.constant 32 : i32
      %lt3A_319 = arith.cmpi slt, %add3A_317, %lt3A_318 : i32
      %convert_element_type3A_320 = arith.extui %lt3A_319 : i1 to i32
      %cond3A_321 = arith.constant 0 : i32
      %cond3A_322 = arith.cmpi ne, %convert_element_type3A_320, %cond3A_321 : i32
      scf.if %cond3A_322 {
        %add3A_397 = arith.constant 2 : i32
        %add3A_398 = arith.addi %add3A_259, %add3A_397 : i32
        %mul3A_399 = arith.constant 4 : i32
        %mul3A_400 = arith.muli %add3A_398, %mul3A_399 : i32
        %add3A_401 = arith.addi %mul3A_2, %mul3A_400 : i32
        %dma_start3A_402 = arith.constant 0 : i32
        %dma_start3A_403 = arith.constant 0 : i32
        %dma_start3A_404 = arith.constant 0 : i32
        %dma_start3A_405 = tpu.memref_slice %arg9[%dma_start3A_402, %dma_start3A_403, %dma_start3A_404] : memref<2x4x200xi32, #tpu.memory_space<vmem>> -> memref<1x4x200xi32, #tpu.memory_space<vmem>>
        %dma_start3A_406 = tpu.memref_squeeze %dma_start3A_405 : memref<1x4x200xi32, #tpu.memory_space<vmem>> -> memref<4x200xi32, #tpu.memory_space<vmem>>
        %dma_start3A_407 = arith.constant 0 : i32
        %dma_start3A_408 = tpu.memref_slice %arg2[%add3A_401, %dma_start3A_407] : memref<4096x200xi32, #tpu.memory_space<hbm>> -> memref<4x200xi32, #tpu.memory_space<hbm>>
        %dma_start3A_409 = arith.constant 0 : i32
        %dma_start3A_410 = arith.constant 0 : i32
        %dma_start3A_411 = tpu.memref_slice %arg9[%dma_start3A_402, %dma_start3A_409, %dma_start3A_410] : memref<2x4x200xi32, #tpu.memory_space<vmem>> -> memref<1x4x200xi32, #tpu.memory_space<vmem>>
        %dma_start3A_412 = tpu.memref_squeeze %dma_start3A_411 : memref<1x4x200xi32, #tpu.memory_space<vmem>> -> memref<4x200xi32, #tpu.memory_space<vmem>>
        %dma_start3A_413 = arith.constant 0 : i32
        %dma_start3A_414 = tpu.memref_slice %arg2[%add3A_401, %dma_start3A_413] : memref<4096x200xi32, #tpu.memory_space<hbm>> -> memref<4x200xi32, #tpu.memory_space<hbm>>
        tpu.enqueue_dma source(%dma_start3A_414 : memref<4x200xi32, #tpu.memory_space<hbm>>) target(%dma_start3A_412 : memref<4x200xi32, #tpu.memory_space<vmem>>) target_semaphore(%arg15 : memref<!tpu.dma_semaphore, #tpu.memory_space<semaphore_mem>>)
        %dma_start3A_415 = arith.constant 0 : i32
        %dma_start3A_416 = arith.constant 0 : i32
        %dma_start3A_417 = arith.constant 0 : i32
        %dma_start3A_418 = tpu.memref_slice %arg10[%dma_start3A_415, %dma_start3A_416, %dma_start3A_417] : memref<2x4x200xi32, #tpu.memory_space<vmem>> -> memref<1x4x200xi32, #tpu.memory_space<vmem>>
        %dma_start3A_419 = tpu.memref_squeeze %dma_start3A_418 : memref<1x4x200xi32, #tpu.memory_space<vmem>> -> memref<4x200xi32, #tpu.memory_space<vmem>>
        %dma_start3A_420 = arith.constant 0 : i32
        %dma_start3A_421 = tpu.memref_slice %arg3[%add3A_401, %dma_start3A_420] : memref<4096x200xi32, #tpu.memory_space<hbm>> -> memref<4x200xi32, #tpu.memory_space<hbm>>
        %dma_start3A_422 = arith.constant 0 : i32
        %dma_start3A_423 = arith.constant 0 : i32
        %dma_start3A_424 = tpu.memref_slice %arg10[%dma_start3A_415, %dma_start3A_422, %dma_start3A_423] : memref<2x4x200xi32, #tpu.memory_space<vmem>> -> memref<1x4x200xi32, #tpu.memory_space<vmem>>
        %dma_start3A_425 = tpu.memref_squeeze %dma_start3A_424 : memref<1x4x200xi32, #tpu.memory_space<vmem>> -> memref<4x200xi32, #tpu.memory_space<vmem>>
        %dma_start3A_426 = arith.constant 0 : i32
        %dma_start3A_427 = tpu.memref_slice %arg3[%add3A_401, %dma_start3A_426] : memref<4096x200xi32, #tpu.memory_space<hbm>> -> memref<4x200xi32, #tpu.memory_space<hbm>>
        tpu.enqueue_dma source(%dma_start3A_427 : memref<4x200xi32, #tpu.memory_space<hbm>>) target(%dma_start3A_425 : memref<4x200xi32, #tpu.memory_space<vmem>>) target_semaphore(%arg15 : memref<!tpu.dma_semaphore, #tpu.memory_space<semaphore_mem>>)
        %dma_start3A_428 = arith.constant 0 : i32
        %dma_start3A_429 = arith.constant 0 : i32
        %dma_start3A_430 = arith.constant 0 : i32
        %dma_start3A_431 = tpu.memref_slice %arg11[%dma_start3A_428, %dma_start3A_429, %dma_start3A_430] : memref<2x4x200xi32, #tpu.memory_space<vmem>> -> memref<1x4x200xi32, #tpu.memory_space<vmem>>
        %dma_start3A_432 = tpu.memref_squeeze %dma_start3A_431 : memref<1x4x200xi32, #tpu.memory_space<vmem>> -> memref<4x200xi32, #tpu.memory_space<vmem>>
        %dma_start3A_433 = arith.constant 0 : i32
        %dma_start3A_434 = tpu.memref_slice %arg4[%add3A_401, %dma_start3A_433] : memref<4096x200xi32, #tpu.memory_space<hbm>> -> memref<4x200xi32, #tpu.memory_space<hbm>>
        %dma_start3A_435 = arith.constant 0 : i32
        %dma_start3A_436 = arith.constant 0 : i32
        %dma_start3A_437 = tpu.memref_slice %arg11[%dma_start3A_428, %dma_start3A_435, %dma_start3A_436] : memref<2x4x200xi32, #tpu.memory_space<vmem>> -> memref<1x4x200xi32, #tpu.memory_space<vmem>>
        %dma_start3A_438 = tpu.memref_squeeze %dma_start3A_437 : memref<1x4x200xi32, #tpu.memory_space<vmem>> -> memref<4x200xi32, #tpu.memory_space<vmem>>
        %dma_start3A_439 = arith.constant 0 : i32
        %dma_start3A_440 = tpu.memref_slice %arg4[%add3A_401, %dma_start3A_439] : memref<4096x200xi32, #tpu.memory_space<hbm>> -> memref<4x200xi32, #tpu.memory_space<hbm>>
        tpu.enqueue_dma source(%dma_start3A_440 : memref<4x200xi32, #tpu.memory_space<hbm>>) target(%dma_start3A_438 : memref<4x200xi32, #tpu.memory_space<vmem>>) target_semaphore(%arg15 : memref<!tpu.dma_semaphore, #tpu.memory_space<semaphore_mem>>)
      } else {
      }
      %mul3A_323 = arith.constant 2 : i32
      %mul3A_324 = arith.muli %add3A_255, %mul3A_323 : i32
      %add3A_325 = arith.constant 1 : i32
      %add3A_326 = arith.addi %mul3A_324, %add3A_325 : i32
      %ge3A_327 = arith.constant 1 : i32
      %ge3A_328 = arith.cmpi sge, %add3A_326, %ge3A_327 : i32
      %add3A_329 = arith.constant 1 : i32
      %add3A_330 = arith.addi %add3A_326, %add3A_329 : i32
      %lt3A_331 = arith.constant 32 : i32
      %lt3A_332 = arith.cmpi slt, %add3A_330, %lt3A_331 : i32
      %and3A_333 = arith.andi %ge3A_328, %lt3A_332 : i1
      %convert_element_type3A_334 = arith.extui %and3A_333 : i1 to i32
      %cond3A_335 = arith.constant 0 : i32
      %cond3A_336 = arith.cmpi ne, %convert_element_type3A_334, %cond3A_335 : i32
      scf.if %cond3A_336 {
        %dma_wait3A_397 = arith.constant 0 : i32
        %dma_wait3A_398 = arith.constant 0 : i32
        %dma_wait3A_399 = arith.constant 0 : i32
        %dma_wait3A_400 = tpu.memref_slice %arg12[%dma_wait3A_397, %dma_wait3A_398, %dma_wait3A_399] : memref<2x800x64xf32, #tpu.memory_space<vmem>> -> memref<1x800x64xf32, #tpu.memory_space<vmem>>
        %dma_wait3A_401 = tpu.memref_squeeze %dma_wait3A_400 : memref<1x800x64xf32, #tpu.memory_space<vmem>> -> memref<800x64xf32, #tpu.memory_space<vmem>>
        %dma_wait3A_402 = arith.constant 0 : i32
        %dma_wait3A_403 = arith.constant 0 : i32
        %dma_wait3A_404 = tpu.memref_slice %arg8[%dma_wait3A_402, %dma_wait3A_403] : memref<819200x64xf32, #tpu.memory_space<hbm>> -> memref<800x64xf32, #tpu.memory_space<hbm>>
        %dma_wait3A_405 = arith.constant 0 : i32
        %dma_wait3A_406 = arith.constant 0 : i32
        %dma_wait3A_407 = tpu.memref_slice %arg8[%dma_wait3A_405, %dma_wait3A_406] : memref<819200x64xf32, #tpu.memory_space<hbm>> -> memref<800x64xf32, #tpu.memory_space<hbm>>
        %dma_wait3A_408 = arith.constant 0 : i32
        %dma_wait3A_409 = arith.constant 0 : i32
        %dma_wait3A_410 = tpu.memref_slice %arg12[%dma_wait3A_397, %dma_wait3A_408, %dma_wait3A_409] : memref<2x800x64xf32, #tpu.memory_space<vmem>> -> memref<1x800x64xf32, #tpu.memory_space<vmem>>
        %dma_wait3A_411 = tpu.memref_squeeze %dma_wait3A_410 : memref<1x800x64xf32, #tpu.memory_space<vmem>> -> memref<800x64xf32, #tpu.memory_space<vmem>>
        tpu.wait_dma2 semaphore(%arg19 : memref<!tpu.dma_semaphore, #tpu.memory_space<semaphore_mem>>) src(%dma_wait3A_411 : memref<800x64xf32, #tpu.memory_space<vmem>>) dst(%dma_wait3A_407 : memref<800x64xf32, #tpu.memory_space<hbm>>)
      } else {
      }
      %add3A_337 = arith.constant 1 : i32
      %add3A_338 = arith.addi %add3A_326, %add3A_337 : i32
      %lt3A_339 = arith.constant 32 : i32
      %lt3A_340 = arith.cmpi slt, %add3A_338, %lt3A_339 : i32
      %convert_element_type3A_341 = arith.extui %lt3A_340 : i1 to i32
      %cond3A_342 = arith.constant 0 : i32
      %cond3A_343 = arith.cmpi ne, %convert_element_type3A_341, %cond3A_342 : i32
      scf.if %cond3A_343 {
        %dma_wait3A_397 = arith.constant 0 : i32
        %dma_wait3A_398 = arith.constant 0 : i32
        %dma_wait3A_399 = arith.constant 0 : i32
        %dma_wait3A_400 = tpu.memref_slice %arg9[%dma_wait3A_397, %dma_wait3A_398, %dma_wait3A_399] : memref<2x4x200xi32, #tpu.memory_space<vmem>> -> memref<1x4x200xi32, #tpu.memory_space<vmem>>
        %dma_wait3A_401 = tpu.memref_squeeze %dma_wait3A_400 : memref<1x4x200xi32, #tpu.memory_space<vmem>> -> memref<4x200xi32, #tpu.memory_space<vmem>>
        %dma_wait3A_402 = arith.constant 0 : i32
        %dma_wait3A_403 = arith.constant 0 : i32
        %dma_wait3A_404 = tpu.memref_slice %arg2[%dma_wait3A_402, %dma_wait3A_403] : memref<4096x200xi32, #tpu.memory_space<hbm>> -> memref<4x200xi32, #tpu.memory_space<hbm>>
        %dma_wait3A_405 = arith.constant 0 : i32
        %dma_wait3A_406 = arith.constant 0 : i32
        %dma_wait3A_407 = tpu.memref_slice %arg9[%dma_wait3A_397, %dma_wait3A_405, %dma_wait3A_406] : memref<2x4x200xi32, #tpu.memory_space<vmem>> -> memref<1x4x200xi32, #tpu.memory_space<vmem>>
        %dma_wait3A_408 = tpu.memref_squeeze %dma_wait3A_407 : memref<1x4x200xi32, #tpu.memory_space<vmem>> -> memref<4x200xi32, #tpu.memory_space<vmem>>
        %dma_wait3A_409 = arith.constant 0 : i32
        %dma_wait3A_410 = arith.constant 0 : i32
        %dma_wait3A_411 = tpu.memref_slice %arg2[%dma_wait3A_409, %dma_wait3A_410] : memref<4096x200xi32, #tpu.memory_space<hbm>> -> memref<4x200xi32, #tpu.memory_space<hbm>>
        tpu.wait_dma2 semaphore(%arg15 : memref<!tpu.dma_semaphore, #tpu.memory_space<semaphore_mem>>) src(%dma_wait3A_411 : memref<4x200xi32, #tpu.memory_space<hbm>>) dst(%dma_wait3A_408 : memref<4x200xi32, #tpu.memory_space<vmem>>)
        %dma_wait3A_412 = arith.constant 0 : i32
        %dma_wait3A_413 = arith.constant 0 : i32
        %dma_wait3A_414 = arith.constant 0 : i32
        %dma_wait3A_415 = tpu.memref_slice %arg10[%dma_wait3A_412, %dma_wait3A_413, %dma_wait3A_414] : memref<2x4x200xi32, #tpu.memory_space<vmem>> -> memref<1x4x200xi32, #tpu.memory_space<vmem>>
        %dma_wait3A_416 = tpu.memref_squeeze %dma_wait3A_415 : memref<1x4x200xi32, #tpu.memory_space<vmem>> -> memref<4x200xi32, #tpu.memory_space<vmem>>
        %dma_wait3A_417 = arith.constant 0 : i32
        %dma_wait3A_418 = arith.constant 0 : i32
        %dma_wait3A_419 = tpu.memref_slice %arg3[%dma_wait3A_417, %dma_wait3A_418] : memref<4096x200xi32, #tpu.memory_space<hbm>> -> memref<4x200xi32, #tpu.memory_space<hbm>>
        %dma_wait3A_420 = arith.constant 0 : i32
        %dma_wait3A_421 = arith.constant 0 : i32
        %dma_wait3A_422 = tpu.memref_slice %arg10[%dma_wait3A_412, %dma_wait3A_420, %dma_wait3A_421] : memref<2x4x200xi32, #tpu.memory_space<vmem>> -> memref<1x4x200xi32, #tpu.memory_space<vmem>>
        %dma_wait3A_423 = tpu.memref_squeeze %dma_wait3A_422 : memref<1x4x200xi32, #tpu.memory_space<vmem>> -> memref<4x200xi32, #tpu.memory_space<vmem>>
        %dma_wait3A_424 = arith.constant 0 : i32
        %dma_wait3A_425 = arith.constant 0 : i32
        %dma_wait3A_426 = tpu.memref_slice %arg3[%dma_wait3A_424, %dma_wait3A_425] : memref<4096x200xi32, #tpu.memory_space<hbm>> -> memref<4x200xi32, #tpu.memory_space<hbm>>
        tpu.wait_dma2 semaphore(%arg15 : memref<!tpu.dma_semaphore, #tpu.memory_space<semaphore_mem>>) src(%dma_wait3A_426 : memref<4x200xi32, #tpu.memory_space<hbm>>) dst(%dma_wait3A_423 : memref<4x200xi32, #tpu.memory_space<vmem>>)
        %dma_wait3A_427 = arith.constant 0 : i32
        %dma_wait3A_428 = arith.constant 0 : i32
        %dma_wait3A_429 = arith.constant 0 : i32
        %dma_wait3A_430 = tpu.memref_slice %arg11[%dma_wait3A_427, %dma_wait3A_428, %dma_wait3A_429] : memref<2x4x200xi32, #tpu.memory_space<vmem>> -> memref<1x4x200xi32, #tpu.memory_space<vmem>>
        %dma_wait3A_431 = tpu.memref_squeeze %dma_wait3A_430 : memref<1x4x200xi32, #tpu.memory_space<vmem>> -> memref<4x200xi32, #tpu.memory_space<vmem>>
        %dma_wait3A_432 = arith.constant 0 : i32
        %dma_wait3A_433 = arith.constant 0 : i32
        %dma_wait3A_434 = tpu.memref_slice %arg4[%dma_wait3A_432, %dma_wait3A_433] : memref<4096x200xi32, #tpu.memory_space<hbm>> -> memref<4x200xi32, #tpu.memory_space<hbm>>
        %dma_wait3A_435 = arith.constant 0 : i32
        %dma_wait3A_436 = arith.constant 0 : i32
        %dma_wait3A_437 = tpu.memref_slice %arg11[%dma_wait3A_427, %dma_wait3A_435, %dma_wait3A_436] : memref<2x4x200xi32, #tpu.memory_space<vmem>> -> memref<1x4x200xi32, #tpu.memory_space<vmem>>
        %dma_wait3A_438 = tpu.memref_squeeze %dma_wait3A_437 : memref<1x4x200xi32, #tpu.memory_space<vmem>> -> memref<4x200xi32, #tpu.memory_space<vmem>>
        %dma_wait3A_439 = arith.constant 0 : i32
        %dma_wait3A_440 = arith.constant 0 : i32
        %dma_wait3A_441 = tpu.memref_slice %arg4[%dma_wait3A_439, %dma_wait3A_440] : memref<4096x200xi32, #tpu.memory_space<hbm>> -> memref<4x200xi32, #tpu.memory_space<hbm>>
        tpu.wait_dma2 semaphore(%arg15 : memref<!tpu.dma_semaphore, #tpu.memory_space<semaphore_mem>>) src(%dma_wait3A_441 : memref<4x200xi32, #tpu.memory_space<hbm>>) dst(%dma_wait3A_438 : memref<4x200xi32, #tpu.memory_space<vmem>>)
        %dma_start3A_442 = arith.constant 0 : i32
        %dma_start3A_443 = arith.constant 0 : i32
        %dma_start3A_444 = arith.constant 0 : i32
        %dma_start3A_445 = arith.constant 0 : i32
        %dma_start3A_446 = arith.constant 0 : i32
        %dma_start3A_447 = tpu.memref_slice %arg12[%dma_start3A_444, %dma_start3A_445, %dma_start3A_446] : memref<2x800x64xf32, #tpu.memory_space<vmem>> -> memref<1x128x64xf32, #tpu.memory_space<vmem>>
        %dma_start3A_448 = tpu.memref_squeeze %dma_start3A_447 : memref<1x128x64xf32, #tpu.memory_space<vmem>> -> memref<128x64xf32, #tpu.memory_space<vmem>>
        %dma_start3A_449 = arith.constant 0 : i32
        %dma_start3A_450 = tpu.memref_slice %arg9[%dma_start3A_442, %dma_start3A_443, %dma_start3A_449] : memref<2x4x200xi32, #tpu.memory_space<vmem>> -> memref<1x1x128xi32, #tpu.memory_space<vmem>>
        %dma_start3A_451 = tpu.memref_squeeze %dma_start3A_450 : memref<1x1x128xi32, #tpu.memory_space<vmem>> -> memref<128xi32, #tpu.memory_space<vmem>>
        %dma_start3A_452 = arith.constant 0 : i32
        %dma_start3A_453 = arith.constant 0 : i32
        %dma_start3A_454 = tpu.memref_slice %arg5[%dma_start3A_452, %dma_start3A_453] : memref<100002x64xf32, #tpu.memory_space<hbm>> -> memref<100002x64xf32, #tpu.memory_space<hbm>>
        tpu.enqueue_indirect_dma source(%dma_start3A_454 : memref<100002x64xf32, #tpu.memory_space<hbm>>) target(%dma_start3A_448 : memref<128x64xf32, #tpu.memory_space<vmem>>) offsets(%dma_start3A_451 : memref<128xi32, #tpu.memory_space<vmem>>) semaphore(%arg17 : memref<!tpu.dma_semaphore, #tpu.memory_space<semaphore_mem>>)
        %dma_start3A_455 = arith.constant 0 : i32
        %dma_start3A_456 = arith.constant 0 : i32
        %dma_start3A_457 = arith.constant 0 : i32
        %dma_start3A_458 = arith.constant 128 : i32
        %dma_start3A_459 = arith.constant 0 : i32
        %dma_start3A_460 = tpu.memref_slice %arg12[%dma_start3A_457, %dma_start3A_458, %dma_start3A_459] : memref<2x800x64xf32, #tpu.memory_space<vmem>> -> memref<1x72x64xf32, #tpu.memory_space<vmem>>
        %dma_start3A_461 = tpu.memref_squeeze %dma_start3A_460 : memref<1x72x64xf32, #tpu.memory_space<vmem>> -> memref<72x64xf32, #tpu.memory_space<vmem>>
        %dma_start3A_462 = arith.constant 128 : i32
        %dma_start3A_463 = tpu.memref_slice %arg9[%dma_start3A_455, %dma_start3A_456, %dma_start3A_462] : memref<2x4x200xi32, #tpu.memory_space<vmem>> -> memref<1x1x72xi32, #tpu.memory_space<vmem>>
        %dma_start3A_464 = tpu.memref_squeeze %dma_start3A_463 : memref<1x1x72xi32, #tpu.memory_space<vmem>> -> memref<72xi32, #tpu.memory_space<vmem>>
        %dma_start3A_465 = arith.constant 0 : i32
        %dma_start3A_466 = arith.constant 0 : i32
        %dma_start3A_467 = tpu.memref_slice %arg5[%dma_start3A_465, %dma_start3A_466] : memref<100002x64xf32, #tpu.memory_space<hbm>> -> memref<100002x64xf32, #tpu.memory_space<hbm>>
        tpu.enqueue_indirect_dma source(%dma_start3A_467 : memref<100002x64xf32, #tpu.memory_space<hbm>>) target(%dma_start3A_461 : memref<72x64xf32, #tpu.memory_space<vmem>>) offsets(%dma_start3A_464 : memref<72xi32, #tpu.memory_space<vmem>>) semaphore(%arg17 : memref<!tpu.dma_semaphore, #tpu.memory_space<semaphore_mem>>)
        %dma_start3A_468 = arith.constant 0 : i32
        %dma_start3A_469 = arith.constant 1 : i32
        %dma_start3A_470 = arith.constant 0 : i32
        %dma_start3A_471 = arith.constant 200 : i32
        %dma_start3A_472 = arith.constant 0 : i32
        %dma_start3A_473 = tpu.memref_slice %arg12[%dma_start3A_470, %dma_start3A_471, %dma_start3A_472] : memref<2x800x64xf32, #tpu.memory_space<vmem>> -> memref<1x128x64xf32, #tpu.memory_space<vmem>>
        %dma_start3A_474 = tpu.memref_squeeze %dma_start3A_473 : memref<1x128x64xf32, #tpu.memory_space<vmem>> -> memref<128x64xf32, #tpu.memory_space<vmem>>
        %dma_start3A_475 = arith.constant 0 : i32
        %dma_start3A_476 = tpu.memref_slice %arg9[%dma_start3A_468, %dma_start3A_469, %dma_start3A_475] : memref<2x4x200xi32, #tpu.memory_space<vmem>> -> memref<1x1x128xi32, #tpu.memory_space<vmem>>
        %dma_start3A_477 = tpu.memref_squeeze %dma_start3A_476 : memref<1x1x128xi32, #tpu.memory_space<vmem>> -> memref<128xi32, #tpu.memory_space<vmem>>
        %dma_start3A_478 = arith.constant 0 : i32
        %dma_start3A_479 = arith.constant 0 : i32
        %dma_start3A_480 = tpu.memref_slice %arg5[%dma_start3A_478, %dma_start3A_479] : memref<100002x64xf32, #tpu.memory_space<hbm>> -> memref<100002x64xf32, #tpu.memory_space<hbm>>
        tpu.enqueue_indirect_dma source(%dma_start3A_480 : memref<100002x64xf32, #tpu.memory_space<hbm>>) target(%dma_start3A_474 : memref<128x64xf32, #tpu.memory_space<vmem>>) offsets(%dma_start3A_477 : memref<128xi32, #tpu.memory_space<vmem>>) semaphore(%arg17 : memref<!tpu.dma_semaphore, #tpu.memory_space<semaphore_mem>>)
        %dma_start3A_481 = arith.constant 0 : i32
        %dma_start3A_482 = arith.constant 1 : i32
        %dma_start3A_483 = arith.constant 0 : i32
        %dma_start3A_484 = arith.constant 328 : i32
        %dma_start3A_485 = arith.constant 0 : i32
        %dma_start3A_486 = tpu.memref_slice %arg12[%dma_start3A_483, %dma_start3A_484, %dma_start3A_485] : memref<2x800x64xf32, #tpu.memory_space<vmem>> -> memref<1x72x64xf32, #tpu.memory_space<vmem>>
        %dma_start3A_487 = tpu.memref_squeeze %dma_start3A_486 : memref<1x72x64xf32, #tpu.memory_space<vmem>> -> memref<72x64xf32, #tpu.memory_space<vmem>>
        %dma_start3A_488 = arith.constant 128 : i32
        %dma_start3A_489 = tpu.memref_slice %arg9[%dma_start3A_481, %dma_start3A_482, %dma_start3A_488] : memref<2x4x200xi32, #tpu.memory_space<vmem>> -> memref<1x1x72xi32, #tpu.memory_space<vmem>>
        %dma_start3A_490 = tpu.memref_squeeze %dma_start3A_489 : memref<1x1x72xi32, #tpu.memory_space<vmem>> -> memref<72xi32, #tpu.memory_space<vmem>>
        %dma_start3A_491 = arith.constant 0 : i32
        %dma_start3A_492 = arith.constant 0 : i32
        %dma_start3A_493 = tpu.memref_slice %arg5[%dma_start3A_491, %dma_start3A_492] : memref<100002x64xf32, #tpu.memory_space<hbm>> -> memref<100002x64xf32, #tpu.memory_space<hbm>>
        tpu.enqueue_indirect_dma source(%dma_start3A_493 : memref<100002x64xf32, #tpu.memory_space<hbm>>) target(%dma_start3A_487 : memref<72x64xf32, #tpu.memory_space<vmem>>) offsets(%dma_start3A_490 : memref<72xi32, #tpu.memory_space<vmem>>) semaphore(%arg17 : memref<!tpu.dma_semaphore, #tpu.memory_space<semaphore_mem>>)
        %dma_start3A_494 = arith.constant 0 : i32
        %dma_start3A_495 = arith.constant 2 : i32
        %dma_start3A_496 = arith.constant 0 : i32
        %dma_start3A_497 = arith.constant 400 : i32
        %dma_start3A_498 = arith.constant 0 : i32
        %dma_start3A_499 = tpu.memref_slice %arg12[%dma_start3A_496, %dma_start3A_497, %dma_start3A_498] : memref<2x800x64xf32, #tpu.memory_space<vmem>> -> memref<1x128x64xf32, #tpu.memory_space<vmem>>
        %dma_start3A_500 = tpu.memref_squeeze %dma_start3A_499 : memref<1x128x64xf32, #tpu.memory_space<vmem>> -> memref<128x64xf32, #tpu.memory_space<vmem>>
        %dma_start3A_501 = arith.constant 0 : i32
        %dma_start3A_502 = tpu.memref_slice %arg9[%dma_start3A_494, %dma_start3A_495, %dma_start3A_501] : memref<2x4x200xi32, #tpu.memory_space<vmem>> -> memref<1x1x128xi32, #tpu.memory_space<vmem>>
        %dma_start3A_503 = tpu.memref_squeeze %dma_start3A_502 : memref<1x1x128xi32, #tpu.memory_space<vmem>> -> memref<128xi32, #tpu.memory_space<vmem>>
        %dma_start3A_504 = arith.constant 0 : i32
        %dma_start3A_505 = arith.constant 0 : i32
        %dma_start3A_506 = tpu.memref_slice %arg5[%dma_start3A_504, %dma_start3A_505] : memref<100002x64xf32, #tpu.memory_space<hbm>> -> memref<100002x64xf32, #tpu.memory_space<hbm>>
        tpu.enqueue_indirect_dma source(%dma_start3A_506 : memref<100002x64xf32, #tpu.memory_space<hbm>>) target(%dma_start3A_500 : memref<128x64xf32, #tpu.memory_space<vmem>>) offsets(%dma_start3A_503 : memref<128xi32, #tpu.memory_space<vmem>>) semaphore(%arg17 : memref<!tpu.dma_semaphore, #tpu.memory_space<semaphore_mem>>)
        %dma_start3A_507 = arith.constant 0 : i32
        %dma_start3A_508 = arith.constant 2 : i32
        %dma_start3A_509 = arith.constant 0 : i32
        %dma_start3A_510 = arith.constant 528 : i32
        %dma_start3A_511 = arith.constant 0 : i32
        %dma_start3A_512 = tpu.memref_slice %arg12[%dma_start3A_509, %dma_start3A_510, %dma_start3A_511] : memref<2x800x64xf32, #tpu.memory_space<vmem>> -> memref<1x72x64xf32, #tpu.memory_space<vmem>>
        %dma_start3A_513 = tpu.memref_squeeze %dma_start3A_512 : memref<1x72x64xf32, #tpu.memory_space<vmem>> -> memref<72x64xf32, #tpu.memory_space<vmem>>
        %dma_start3A_514 = arith.constant 128 : i32
        %dma_start3A_515 = tpu.memref_slice %arg9[%dma_start3A_507, %dma_start3A_508, %dma_start3A_514] : memref<2x4x200xi32, #tpu.memory_space<vmem>> -> memref<1x1x72xi32, #tpu.memory_space<vmem>>
        %dma_start3A_516 = tpu.memref_squeeze %dma_start3A_515 : memref<1x1x72xi32, #tpu.memory_space<vmem>> -> memref<72xi32, #tpu.memory_space<vmem>>
        %dma_start3A_517 = arith.constant 0 : i32
        %dma_start3A_518 = arith.constant 0 : i32
        %dma_start3A_519 = tpu.memref_slice %arg5[%dma_start3A_517, %dma_start3A_518] : memref<100002x64xf32, #tpu.memory_space<hbm>> -> memref<100002x64xf32, #tpu.memory_space<hbm>>
        tpu.enqueue_indirect_dma source(%dma_start3A_519 : memref<100002x64xf32, #tpu.memory_space<hbm>>) target(%dma_start3A_513 : memref<72x64xf32, #tpu.memory_space<vmem>>) offsets(%dma_start3A_516 : memref<72xi32, #tpu.memory_space<vmem>>) semaphore(%arg17 : memref<!tpu.dma_semaphore, #tpu.memory_space<semaphore_mem>>)
        %dma_start3A_520 = arith.constant 0 : i32
        %dma_start3A_521 = arith.constant 3 : i32
        %dma_start3A_522 = arith.constant 0 : i32
        %dma_start3A_523 = arith.constant 600 : i32
        %dma_start3A_524 = arith.constant 0 : i32
        %dma_start3A_525 = tpu.memref_slice %arg12[%dma_start3A_522, %dma_start3A_523, %dma_start3A_524] : memref<2x800x64xf32, #tpu.memory_space<vmem>> -> memref<1x128x64xf32, #tpu.memory_space<vmem>>
        %dma_start3A_526 = tpu.memref_squeeze %dma_start3A_525 : memref<1x128x64xf32, #tpu.memory_space<vmem>> -> memref<128x64xf32, #tpu.memory_space<vmem>>
        %dma_start3A_527 = arith.constant 0 : i32
        %dma_start3A_528 = tpu.memref_slice %arg9[%dma_start3A_520, %dma_start3A_521, %dma_start3A_527] : memref<2x4x200xi32, #tpu.memory_space<vmem>> -> memref<1x1x128xi32, #tpu.memory_space<vmem>>
        %dma_start3A_529 = tpu.memref_squeeze %dma_start3A_528 : memref<1x1x128xi32, #tpu.memory_space<vmem>> -> memref<128xi32, #tpu.memory_space<vmem>>
        %dma_start3A_530 = arith.constant 0 : i32
        %dma_start3A_531 = arith.constant 0 : i32
        %dma_start3A_532 = tpu.memref_slice %arg5[%dma_start3A_530, %dma_start3A_531] : memref<100002x64xf32, #tpu.memory_space<hbm>> -> memref<100002x64xf32, #tpu.memory_space<hbm>>
        tpu.enqueue_indirect_dma source(%dma_start3A_532 : memref<100002x64xf32, #tpu.memory_space<hbm>>) target(%dma_start3A_526 : memref<128x64xf32, #tpu.memory_space<vmem>>) offsets(%dma_start3A_529 : memref<128xi32, #tpu.memory_space<vmem>>) semaphore(%arg17 : memref<!tpu.dma_semaphore, #tpu.memory_space<semaphore_mem>>)
        %dma_start3A_533 = arith.constant 0 : i32
        %dma_start3A_534 = arith.constant 3 : i32
        %dma_start3A_535 = arith.constant 0 : i32
        %dma_start3A_536 = arith.constant 728 : i32
        %dma_start3A_537 = arith.constant 0 : i32
        %dma_start3A_538 = tpu.memref_slice %arg12[%dma_start3A_535, %dma_start3A_536, %dma_start3A_537] : memref<2x800x64xf32, #tpu.memory_space<vmem>> -> memref<1x72x64xf32, #tpu.memory_space<vmem>>
        %dma_start3A_539 = tpu.memref_squeeze %dma_start3A_538 : memref<1x72x64xf32, #tpu.memory_space<vmem>> -> memref<72x64xf32, #tpu.memory_space<vmem>>
        %dma_start3A_540 = arith.constant 128 : i32
        %dma_start3A_541 = tpu.memref_slice %arg9[%dma_start3A_533, %dma_start3A_534, %dma_start3A_540] : memref<2x4x200xi32, #tpu.memory_space<vmem>> -> memref<1x1x72xi32, #tpu.memory_space<vmem>>
        %dma_start3A_542 = tpu.memref_squeeze %dma_start3A_541 : memref<1x1x72xi32, #tpu.memory_space<vmem>> -> memref<72xi32, #tpu.memory_space<vmem>>
        %dma_start3A_543 = arith.constant 0 : i32
        %dma_start3A_544 = arith.constant 0 : i32
        %dma_start3A_545 = tpu.memref_slice %arg5[%dma_start3A_543, %dma_start3A_544] : memref<100002x64xf32, #tpu.memory_space<hbm>> -> memref<100002x64xf32, #tpu.memory_space<hbm>>
        tpu.enqueue_indirect_dma source(%dma_start3A_545 : memref<100002x64xf32, #tpu.memory_space<hbm>>) target(%dma_start3A_539 : memref<72x64xf32, #tpu.memory_space<vmem>>) offsets(%dma_start3A_542 : memref<72xi32, #tpu.memory_space<vmem>>) semaphore(%arg17 : memref<!tpu.dma_semaphore, #tpu.memory_space<semaphore_mem>>)
      } else {
      }
      %dma_wait3A_344 = arith.constant 1 : i32
      %dma_wait3A_345 = arith.constant 0 : i32
      %dma_wait3A_346 = arith.constant 0 : i32
      %dma_wait3A_347 = tpu.memref_slice %arg12[%dma_wait3A_344, %dma_wait3A_345, %dma_wait3A_346] : memref<2x800x64xf32, #tpu.memory_space<vmem>> -> memref<1x800x64xf32, #tpu.memory_space<vmem>>
      %dma_wait3A_348 = tpu.memref_squeeze %dma_wait3A_347 : memref<1x800x64xf32, #tpu.memory_space<vmem>> -> memref<800x64xf32, #tpu.memory_space<vmem>>
      %dma_wait3A_349 = arith.constant 0 : i32
      %dma_wait3A_350 = arith.constant 0 : i32
      %dma_wait3A_351 = tpu.memref_slice %arg5[%dma_wait3A_349, %dma_wait3A_350] : memref<100002x64xf32, #tpu.memory_space<hbm>> -> memref<800x64xf32, #tpu.memory_space<hbm>>
      %dma_wait3A_352 = arith.constant 0 : i32
      %dma_wait3A_353 = arith.constant 0 : i32
      %dma_wait3A_354 = tpu.memref_slice %arg12[%dma_wait3A_344, %dma_wait3A_352, %dma_wait3A_353] : memref<2x800x64xf32, #tpu.memory_space<vmem>> -> memref<1x800x64xf32, #tpu.memory_space<vmem>>
      %dma_wait3A_355 = tpu.memref_squeeze %dma_wait3A_354 : memref<1x800x64xf32, #tpu.memory_space<vmem>> -> memref<800x64xf32, #tpu.memory_space<vmem>>
      %dma_wait3A_356 = arith.constant 0 : i32
      %dma_wait3A_357 = arith.constant 0 : i32
      %dma_wait3A_358 = tpu.memref_slice %arg5[%dma_wait3A_356, %dma_wait3A_357] : memref<100002x64xf32, #tpu.memory_space<hbm>> -> memref<800x64xf32, #tpu.memory_space<hbm>>
      tpu.wait_dma2 semaphore(%arg18 : memref<!tpu.dma_semaphore, #tpu.memory_space<semaphore_mem>>) src(%dma_wait3A_358 : memref<800x64xf32, #tpu.memory_space<hbm>>) dst(%dma_wait3A_355 : memref<800x64xf32, #tpu.memory_space<vmem>>)
      %parallel_loop3A_359 = arith.constant 0 : i32
      %parallel_loop3A_360 = arith.constant 13 : i32
      %parallel_loop3A_361 = arith.constant 1 : i32
      scf.for %parallel_loop3A_397 = %parallel_loop3A_359 to %parallel_loop3A_360 step %parallel_loop3A_361  : i32 {
        %parallel_loop3A_398 = arith.constant 16 : i32
        %parallel_loop3A_399 = arith.muli %parallel_loop3A_397, %parallel_loop3A_398 : i32
        %parallel_loop3A_400 = arith.constant 184 : i32
        %parallel_loop3A_401 = arith.minsi %parallel_loop3A_399, %parallel_loop3A_400 : i32
        %parallel_loop3A_402 = tpu.iota {dimensions = array<i32: 0>} : vector<16xi32>
        %parallel_loop3A_403 = arith.constant 0 : i32
        %parallel_loop3A_404 = arith.addi %parallel_loop3A_403, %parallel_loop3A_401 : i32
        %parallel_loop3A_405 = vector.broadcast %parallel_loop3A_404 : i32 to vector<16xi32>
        %parallel_loop3A_406 = arith.addi %parallel_loop3A_402, %parallel_loop3A_405 : vector<16xi32>
        %parallel_loop3A_407 = arith.constant 1 : i32
        %parallel_loop3A_408 = arith.constant 0 : i32
        %parallel_loop3A_409 = arith.constant 0 : i32
        %parallel_loop3A_410 = tpu.memref_slice %arg10[%parallel_loop3A_407, %parallel_loop3A_408, %parallel_loop3A_409] : memref<2x4x200xi32, #tpu.memory_space<vmem>> -> memref<1x1x200xi32, #tpu.memory_space<vmem>>
        %parallel_loop3A_411 = tpu.memref_squeeze %parallel_loop3A_410 : memref<1x1x200xi32, #tpu.memory_space<vmem>> -> memref<200xi32, #tpu.memory_space<vmem>>
        %parallel_loop3A_412 = arith.index_cast %parallel_loop3A_401 : i32 to index
        %parallel_loop3A_413 = tpu.vector_load %parallel_loop3A_411[%parallel_loop3A_412] {strides = array<i32>} : memref<200xi32, #tpu.memory_space<vmem>>, vector<16xi32>,
        %parallel_loop3A_414 = arith.constant 5 : i32
        %parallel_loop3A_415 = vector.broadcast %parallel_loop3A_414 : i32 to vector<16xi32>
        %parallel_loop3A_416 = arith.muli %parallel_loop3A_413, %parallel_loop3A_415 : vector<16xi32>
        %parallel_loop3A_417 = arith.constant 1 : i32
        %parallel_loop3A_418 = arith.constant 0 : i32
        %parallel_loop3A_419 = arith.constant 0 : i32
        %parallel_loop3A_420 = tpu.memref_slice %arg11[%parallel_loop3A_417, %parallel_loop3A_418, %parallel_loop3A_419] : memref<2x4x200xi32, #tpu.memory_space<vmem>> -> memref<1x1x200xi32, #tpu.memory_space<vmem>>
        %parallel_loop3A_421 = tpu.memref_squeeze %parallel_loop3A_420 : memref<1x1x200xi32, #tpu.memory_space<vmem>> -> memref<200xi32, #tpu.memory_space<vmem>>
        %parallel_loop3A_422 = arith.index_cast %parallel_loop3A_401 : i32 to index
        %parallel_loop3A_423 = tpu.vector_load %parallel_loop3A_421[%parallel_loop3A_422] {strides = array<i32>} : memref<200xi32, #tpu.memory_space<vmem>>, vector<16xi32>,
        %parallel_loop3A_424 = arith.constant 5 : i32
        %parallel_loop3A_425 = vector.broadcast %parallel_loop3A_424 : i32 to vector<16xi32>
        %parallel_loop3A_426 = arith.muli %parallel_loop3A_423, %parallel_loop3A_425 : vector<16xi32>
        %parallel_loop3A_427 = arith.constant 0 : i32
        %parallel_loop3A_428 = vector.broadcast %parallel_loop3A_427 : i32 to vector<16xi32>
        %parallel_loop3A_429 = arith.addi %parallel_loop3A_416, %parallel_loop3A_428 : vector<16xi32>
        %parallel_loop3A_430 = tpu.vector_load_idx %arg13[%parallel_loop3A_429] : memref<2000xf32, #tpu.memory_space<vmem>>[vector<16xi32>], vector<16xf32>,
        %parallel_loop3A_431 = arith.constant 1 : i32
        %parallel_loop3A_432 = vector.broadcast %parallel_loop3A_431 : i32 to vector<16xi32>
        %parallel_loop3A_433 = arith.addi %parallel_loop3A_416, %parallel_loop3A_432 : vector<16xi32>
        %parallel_loop3A_434 = tpu.vector_load_idx %arg13[%parallel_loop3A_433] : memref<2000xf32, #tpu.memory_space<vmem>>[vector<16xi32>], vector<16xf32>,
        %parallel_loop3A_435 = arith.constant 2 : i32
        %parallel_loop3A_436 = vector.broadcast %parallel_loop3A_435 : i32 to vector<16xi32>
        %parallel_loop3A_437 = arith.addi %parallel_loop3A_416, %parallel_loop3A_436 : vector<16xi32>
        %parallel_loop3A_438 = tpu.vector_load_idx %arg13[%parallel_loop3A_437] : memref<2000xf32, #tpu.memory_space<vmem>>[vector<16xi32>], vector<16xf32>,
        %parallel_loop3A_439 = arith.constant 3 : i32
        %parallel_loop3A_440 = vector.broadcast %parallel_loop3A_439 : i32 to vector<16xi32>
        %parallel_loop3A_441 = arith.addi %parallel_loop3A_416, %parallel_loop3A_440 : vector<16xi32>
        %parallel_loop3A_442 = tpu.vector_load_idx %arg13[%parallel_loop3A_441] : memref<2000xf32, #tpu.memory_space<vmem>>[vector<16xi32>], vector<16xf32>,
        %parallel_loop3A_443 = arith.constant 4 : i32
        %parallel_loop3A_444 = vector.broadcast %parallel_loop3A_443 : i32 to vector<16xi32>
        %parallel_loop3A_445 = arith.addi %parallel_loop3A_416, %parallel_loop3A_444 : vector<16xi32>
        %parallel_loop3A_446 = tpu.vector_load_idx %arg13[%parallel_loop3A_445] : memref<2000xf32, #tpu.memory_space<vmem>>[vector<16xi32>], vector<16xf32>,
        %parallel_loop3A_447 = arith.constant 0 : i32
        %parallel_loop3A_448 = vector.broadcast %parallel_loop3A_447 : i32 to vector<16xi32>
        %parallel_loop3A_449 = arith.addi %parallel_loop3A_426, %parallel_loop3A_448 : vector<16xi32>
        %parallel_loop3A_450 = tpu.vector_load_idx %arg14[%parallel_loop3A_449] : memref<2000xf32, #tpu.memory_space<vmem>>[vector<16xi32>], vector<16xf32>,
        %parallel_loop3A_451 = arith.constant 1 : i32
        %parallel_loop3A_452 = vector.broadcast %parallel_loop3A_451 : i32 to vector<16xi32>
        %parallel_loop3A_453 = arith.addi %parallel_loop3A_426, %parallel_loop3A_452 : vector<16xi32>
        %parallel_loop3A_454 = tpu.vector_load_idx %arg14[%parallel_loop3A_453] : memref<2000xf32, #tpu.memory_space<vmem>>[vector<16xi32>], vector<16xf32>,
        %parallel_loop3A_455 = arith.constant 2 : i32
        %parallel_loop3A_456 = vector.broadcast %parallel_loop3A_455 : i32 to vector<16xi32>
        %parallel_loop3A_457 = arith.addi %parallel_loop3A_426, %parallel_loop3A_456 : vector<16xi32>
        %parallel_loop3A_458 = tpu.vector_load_idx %arg14[%parallel_loop3A_457] : memref<2000xf32, #tpu.memory_space<vmem>>[vector<16xi32>], vector<16xf32>,
        %parallel_loop3A_459 = arith.constant 3 : i32
        %parallel_loop3A_460 = vector.broadcast %parallel_loop3A_459 : i32 to vector<16xi32>
        %parallel_loop3A_461 = arith.addi %parallel_loop3A_426, %parallel_loop3A_460 : vector<16xi32>
        %parallel_loop3A_462 = tpu.vector_load_idx %arg14[%parallel_loop3A_461] : memref<2000xf32, #tpu.memory_space<vmem>>[vector<16xi32>], vector<16xf32>,
        %parallel_loop3A_463 = arith.constant 4 : i32
        %parallel_loop3A_464 = vector.broadcast %parallel_loop3A_463 : i32 to vector<16xi32>
        %parallel_loop3A_465 = arith.addi %parallel_loop3A_426, %parallel_loop3A_464 : vector<16xi32>
        %parallel_loop3A_466 = tpu.vector_load_idx %arg14[%parallel_loop3A_465] : memref<2000xf32, #tpu.memory_space<vmem>>[vector<16xi32>], vector<16xf32>,
        %parallel_loop3A_467 = arith.constant 50 : i32
        %parallel_loop3A_468 = vector.broadcast %parallel_loop3A_467 : i32 to vector<16xi32>
        %parallel_loop3A_469 = arith.constant 1 : i32
        %parallel_loop3A_470 = arith.constant 0 : i32
        %parallel_loop3A_471 = arith.constant 0 : i32
        %parallel_loop3A_472 = tpu.memref_slice %arg12[%parallel_loop3A_469, %parallel_loop3A_470, %parallel_loop3A_471] : memref<2x800x64xf32, #tpu.memory_space<vmem>> -> memref<1x800x64xf32, #tpu.memory_space<vmem>>
        %parallel_loop3A_473 = tpu.memref_squeeze %parallel_loop3A_472 : memref<1x800x64xf32, #tpu.memory_space<vmem>> -> memref<800x64xf32, #tpu.memory_space<vmem>>
        tpu.vector_store_idx %parallel_loop3A_473[%parallel_loop3A_406, %parallel_loop3A_468], %parallel_loop3A_430 : memref<800x64xf32, #tpu.memory_space<vmem>>[vector<16xi32>, vector<16xi32>], vector<16xf32>,
        %parallel_loop3A_474 = arith.constant 55 : i32
        %parallel_loop3A_475 = vector.broadcast %parallel_loop3A_474 : i32 to vector<16xi32>
        %parallel_loop3A_476 = arith.constant 1 : i32
        %parallel_loop3A_477 = arith.constant 0 : i32
        %parallel_loop3A_478 = arith.constant 0 : i32
        %parallel_loop3A_479 = tpu.memref_slice %arg12[%parallel_loop3A_476, %parallel_loop3A_477, %parallel_loop3A_478] : memref<2x800x64xf32, #tpu.memory_space<vmem>> -> memref<1x800x64xf32, #tpu.memory_space<vmem>>
        %parallel_loop3A_480 = tpu.memref_squeeze %parallel_loop3A_479 : memref<1x800x64xf32, #tpu.memory_space<vmem>> -> memref<800x64xf32, #tpu.memory_space<vmem>>
        tpu.vector_store_idx %parallel_loop3A_480[%parallel_loop3A_406, %parallel_loop3A_475], %parallel_loop3A_450 : memref<800x64xf32, #tpu.memory_space<vmem>>[vector<16xi32>, vector<16xi32>], vector<16xf32>,
        %parallel_loop3A_481 = arith.constant 51 : i32
        %parallel_loop3A_482 = vector.broadcast %parallel_loop3A_481 : i32 to vector<16xi32>
        %parallel_loop3A_483 = arith.constant 1 : i32
        %parallel_loop3A_484 = arith.constant 0 : i32
        %parallel_loop3A_485 = arith.constant 0 : i32
        %parallel_loop3A_486 = tpu.memref_slice %arg12[%parallel_loop3A_483, %parallel_loop3A_484, %parallel_loop3A_485] : memref<2x800x64xf32, #tpu.memory_space<vmem>> -> memref<1x800x64xf32, #tpu.memory_space<vmem>>
        %parallel_loop3A_487 = tpu.memref_squeeze %parallel_loop3A_486 : memref<1x800x64xf32, #tpu.memory_space<vmem>> -> memref<800x64xf32, #tpu.memory_space<vmem>>
        tpu.vector_store_idx %parallel_loop3A_487[%parallel_loop3A_406, %parallel_loop3A_482], %parallel_loop3A_434 : memref<800x64xf32, #tpu.memory_space<vmem>>[vector<16xi32>, vector<16xi32>], vector<16xf32>,
        %parallel_loop3A_488 = arith.constant 56 : i32
        %parallel_loop3A_489 = vector.broadcast %parallel_loop3A_488 : i32 to vector<16xi32>
        %parallel_loop3A_490 = arith.constant 1 : i32
        %parallel_loop3A_491 = arith.constant 0 : i32
        %parallel_loop3A_492 = arith.constant 0 : i32
        %parallel_loop3A_493 = tpu.memref_slice %arg12[%parallel_loop3A_490, %parallel_loop3A_491, %parallel_loop3A_492] : memref<2x800x64xf32, #tpu.memory_space<vmem>> -> memref<1x800x64xf32, #tpu.memory_space<vmem>>
        %parallel_loop3A_494 = tpu.memref_squeeze %parallel_loop3A_493 : memref<1x800x64xf32, #tpu.memory_space<vmem>> -> memref<800x64xf32, #tpu.memory_space<vmem>>
        tpu.vector_store_idx %parallel_loop3A_494[%parallel_loop3A_406, %parallel_loop3A_489], %parallel_loop3A_454 : memref<800x64xf32, #tpu.memory_space<vmem>>[vector<16xi32>, vector<16xi32>], vector<16xf32>,
        %parallel_loop3A_495 = arith.constant 52 : i32
        %parallel_loop3A_496 = vector.broadcast %parallel_loop3A_495 : i32 to vector<16xi32>
        %parallel_loop3A_497 = arith.constant 1 : i32
        %parallel_loop3A_498 = arith.constant 0 : i32
        %parallel_loop3A_499 = arith.constant 0 : i32
        %parallel_loop3A_500 = tpu.memref_slice %arg12[%parallel_loop3A_497, %parallel_loop3A_498, %parallel_loop3A_499] : memref<2x800x64xf32, #tpu.memory_space<vmem>> -> memref<1x800x64xf32, #tpu.memory_space<vmem>>
        %parallel_loop3A_501 = tpu.memref_squeeze %parallel_loop3A_500 : memref<1x800x64xf32, #tpu.memory_space<vmem>> -> memref<800x64xf32, #tpu.memory_space<vmem>>
        tpu.vector_store_idx %parallel_loop3A_501[%parallel_loop3A_406, %parallel_loop3A_496], %parallel_loop3A_438 : memref<800x64xf32, #tpu.memory_space<vmem>>[vector<16xi32>, vector<16xi32>], vector<16xf32>,
        %parallel_loop3A_502 = arith.constant 57 : i32
        %parallel_loop3A_503 = vector.broadcast %parallel_loop3A_502 : i32 to vector<16xi32>
        %parallel_loop3A_504 = arith.constant 1 : i32
        %parallel_loop3A_505 = arith.constant 0 : i32
        %parallel_loop3A_506 = arith.constant 0 : i32
        %parallel_loop3A_507 = tpu.memref_slice %arg12[%parallel_loop3A_504, %parallel_loop3A_505, %parallel_loop3A_506] : memref<2x800x64xf32, #tpu.memory_space<vmem>> -> memref<1x800x64xf32, #tpu.memory_space<vmem>>
        %parallel_loop3A_508 = tpu.memref_squeeze %parallel_loop3A_507 : memref<1x800x64xf32, #tpu.memory_space<vmem>> -> memref<800x64xf32, #tpu.memory_space<vmem>>
        tpu.vector_store_idx %parallel_loop3A_508[%parallel_loop3A_406, %parallel_loop3A_503], %parallel_loop3A_458 : memref<800x64xf32, #tpu.memory_space<vmem>>[vector<16xi32>, vector<16xi32>], vector<16xf32>,
        %parallel_loop3A_509 = arith.constant 53 : i32
        %parallel_loop3A_510 = vector.broadcast %parallel_loop3A_509 : i32 to vector<16xi32>
        %parallel_loop3A_511 = arith.constant 1 : i32
        %parallel_loop3A_512 = arith.constant 0 : i32
        %parallel_loop3A_513 = arith.constant 0 : i32
        %parallel_loop3A_514 = tpu.memref_slice %arg12[%parallel_loop3A_511, %parallel_loop3A_512, %parallel_loop3A_513] : memref<2x800x64xf32, #tpu.memory_space<vmem>> -> memref<1x800x64xf32, #tpu.memory_space<vmem>>
        %parallel_loop3A_515 = tpu.memref_squeeze %parallel_loop3A_514 : memref<1x800x64xf32, #tpu.memory_space<vmem>> -> memref<800x64xf32, #tpu.memory_space<vmem>>
        tpu.vector_store_idx %parallel_loop3A_515[%parallel_loop3A_406, %parallel_loop3A_510], %parallel_loop3A_442 : memref<800x64xf32, #tpu.memory_space<vmem>>[vector<16xi32>, vector<16xi32>], vector<16xf32>,
        %parallel_loop3A_516 = arith.constant 58 : i32
        %parallel_loop3A_517 = vector.broadcast %parallel_loop3A_516 : i32 to vector<16xi32>
        %parallel_loop3A_518 = arith.constant 1 : i32
        %parallel_loop3A_519 = arith.constant 0 : i32
        %parallel_loop3A_520 = arith.constant 0 : i32
        %parallel_loop3A_521 = tpu.memref_slice %arg12[%parallel_loop3A_518, %parallel_loop3A_519, %parallel_loop3A_520] : memref<2x800x64xf32, #tpu.memory_space<vmem>> -> memref<1x800x64xf32, #tpu.memory_space<vmem>>
        %parallel_loop3A_522 = tpu.memref_squeeze %parallel_loop3A_521 : memref<1x800x64xf32, #tpu.memory_space<vmem>> -> memref<800x64xf32, #tpu.memory_space<vmem>>
        tpu.vector_store_idx %parallel_loop3A_522[%parallel_loop3A_406, %parallel_loop3A_517], %parallel_loop3A_462 : memref<800x64xf32, #tpu.memory_space<vmem>>[vector<16xi32>, vector<16xi32>], vector<16xf32>,
        %parallel_loop3A_523 = arith.constant 54 : i32
        %parallel_loop3A_524 = vector.broadcast %parallel_loop3A_523 : i32 to vector<16xi32>
        %parallel_loop3A_525 = arith.constant 1 : i32
        %parallel_loop3A_526 = arith.constant 0 : i32
        %parallel_loop3A_527 = arith.constant 0 : i32
        %parallel_loop3A_528 = tpu.memref_slice %arg12[%parallel_loop3A_525, %parallel_loop3A_526, %parallel_loop3A_527] : memref<2x800x64xf32, #tpu.memory_space<vmem>> -> memref<1x800x64xf32, #tpu.memory_space<vmem>>
        %parallel_loop3A_529 = tpu.memref_squeeze %parallel_loop3A_528 : memref<1x800x64xf32, #tpu.memory_space<vmem>> -> memref<800x64xf32, #tpu.memory_space<vmem>>
        tpu.vector_store_idx %parallel_loop3A_529[%parallel_loop3A_406, %parallel_loop3A_524], %parallel_loop3A_446 : memref<800x64xf32, #tpu.memory_space<vmem>>[vector<16xi32>, vector<16xi32>], vector<16xf32>,
        %parallel_loop3A_530 = arith.constant 59 : i32
        %parallel_loop3A_531 = vector.broadcast %parallel_loop3A_530 : i32 to vector<16xi32>
        %parallel_loop3A_532 = arith.constant 1 : i32
        %parallel_loop3A_533 = arith.constant 0 : i32
        %parallel_loop3A_534 = arith.constant 0 : i32
        %parallel_loop3A_535 = tpu.memref_slice %arg12[%parallel_loop3A_532, %parallel_loop3A_533, %parallel_loop3A_534] : memref<2x800x64xf32, #tpu.memory_space<vmem>> -> memref<1x800x64xf32, #tpu.memory_space<vmem>>
        %parallel_loop3A_536 = tpu.memref_squeeze %parallel_loop3A_535 : memref<1x800x64xf32, #tpu.memory_space<vmem>> -> memref<800x64xf32, #tpu.memory_space<vmem>>
        tpu.vector_store_idx %parallel_loop3A_536[%parallel_loop3A_406, %parallel_loop3A_531], %parallel_loop3A_466 : memref<800x64xf32, #tpu.memory_space<vmem>>[vector<16xi32>, vector<16xi32>], vector<16xf32>,
      } {sc.loop_unroll_factor = 2 : i64, sc.parallel_access}
      %parallel_loop3A_362 = arith.constant 0 : i32
      %parallel_loop3A_363 = arith.constant 13 : i32
      %parallel_loop3A_364 = arith.constant 1 : i32
      scf.for %parallel_loop3A_397 = %parallel_loop3A_362 to %parallel_loop3A_363 step %parallel_loop3A_364  : i32 {
        %parallel_loop3A_398 = arith.constant 16 : i32
        %parallel_loop3A_399 = arith.muli %parallel_loop3A_397, %parallel_loop3A_398 : i32
        %parallel_loop3A_400 = arith.constant 184 : i32
        %parallel_loop3A_401 = arith.minsi %parallel_loop3A_399, %parallel_loop3A_400 : i32
        %parallel_loop3A_402 = tpu.iota {dimensions = array<i32: 0>} : vector<16xi32>
        %parallel_loop3A_403 = arith.constant 200 : i32
        %parallel_loop3A_404 = arith.addi %parallel_loop3A_403, %parallel_loop3A_401 : i32
        %parallel_loop3A_405 = vector.broadcast %parallel_loop3A_404 : i32 to vector<16xi32>
        %parallel_loop3A_406 = arith.addi %parallel_loop3A_402, %parallel_loop3A_405 : vector<16xi32>
        %parallel_loop3A_407 = arith.constant 1 : i32
        %parallel_loop3A_408 = arith.constant 1 : i32
        %parallel_loop3A_409 = arith.constant 0 : i32
        %parallel_loop3A_410 = tpu.memref_slice %arg10[%parallel_loop3A_407, %parallel_loop3A_408, %parallel_loop3A_409] : memref<2x4x200xi32, #tpu.memory_space<vmem>> -> memref<1x1x200xi32, #tpu.memory_space<vmem>>
        %parallel_loop3A_411 = tpu.memref_squeeze %parallel_loop3A_410 : memref<1x1x200xi32, #tpu.memory_space<vmem>> -> memref<200xi32, #tpu.memory_space<vmem>>
        %parallel_loop3A_412 = arith.index_cast %parallel_loop3A_401 : i32 to index
        %parallel_loop3A_413 = tpu.vector_load %parallel_loop3A_411[%parallel_loop3A_412] {strides = array<i32>} : memref<200xi32, #tpu.memory_space<vmem>>, vector<16xi32>,
        %parallel_loop3A_414 = arith.constant 5 : i32
        %parallel_loop3A_415 = vector.broadcast %parallel_loop3A_414 : i32 to vector<16xi32>
        %parallel_loop3A_416 = arith.muli %parallel_loop3A_413, %parallel_loop3A_415 : vector<16xi32>
        %parallel_loop3A_417 = arith.constant 1 : i32
        %parallel_loop3A_418 = arith.constant 1 : i32
        %parallel_loop3A_419 = arith.constant 0 : i32
        %parallel_loop3A_420 = tpu.memref_slice %arg11[%parallel_loop3A_417, %parallel_loop3A_418, %parallel_loop3A_419] : memref<2x4x200xi32, #tpu.memory_space<vmem>> -> memref<1x1x200xi32, #tpu.memory_space<vmem>>
        %parallel_loop3A_421 = tpu.memref_squeeze %parallel_loop3A_420 : memref<1x1x200xi32, #tpu.memory_space<vmem>> -> memref<200xi32, #tpu.memory_space<vmem>>
        %parallel_loop3A_422 = arith.index_cast %parallel_loop3A_401 : i32 to index
        %parallel_loop3A_423 = tpu.vector_load %parallel_loop3A_421[%parallel_loop3A_422] {strides = array<i32>} : memref<200xi32, #tpu.memory_space<vmem>>, vector<16xi32>,
        %parallel_loop3A_424 = arith.constant 5 : i32
        %parallel_loop3A_425 = vector.broadcast %parallel_loop3A_424 : i32 to vector<16xi32>
        %parallel_loop3A_426 = arith.muli %parallel_loop3A_423, %parallel_loop3A_425 : vector<16xi32>
        %parallel_loop3A_427 = arith.constant 0 : i32
        %parallel_loop3A_428 = vector.broadcast %parallel_loop3A_427 : i32 to vector<16xi32>
        %parallel_loop3A_429 = arith.addi %parallel_loop3A_416, %parallel_loop3A_428 : vector<16xi32>
        %parallel_loop3A_430 = tpu.vector_load_idx %arg13[%parallel_loop3A_429] : memref<2000xf32, #tpu.memory_space<vmem>>[vector<16xi32>], vector<16xf32>,
        %parallel_loop3A_431 = arith.constant 1 : i32
        %parallel_loop3A_432 = vector.broadcast %parallel_loop3A_431 : i32 to vector<16xi32>
        %parallel_loop3A_433 = arith.addi %parallel_loop3A_416, %parallel_loop3A_432 : vector<16xi32>
        %parallel_loop3A_434 = tpu.vector_load_idx %arg13[%parallel_loop3A_433] : memref<2000xf32, #tpu.memory_space<vmem>>[vector<16xi32>], vector<16xf32>,
        %parallel_loop3A_435 = arith.constant 2 : i32
        %parallel_loop3A_436 = vector.broadcast %parallel_loop3A_435 : i32 to vector<16xi32>
        %parallel_loop3A_437 = arith.addi %parallel_loop3A_416, %parallel_loop3A_436 : vector<16xi32>
        %parallel_loop3A_438 = tpu.vector_load_idx %arg13[%parallel_loop3A_437] : memref<2000xf32, #tpu.memory_space<vmem>>[vector<16xi32>], vector<16xf32>,
        %parallel_loop3A_439 = arith.constant 3 : i32
        %parallel_loop3A_440 = vector.broadcast %parallel_loop3A_439 : i32 to vector<16xi32>
        %parallel_loop3A_441 = arith.addi %parallel_loop3A_416, %parallel_loop3A_440 : vector<16xi32>
        %parallel_loop3A_442 = tpu.vector_load_idx %arg13[%parallel_loop3A_441] : memref<2000xf32, #tpu.memory_space<vmem>>[vector<16xi32>], vector<16xf32>,
        %parallel_loop3A_443 = arith.constant 4 : i32
        %parallel_loop3A_444 = vector.broadcast %parallel_loop3A_443 : i32 to vector<16xi32>
        %parallel_loop3A_445 = arith.addi %parallel_loop3A_416, %parallel_loop3A_444 : vector<16xi32>
        %parallel_loop3A_446 = tpu.vector_load_idx %arg13[%parallel_loop3A_445] : memref<2000xf32, #tpu.memory_space<vmem>>[vector<16xi32>], vector<16xf32>,
        %parallel_loop3A_447 = arith.constant 0 : i32
        %parallel_loop3A_448 = vector.broadcast %parallel_loop3A_447 : i32 to vector<16xi32>
        %parallel_loop3A_449 = arith.addi %parallel_loop3A_426, %parallel_loop3A_448 : vector<16xi32>
        %parallel_loop3A_450 = tpu.vector_load_idx %arg14[%parallel_loop3A_449] : memref<2000xf32, #tpu.memory_space<vmem>>[vector<16xi32>], vector<16xf32>,
        %parallel_loop3A_451 = arith.constant 1 : i32
        %parallel_loop3A_452 = vector.broadcast %parallel_loop3A_451 : i32 to vector<16xi32>
        %parallel_loop3A_453 = arith.addi %parallel_loop3A_426, %parallel_loop3A_452 : vector<16xi32>
        %parallel_loop3A_454 = tpu.vector_load_idx %arg14[%parallel_loop3A_453] : memref<2000xf32, #tpu.memory_space<vmem>>[vector<16xi32>], vector<16xf32>,
        %parallel_loop3A_455 = arith.constant 2 : i32
        %parallel_loop3A_456 = vector.broadcast %parallel_loop3A_455 : i32 to vector<16xi32>
        %parallel_loop3A_457 = arith.addi %parallel_loop3A_426, %parallel_loop3A_456 : vector<16xi32>
        %parallel_loop3A_458 = tpu.vector_load_idx %arg14[%parallel_loop3A_457] : memref<2000xf32, #tpu.memory_space<vmem>>[vector<16xi32>], vector<16xf32>,
        %parallel_loop3A_459 = arith.constant 3 : i32
        %parallel_loop3A_460 = vector.broadcast %parallel_loop3A_459 : i32 to vector<16xi32>
        %parallel_loop3A_461 = arith.addi %parallel_loop3A_426, %parallel_loop3A_460 : vector<16xi32>
        %parallel_loop3A_462 = tpu.vector_load_idx %arg14[%parallel_loop3A_461] : memref<2000xf32, #tpu.memory_space<vmem>>[vector<16xi32>], vector<16xf32>,
        %parallel_loop3A_463 = arith.constant 4 : i32
        %parallel_loop3A_464 = vector.broadcast %parallel_loop3A_463 : i32 to vector<16xi32>
        %parallel_loop3A_465 = arith.addi %parallel_loop3A_426, %parallel_loop3A_464 : vector<16xi32>
        %parallel_loop3A_466 = tpu.vector_load_idx %arg14[%parallel_loop3A_465] : memref<2000xf32, #tpu.memory_space<vmem>>[vector<16xi32>], vector<16xf32>,
        %parallel_loop3A_467 = arith.constant 50 : i32
        %parallel_loop3A_468 = vector.broadcast %parallel_loop3A_467 : i32 to vector<16xi32>
        %parallel_loop3A_469 = arith.constant 1 : i32
        %parallel_loop3A_470 = arith.constant 0 : i32
        %parallel_loop3A_471 = arith.constant 0 : i32
        %parallel_loop3A_472 = tpu.memref_slice %arg12[%parallel_loop3A_469, %parallel_loop3A_470, %parallel_loop3A_471] : memref<2x800x64xf32, #tpu.memory_space<vmem>> -> memref<1x800x64xf32, #tpu.memory_space<vmem>>
        %parallel_loop3A_473 = tpu.memref_squeeze %parallel_loop3A_472 : memref<1x800x64xf32, #tpu.memory_space<vmem>> -> memref<800x64xf32, #tpu.memory_space<vmem>>
        tpu.vector_store_idx %parallel_loop3A_473[%parallel_loop3A_406, %parallel_loop3A_468], %parallel_loop3A_430 : memref<800x64xf32, #tpu.memory_space<vmem>>[vector<16xi32>, vector<16xi32>], vector<16xf32>,
        %parallel_loop3A_474 = arith.constant 55 : i32
        %parallel_loop3A_475 = vector.broadcast %parallel_loop3A_474 : i32 to vector<16xi32>
        %parallel_loop3A_476 = arith.constant 1 : i32
        %parallel_loop3A_477 = arith.constant 0 : i32
        %parallel_loop3A_478 = arith.constant 0 : i32
        %parallel_loop3A_479 = tpu.memref_slice %arg12[%parallel_loop3A_476, %parallel_loop3A_477, %parallel_loop3A_478] : memref<2x800x64xf32, #tpu.memory_space<vmem>> -> memref<1x800x64xf32, #tpu.memory_space<vmem>>
        %parallel_loop3A_480 = tpu.memref_squeeze %parallel_loop3A_479 : memref<1x800x64xf32, #tpu.memory_space<vmem>> -> memref<800x64xf32, #tpu.memory_space<vmem>>
        tpu.vector_store_idx %parallel_loop3A_480[%parallel_loop3A_406, %parallel_loop3A_475], %parallel_loop3A_450 : memref<800x64xf32, #tpu.memory_space<vmem>>[vector<16xi32>, vector<16xi32>], vector<16xf32>,
        %parallel_loop3A_481 = arith.constant 51 : i32
        %parallel_loop3A_482 = vector.broadcast %parallel_loop3A_481 : i32 to vector<16xi32>
        %parallel_loop3A_483 = arith.constant 1 : i32
        %parallel_loop3A_484 = arith.constant 0 : i32
        %parallel_loop3A_485 = arith.constant 0 : i32
        %parallel_loop3A_486 = tpu.memref_slice %arg12[%parallel_loop3A_483, %parallel_loop3A_484, %parallel_loop3A_485] : memref<2x800x64xf32, #tpu.memory_space<vmem>> -> memref<1x800x64xf32, #tpu.memory_space<vmem>>
        %parallel_loop3A_487 = tpu.memref_squeeze %parallel_loop3A_486 : memref<1x800x64xf32, #tpu.memory_space<vmem>> -> memref<800x64xf32, #tpu.memory_space<vmem>>
        tpu.vector_store_idx %parallel_loop3A_487[%parallel_loop3A_406, %parallel_loop3A_482], %parallel_loop3A_434 : memref<800x64xf32, #tpu.memory_space<vmem>>[vector<16xi32>, vector<16xi32>], vector<16xf32>,
        %parallel_loop3A_488 = arith.constant 56 : i32
        %parallel_loop3A_489 = vector.broadcast %parallel_loop3A_488 : i32 to vector<16xi32>
        %parallel_loop3A_490 = arith.constant 1 : i32
        %parallel_loop3A_491 = arith.constant 0 : i32
        %parallel_loop3A_492 = arith.constant 0 : i32
        %parallel_loop3A_493 = tpu.memref_slice %arg12[%parallel_loop3A_490, %parallel_loop3A_491, %parallel_loop3A_492] : memref<2x800x64xf32, #tpu.memory_space<vmem>> -> memref<1x800x64xf32, #tpu.memory_space<vmem>>
        %parallel_loop3A_494 = tpu.memref_squeeze %parallel_loop3A_493 : memref<1x800x64xf32, #tpu.memory_space<vmem>> -> memref<800x64xf32, #tpu.memory_space<vmem>>
        tpu.vector_store_idx %parallel_loop3A_494[%parallel_loop3A_406, %parallel_loop3A_489], %parallel_loop3A_454 : memref<800x64xf32, #tpu.memory_space<vmem>>[vector<16xi32>, vector<16xi32>], vector<16xf32>,
        %parallel_loop3A_495 = arith.constant 52 : i32
        %parallel_loop3A_496 = vector.broadcast %parallel_loop3A_495 : i32 to vector<16xi32>
        %parallel_loop3A_497 = arith.constant 1 : i32
        %parallel_loop3A_498 = arith.constant 0 : i32
        %parallel_loop3A_499 = arith.constant 0 : i32
        %parallel_loop3A_500 = tpu.memref_slice %arg12[%parallel_loop3A_497, %parallel_loop3A_498, %parallel_loop3A_499] : memref<2x800x64xf32, #tpu.memory_space<vmem>> -> memref<1x800x64xf32, #tpu.memory_space<vmem>>
        %parallel_loop3A_501 = tpu.memref_squeeze %parallel_loop3A_500 : memref<1x800x64xf32, #tpu.memory_space<vmem>> -> memref<800x64xf32, #tpu.memory_space<vmem>>
        tpu.vector_store_idx %parallel_loop3A_501[%parallel_loop3A_406, %parallel_loop3A_496], %parallel_loop3A_438 : memref<800x64xf32, #tpu.memory_space<vmem>>[vector<16xi32>, vector<16xi32>], vector<16xf32>,
        %parallel_loop3A_502 = arith.constant 57 : i32
        %parallel_loop3A_503 = vector.broadcast %parallel_loop3A_502 : i32 to vector<16xi32>
        %parallel_loop3A_504 = arith.constant 1 : i32
        %parallel_loop3A_505 = arith.constant 0 : i32
        %parallel_loop3A_506 = arith.constant 0 : i32
        %parallel_loop3A_507 = tpu.memref_slice %arg12[%parallel_loop3A_504, %parallel_loop3A_505, %parallel_loop3A_506] : memref<2x800x64xf32, #tpu.memory_space<vmem>> -> memref<1x800x64xf32, #tpu.memory_space<vmem>>
        %parallel_loop3A_508 = tpu.memref_squeeze %parallel_loop3A_507 : memref<1x800x64xf32, #tpu.memory_space<vmem>> -> memref<800x64xf32, #tpu.memory_space<vmem>>
        tpu.vector_store_idx %parallel_loop3A_508[%parallel_loop3A_406, %parallel_loop3A_503], %parallel_loop3A_458 : memref<800x64xf32, #tpu.memory_space<vmem>>[vector<16xi32>, vector<16xi32>], vector<16xf32>,
        %parallel_loop3A_509 = arith.constant 53 : i32
        %parallel_loop3A_510 = vector.broadcast %parallel_loop3A_509 : i32 to vector<16xi32>
        %parallel_loop3A_511 = arith.constant 1 : i32
        %parallel_loop3A_512 = arith.constant 0 : i32
        %parallel_loop3A_513 = arith.constant 0 : i32
        %parallel_loop3A_514 = tpu.memref_slice %arg12[%parallel_loop3A_511, %parallel_loop3A_512, %parallel_loop3A_513] : memref<2x800x64xf32, #tpu.memory_space<vmem>> -> memref<1x800x64xf32, #tpu.memory_space<vmem>>
        %parallel_loop3A_515 = tpu.memref_squeeze %parallel_loop3A_514 : memref<1x800x64xf32, #tpu.memory_space<vmem>> -> memref<800x64xf32, #tpu.memory_space<vmem>>
        tpu.vector_store_idx %parallel_loop3A_515[%parallel_loop3A_406, %parallel_loop3A_510], %parallel_loop3A_442 : memref<800x64xf32, #tpu.memory_space<vmem>>[vector<16xi32>, vector<16xi32>], vector<16xf32>,
        %parallel_loop3A_516 = arith.constant 58 : i32
        %parallel_loop3A_517 = vector.broadcast %parallel_loop3A_516 : i32 to vector<16xi32>
        %parallel_loop3A_518 = arith.constant 1 : i32
        %parallel_loop3A_519 = arith.constant 0 : i32
        %parallel_loop3A_520 = arith.constant 0 : i32
        %parallel_loop3A_521 = tpu.memref_slice %arg12[%parallel_loop3A_518, %parallel_loop3A_519, %parallel_loop3A_520] : memref<2x800x64xf32, #tpu.memory_space<vmem>> -> memref<1x800x64xf32, #tpu.memory_space<vmem>>
        %parallel_loop3A_522 = tpu.memref_squeeze %parallel_loop3A_521 : memref<1x800x64xf32, #tpu.memory_space<vmem>> -> memref<800x64xf32, #tpu.memory_space<vmem>>
        tpu.vector_store_idx %parallel_loop3A_522[%parallel_loop3A_406, %parallel_loop3A_517], %parallel_loop3A_462 : memref<800x64xf32, #tpu.memory_space<vmem>>[vector<16xi32>, vector<16xi32>], vector<16xf32>,
        %parallel_loop3A_523 = arith.constant 54 : i32
        %parallel_loop3A_524 = vector.broadcast %parallel_loop3A_523 : i32 to vector<16xi32>
        %parallel_loop3A_525 = arith.constant 1 : i32
        %parallel_loop3A_526 = arith.constant 0 : i32
        %parallel_loop3A_527 = arith.constant 0 : i32
        %parallel_loop3A_528 = tpu.memref_slice %arg12[%parallel_loop3A_525, %parallel_loop3A_526, %parallel_loop3A_527] : memref<2x800x64xf32, #tpu.memory_space<vmem>> -> memref<1x800x64xf32, #tpu.memory_space<vmem>>
        %parallel_loop3A_529 = tpu.memref_squeeze %parallel_loop3A_528 : memref<1x800x64xf32, #tpu.memory_space<vmem>> -> memref<800x64xf32, #tpu.memory_space<vmem>>
        tpu.vector_store_idx %parallel_loop3A_529[%parallel_loop3A_406, %parallel_loop3A_524], %parallel_loop3A_446 : memref<800x64xf32, #tpu.memory_space<vmem>>[vector<16xi32>, vector<16xi32>], vector<16xf32>,
        %parallel_loop3A_530 = arith.constant 59 : i32
        %parallel_loop3A_531 = vector.broadcast %parallel_loop3A_530 : i32 to vector<16xi32>
        %parallel_loop3A_532 = arith.constant 1 : i32
        %parallel_loop3A_533 = arith.constant 0 : i32
        %parallel_loop3A_534 = arith.constant 0 : i32
        %parallel_loop3A_535 = tpu.memref_slice %arg12[%parallel_loop3A_532, %parallel_loop3A_533, %parallel_loop3A_534] : memref<2x800x64xf32, #tpu.memory_space<vmem>> -> memref<1x800x64xf32, #tpu.memory_space<vmem>>
        %parallel_loop3A_536 = tpu.memref_squeeze %parallel_loop3A_535 : memref<1x800x64xf32, #tpu.memory_space<vmem>> -> memref<800x64xf32, #tpu.memory_space<vmem>>
        tpu.vector_store_idx %parallel_loop3A_536[%parallel_loop3A_406, %parallel_loop3A_531], %parallel_loop3A_466 : memref<800x64xf32, #tpu.memory_space<vmem>>[vector<16xi32>, vector<16xi32>], vector<16xf32>,
      } {sc.loop_unroll_factor = 2 : i64, sc.parallel_access}
      %parallel_loop3A_365 = arith.constant 0 : i32
      %parallel_loop3A_366 = arith.constant 13 : i32
      %parallel_loop3A_367 = arith.constant 1 : i32
      scf.for %parallel_loop3A_397 = %parallel_loop3A_365 to %parallel_loop3A_366 step %parallel_loop3A_367  : i32 {
        %parallel_loop3A_398 = arith.constant 16 : i32
        %parallel_loop3A_399 = arith.muli %parallel_loop3A_397, %parallel_loop3A_398 : i32
        %parallel_loop3A_400 = arith.constant 184 : i32
        %parallel_loop3A_401 = arith.minsi %parallel_loop3A_399, %parallel_loop3A_400 : i32
        %parallel_loop3A_402 = tpu.iota {dimensions = array<i32: 0>} : vector<16xi32>
        %parallel_loop3A_403 = arith.constant 400 : i32
        %parallel_loop3A_404 = arith.addi %parallel_loop3A_403, %parallel_loop3A_401 : i32
        %parallel_loop3A_405 = vector.broadcast %parallel_loop3A_404 : i32 to vector<16xi32>
        %parallel_loop3A_406 = arith.addi %parallel_loop3A_402, %parallel_loop3A_405 : vector<16xi32>
        %parallel_loop3A_407 = arith.constant 1 : i32
        %parallel_loop3A_408 = arith.constant 2 : i32
        %parallel_loop3A_409 = arith.constant 0 : i32
        %parallel_loop3A_410 = tpu.memref_slice %arg10[%parallel_loop3A_407, %parallel_loop3A_408, %parallel_loop3A_409] : memref<2x4x200xi32, #tpu.memory_space<vmem>> -> memref<1x1x200xi32, #tpu.memory_space<vmem>>
        %parallel_loop3A_411 = tpu.memref_squeeze %parallel_loop3A_410 : memref<1x1x200xi32, #tpu.memory_space<vmem>> -> memref<200xi32, #tpu.memory_space<vmem>>
        %parallel_loop3A_412 = arith.index_cast %parallel_loop3A_401 : i32 to index
        %parallel_loop3A_413 = tpu.vector_load %parallel_loop3A_411[%parallel_loop3A_412] {strides = array<i32>} : memref<200xi32, #tpu.memory_space<vmem>>, vector<16xi32>,
        %parallel_loop3A_414 = arith.constant 5 : i32
        %parallel_loop3A_415 = vector.broadcast %parallel_loop3A_414 : i32 to vector<16xi32>
        %parallel_loop3A_416 = arith.muli %parallel_loop3A_413, %parallel_loop3A_415 : vector<16xi32>
        %parallel_loop3A_417 = arith.constant 1 : i32
        %parallel_loop3A_418 = arith.constant 2 : i32
        %parallel_loop3A_419 = arith.constant 0 : i32
        %parallel_loop3A_420 = tpu.memref_slice %arg11[%parallel_loop3A_417, %parallel_loop3A_418, %parallel_loop3A_419] : memref<2x4x200xi32, #tpu.memory_space<vmem>> -> memref<1x1x200xi32, #tpu.memory_space<vmem>>
        %parallel_loop3A_421 = tpu.memref_squeeze %parallel_loop3A_420 : memref<1x1x200xi32, #tpu.memory_space<vmem>> -> memref<200xi32, #tpu.memory_space<vmem>>
        %parallel_loop3A_422 = arith.index_cast %parallel_loop3A_401 : i32 to index
        %parallel_loop3A_423 = tpu.vector_load %parallel_loop3A_421[%parallel_loop3A_422] {strides = array<i32>} : memref<200xi32, #tpu.memory_space<vmem>>, vector<16xi32>,
        %parallel_loop3A_424 = arith.constant 5 : i32
        %parallel_loop3A_425 = vector.broadcast %parallel_loop3A_424 : i32 to vector<16xi32>
        %parallel_loop3A_426 = arith.muli %parallel_loop3A_423, %parallel_loop3A_425 : vector<16xi32>
        %parallel_loop3A_427 = arith.constant 0 : i32
        %parallel_loop3A_428 = vector.broadcast %parallel_loop3A_427 : i32 to vector<16xi32>
        %parallel_loop3A_429 = arith.addi %parallel_loop3A_416, %parallel_loop3A_428 : vector<16xi32>
        %parallel_loop3A_430 = tpu.vector_load_idx %arg13[%parallel_loop3A_429] : memref<2000xf32, #tpu.memory_space<vmem>>[vector<16xi32>], vector<16xf32>,
        %parallel_loop3A_431 = arith.constant 1 : i32
        %parallel_loop3A_432 = vector.broadcast %parallel_loop3A_431 : i32 to vector<16xi32>
        %parallel_loop3A_433 = arith.addi %parallel_loop3A_416, %parallel_loop3A_432 : vector<16xi32>
        %parallel_loop3A_434 = tpu.vector_load_idx %arg13[%parallel_loop3A_433] : memref<2000xf32, #tpu.memory_space<vmem>>[vector<16xi32>], vector<16xf32>,
        %parallel_loop3A_435 = arith.constant 2 : i32
        %parallel_loop3A_436 = vector.broadcast %parallel_loop3A_435 : i32 to vector<16xi32>
        %parallel_loop3A_437 = arith.addi %parallel_loop3A_416, %parallel_loop3A_436 : vector<16xi32>
        %parallel_loop3A_438 = tpu.vector_load_idx %arg13[%parallel_loop3A_437] : memref<2000xf32, #tpu.memory_space<vmem>>[vector<16xi32>], vector<16xf32>,
        %parallel_loop3A_439 = arith.constant 3 : i32
        %parallel_loop3A_440 = vector.broadcast %parallel_loop3A_439 : i32 to vector<16xi32>
        %parallel_loop3A_441 = arith.addi %parallel_loop3A_416, %parallel_loop3A_440 : vector<16xi32>
        %parallel_loop3A_442 = tpu.vector_load_idx %arg13[%parallel_loop3A_441] : memref<2000xf32, #tpu.memory_space<vmem>>[vector<16xi32>], vector<16xf32>,
        %parallel_loop3A_443 = arith.constant 4 : i32
        %parallel_loop3A_444 = vector.broadcast %parallel_loop3A_443 : i32 to vector<16xi32>
        %parallel_loop3A_445 = arith.addi %parallel_loop3A_416, %parallel_loop3A_444 : vector<16xi32>
        %parallel_loop3A_446 = tpu.vector_load_idx %arg13[%parallel_loop3A_445] : memref<2000xf32, #tpu.memory_space<vmem>>[vector<16xi32>], vector<16xf32>,
        %parallel_loop3A_447 = arith.constant 0 : i32
        %parallel_loop3A_448 = vector.broadcast %parallel_loop3A_447 : i32 to vector<16xi32>
        %parallel_loop3A_449 = arith.addi %parallel_loop3A_426, %parallel_loop3A_448 : vector<16xi32>
        %parallel_loop3A_450 = tpu.vector_load_idx %arg14[%parallel_loop3A_449] : memref<2000xf32, #tpu.memory_space<vmem>>[vector<16xi32>], vector<16xf32>,
        %parallel_loop3A_451 = arith.constant 1 : i32
        %parallel_loop3A_452 = vector.broadcast %parallel_loop3A_451 : i32 to vector<16xi32>
        %parallel_loop3A_453 = arith.addi %parallel_loop3A_426, %parallel_loop3A_452 : vector<16xi32>
        %parallel_loop3A_454 = tpu.vector_load_idx %arg14[%parallel_loop3A_453] : memref<2000xf32, #tpu.memory_space<vmem>>[vector<16xi32>], vector<16xf32>,
        %parallel_loop3A_455 = arith.constant 2 : i32
        %parallel_loop3A_456 = vector.broadcast %parallel_loop3A_455 : i32 to vector<16xi32>
        %parallel_loop3A_457 = arith.addi %parallel_loop3A_426, %parallel_loop3A_456 : vector<16xi32>
        %parallel_loop3A_458 = tpu.vector_load_idx %arg14[%parallel_loop3A_457] : memref<2000xf32, #tpu.memory_space<vmem>>[vector<16xi32>], vector<16xf32>,
        %parallel_loop3A_459 = arith.constant 3 : i32
        %parallel_loop3A_460 = vector.broadcast %parallel_loop3A_459 : i32 to vector<16xi32>
        %parallel_loop3A_461 = arith.addi %parallel_loop3A_426, %parallel_loop3A_460 : vector<16xi32>
        %parallel_loop3A_462 = tpu.vector_load_idx %arg14[%parallel_loop3A_461] : memref<2000xf32, #tpu.memory_space<vmem>>[vector<16xi32>], vector<16xf32>,
        %parallel_loop3A_463 = arith.constant 4 : i32
        %parallel_loop3A_464 = vector.broadcast %parallel_loop3A_463 : i32 to vector<16xi32>
        %parallel_loop3A_465 = arith.addi %parallel_loop3A_426, %parallel_loop3A_464 : vector<16xi32>
        %parallel_loop3A_466 = tpu.vector_load_idx %arg14[%parallel_loop3A_465] : memref<2000xf32, #tpu.memory_space<vmem>>[vector<16xi32>], vector<16xf32>,
        %parallel_loop3A_467 = arith.constant 50 : i32
        %parallel_loop3A_468 = vector.broadcast %parallel_loop3A_467 : i32 to vector<16xi32>
        %parallel_loop3A_469 = arith.constant 1 : i32
        %parallel_loop3A_470 = arith.constant 0 : i32
        %parallel_loop3A_471 = arith.constant 0 : i32
        %parallel_loop3A_472 = tpu.memref_slice %arg12[%parallel_loop3A_469, %parallel_loop3A_470, %parallel_loop3A_471] : memref<2x800x64xf32, #tpu.memory_space<vmem>> -> memref<1x800x64xf32, #tpu.memory_space<vmem>>
        %parallel_loop3A_473 = tpu.memref_squeeze %parallel_loop3A_472 : memref<1x800x64xf32, #tpu.memory_space<vmem>> -> memref<800x64xf32, #tpu.memory_space<vmem>>
        tpu.vector_store_idx %parallel_loop3A_473[%parallel_loop3A_406, %parallel_loop3A_468], %parallel_loop3A_430 : memref<800x64xf32, #tpu.memory_space<vmem>>[vector<16xi32>, vector<16xi32>], vector<16xf32>,
        %parallel_loop3A_474 = arith.constant 55 : i32
        %parallel_loop3A_475 = vector.broadcast %parallel_loop3A_474 : i32 to vector<16xi32>
        %parallel_loop3A_476 = arith.constant 1 : i32
        %parallel_loop3A_477 = arith.constant 0 : i32
        %parallel_loop3A_478 = arith.constant 0 : i32
        %parallel_loop3A_479 = tpu.memref_slice %arg12[%parallel_loop3A_476, %parallel_loop3A_477, %parallel_loop3A_478] : memref<2x800x64xf32, #tpu.memory_space<vmem>> -> memref<1x800x64xf32, #tpu.memory_space<vmem>>
        %parallel_loop3A_480 = tpu.memref_squeeze %parallel_loop3A_479 : memref<1x800x64xf32, #tpu.memory_space<vmem>> -> memref<800x64xf32, #tpu.memory_space<vmem>>
        tpu.vector_store_idx %parallel_loop3A_480[%parallel_loop3A_406, %parallel_loop3A_475], %parallel_loop3A_450 : memref<800x64xf32, #tpu.memory_space<vmem>>[vector<16xi32>, vector<16xi32>], vector<16xf32>,
        %parallel_loop3A_481 = arith.constant 51 : i32
        %parallel_loop3A_482 = vector.broadcast %parallel_loop3A_481 : i32 to vector<16xi32>
        %parallel_loop3A_483 = arith.constant 1 : i32
        %parallel_loop3A_484 = arith.constant 0 : i32
        %parallel_loop3A_485 = arith.constant 0 : i32
        %parallel_loop3A_486 = tpu.memref_slice %arg12[%parallel_loop3A_483, %parallel_loop3A_484, %parallel_loop3A_485] : memref<2x800x64xf32, #tpu.memory_space<vmem>> -> memref<1x800x64xf32, #tpu.memory_space<vmem>>
        %parallel_loop3A_487 = tpu.memref_squeeze %parallel_loop3A_486 : memref<1x800x64xf32, #tpu.memory_space<vmem>> -> memref<800x64xf32, #tpu.memory_space<vmem>>
        tpu.vector_store_idx %parallel_loop3A_487[%parallel_loop3A_406, %parallel_loop3A_482], %parallel_loop3A_434 : memref<800x64xf32, #tpu.memory_space<vmem>>[vector<16xi32>, vector<16xi32>], vector<16xf32>,
        %parallel_loop3A_488 = arith.constant 56 : i32
        %parallel_loop3A_489 = vector.broadcast %parallel_loop3A_488 : i32 to vector<16xi32>
        %parallel_loop3A_490 = arith.constant 1 : i32
        %parallel_loop3A_491 = arith.constant 0 : i32
        %parallel_loop3A_492 = arith.constant 0 : i32
        %parallel_loop3A_493 = tpu.memref_slice %arg12[%parallel_loop3A_490, %parallel_loop3A_491, %parallel_loop3A_492] : memref<2x800x64xf32, #tpu.memory_space<vmem>> -> memref<1x800x64xf32, #tpu.memory_space<vmem>>
        %parallel_loop3A_494 = tpu.memref_squeeze %parallel_loop3A_493 : memref<1x800x64xf32, #tpu.memory_space<vmem>> -> memref<800x64xf32, #tpu.memory_space<vmem>>
        tpu.vector_store_idx %parallel_loop3A_494[%parallel_loop3A_406, %parallel_loop3A_489], %parallel_loop3A_454 : memref<800x64xf32, #tpu.memory_space<vmem>>[vector<16xi32>, vector<16xi32>], vector<16xf32>,
        %parallel_loop3A_495 = arith.constant 52 : i32
        %parallel_loop3A_496 = vector.broadcast %parallel_loop3A_495 : i32 to vector<16xi32>
        %parallel_loop3A_497 = arith.constant 1 : i32
        %parallel_loop3A_498 = arith.constant 0 : i32
        %parallel_loop3A_499 = arith.constant 0 : i32
        %parallel_loop3A_500 = tpu.memref_slice %arg12[%parallel_loop3A_497, %parallel_loop3A_498, %parallel_loop3A_499] : memref<2x800x64xf32, #tpu.memory_space<vmem>> -> memref<1x800x64xf32, #tpu.memory_space<vmem>>
        %parallel_loop3A_501 = tpu.memref_squeeze %parallel_loop3A_500 : memref<1x800x64xf32, #tpu.memory_space<vmem>> -> memref<800x64xf32, #tpu.memory_space<vmem>>
        tpu.vector_store_idx %parallel_loop3A_501[%parallel_loop3A_406, %parallel_loop3A_496], %parallel_loop3A_438 : memref<800x64xf32, #tpu.memory_space<vmem>>[vector<16xi32>, vector<16xi32>], vector<16xf32>,
        %parallel_loop3A_502 = arith.constant 57 : i32
        %parallel_loop3A_503 = vector.broadcast %parallel_loop3A_502 : i32 to vector<16xi32>
        %parallel_loop3A_504 = arith.constant 1 : i32
        %parallel_loop3A_505 = arith.constant 0 : i32
        %parallel_loop3A_506 = arith.constant 0 : i32
        %parallel_loop3A_507 = tpu.memref_slice %arg12[%parallel_loop3A_504, %parallel_loop3A_505, %parallel_loop3A_506] : memref<2x800x64xf32, #tpu.memory_space<vmem>> -> memref<1x800x64xf32, #tpu.memory_space<vmem>>
        %parallel_loop3A_508 = tpu.memref_squeeze %parallel_loop3A_507 : memref<1x800x64xf32, #tpu.memory_space<vmem>> -> memref<800x64xf32, #tpu.memory_space<vmem>>
        tpu.vector_store_idx %parallel_loop3A_508[%parallel_loop3A_406, %parallel_loop3A_503], %parallel_loop3A_458 : memref<800x64xf32, #tpu.memory_space<vmem>>[vector<16xi32>, vector<16xi32>], vector<16xf32>,
        %parallel_loop3A_509 = arith.constant 53 : i32
        %parallel_loop3A_510 = vector.broadcast %parallel_loop3A_509 : i32 to vector<16xi32>
        %parallel_loop3A_511 = arith.constant 1 : i32
        %parallel_loop3A_512 = arith.constant 0 : i32
        %parallel_loop3A_513 = arith.constant 0 : i32
        %parallel_loop3A_514 = tpu.memref_slice %arg12[%parallel_loop3A_511, %parallel_loop3A_512, %parallel_loop3A_513] : memref<2x800x64xf32, #tpu.memory_space<vmem>> -> memref<1x800x64xf32, #tpu.memory_space<vmem>>
        %parallel_loop3A_515 = tpu.memref_squeeze %parallel_loop3A_514 : memref<1x800x64xf32, #tpu.memory_space<vmem>> -> memref<800x64xf32, #tpu.memory_space<vmem>>
        tpu.vector_store_idx %parallel_loop3A_515[%parallel_loop3A_406, %parallel_loop3A_510], %parallel_loop3A_442 : memref<800x64xf32, #tpu.memory_space<vmem>>[vector<16xi32>, vector<16xi32>], vector<16xf32>,
        %parallel_loop3A_516 = arith.constant 58 : i32
        %parallel_loop3A_517 = vector.broadcast %parallel_loop3A_516 : i32 to vector<16xi32>
        %parallel_loop3A_518 = arith.constant 1 : i32
        %parallel_loop3A_519 = arith.constant 0 : i32
        %parallel_loop3A_520 = arith.constant 0 : i32
        %parallel_loop3A_521 = tpu.memref_slice %arg12[%parallel_loop3A_518, %parallel_loop3A_519, %parallel_loop3A_520] : memref<2x800x64xf32, #tpu.memory_space<vmem>> -> memref<1x800x64xf32, #tpu.memory_space<vmem>>
        %parallel_loop3A_522 = tpu.memref_squeeze %parallel_loop3A_521 : memref<1x800x64xf32, #tpu.memory_space<vmem>> -> memref<800x64xf32, #tpu.memory_space<vmem>>
        tpu.vector_store_idx %parallel_loop3A_522[%parallel_loop3A_406, %parallel_loop3A_517], %parallel_loop3A_462 : memref<800x64xf32, #tpu.memory_space<vmem>>[vector<16xi32>, vector<16xi32>], vector<16xf32>,
        %parallel_loop3A_523 = arith.constant 54 : i32
        %parallel_loop3A_524 = vector.broadcast %parallel_loop3A_523 : i32 to vector<16xi32>
        %parallel_loop3A_525 = arith.constant 1 : i32
        %parallel_loop3A_526 = arith.constant 0 : i32
        %parallel_loop3A_527 = arith.constant 0 : i32
        %parallel_loop3A_528 = tpu.memref_slice %arg12[%parallel_loop3A_525, %parallel_loop3A_526, %parallel_loop3A_527] : memref<2x800x64xf32, #tpu.memory_space<vmem>> -> memref<1x800x64xf32, #tpu.memory_space<vmem>>
        %parallel_loop3A_529 = tpu.memref_squeeze %parallel_loop3A_528 : memref<1x800x64xf32, #tpu.memory_space<vmem>> -> memref<800x64xf32, #tpu.memory_space<vmem>>
        tpu.vector_store_idx %parallel_loop3A_529[%parallel_loop3A_406, %parallel_loop3A_524], %parallel_loop3A_446 : memref<800x64xf32, #tpu.memory_space<vmem>>[vector<16xi32>, vector<16xi32>], vector<16xf32>,
        %parallel_loop3A_530 = arith.constant 59 : i32
        %parallel_loop3A_531 = vector.broadcast %parallel_loop3A_530 : i32 to vector<16xi32>
        %parallel_loop3A_532 = arith.constant 1 : i32
        %parallel_loop3A_533 = arith.constant 0 : i32
        %parallel_loop3A_534 = arith.constant 0 : i32
        %parallel_loop3A_535 = tpu.memref_slice %arg12[%parallel_loop3A_532, %parallel_loop3A_533, %parallel_loop3A_534] : memref<2x800x64xf32, #tpu.memory_space<vmem>> -> memref<1x800x64xf32, #tpu.memory_space<vmem>>
        %parallel_loop3A_536 = tpu.memref_squeeze %parallel_loop3A_535 : memref<1x800x64xf32, #tpu.memory_space<vmem>> -> memref<800x64xf32, #tpu.memory_space<vmem>>
        tpu.vector_store_idx %parallel_loop3A_536[%parallel_loop3A_406, %parallel_loop3A_531], %parallel_loop3A_466 : memref<800x64xf32, #tpu.memory_space<vmem>>[vector<16xi32>, vector<16xi32>], vector<16xf32>,
      } {sc.loop_unroll_factor = 2 : i64, sc.parallel_access}
      %parallel_loop3A_368 = arith.constant 0 : i32
      %parallel_loop3A_369 = arith.constant 13 : i32
      %parallel_loop3A_370 = arith.constant 1 : i32
      scf.for %parallel_loop3A_397 = %parallel_loop3A_368 to %parallel_loop3A_369 step %parallel_loop3A_370  : i32 {
        %parallel_loop3A_398 = arith.constant 16 : i32
        %parallel_loop3A_399 = arith.muli %parallel_loop3A_397, %parallel_loop3A_398 : i32
        %parallel_loop3A_400 = arith.constant 184 : i32
        %parallel_loop3A_401 = arith.minsi %parallel_loop3A_399, %parallel_loop3A_400 : i32
        %parallel_loop3A_402 = tpu.iota {dimensions = array<i32: 0>} : vector<16xi32>
        %parallel_loop3A_403 = arith.constant 600 : i32
        %parallel_loop3A_404 = arith.addi %parallel_loop3A_403, %parallel_loop3A_401 : i32
        %parallel_loop3A_405 = vector.broadcast %parallel_loop3A_404 : i32 to vector<16xi32>
        %parallel_loop3A_406 = arith.addi %parallel_loop3A_402, %parallel_loop3A_405 : vector<16xi32>
        %parallel_loop3A_407 = arith.constant 1 : i32
        %parallel_loop3A_408 = arith.constant 3 : i32
        %parallel_loop3A_409 = arith.constant 0 : i32
        %parallel_loop3A_410 = tpu.memref_slice %arg10[%parallel_loop3A_407, %parallel_loop3A_408, %parallel_loop3A_409] : memref<2x4x200xi32, #tpu.memory_space<vmem>> -> memref<1x1x200xi32, #tpu.memory_space<vmem>>
        %parallel_loop3A_411 = tpu.memref_squeeze %parallel_loop3A_410 : memref<1x1x200xi32, #tpu.memory_space<vmem>> -> memref<200xi32, #tpu.memory_space<vmem>>
        %parallel_loop3A_412 = arith.index_cast %parallel_loop3A_401 : i32 to index
        %parallel_loop3A_413 = tpu.vector_load %parallel_loop3A_411[%parallel_loop3A_412] {strides = array<i32>} : memref<200xi32, #tpu.memory_space<vmem>>, vector<16xi32>,
        %parallel_loop3A_414 = arith.constant 5 : i32
        %parallel_loop3A_415 = vector.broadcast %parallel_loop3A_414 : i32 to vector<16xi32>
        %parallel_loop3A_416 = arith.muli %parallel_loop3A_413, %parallel_loop3A_415 : vector<16xi32>
        %parallel_loop3A_417 = arith.constant 1 : i32
        %parallel_loop3A_418 = arith.constant 3 : i32
        %parallel_loop3A_419 = arith.constant 0 : i32
        %parallel_loop3A_420 = tpu.memref_slice %arg11[%parallel_loop3A_417, %parallel_loop3A_418, %parallel_loop3A_419] : memref<2x4x200xi32, #tpu.memory_space<vmem>> -> memref<1x1x200xi32, #tpu.memory_space<vmem>>
        %parallel_loop3A_421 = tpu.memref_squeeze %parallel_loop3A_420 : memref<1x1x200xi32, #tpu.memory_space<vmem>> -> memref<200xi32, #tpu.memory_space<vmem>>
        %parallel_loop3A_422 = arith.index_cast %parallel_loop3A_401 : i32 to index
        %parallel_loop3A_423 = tpu.vector_load %parallel_loop3A_421[%parallel_loop3A_422] {strides = array<i32>} : memref<200xi32, #tpu.memory_space<vmem>>, vector<16xi32>,
        %parallel_loop3A_424 = arith.constant 5 : i32
        %parallel_loop3A_425 = vector.broadcast %parallel_loop3A_424 : i32 to vector<16xi32>
        %parallel_loop3A_426 = arith.muli %parallel_loop3A_423, %parallel_loop3A_425 : vector<16xi32>
        %parallel_loop3A_427 = arith.constant 0 : i32
        %parallel_loop3A_428 = vector.broadcast %parallel_loop3A_427 : i32 to vector<16xi32>
        %parallel_loop3A_429 = arith.addi %parallel_loop3A_416, %parallel_loop3A_428 : vector<16xi32>
        %parallel_loop3A_430 = tpu.vector_load_idx %arg13[%parallel_loop3A_429] : memref<2000xf32, #tpu.memory_space<vmem>>[vector<16xi32>], vector<16xf32>,
        %parallel_loop3A_431 = arith.constant 1 : i32
        %parallel_loop3A_432 = vector.broadcast %parallel_loop3A_431 : i32 to vector<16xi32>
        %parallel_loop3A_433 = arith.addi %parallel_loop3A_416, %parallel_loop3A_432 : vector<16xi32>
        %parallel_loop3A_434 = tpu.vector_load_idx %arg13[%parallel_loop3A_433] : memref<2000xf32, #tpu.memory_space<vmem>>[vector<16xi32>], vector<16xf32>,
        %parallel_loop3A_435 = arith.constant 2 : i32
        %parallel_loop3A_436 = vector.broadcast %parallel_loop3A_435 : i32 to vector<16xi32>
        %parallel_loop3A_437 = arith.addi %parallel_loop3A_416, %parallel_loop3A_436 : vector<16xi32>
        %parallel_loop3A_438 = tpu.vector_load_idx %arg13[%parallel_loop3A_437] : memref<2000xf32, #tpu.memory_space<vmem>>[vector<16xi32>], vector<16xf32>,
        %parallel_loop3A_439 = arith.constant 3 : i32
        %parallel_loop3A_440 = vector.broadcast %parallel_loop3A_439 : i32 to vector<16xi32>
        %parallel_loop3A_441 = arith.addi %parallel_loop3A_416, %parallel_loop3A_440 : vector<16xi32>
        %parallel_loop3A_442 = tpu.vector_load_idx %arg13[%parallel_loop3A_441] : memref<2000xf32, #tpu.memory_space<vmem>>[vector<16xi32>], vector<16xf32>,
        %parallel_loop3A_443 = arith.constant 4 : i32
        %parallel_loop3A_444 = vector.broadcast %parallel_loop3A_443 : i32 to vector<16xi32>
        %parallel_loop3A_445 = arith.addi %parallel_loop3A_416, %parallel_loop3A_444 : vector<16xi32>
        %parallel_loop3A_446 = tpu.vector_load_idx %arg13[%parallel_loop3A_445] : memref<2000xf32, #tpu.memory_space<vmem>>[vector<16xi32>], vector<16xf32>,
        %parallel_loop3A_447 = arith.constant 0 : i32
        %parallel_loop3A_448 = vector.broadcast %parallel_loop3A_447 : i32 to vector<16xi32>
        %parallel_loop3A_449 = arith.addi %parallel_loop3A_426, %parallel_loop3A_448 : vector<16xi32>
        %parallel_loop3A_450 = tpu.vector_load_idx %arg14[%parallel_loop3A_449] : memref<2000xf32, #tpu.memory_space<vmem>>[vector<16xi32>], vector<16xf32>,
        %parallel_loop3A_451 = arith.constant 1 : i32
        %parallel_loop3A_452 = vector.broadcast %parallel_loop3A_451 : i32 to vector<16xi32>
        %parallel_loop3A_453 = arith.addi %parallel_loop3A_426, %parallel_loop3A_452 : vector<16xi32>
        %parallel_loop3A_454 = tpu.vector_load_idx %arg14[%parallel_loop3A_453] : memref<2000xf32, #tpu.memory_space<vmem>>[vector<16xi32>], vector<16xf32>,
        %parallel_loop3A_455 = arith.constant 2 : i32
        %parallel_loop3A_456 = vector.broadcast %parallel_loop3A_455 : i32 to vector<16xi32>
        %parallel_loop3A_457 = arith.addi %parallel_loop3A_426, %parallel_loop3A_456 : vector<16xi32>
        %parallel_loop3A_458 = tpu.vector_load_idx %arg14[%parallel_loop3A_457] : memref<2000xf32, #tpu.memory_space<vmem>>[vector<16xi32>], vector<16xf32>,
        %parallel_loop3A_459 = arith.constant 3 : i32
        %parallel_loop3A_460 = vector.broadcast %parallel_loop3A_459 : i32 to vector<16xi32>
        %parallel_loop3A_461 = arith.addi %parallel_loop3A_426, %parallel_loop3A_460 : vector<16xi32>
        %parallel_loop3A_462 = tpu.vector_load_idx %arg14[%parallel_loop3A_461] : memref<2000xf32, #tpu.memory_space<vmem>>[vector<16xi32>], vector<16xf32>,
        %parallel_loop3A_463 = arith.constant 4 : i32
        %parallel_loop3A_464 = vector.broadcast %parallel_loop3A_463 : i32 to vector<16xi32>
        %parallel_loop3A_465 = arith.addi %parallel_loop3A_426, %parallel_loop3A_464 : vector<16xi32>
        %parallel_loop3A_466 = tpu.vector_load_idx %arg14[%parallel_loop3A_465] : memref<2000xf32, #tpu.memory_space<vmem>>[vector<16xi32>], vector<16xf32>,
        %parallel_loop3A_467 = arith.constant 50 : i32
        %parallel_loop3A_468 = vector.broadcast %parallel_loop3A_467 : i32 to vector<16xi32>
        %parallel_loop3A_469 = arith.constant 1 : i32
        %parallel_loop3A_470 = arith.constant 0 : i32
        %parallel_loop3A_471 = arith.constant 0 : i32
        %parallel_loop3A_472 = tpu.memref_slice %arg12[%parallel_loop3A_469, %parallel_loop3A_470, %parallel_loop3A_471] : memref<2x800x64xf32, #tpu.memory_space<vmem>> -> memref<1x800x64xf32, #tpu.memory_space<vmem>>
        %parallel_loop3A_473 = tpu.memref_squeeze %parallel_loop3A_472 : memref<1x800x64xf32, #tpu.memory_space<vmem>> -> memref<800x64xf32, #tpu.memory_space<vmem>>
        tpu.vector_store_idx %parallel_loop3A_473[%parallel_loop3A_406, %parallel_loop3A_468], %parallel_loop3A_430 : memref<800x64xf32, #tpu.memory_space<vmem>>[vector<16xi32>, vector<16xi32>], vector<16xf32>,
        %parallel_loop3A_474 = arith.constant 55 : i32
        %parallel_loop3A_475 = vector.broadcast %parallel_loop3A_474 : i32 to vector<16xi32>
        %parallel_loop3A_476 = arith.constant 1 : i32
        %parallel_loop3A_477 = arith.constant 0 : i32
        %parallel_loop3A_478 = arith.constant 0 : i32
        %parallel_loop3A_479 = tpu.memref_slice %arg12[%parallel_loop3A_476, %parallel_loop3A_477, %parallel_loop3A_478] : memref<2x800x64xf32, #tpu.memory_space<vmem>> -> memref<1x800x64xf32, #tpu.memory_space<vmem>>
        %parallel_loop3A_480 = tpu.memref_squeeze %parallel_loop3A_479 : memref<1x800x64xf32, #tpu.memory_space<vmem>> -> memref<800x64xf32, #tpu.memory_space<vmem>>
        tpu.vector_store_idx %parallel_loop3A_480[%parallel_loop3A_406, %parallel_loop3A_475], %parallel_loop3A_450 : memref<800x64xf32, #tpu.memory_space<vmem>>[vector<16xi32>, vector<16xi32>], vector<16xf32>,
        %parallel_loop3A_481 = arith.constant 51 : i32
        %parallel_loop3A_482 = vector.broadcast %parallel_loop3A_481 : i32 to vector<16xi32>
        %parallel_loop3A_483 = arith.constant 1 : i32
        %parallel_loop3A_484 = arith.constant 0 : i32
        %parallel_loop3A_485 = arith.constant 0 : i32
        %parallel_loop3A_486 = tpu.memref_slice %arg12[%parallel_loop3A_483, %parallel_loop3A_484, %parallel_loop3A_485] : memref<2x800x64xf32, #tpu.memory_space<vmem>> -> memref<1x800x64xf32, #tpu.memory_space<vmem>>
        %parallel_loop3A_487 = tpu.memref_squeeze %parallel_loop3A_486 : memref<1x800x64xf32, #tpu.memory_space<vmem>> -> memref<800x64xf32, #tpu.memory_space<vmem>>
        tpu.vector_store_idx %parallel_loop3A_487[%parallel_loop3A_406, %parallel_loop3A_482], %parallel_loop3A_434 : memref<800x64xf32, #tpu.memory_space<vmem>>[vector<16xi32>, vector<16xi32>], vector<16xf32>,
        %parallel_loop3A_488 = arith.constant 56 : i32
        %parallel_loop3A_489 = vector.broadcast %parallel_loop3A_488 : i32 to vector<16xi32>
        %parallel_loop3A_490 = arith.constant 1 : i32
        %parallel_loop3A_491 = arith.constant 0 : i32
        %parallel_loop3A_492 = arith.constant 0 : i32
        %parallel_loop3A_493 = tpu.memref_slice %arg12[%parallel_loop3A_490, %parallel_loop3A_491, %parallel_loop3A_492] : memref<2x800x64xf32, #tpu.memory_space<vmem>> -> memref<1x800x64xf32, #tpu.memory_space<vmem>>
        %parallel_loop3A_494 = tpu.memref_squeeze %parallel_loop3A_493 : memref<1x800x64xf32, #tpu.memory_space<vmem>> -> memref<800x64xf32, #tpu.memory_space<vmem>>
        tpu.vector_store_idx %parallel_loop3A_494[%parallel_loop3A_406, %parallel_loop3A_489], %parallel_loop3A_454 : memref<800x64xf32, #tpu.memory_space<vmem>>[vector<16xi32>, vector<16xi32>], vector<16xf32>,
        %parallel_loop3A_495 = arith.constant 52 : i32
        %parallel_loop3A_496 = vector.broadcast %parallel_loop3A_495 : i32 to vector<16xi32>
        %parallel_loop3A_497 = arith.constant 1 : i32
        %parallel_loop3A_498 = arith.constant 0 : i32
        %parallel_loop3A_499 = arith.constant 0 : i32
        %parallel_loop3A_500 = tpu.memref_slice %arg12[%parallel_loop3A_497, %parallel_loop3A_498, %parallel_loop3A_499] : memref<2x800x64xf32, #tpu.memory_space<vmem>> -> memref<1x800x64xf32, #tpu.memory_space<vmem>>
        %parallel_loop3A_501 = tpu.memref_squeeze %parallel_loop3A_500 : memref<1x800x64xf32, #tpu.memory_space<vmem>> -> memref<800x64xf32, #tpu.memory_space<vmem>>
        tpu.vector_store_idx %parallel_loop3A_501[%parallel_loop3A_406, %parallel_loop3A_496], %parallel_loop3A_438 : memref<800x64xf32, #tpu.memory_space<vmem>>[vector<16xi32>, vector<16xi32>], vector<16xf32>,
        %parallel_loop3A_502 = arith.constant 57 : i32
        %parallel_loop3A_503 = vector.broadcast %parallel_loop3A_502 : i32 to vector<16xi32>
        %parallel_loop3A_504 = arith.constant 1 : i32
        %parallel_loop3A_505 = arith.constant 0 : i32
        %parallel_loop3A_506 = arith.constant 0 : i32
        %parallel_loop3A_507 = tpu.memref_slice %arg12[%parallel_loop3A_504, %parallel_loop3A_505, %parallel_loop3A_506] : memref<2x800x64xf32, #tpu.memory_space<vmem>> -> memref<1x800x64xf32, #tpu.memory_space<vmem>>
        %parallel_loop3A_508 = tpu.memref_squeeze %parallel_loop3A_507 : memref<1x800x64xf32, #tpu.memory_space<vmem>> -> memref<800x64xf32, #tpu.memory_space<vmem>>
        tpu.vector_store_idx %parallel_loop3A_508[%parallel_loop3A_406, %parallel_loop3A_503], %parallel_loop3A_458 : memref<800x64xf32, #tpu.memory_space<vmem>>[vector<16xi32>, vector<16xi32>], vector<16xf32>,
        %parallel_loop3A_509 = arith.constant 53 : i32
        %parallel_loop3A_510 = vector.broadcast %parallel_loop3A_509 : i32 to vector<16xi32>
        %parallel_loop3A_511 = arith.constant 1 : i32
        %parallel_loop3A_512 = arith.constant 0 : i32
        %parallel_loop3A_513 = arith.constant 0 : i32
        %parallel_loop3A_514 = tpu.memref_slice %arg12[%parallel_loop3A_511, %parallel_loop3A_512, %parallel_loop3A_513] : memref<2x800x64xf32, #tpu.memory_space<vmem>> -> memref<1x800x64xf32, #tpu.memory_space<vmem>>
        %parallel_loop3A_515 = tpu.memref_squeeze %parallel_loop3A_514 : memref<1x800x64xf32, #tpu.memory_space<vmem>> -> memref<800x64xf32, #tpu.memory_space<vmem>>
        tpu.vector_store_idx %parallel_loop3A_515[%parallel_loop3A_406, %parallel_loop3A_510], %parallel_loop3A_442 : memref<800x64xf32, #tpu.memory_space<vmem>>[vector<16xi32>, vector<16xi32>], vector<16xf32>,
        %parallel_loop3A_516 = arith.constant 58 : i32
        %parallel_loop3A_517 = vector.broadcast %parallel_loop3A_516 : i32 to vector<16xi32>
        %parallel_loop3A_518 = arith.constant 1 : i32
        %parallel_loop3A_519 = arith.constant 0 : i32
        %parallel_loop3A_520 = arith.constant 0 : i32
        %parallel_loop3A_521 = tpu.memref_slice %arg12[%parallel_loop3A_518, %parallel_loop3A_519, %parallel_loop3A_520] : memref<2x800x64xf32, #tpu.memory_space<vmem>> -> memref<1x800x64xf32, #tpu.memory_space<vmem>>
        %parallel_loop3A_522 = tpu.memref_squeeze %parallel_loop3A_521 : memref<1x800x64xf32, #tpu.memory_space<vmem>> -> memref<800x64xf32, #tpu.memory_space<vmem>>
        tpu.vector_store_idx %parallel_loop3A_522[%parallel_loop3A_406, %parallel_loop3A_517], %parallel_loop3A_462 : memref<800x64xf32, #tpu.memory_space<vmem>>[vector<16xi32>, vector<16xi32>], vector<16xf32>,
        %parallel_loop3A_523 = arith.constant 54 : i32
        %parallel_loop3A_524 = vector.broadcast %parallel_loop3A_523 : i32 to vector<16xi32>
        %parallel_loop3A_525 = arith.constant 1 : i32
        %parallel_loop3A_526 = arith.constant 0 : i32
        %parallel_loop3A_527 = arith.constant 0 : i32
        %parallel_loop3A_528 = tpu.memref_slice %arg12[%parallel_loop3A_525, %parallel_loop3A_526, %parallel_loop3A_527] : memref<2x800x64xf32, #tpu.memory_space<vmem>> -> memref<1x800x64xf32, #tpu.memory_space<vmem>>
        %parallel_loop3A_529 = tpu.memref_squeeze %parallel_loop3A_528 : memref<1x800x64xf32, #tpu.memory_space<vmem>> -> memref<800x64xf32, #tpu.memory_space<vmem>>
        tpu.vector_store_idx %parallel_loop3A_529[%parallel_loop3A_406, %parallel_loop3A_524], %parallel_loop3A_446 : memref<800x64xf32, #tpu.memory_space<vmem>>[vector<16xi32>, vector<16xi32>], vector<16xf32>,
        %parallel_loop3A_530 = arith.constant 59 : i32
        %parallel_loop3A_531 = vector.broadcast %parallel_loop3A_530 : i32 to vector<16xi32>
        %parallel_loop3A_532 = arith.constant 1 : i32
        %parallel_loop3A_533 = arith.constant 0 : i32
        %parallel_loop3A_534 = arith.constant 0 : i32
        %parallel_loop3A_535 = tpu.memref_slice %arg12[%parallel_loop3A_532, %parallel_loop3A_533, %parallel_loop3A_534] : memref<2x800x64xf32, #tpu.memory_space<vmem>> -> memref<1x800x64xf32, #tpu.memory_space<vmem>>
        %parallel_loop3A_536 = tpu.memref_squeeze %parallel_loop3A_535 : memref<1x800x64xf32, #tpu.memory_space<vmem>> -> memref<800x64xf32, #tpu.memory_space<vmem>>
        tpu.vector_store_idx %parallel_loop3A_536[%parallel_loop3A_406, %parallel_loop3A_531], %parallel_loop3A_466 : memref<800x64xf32, #tpu.memory_space<vmem>>[vector<16xi32>, vector<16xi32>], vector<16xf32>,
      } {sc.loop_unroll_factor = 2 : i64, sc.parallel_access}
      %mul3A_371 = arith.constant 4 : i32
      %mul3A_372 = arith.muli %add3A_326, %mul3A_371 : i32
      %add3A_373 = arith.addi %mul3A_2, %mul3A_372 : i32
      %mul3A_374 = arith.constant 200 : i32
      %mul3A_375 = arith.muli %add3A_373, %mul3A_374 : i32
      %multiple_of3A_376 = tpu.assume_multiple %mul3A_375, 8 : i32
      %dma_start3A_377 = arith.constant 1 : i32
      %dma_start3A_378 = arith.constant 0 : i32
      %dma_start3A_379 = arith.constant 0 : i32
      %dma_start3A_380 = tpu.memref_slice %arg12[%dma_start3A_377, %dma_start3A_378, %dma_start3A_379] : memref<2x800x64xf32, #tpu.memory_space<vmem>> -> memref<1x800x64xf32, #tpu.memory_space<vmem>>
      %dma_start3A_381 = tpu.memref_squeeze %dma_start3A_380 : memref<1x800x64xf32, #tpu.memory_space<vmem>> -> memref<800x64xf32, #tpu.memory_space<vmem>>
      %dma_start3A_382 = arith.constant 0 : i32
      %dma_start3A_383 = tpu.memref_slice %arg8[%multiple_of3A_376, %dma_start3A_382] : memref<819200x64xf32, #tpu.memory_space<hbm>> -> memref<800x64xf32, #tpu.memory_space<hbm>>
      %dma_start3A_384 = arith.constant 0 : i32
      %dma_start3A_385 = tpu.memref_slice %arg8[%multiple_of3A_376, %dma_start3A_384] : memref<819200x64xf32, #tpu.memory_space<hbm>> -> memref<800x64xf32, #tpu.memory_space<hbm>>
      %dma_start3A_386 = arith.constant 0 : i32
      %dma_start3A_387 = arith.constant 0 : i32
      %dma_start3A_388 = tpu.memref_slice %arg12[%dma_start3A_377, %dma_start3A_386, %dma_start3A_387] : memref<2x800x64xf32, #tpu.memory_space<vmem>> -> memref<1x800x64xf32, #tpu.memory_space<vmem>>
      %dma_start3A_389 = tpu.memref_squeeze %dma_start3A_388 : memref<1x800x64xf32, #tpu.memory_space<vmem>> -> memref<800x64xf32, #tpu.memory_space<vmem>>
      tpu.enqueue_dma source(%dma_start3A_389 : memref<800x64xf32, #tpu.memory_space<vmem>>) target(%dma_start3A_385 : memref<800x64xf32, #tpu.memory_space<hbm>>) target_semaphore(%arg20 : memref<!tpu.dma_semaphore, #tpu.memory_space<semaphore_mem>>)
      %add3A_390 = arith.constant 2 : i32
      %add3A_391 = arith.addi %add3A_326, %add3A_390 : i32
      %lt3A_392 = arith.constant 32 : i32
      %lt3A_393 = arith.cmpi slt, %add3A_391, %lt3A_392 : i32
      %convert_element_type3A_394 = arith.extui %lt3A_393 : i1 to i32
      %cond3A_395 = arith.constant 0 : i32
      %cond3A_396 = arith.cmpi ne, %convert_element_type3A_394, %cond3A_395 : i32
      scf.if %cond3A_396 {
        %add3A_397 = arith.constant 2 : i32
        %add3A_398 = arith.addi %add3A_326, %add3A_397 : i32
        %mul3A_399 = arith.constant 4 : i32
        %mul3A_400 = arith.muli %add3A_398, %mul3A_399 : i32
        %add3A_401 = arith.addi %mul3A_2, %mul3A_400 : i32
        %dma_start3A_402 = arith.constant 1 : i32
        %dma_start3A_403 = arith.constant 0 : i32
        %dma_start3A_404 = arith.constant 0 : i32
        %dma_start3A_405 = tpu.memref_slice %arg9[%dma_start3A_402, %dma_start3A_403, %dma_start3A_404] : memref<2x4x200xi32, #tpu.memory_space<vmem>> -> memref<1x4x200xi32, #tpu.memory_space<vmem>>
        %dma_start3A_406 = tpu.memref_squeeze %dma_start3A_405 : memref<1x4x200xi32, #tpu.memory_space<vmem>> -> memref<4x200xi32, #tpu.memory_space<vmem>>
        %dma_start3A_407 = arith.constant 0 : i32
        %dma_start3A_408 = tpu.memref_slice %arg2[%add3A_401, %dma_start3A_407] : memref<4096x200xi32, #tpu.memory_space<hbm>> -> memref<4x200xi32, #tpu.memory_space<hbm>>
        %dma_start3A_409 = arith.constant 0 : i32
        %dma_start3A_410 = arith.constant 0 : i32
        %dma_start3A_411 = tpu.memref_slice %arg9[%dma_start3A_402, %dma_start3A_409, %dma_start3A_410] : memref<2x4x200xi32, #tpu.memory_space<vmem>> -> memref<1x4x200xi32, #tpu.memory_space<vmem>>
        %dma_start3A_412 = tpu.memref_squeeze %dma_start3A_411 : memref<1x4x200xi32, #tpu.memory_space<vmem>> -> memref<4x200xi32, #tpu.memory_space<vmem>>
        %dma_start3A_413 = arith.constant 0 : i32
        %dma_start3A_414 = tpu.memref_slice %arg2[%add3A_401, %dma_start3A_413] : memref<4096x200xi32, #tpu.memory_space<hbm>> -> memref<4x200xi32, #tpu.memory_space<hbm>>
        tpu.enqueue_dma source(%dma_start3A_414 : memref<4x200xi32, #tpu.memory_space<hbm>>) target(%dma_start3A_412 : memref<4x200xi32, #tpu.memory_space<vmem>>) target_semaphore(%arg16 : memref<!tpu.dma_semaphore, #tpu.memory_space<semaphore_mem>>)
        %dma_start3A_415 = arith.constant 1 : i32
        %dma_start3A_416 = arith.constant 0 : i32
        %dma_start3A_417 = arith.constant 0 : i32
        %dma_start3A_418 = tpu.memref_slice %arg10[%dma_start3A_415, %dma_start3A_416, %dma_start3A_417] : memref<2x4x200xi32, #tpu.memory_space<vmem>> -> memref<1x4x200xi32, #tpu.memory_space<vmem>>
        %dma_start3A_419 = tpu.memref_squeeze %dma_start3A_418 : memref<1x4x200xi32, #tpu.memory_space<vmem>> -> memref<4x200xi32, #tpu.memory_space<vmem>>
        %dma_start3A_420 = arith.constant 0 : i32
        %dma_start3A_421 = tpu.memref_slice %arg3[%add3A_401, %dma_start3A_420] : memref<4096x200xi32, #tpu.memory_space<hbm>> -> memref<4x200xi32, #tpu.memory_space<hbm>>
        %dma_start3A_422 = arith.constant 0 : i32
        %dma_start3A_423 = arith.constant 0 : i32
        %dma_start3A_424 = tpu.memref_slice %arg10[%dma_start3A_415, %dma_start3A_422, %dma_start3A_423] : memref<2x4x200xi32, #tpu.memory_space<vmem>> -> memref<1x4x200xi32, #tpu.memory_space<vmem>>
        %dma_start3A_425 = tpu.memref_squeeze %dma_start3A_424 : memref<1x4x200xi32, #tpu.memory_space<vmem>> -> memref<4x200xi32, #tpu.memory_space<vmem>>
        %dma_start3A_426 = arith.constant 0 : i32
        %dma_start3A_427 = tpu.memref_slice %arg3[%add3A_401, %dma_start3A_426] : memref<4096x200xi32, #tpu.memory_space<hbm>> -> memref<4x200xi32, #tpu.memory_space<hbm>>
        tpu.enqueue_dma source(%dma_start3A_427 : memref<4x200xi32, #tpu.memory_space<hbm>>) target(%dma_start3A_425 : memref<4x200xi32, #tpu.memory_space<vmem>>) target_semaphore(%arg16 : memref<!tpu.dma_semaphore, #tpu.memory_space<semaphore_mem>>)
        %dma_start3A_428 = arith.constant 1 : i32
        %dma_start3A_429 = arith.constant 0 : i32
        %dma_start3A_430 = arith.constant 0 : i32
        %dma_start3A_431 = tpu.memref_slice %arg11[%dma_start3A_428, %dma_start3A_429, %dma_start3A_430] : memref<2x4x200xi32, #tpu.memory_space<vmem>> -> memref<1x4x200xi32, #tpu.memory_space<vmem>>
        %dma_start3A_432 = tpu.memref_squeeze %dma_start3A_431 : memref<1x4x200xi32, #tpu.memory_space<vmem>> -> memref<4x200xi32, #tpu.memory_space<vmem>>
        %dma_start3A_433 = arith.constant 0 : i32
        %dma_start3A_434 = tpu.memref_slice %arg4[%add3A_401, %dma_start3A_433] : memref<4096x200xi32, #tpu.memory_space<hbm>> -> memref<4x200xi32, #tpu.memory_space<hbm>>
        %dma_start3A_435 = arith.constant 0 : i32
        %dma_start3A_436 = arith.constant 0 : i32
        %dma_start3A_437 = tpu.memref_slice %arg11[%dma_start3A_428, %dma_start3A_435, %dma_start3A_436] : memref<2x4x200xi32, #tpu.memory_space<vmem>> -> memref<1x4x200xi32, #tpu.memory_space<vmem>>
        %dma_start3A_438 = tpu.memref_squeeze %dma_start3A_437 : memref<1x4x200xi32, #tpu.memory_space<vmem>> -> memref<4x200xi32, #tpu.memory_space<vmem>>
        %dma_start3A_439 = arith.constant 0 : i32
        %dma_start3A_440 = tpu.memref_slice %arg4[%add3A_401, %dma_start3A_439] : memref<4096x200xi32, #tpu.memory_space<hbm>> -> memref<4x200xi32, #tpu.memory_space<hbm>>
        tpu.enqueue_dma source(%dma_start3A_440 : memref<4x200xi32, #tpu.memory_space<hbm>>) target(%dma_start3A_438 : memref<4x200xi32, #tpu.memory_space<vmem>>) target_semaphore(%arg16 : memref<!tpu.dma_semaphore, #tpu.memory_space<semaphore_mem>>)
      } else {
      }
    }
    %scan3A_235 = arith.constant 16 : i32
    %dma_wait3A_236 = arith.constant 1 : i32
    %dma_wait3A_237 = arith.constant 0 : i32
    %dma_wait3A_238 = arith.constant 0 : i32
    %dma_wait3A_239 = tpu.memref_slice %arg12[%dma_wait3A_236, %dma_wait3A_237, %dma_wait3A_238] : memref<2x800x64xf32, #tpu.memory_space<vmem>> -> memref<1x800x64xf32, #tpu.memory_space<vmem>>
    %dma_wait3A_240 = tpu.memref_squeeze %dma_wait3A_239 : memref<1x800x64xf32, #tpu.memory_space<vmem>> -> memref<800x64xf32, #tpu.memory_space<vmem>>
    %dma_wait3A_241 = arith.constant 0 : i32
    %dma_wait3A_242 = arith.constant 0 : i32
    %dma_wait3A_243 = tpu.memref_slice %arg8[%dma_wait3A_241, %dma_wait3A_242] : memref<819200x64xf32, #tpu.memory_space<hbm>> -> memref<800x64xf32, #tpu.memory_space<hbm>>
    %dma_wait3A_244 = arith.constant 0 : i32
    %dma_wait3A_245 = arith.constant 0 : i32
    %dma_wait3A_246 = tpu.memref_slice %arg8[%dma_wait3A_244, %dma_wait3A_245] : memref<819200x64xf32, #tpu.memory_space<hbm>> -> memref<800x64xf32, #tpu.memory_space<hbm>>
    %dma_wait3A_247 = arith.constant 0 : i32
    %dma_wait3A_248 = arith.constant 0 : i32
    %dma_wait3A_249 = tpu.memref_slice %arg12[%dma_wait3A_236, %dma_wait3A_247, %dma_wait3A_248] : memref<2x800x64xf32, #tpu.memory_space<vmem>> -> memref<1x800x64xf32, #tpu.memory_space<vmem>>
    %dma_wait3A_250 = tpu.memref_squeeze %dma_wait3A_249 : memref<1x800x64xf32, #tpu.memory_space<vmem>> -> memref<800x64xf32, #tpu.memory_space<vmem>>
    tpu.wait_dma2 semaphore(%arg20 : memref<!tpu.dma_semaphore, #tpu.memory_space<semaphore_mem>>) src(%dma_wait3A_250 : memref<800x64xf32, #tpu.memory_space<vmem>>) dst(%dma_wait3A_246 : memref<800x64xf32, #tpu.memory_space<hbm>>)
    return
  }
}

</mosaic_0001>

<sc_bundles>
// kernel: kernel.3.cloned.1.call-start
scs
__scs_entry_jumppad:
0x0: {  	(pc) =	sbr.rel $0x88, $3  }
0x1: {  	(tag) =	ssettag $0x0;
	lr =	simm.s32 $0x1  }
0x2: {  	[smem:$0x3F9B] =	sst lr;
	_ =	strace $0xD0000000  }
0x3: {  	_ = 	snop  }
0x4: {  	_ = 	snop  }
0x5: {  	_ = 	snop  }
0x6: {  	_ = 	snop  }
0x7: {  	_ = 	snop  }
__scs_overlays_trampoline_lowered:
0x8: {  	[smem:$0x3FAA] =	sst s0  }
0x9: {  	[smem:$0x3FAB] =	sst s1  }
0xa: {  	[smem:$0x3FAC] =	sst s2  }
0xb: {  	[smem:$0x3FAD] =	sst s3  }
0xc: {  	[smem:$0x3FAE] =	sst s4  }
0xd: {  	[smem:$0x3FAF] =	sst s5  }
0xe: {  	[smem:$0x3FB0] =	sst s6  }
0xf: {  	[smem:$0x3FB1] =	sst s7  }
0x10: {  	[smem:$0x3FB2] =	sst s8  }
0x11: {  	[smem:$0x3FB3] =	sst s9;
	s0 =	simm.s32 @!p0 $0x0  }
0x12: {  	s1 =	sld [smem:$0x3F99];
	s0 =	simm.s32 @p0 $0x1  }
0x13: {  	[smem:$0x3FB4] =	sst s0;
	s0 =	simm.s32 @!p1 $0x0  }
0x14: {  	s2 =	sld [smem:$0x3F98];
	s0 =	simm.s32 @p1 $0x1  }
0x15: {  	[smem:$0x3FB5] =	sst s0;
	s0 =	simm.s32 @!p2 $0x0  }
0x16: {  	s3 =	sld [smem:$0x3FDB];
	s0 =	simm.s32 @p2 $0x1  }
0x17: {  	s4 =	simm.s32 $0x1BF5;
	[smem:$0x3FB7] =	sst s0  }
0x18: {  	s0 =	sld [smem:$0x3F9A];
	_ =	swait.ge [sflag:s4], $0x0  }
0x19: {  	s7 =	sld [smem:$0x3F9B]  }
0x1a: {  	s8 =	sadd.s32 $0xFFFFE003, lr  }
0x1b: {  	s9 =	sadd.s32 $0xFFFFFEF7, lr;
	s5 =	simm.s32 $0xFFFFFFFF;
	p2 =	slt.u32 s8, $0xFFFFF086  }
0x1c: {  	p1 =	slt.u32 s9, $0xF7A;
	s5 =	simm.s32 @!p2 $0x0  }
0x1d: {  	s5 =	simm.s32 @p1 $0x1;
	p0 =	seq.s32 s7, s2  }
0x1e: {  	s7 =	smul.u32 @!p0 $0xF7A, s2;
	p2 =	seq.s32 @!p0 s5, $0x0  }
0x1f: {  	s9 =	smul.u32 $0xF7A, s1;
	s8 =	simm.s32 @!p0 $0x1BF5;
	p2 =	por !p2, p0  }
0x20: {  	[sflag:s8] =	ssyncset.s32 @!p0 $0xFFFFF086;
	s6 =	sadd.s32 @!p0 s3, s7;
	s7 =	simm.s32 @!p0 $0x108  }
0x21: {  	s3 =	sadd.s32 s3, s9;
	s6 =	sadd.s32 @!p0 $0x88, s6;
	s7 =	simm.s32 @p2 $0x1082  }
0x22: {  	[simem:s7], [sflag:s8] =	dma.local @!p0 [hbm:s6], $0xF7A  }
0x23: {  	s9 =	sor.u32 $0xD0000000, s2;
	s6 =	simm.s32 $0x108;
	_ =	swait.ge @!p0 [sflag:s8], $0x0  }
0x24: {  	s3 =	sadd.s32 $0x88, s3;
	s6 =	simm.s32 @!p1 $0x1082;
	[sflag:s4] =	ssyncset.s32 $0xFFFFF086  }
0x25: {  	[simem:s6], [sflag:s4] =	dma.local [hbm:s3], $0xF7A  }
0x26: {  	[smem:$0x3F9B] =	sst s1;
	(tag) =	ssettag s2;
	_ =	strace s9  }
0x27: {  	s1 =	sld [smem:$0x3FAB]  }
0x28: {  	s2 =	sld [smem:$0x3FAC]  }
0x29: {  	s4 =	sld [smem:$0x3FAE]  }
0x2a: {  	p0 =	seq.s32 s5, $0x0;
	s5 =	sld [smem:$0x3FAF]  }
0x2b: {  	s6 =	sld [smem:$0x3FB0]  }
0x2c: {  	s7 =	sld [smem:$0x3FB1]  }
0x2d: {  	s3 =	simm.s32 $0x108;
	s8 =	sld [smem:$0x3FB2]  }
0x2e: {  	s3 =	simm.s32 @!p0 $0x1082;
	s9 =	sld [smem:$0x3FB3]  }
0x2f: {  	lr =	sadd.s32 s0, s3;
	s0 =	sld [smem:$0x3FAA]  }
0x30: {  	s3 =	sld [smem:$0x3FAD]  }
0x31: {  	[smem:$0x3FB6] =	sst s10  }
0x32: {  	s10 =	sld [smem:$0x3FB4];
	_ =	sdelay $0x3  }
0x33: {  	p0 =	seq.s32 s10, $0x1;
	s10 =	sld [smem:$0x3FB6];
	_ =	sdelay $0x3  }
0x34: {  	[smem:$0x3FB6] =	sst s10  }
0x35: {  	s10 =	sld [smem:$0x3FB5];
	_ =	sdelay $0x3  }
0x36: {  	p1 =	seq.s32 s10, $0x1;
	s10 =	sld [smem:$0x3FB6];
	_ =	sdelay $0x3  }
0x37: {  	[smem:$0x3FB6] =	sst s10  }
0x38: {  	s10 =	sld [smem:$0x3FB7]  }
0x39: {  	_ = 	snop;
	(pc) =	sbr.ind lr, $3  }
0x3a: {  	_ = 	snop  }
0x3b: {  	_ = 	snop  }
0x3c: {  	p2 =	seq.s32 s10, $0x1;
	s10 =	sld [smem:$0x3FB6]  }
0x3d: {  	_ =	shalt  }
0x3e: {  	_ =	shalt  }
0x3f: {  	_ =	shalt  }
0x40: {  	_ =	shalt  }
0x41: {  	_ =	shalt  }
0x42: {  	_ =	shalt  }
0x43: {  	_ =	shalt  }
0x44: {  	_ =	shalt  }
0x45: {  	_ =	shalt  }
0x46: {  	_ =	shalt  }
0x47: {  	_ =	shalt  }
0x48: {  	_ =	shalt  }
0x49: {  	_ =	shalt  }
0x4a: {  	_ =	shalt  }
0x4b: {  	_ =	shalt  }
0x4c: {  	_ =	shalt  }
0x4d: {  	_ =	shalt  }
0x4e: {  	_ =	shalt  }
0x4f: {  	_ =	shalt  }
0x50: {  	_ =	shalt  }
0x51: {  	_ =	shalt  }
0x52: {  	_ =	shalt  }
0x53: {  	_ =	shalt  }
0x54: {  	_ =	shalt  }
0x55: {  	_ =	shalt  }
0x56: {  	_ =	shalt  }
0x57: {  	_ =	shalt  }
0x58: {  	_ =	shalt  }
0x59: {  	_ =	shalt  }
0x5a: {  	_ =	shalt  }
0x5b: {  	_ =	shalt  }
0x5c: {  	_ =	shalt  }
0x5d: {  	_ =	shalt  }
0x5e: {  	_ =	shalt  }
0x5f: {  	_ =	shalt  }
0x60: {  	_ =	shalt  }
0x61: {  	_ =	shalt  }
0x62: {  	_ =	shalt  }
0x63: {  	_ =	shalt  }
0x64: {  	_ =	shalt  }
0x65: {  	_ =	shalt  }
0x66: {  	_ =	shalt  }
0x67: {  	_ =	shalt  }
0x68: {  	_ =	shalt  }
0x69: {  	_ =	shalt  }
0x6a: {  	_ =	shalt  }
0x6b: {  	_ =	shalt  }
0x6c: {  	_ =	shalt  }
0x6d: {  	_ =	shalt  }
0x6e: {  	_ =	shalt  }
0x6f: {  	_ =	shalt  }
0x70: {  	_ =	shalt  }
0x71: {  	_ =	shalt  }
0x72: {  	_ =	shalt  }
0x73: {  	_ =	shalt  }
0x74: {  	_ =	shalt  }
0x75: {  	_ =	shalt  }
0x76: {  	_ =	shalt  }
0x77: {  	_ =	shalt  }
0x78: {  	_ =	shalt  }
0x79: {  	_ =	shalt  }
0x7a: {  	_ =	shalt  }
0x7b: {  	_ =	shalt  }
0x7c: {  	_ =	shalt  }
0x7d: {  	_ =	shalt  }
0x7e: {  	_ =	shalt  }
0x7f: {  	_ =	shalt  }
0x80: {  	_ =	shalt  }
0x81: {  	_ =	shalt  }
0x82: {  	_ =	shalt  }
0x83: {  	_ =	shalt  }
0x84: {  	_ =	shalt  }
0x85: {  	_ =	shalt  }
0x86: {  	_ =	shalt  }
0x87: {  	_ =	shalt  }
.Lfunc_end0:
.L_simem_size_0:
called_computation.1_lowered:
.L_overlay_start_0:
0x88: {  	s2 =	sld [smem:$0x3FD9]  }
0x89: {  	s3 =	sld [smem:$0x3FFE];
	_ =	sdelay $0x1  }
0x8a: {  	s1 =	srdreg.scid  }
0x8b: {  	s0 =	sand.u32 $0x1, s1  }
0x8c: {  	s17 =	sshll.u32 s0, $0xA;
	s2 =	sadd.s32 s3, s2  }
0x8d: {  	s2 =	sadd.s32 s2, s17  }
0x8e: {  	[smem:$0x3FC2] =	sst s2  }
0x8f: {  	_ = 	snop  }
0x90: {  	s2 =	sld [smem:$0x3FD0];
	(tm) =	ssettm $0x1  }
0x91: {  	s18 =	sld [smem:$0x3FFB];
	_ =	sdelay $0x3  }
0x92: {  	_ =	strace s18  }
0x93: {  	s3 =	sld [smem:$0x3FFC];
	_ =	sdelay $0x3  }
0x94: {  	_ =	strace s3  }
0x95: {  	s3 =	sld [smem:$0x3FFD];
	_ =	sdelay $0x3  }
0x96: {  	_ =	strace s3  }
0x97: {  	_ =	strace $0x8FFFFFFF  }
0x98: {  	s19 =	sld [smem:$0x3FDB];
	_ =	sdelay $0x1  }
0x99: {  	s4 =	simm.s32 $_scs_section_size  }
0x9a: {  	s5 =	simm.s32 $_size__tile_overlayer_lowered;
	s6 =	simm.s32 $_tile_overlayer_lowered  }
0x9b: {  	s22 =	simm.s32 $0x1BFF;
	s21 =	sshll.u32 s6, $0x1;
	s3 =	sadd.s32 s4, s19  }
0x9c: {  	s7 =	simm.s32 $0x0;
	s20 =	sshll.u32 s5, $0x1;
	s5 =	sadd.s32 s21, s3  }
0x9d: {  	[timem:s7], [sflag:s22] =	dma.local [hbm:s5], s20  }
0x9e: {  	_ =	swait.ge [sflag:s22], s20  }
0x9f: {  	s4 =	ssub.s32 $0x0, s20;
	[sflag:s22] =	ssyncset.done $0x0  }
0xa0: {  	[sflag:s22] =	ssyncadd.s32 s4;
	_ =	sdelay $0x1  }
0xa1: {  	s23 =	simm.s32 $0x1B8B  }
0xa2: {  	_ =	swait.ge [sflag:s23], $0x1  }
0xa3: {  	[sflag:s23] =	ssyncset.done $0x0  }
0xa4: {  	s25 =	simm.s32 $0x1B8E;
	s24 =	sld [smem:$0x3FFE];
	[sflag:s23] =	ssyncadd.s32 $0xFFFFFFFF  }
0xa5: {  	s26 =	simm.s32 $execute0_lowered;
	[smem:$0x3FD2] =	sst s25  }
0xa6: {  	s5 =	sshll.u32 s26, $0x1;
	_ =	strace $0x80000046;
	[dreg:$0x1] =	wrdreg $0xFFFFFFFF  }
0xa7: {  	s28 =	simm.s32 $_size_execute0_lowered;
	s3 =	sadd.s32 s3, s5;
	[dreg:$0x0] =	wrdreg $0x0  }
0xa8: {  	s5 =	sshll.u32 s28, $0x1;
	[dreg:$0x2] =	wrdreg s3  }
0xa9: {  	[dreg:$0x3] =	wrdreg s5  }
0xaa: {  	[dreg:$0x4] =	wrdreg $0xC0  }
0xab: {  	_ =	task [dreg:s7], $0x5FFFF  }
0xac: {  	[dreg:$0x1] =	wrdreg $0xFFFFFFFF  }
0xad: {  	[dreg:$0x0] =	wrdreg $0x60  }
0xae: {  	[dreg:$0x2] =	wrdreg s24  }
0xaf: {  	[dreg:$0x3] =	wrdreg s2  }
0xb0: {  	[dreg:$0x4] =	wrdreg $0x9  }
0xb1: {  	_ =	task.clear_ibuf [dreg:s7], $0x5FFFF;
	_ =	strace $0x90000046  }
0xb2: {  	s29 =	simm.s32 $0x9;
	_ =	strace $0x80000048  }
0xb3: {  	_ =	swait.ge [sflag:s29], $0x1  }
0xb4: {  	[sflag:s29] =	ssyncadd.s32 $0xFFFFFFFF  }
0xb5: {  	_ =	strace $0x90000048  }
0xb6: {  	_ =	sfence  }
0xb7: {  	s30 =	sld [smem:$0x0];
	_ =	sdelay $0x2  }
0xb8: {  	s31 =	sshll.u32 s1, $0xD;
	s1 =	sshrl.u32 s1, $0x2  }
0xb9: {  	s3 =	sand.u32 $0x4000, s31;
	s1 =	sadd.s32 s1, s30  }
0xba: {  	s0 =	sor.u32 s3, s0;
	s1 =	sshll.u32 s1, $0x11  }
0xbb: {  	s0 =	sor.u32 s1, s0  }
0xbc: {  	s0 =	sadd.s32 $0x8F2B, s0  }
0xbd: {  	[sflag:s0] =	ssyncadd.remote.s32 $0x1  }
0xbe: {  	_ =	sfence.sel $0xFFFF  }
0xbf: {  	[dreg:$0x0] =	wrdreg $0xFFFFFFFF;
	(pc) =	sbr.abs _section_cstart, $3  }
0xc0: {  	[dreg:$0x1] =	wrdreg $0xFFFFFFFF  }
0xc1: {  	_ =	task.clear_ibuf [dreg:s7], $0x2FFFF;
	_ =	strace $0x9FFFFFFF  }
0xc2: {  	(tm) =	ssettm $0x7FFFFFFF  }
0xc3: {  	_ =	shalt  }
tec
execute0_lowered:
.L_overlay_start_1:
0x0: {  	(tag) =	ssettag $0x1  }
0x1: {  	v0 =	vlaneseq.u32  }
0x2: {  	v0 =	vmul.u32 $0x40, v0  }
0x3: {  	s0 =	rddreg [dreg:$0x0];
	s3 =	simm.s32 $0x0  }
0x4: {  	[smem:$0x7FF] =	sst s3;
	v1 =	vadd.s32 $0x2E32, v0  }
0x5: {  	s1 =	rddreg [dreg:$0x1];
	_ =	strace $0x80000047;
	[tilespmem:$0x1FE50] =	vst v1;
	v1 =	vadd.s32 $0x2E37, v0  }
0x6: {  	[tilespmem:$0x1FE60] =	vst v1;
	v1 =	vadd.s32 $0x2E33, v0  }
0x7: {  	[tilespmem:$0x1FE70] =	vst v1;
	v1 =	vadd.s32 $0x2E38, v0  }
0x8: {  	[tilespmem:$0x1FE80] =	vst v1;
	v1 =	vadd.s32 $0x2E34, v0  }
0x9: {  	[tilespmem:$0x1FE90] =	vst v1;
	v1 =	vadd.s32 $0x2E39, v0  }
0xa: {  	[tilespmem:$0x1FEA0] =	vst v1;
	v1 =	vadd.s32 $0x2E35, v0  }
0xb: {  	[tilespmem:$0x1FEB0] =	vst v1;
	v1 =	vadd.s32 $0x2E3A, v0  }
0xc: {  	[tilespmem:$0x1FEC0] =	vst v1;
	v1 =	vadd.s32 $0x2E36, v0  }
0xd: {  	[tilespmem:$0x1FED0] =	vst v1;
	v1 =	vadd.s32 $0x2E3B, v0  }
0xe: {  	s2 =	srdreg.scid;
	[tilespmem:$0x1FEE0] =	vst v1;
	v1 =	vor.u32 $0x6032, v0  }
0xf: {  	s4 =	stileid.u32;
	s30 =	simm.s32 $0x80;
	s31 =	simm.s32 $0x12C0;
	[tilespmem:$0x1FEF0] =	vst v1;
	v1 =	vor.u32 $0x6037, v0  }
0x10: {  	s29 =	simm.s32 $0x170C0;
	s28 =	simm.s32 $0x190C0;
	s12 =	simm.s32 $0x0;
	[tilespmem:$0x1FF00] =	vst v1;
	v1 =	vor.u32 $0x6033, v0  }
0x11: {  	s2 =	sand.u32 $0x1, s2;
	s6 =	sshll.u32 s4, $0x8;
	s4 =	sadd.s32 $0x2800, s0;
	[tilespmem:$0x1FF10] =	vst v1;
	v1 =	vor.u32 $0x6038, v0  }
0x12: {  	s5 =	sadd.s32 $0x1B800, s0;
	s9 =	sadd.s32 $0x2400, s0;
	s19 =	sadd.s32 $0x2600, s0;
	[tilespmem:$0x1FF20] =	vst v1;
	v1 =	vor.u32 $0x6034, v0  }
0x13: {  	s10 =	sadd.s32 $0x4D800, s0;
	s7 =	sshll.u32 s2, $0x7;
	[dreg:$0x3] =	wrdreg s9;
	[tilespmem:$0x1FF30] =	vst v1;
	v1 =	vor.u32 $0x6039, v0  }
0x14: {  	s2 =	ssub.s32 $0x2, s2;
	[dreg:$0x4] =	wrdreg s19;
	s19 =	simm.s32 $0x15EC0;
	[tilespmem:$0x1FF40] =	vst v1;
	v1 =	vor.u32 $0x6035, v0  }
0x15: {  	s6 =	sor.u32 s7, s6;
	s7 =	sadd.s32 $0x34800, s0;
	s20 =	sshrl.u32 s2, $0x1;
	[tilespmem:$0x1FF50] =	vst v1;
	v1 =	vor.u32 $0x603A, v0  }
0x16: {  	s8 =	smul.u32 $0x19, s6;
	s21 =	ssub.s32 s2, s20;
	s17 =	sor.u32 $0x8, s6;
	[tilespmem:$0x1FF60] =	vst v1;
	v1 =	vor.u32 $0x6036, v0  }
0x17: {  	s18 =	sor.u32 $0xC, s6;
	s20 =	simm.s32 $0x1A2C0;
	s0 =	smax.u32 s21, $0x1;
	[tilespmem:$0x1FF70] =	vst v1;
	v1 =	vor.u32 $0x603B, v0  }
0x18: {  	s21 =	simm.s32 $0x578;
	s22 =	sadd.s32 s4, s8;
	[dreg:$0xb] =	wrdreg s0;
	[tilespmem:$0x1FF80] =	vst v1;
	v1 =	vadd.s32 $0x9232, v0  }
0x19: {  	s23 =	sadd.s32 s5, s8;
	s24 =	sadd.s32 s7, s8;
	[dreg:$0x5] =	wrdreg s22;
	[tilespmem:$0x1FF90] =	vst v1;
	v1 =	vadd.s32 $0x9237, v0  }
0x1a: {  	v28 =	vadd.s32 $0x923A, v0;
	v29 =	vadd.s32 $0x9236, v0;
	s25 =	sor.u32 $0x64, s8;
	s0 =	simm.s32 $0x48;
	[dreg:$0x6] =	wrdreg s23;
	[tilespmem:$0x1FFA0] =	vst v1;
	v1 =	vadd.s32 $0x9233, v0  }
.Ltmp0:
0x1b: {  	v30 =	vadd.s32 $0x923B, v0;
	v31 =	vor.u32 $0xC432, v0;
	[dreg:$0x7] =	wrdreg s24;
	s8 =	sadd.s32 s4, s25;
	[tilespmem:$0x1FFB0] =	vst v1;
	v1 =	vadd.s32 $0x9238, v0;
	(pc) =	sbr.rel .LBB2_1-.Ltmp0, $4  }
0x1c: {  	v32 =	vor.u32 $0xC437, v0;
	v33 =	vor.u32 $0xC433, v0;
	s26 =	sadd.s32 s5, s25;
	s2 =	sadd.s32 s7, s25;
	[dreg:$0x8] =	wrdreg s8;
	[tilespmem:$0x1FFC0] =	vst v1;
	v1 =	vadd.s32 $0x9234, v0  }
0x1d: {  	v34 =	vor.u32 $0xC438, v0;
	v35 =	vor.u32 $0xC434, v0;
	s22 =	simm.s32 $0x1AA90;
	s25 =	simm.s32 $0x320;
	[dreg:$0x9] =	wrdreg s26;
	[tilespmem:$0x1FFD0] =	vst v1;
	v1 =	vadd.s32 $0x9239, v0  }
0x1e: {  	v36 =	vor.u32 $0xC439, v0;
	v37 =	vor.u32 $0xC435, v0;
	s23 =	simm.s32 $0x2;
	s24 =	simm.s32 $0xDAC0;
	[dreg:$0xa] =	wrdreg s2;
	[tilespmem:$0x1FFE0] =	vst v1;
	v1 =	vadd.s32 $0x9235, v0  }
0x1f: {  	v38 =	vor.u32 $0xC43A, v0;
	v39 =	vor.u32 $0xC436, v0;
	v40 =	vor.u32 $0xC43B, v0;
	s26 =	simm.s32 $0x5F8;
	s2 =	simm.s32 $0x3;
	s8 =	simm.s32 $0x4;
	[tilespmem:$0x1FFF0] =	vst v1  }
.LBB2_20:
0x20: {  	s11 =	simm.s32 $0x6  }
0x21: {  	_ =	swait.ge [sflag:s11], $0xC800  }
0x22: {  	s12 =	rddreg [dreg:$0xc]  }
0x23: {  	s9 =	rddreg [dreg:$0xb];
	s12 =	sadd.s32 $0x1, s12  }
0x24: {  	p0 =	sne.s32 s12, s9  }
.Ltmp1:
0x25: {  	_ = 	snop;
	(pc) =	sbr.rel @!p0 .LBB2_21-.Ltmp1, $3  }
0x26: {  	_ =	sdelay $0x1  }
0x27: {  	[sflag:s11] =	ssyncset.done $0x0  }
0x28: {  	[sflag:s11] =	ssyncadd.s32 $0xFFFF3800  }
.LBB2_1:
0x29: {  	[dreg:$0xc] =	wrdreg s12  }
0x2a: {  	s9 =	rddreg [dreg:$0x3];
	s11 =	simm.s32 $0x7  }
0x2b: {  	[tilespmem:s20], [sflag:$0x7] =	stream.linear.gather [hbm4b:s9+s3], $0x7D0, $0x38;
	[tilespmem:$0x1B260] =	vst v63  }
0x2c: {  	_ =	swait.ge [sflag:s11], $0x7D0  }
0x2d: {  	[sflag:s11] =	ssyncset.done $0x0  }
0x2e: {  	s16 =	rddreg [dreg:$0x4];
	[sflag:s11] =	ssyncadd.s32 $0xFFFFF830  }
0x2f: {  	[tilespmem:s22], [sflag:$0x7] =	stream.linear.gather [hbm4b:s16+s3], $0x7D0, $0x38;
	[tilespmem:$0x1B260] =	vst v63  }
0x30: {  	_ =	swait.ge [sflag:s11], $0x7D0  }
0x31: {  	[sflag:s11] =	ssyncset.done $0x0  }
0x32: {  	[sflag:s11] =	ssyncadd.s32 $0xFFFFF830;
	s11 =	rddreg [dreg:$0x5]  }
0x33: {  	[tilespmem:s3], [sflag:$0x1] =	stream.linear.gather [hbm4b:s11+s3], $0x320, $0x38;
	[tilespmem:$0x1B260] =	vst v63  }
0x34: {  	s13 =	simm.s32 $0x640;
	s12 =	rddreg [dreg:$0x6]  }
0x35: {  	[tilespmem:s13], [sflag:$0x1] =	stream.linear.gather [hbm4b:s12+s3], $0x320, $0x38;
	[tilespmem:$0x1B260] =	vst v63  }
0x36: {  	s15 =	simm.s32 $0xC80;
	s14 =	rddreg [dreg:$0x7]  }
0x37: {  	[tilespmem:s15], [sflag:$0x1] =	stream.linear.gather [hbm4b:s14+s3], $0x320, $0x38;
	[tilespmem:$0x1B260] =	vst v63  }
0x38: {  	s16 =	rddreg [dreg:$0x8]  }
0x39: {  	[tilespmem:s25], [sflag:$0x2] =	stream.linear.gather [hbm4b:s16+s3], $0x320, $0x38;
	[tilespmem:$0x1B260] =	vst v63  }
0x3a: {  	s11 =	rddreg [dreg:$0x9];
	s12 =	simm.s32 $0x960  }
0x3b: {  	[tilespmem:s12], [sflag:$0x2] =	stream.linear.gather [hbm4b:s11+s3], $0x320, $0x38;
	[tilespmem:$0x1B260] =	vst v63  }
0x3c: {  	s13 =	rddreg [dreg:$0xa];
	s14 =	simm.s32 $0xFA0;
	s15 =	simm.s32 $0x1  }
0x3d: {  	[tilespmem:s14], [sflag:$0x2] =	stream.linear.gather [hbm4b:s13+s3], $0x320, $0x38;
	[tilespmem:$0x1B260] =	vst v63  }
0x3e: {  	_ =	swait.ge [sflag:s15], $0x320  }
0x3f: {  	[sflag:s15] =	ssyncset.done $0x0  }
0x40: {  	[sflag:s15] =	ssyncadd.s32 $0xFFFFFCE0  }
0x41: {  	_ =	swait.ge [sflag:s15], $0x320  }
0x42: {  	[sflag:s15] =	ssyncset.done $0x0  }
0x43: {  	[sflag:s15] =	ssyncadd.s32 $0xFFFFFCE0  }
0x44: {  	_ =	swait.ge [sflag:s15], $0x320  }
0x45: {  	[sflag:s15] =	ssyncset.done $0x0  }
0x46: {  	[sflag:s15] =	ssyncadd.s32 $0xFFFFFCE0  }
0x47: {  	[tilespmem:s31], [sflag:$0x3] =	stream.indirect.gather [hbm4b:s1+s30], $0x40, s3, s30, $0xb8;
	[tilespmem:$0x1B260] =	vst v63  }
0x48: {  	s16 =	simm.s32 $0x32C0  }
0x49: {  	[tilespmem:s16], [sflag:$0x3] =	stream.indirect.gather [hbm4b:s1+s0], $0x40, s30, s0, $0xb8;
	[tilespmem:$0x1B260] =	vst v63  }
0x4a: {  	s11 =	simm.s32 $0xC8;
	s12 =	simm.s32 $0x44C0  }
0x4b: {  	[tilespmem:s12], [sflag:$0x3] =	stream.indirect.gather [hbm4b:s1+s30], $0x40, s11, s30, $0xb8;
	[tilespmem:$0x1B260] =	vst v63  }
0x4c: {  	s13 =	simm.s32 $0x148;
	s14 =	simm.s32 $0x64C0  }
0x4d: {  	[tilespmem:s14], [sflag:$0x3] =	stream.indirect.gather [hbm4b:s1+s0], $0x40, s13, s0, $0xb8;
	[tilespmem:$0x1B260] =	vst v63  }
0x4e: {  	s15 =	simm.s32 $0x190;
	s16 =	simm.s32 $0x76C0  }
0x4f: {  	[tilespmem:s16], [sflag:$0x3] =	stream.indirect.gather [hbm4b:s1+s30], $0x40, s15, s30, $0xb8;
	[tilespmem:$0x1B260] =	vst v63  }
0x50: {  	s11 =	simm.s32 $0x210;
	s12 =	simm.s32 $0x96C0  }
0x51: {  	[tilespmem:s12], [sflag:$0x3] =	stream.indirect.gather [hbm4b:s1+s0], $0x40, s11, s0, $0xb8;
	[tilespmem:$0x1B260] =	vst v63  }
0x52: {  	s13 =	simm.s32 $0x258;
	s14 =	simm.s32 $0xA8C0  }
0x53: {  	[tilespmem:s14], [sflag:$0x3] =	stream.indirect.gather [hbm4b:s1+s30], $0x40, s13, s30, $0xb8;
	[tilespmem:$0x1B260] =	vst v63  }
0x54: {  	s9 =	simm.s32 $0x0;
	s15 =	simm.s32 $0x2D8;
	s16 =	simm.s32 $0xC8C0  }
0x55: {  	[tilespmem:s16], [sflag:$0x3] =	stream.indirect.gather [hbm4b:s1+s0], $0x40, s15, s0, $0xb8;
	[tilespmem:$0x1B260] =	vst v63  }
.LBB2_2:
0x56: {  	p0 =	seq.s32 s9, $0x0  }
0x57: {  	s11 =	simm.s32 @!p0 $0x6  }
0x58: {  	_ =	swait.ge @!p0 [sflag:s11], $0xC800  }
0x59: {  	[sflag:s11] =	ssyncset.done @!p0 $0x0  }
0x5a: {  	[sflag:s11] =	ssyncadd.s32 @!p0 $0xFFFF3800  }
0x5b: {  	_ =	swait.ge [sflag:s23], $0x320  }
0x5c: {  	[sflag:s23] =	ssyncset.done $0x0  }
0x5d: {  	[sflag:s23] =	ssyncadd.s32 $0xFFFFFCE0  }
0x5e: {  	_ =	swait.ge [sflag:s23], $0x320  }
0x5f: {  	[sflag:s23] =	ssyncset.done $0x0  }
0x60: {  	[sflag:s23] =	ssyncadd.s32 $0xFFFFFCE0  }
0x61: {  	_ =	swait.ge [sflag:s23], $0x320  }
0x62: {  	[sflag:s23] =	ssyncset.done $0x0  }
0x63: {  	[sflag:s23] =	ssyncadd.s32 $0xFFFFFCE0  }
0x64: {  	[tilespmem:s24], [sflag:$0x4] =	stream.indirect.gather [hbm4b:s1+s30], $0x40, s25, s30, $0xb8;
	[tilespmem:$0x1B260] =	vst v63  }
0x65: {  	s14 =	simm.s32 $0x3A0;
	s12 =	simm.s32 $0xFAC0  }
0x66: {  	[tilespmem:s12], [sflag:$0x4] =	stream.indirect.gather [hbm4b:s1+s0], $0x40, s14, s0, $0xb8;
	[tilespmem:$0x1B260] =	vst v63  }
0x67: {  	s15 =	simm.s32 $0x3E8;
	s16 =	simm.s32 $0x10CC0  }
0x68: {  	[tilespmem:s16], [sflag:$0x4] =	stream.indirect.gather [hbm4b:s1+s30], $0x40, s15, s30, $0xb8;
	[tilespmem:$0x1B260] =	vst v63  }
0x69: {  	s13 =	simm.s32 $0x12CC0;
	s12 =	simm.s32 $0x468  }
0x6a: {  	[tilespmem:s13], [sflag:$0x4] =	stream.indirect.gather [hbm4b:s1+s0], $0x40, s12, s0, $0xb8;
	[tilespmem:$0x1B260] =	vst v63  }
0x6b: {  	s14 =	simm.s32 $0x4B0;
	s15 =	simm.s32 $0x13EC0  }
0x6c: {  	[tilespmem:s15], [sflag:$0x4] =	stream.indirect.gather [hbm4b:s1+s30], $0x40, s14, s30, $0xb8;
	[tilespmem:$0x1B260] =	vst v63  }
0x6d: {  	s16 =	simm.s32 $0x530  }
0x6e: {  	[tilespmem:s19], [sflag:$0x4] =	stream.indirect.gather [hbm4b:s1+s0], $0x40, s16, s0, $0xb8;
	[tilespmem:$0x1B260] =	vst v63  }
0x6f: {  	_ = 	snop  }
0x70: {  	[tilespmem:s29], [sflag:$0x4] =	stream.indirect.gather [hbm4b:s1+s30], $0x40, s21, s30, $0xb8;
	[tilespmem:$0x1B260] =	vst v63  }
0x71: {  	_ = 	snop  }
0x72: {  	[tilespmem:s28], [sflag:$0x4] =	stream.indirect.gather [hbm4b:s1+s0], $0x40, s26, s0, $0xb8;
	[tilespmem:$0x1B260] =	vst v63  }
0x73: {  	_ =	swait.ge [sflag:s2], $0xC800  }
0x74: {  	[sflag:s2] =	ssyncset.done $0x0  }
0x75: {  	s12 =	simm.s32 $0x650;
	[sflag:s2] =	ssyncadd.s32 $0xFFFF3800  }
0x76: {  	s13 =	simm.s32 $0xC90;
	v1 =	vld [tilespmem:s12+$0x0]  }
0x77: {  	v2 =	vld [tilespmem:s13+$0x0]  }
0x78: {  	v4 =	vld [tilespmem:s12+$0xFFFFFFF0]  }
0x79: {  	v6 =	vld [tilespmem:s13+$0xFFFFFFF0];
	_ =	sdelay $0x1  }
0x7a: {  	v1 =	vmul.u32 $0x5, v1  }
0x7b: {  	s15 =	simm.s32 $0x670;
	v2 =	vmul.u32 $0x5, v2  }
0x7c: {  	v18 =	vld [tilespmem:s15+$0x0];
	v4 =	vmul.u32 $0x5, v4  }
0x7d: {  	s12 =	simm.s32 $0xCB0;
	v47 =	vld [tilespmem:s15+$0xFFFFFFF0];
	v6 =	vmul.u32 $0x5, v6  }
0x7e: {  	v44 =	vld [tilespmem:s12+$0x0]  }
0x7f: {  	v51 =	vld [tilespmem:s12+$0xFFFFFFF0];
	v3 =	vadd.s32 $0x1, v1  }
0x80: {  	v5 =	vadd.s32 $0x2, v1;
	v8 =	vld.idx.msk [tilespmem:v1+s20+$0x0], $0xffff  }
0x81: {  	v7 =	vadd.s32 $0x3, v1;
	v9 =	vld.idx.msk [tilespmem:v2+s22+$0x0], $0xffff  }
0x82: {  	v10 =	vadd.s32 $0x1, v2;
	v62 =	vld.idx.msk [tilespmem:v4+s20+$0x0], $0xffff  }
0x83: {  	v11 =	vadd.s32 $0x2, v2;
	v26 =	vld.idx.msk [tilespmem:v6+s22+$0x0], $0xffff  }
0x84: {  	v12 =	vadd.s32 $0x3, v2;
	v3 =	vld.idx.msk [tilespmem:v3+s20+$0x0], $0xffff  }
0x85: {  	s14 =	simm.s32 $0x10;
	v13 =	vadd.s32 $0x1, v4;
	v5 =	vld.idx.msk [tilespmem:v5+s20+$0x0], $0xffff  }
0x86: {  	v16 =	vmov s14;
	v14 =	vadd.s32 $0x2, v4;
	v7 =	vld.idx.msk [tilespmem:v7+s20+$0x0], $0xffff  }
0x87: {  	v16 =	vshll.u32 v16, $0x6;
	v15 =	vadd.s32 $0x3, v4;
	v10 =	vld.idx.msk [tilespmem:v10+s22+$0x0], $0xffff  }
0x88: {  	v16 =	vor.u32 v0, v16;
	v1 =	vadd.s32 $0x4, v1;
	v11 =	vld.idx.msk [tilespmem:v11+s22+$0x0], $0xffff  }
0x89: {  	v43 =	vor.u32 $0x32, v16;
	v2 =	vadd.s32 $0x4, v2;
	v12 =	vld.idx.msk [tilespmem:v12+s22+$0x0], $0xffff  }
0x8a: {  	v46 =	vor.u32 $0x37, v16;
	v49 =	vor.u32 $0x33, v16;
	s13 =	simm.s32 $0x0;
	v17 =	vadd.s32 $0x4, v4;
	v13 =	vld.idx.msk [tilespmem:v13+s20+$0x0], $0xffff  }
0x8b: {  	v42 =	vmov s13;
	v18 =	vmul.u32 $0x5, v18;
	v45 =	vadd.s32 $0x3, v6;
	v14 =	vld.idx.msk [tilespmem:v14+s20+$0x0], $0xffff  }
0x8c: {  	v54 =	vor.u32 $0x38, v16;
	v42 =	vshll.u32 v42, $0x6;
	v48 =	vadd.s32 $0x4, v6;
	v41 =	vld.idx.msk [tilespmem:v15+s20+$0x0], $0xffff  }
0x8d: {  	v55 =	vor.u32 $0x34, v16;
	v50 =	vor.u32 v0, v42;
	v58 =	vadd.s32 $0x1, v18;
	v1 =	vld.idx.msk [tilespmem:v1+s20+$0x0], $0xffff  }
0x8e: {  	v53 =	vor.u32 $0x32, v50;
	v19 =	vadd.s32 $0x2, v6;
	v2 =	vld.idx.msk [tilespmem:v2+s22+$0x0], $0xffff;
	[tilespmem:v43+s31+$0x0] =	vst.idx.msk $0xffff, v8;
	v8 =	vor.u32 $0x39, v16  }
0x8f: {  	v56 =	vor.u32 $0x33, v50;
	v15 =	vadd.s32 $0x1, v6;
	v42 =	vld.idx.msk [tilespmem:v17+s20+$0x0], $0xffff;
	[tilespmem:v46+s31+$0x0] =	vst.idx.msk $0xffff, v9;
	v9 =	vor.u32 $0x35, v16  }
0x90: {  	v47 =	vmul.u32 $0x5, v47;
	v57 =	vmul.u32 $0x5, v44;
	v52 =	vld.idx.msk [tilespmem:v45+s22+$0x0], $0xffff;
	[tilespmem:v49+s31+$0x0] =	vst.idx.msk $0xffff, v3;
	v3 =	vor.u32 $0x3A, v16  }
0x91: {  	v61 =	vor.u32 $0x34, v50;
	v44 =	vor.u32 $0x39, v50;
	v48 =	vld.idx.msk [tilespmem:v48+s22+$0x0], $0xffff;
	[tilespmem:v54+s31+$0x0] =	vst.idx.msk $0xffff, v10;
	v10 =	vor.u32 $0x36, v16  }
0x92: {  	v51 =	vmul.u32 $0x5, v51;
	v25 =	vadd.s32 $0x2, v18;
	v21 =	vadd.s32 $0x2, v47;
	v20 =	vld.idx.msk [tilespmem:v58+s20+$0x0], $0xffff;
	[tilespmem:v55+s31+$0x0] =	vst.idx.msk $0xffff, v5  }
0x93: {  	v22 =	vadd.s32 $0x3, v47;
	v43 =	vld.idx.msk [tilespmem:v19+s22+$0x0], $0xffff;
	v5 =	vor.u32 $0x3B, v16;
	v16 =	vadd.s32 $0x3, v18;
	[tilespmem:v8+s31+$0x0] =	vst.idx.msk $0xffff, v11  }
0x94: {  	s16 =	simm.s32 $0x30;
	v59 =	vadd.s32 $0x4, v47;
	v17 =	vor.u32 $0x37, v50;
	v15 =	vld.idx.msk [tilespmem:v15+s22+$0x0], $0xffff;
	v11 =	vadd.s32 $0x4, v18;
	[tilespmem:v9+s31+$0x0] =	vst.idx.msk $0xffff, v7  }
0x95: {  	v60 =	vadd.s32 $0x1, v51;
	v4 =	vmov s16;
	v8 =	vld.idx.msk [tilespmem:v18+s20+$0x0], $0xffff;
	v9 =	vadd.s32 $0x1, v57;
	[tilespmem:v3+s31+$0x0] =	vst.idx.msk $0xffff, v12  }
0x96: {  	v19 =	vor.u32 $0x38, v50;
	v18 =	vld.idx.msk [tilespmem:v57+s22+$0x0], $0xffff;
	v12 =	vadd.s32 $0x2, v57;
	[tilespmem:v10+s31+$0x0] =	vst.idx.msk $0xffff, v1;
	v1 =	vshll.u32 v4, $0x6  }
0x97: {  	v45 =	vor.u32 $0x35, v50;
	[tilespmem:v53+s31+$0x0] =	vst.idx.msk $0xffff, v62;
	v4 =	vld.idx.msk [tilespmem:v25+s20+$0x0], $0xffff;
	v10 =	vadd.s32 $0x3, v57;
	v6 =	vor.u32 v0, v1  }
0x98: {  	v58 =	vadd.s32 $0x2, v51;
	[tilespmem:v5+s31+$0x0] =	vst.idx.msk $0xffff, v2;
	v5 =	vld.idx.msk [tilespmem:v16+s20+$0x0], $0xffff;
	v2 =	vadd.s32 $0x4, v57;
	v16 =	vor.u32 $0x32, v6  }
0x99: {  	s13 =	simm.s32 $0x20;
	v46 =	vor.u32 $0x3A, v50;
	v62 =	vadd.s32 $0x3, v51;
	[tilespmem:v17+s31+$0x0] =	vst.idx.msk $0xffff, v26;
	v7 =	vld.idx.msk [tilespmem:v11+s20+$0x0], $0xffff;
	v23 =	vor.u32 $0x37, v6  }
0x9a: {  	v49 =	vor.u32 $0x36, v50;
	[tilespmem:v56+s31+$0x0] =	vst.idx.msk $0xffff, v13;
	v1 =	vmov s13;
	v17 =	vor.u32 $0x33, v6;
	v24 =	vld.idx.msk [tilespmem:v9+s22+$0x0], $0xffff  }
0x9b: {  	v50 =	vor.u32 $0x3B, v50;
	[tilespmem:v19+s31+$0x0] =	vst.idx.msk $0xffff, v15;
	v3 =	vadd.s32 $0x1, v47;
	v9 =	vshll.u32 v1, $0x6;
	v11 =	vld.idx.msk [tilespmem:v12+s22+$0x0], $0xffff  }
0x9c: {  	[tilespmem:v61+s31+$0x0] =	vst.idx.msk $0xffff, v14;
	v26 =	vor.u32 $0x38, v6;
	v15 =	vor.u32 $0x34, v6;
	v25 =	vor.u32 v0, v9;
	v12 =	vld.idx.msk [tilespmem:v10+s22+$0x0], $0xffff  }
0x9d: {  	v19 =	vor.u32 $0x36, v6;
	v1 =	vadd.s32 $0x4, v51;
	v57 =	vor.u32 $0x32, v25;
	v13 =	vld.idx.msk [tilespmem:v2+s22+$0x0], $0xffff;
	[tilespmem:v16+s31+$0x0] =	vst.idx.msk $0xffff, v8  }
0x9e: {  	v54 =	vor.u32 $0x37, v25;
	v53 =	vor.u32 $0x33, v25;
	v16 =	vor.u32 $0x39, v6;
	[tilespmem:v23+s31+$0x0] =	vst.idx.msk $0xffff, v18  }
0x9f: {  	v61 =	vld.idx.msk [tilespmem:v21+s20+$0x0], $0xffff;
	v55 =	vor.u32 $0x38, v25;
	v56 =	vor.u32 $0x34, v25;
	[tilespmem:v17+s31+$0x0] =	vst.idx.msk $0xffff, v20;
	v17 =	vor.u32 $0x35, v6  }
0xa0: {  	v14 =	vld.idx.msk [tilespmem:v22+s20+$0x0], $0xffff;
	v9 =	vor.u32 $0x39, v25;
	v10 =	vor.u32 $0x35, v25;
	v18 =	vor.u32 $0x3A, v6  }
0xa1: {  	s11 =	sshll.u32 s9, $0x3;
	s14 =	simm.s32 $0x2;
	s15 =	simm.s32 $0x690;
	v63 =	vld.idx.msk [tilespmem:v3+s20+$0x0], $0xffff;
	v3 =	vor.u32 $0x36, v25;
	v2 =	vor.u32 $0x3B, v25;
	v8 =	vor.u32 $0x3A, v25;
	[tilespmem:v26+s31+$0x0] =	vst.idx.msk $0xffff, v24  }
.LBB2_3:
0xa2: {  	v20 =	vld [tilespmem:s15+$0x0];
	[tilespmem:v15+s31+$0x0] =	vst.idx.msk $0xffff, v4;
	v4 =	vor.u32 $0x3B, v6;
	s12 =	sadd.s32 $0x20, s12  }
0xa3: {  	v6 =	vld [tilespmem:s12+$0x0];
	[tilespmem:v16+s31+$0x0] =	vst.idx.msk $0xffff, v11  }
0xa4: {  	v11 =	vld [tilespmem:s15+$0xFFFFFFF0];
	[tilespmem:v17+s31+$0x0] =	vst.idx.msk $0xffff, v5  }
0xa5: {  	v5 =	vld [tilespmem:s12+$0xFFFFFFF0];
	[tilespmem:v18+s31+$0x0] =	vst.idx.msk $0xffff, v12  }
0xa6: {  	v12 =	vld.idx.msk [tilespmem:v59+s20+$0x0], $0xffff;
	[tilespmem:v19+s31+$0x0] =	vst.idx.msk $0xffff, v7  }
0xa7: {  	v7 =	vmul.u32 $0x5, v20;
	v15 =	vld.idx.msk [tilespmem:v60+s22+$0x0], $0xffff;
	[tilespmem:v4+s31+$0x0] =	vst.idx.msk $0xffff, v13  }
0xa8: {  	v13 =	vmul.u32 $0x5, v6;
	[tilespmem:v44+s31+$0x0] =	vst.idx.msk $0xffff, v43;
	v43 =	vld.idx.msk [tilespmem:v58+s22+$0x0], $0xffff;
	v44 =	vmov v9  }
0xa9: {  	v4 =	vmul.u32 $0x5, v11;
	v6 =	vld.idx.msk [tilespmem:v62+s22+$0x0], $0xffff;
	[tilespmem:v45+s31+$0x0] =	vst.idx.msk $0xffff, v41;
	v45 =	vmov v10;
	v41 =	vmov v14  }
0xaa: {  	v9 =	vadd.s32 $0x1, v7;
	v5 =	vmul.u32 $0x5, v5;
	v10 =	vld.idx.msk [tilespmem:v1+s22+$0x0], $0xffff;
	[tilespmem:v46+s31+$0x0] =	vst.idx.msk $0xffff, v52;
	v46 =	vmov v8  }
0xab: {  	v8 =	vadd.s32 $0x2, v7;
	v14 =	vadd.s32 $0x1, v4;
	v18 =	vadd.s32 $0x2, v4;
	v11 =	vld.idx.msk [tilespmem:v47+s20+$0x0], $0xffff;
	[tilespmem:v49+s31+$0x0] =	vst.idx.msk $0xffff, v42;
	v47 =	vmovc v4  }
0xac: {  	s13 =	sadd.s32 $0x20, s13;
	v16 =	vadd.s32 $0x3, v7;
	v42 =	vmovc v12;
	v19 =	vadd.s32 $0x3, v47;
	v59 =	vadd.s32 $0x4, v47;
	v17 =	vld.idx.msk [tilespmem:v51+s22+$0x0], $0xffff;
	[tilespmem:v50+s31+$0x0] =	vst.idx.msk $0xffff, v48  }
0xad: {  	s14 =	sadd.s32 $0x2, s14;
	s16 =	sadd.s32 $0x10, s13;
	v49 =	vmovc v3;
	v60 =	vadd.s32 $0x1, v5;
	v58 =	vadd.s32 $0x2, v5;
	v51 =	vmovc v5;
	v20 =	vld.idx.msk [tilespmem:v7+s20+$0x0], $0xffff;
	v7 =	vadd.s32 $0x4, v7  }
0xae: {  	p0 =	slt.u32 s14, $0xA;
	v3 =	vmov s16;
	v12 =	vadd.s32 $0x1, v13;
	v50 =	vmovc v2;
	v62 =	vadd.s32 $0x3, v51;
	v21 =	vld.idx.msk [tilespmem:v13+s22+$0x0], $0xffff  }
0xaf: {  	v2 =	vshll.u32 v3, $0x6;
	v3 =	vadd.s32 $0x2, v13;
	v1 =	vadd.s32 $0x4, v51;
	v52 =	vmovc v6;
	v22 =	vld.idx.msk [tilespmem:v9+s20+$0x0], $0xffff  }
0xb0: {  	v5 =	vmov s13;
	v6 =	vor.u32 v0, v2;
	v48 =	vmovc v10;
	v4 =	vld.idx.msk [tilespmem:v8+s20+$0x0], $0xffff;
	v8 =	vadd.s32 $0x3, v13  }
0xb1: {  	v2 =	vshll.u32 v5, $0x6;
	v13 =	vadd.s32 $0x4, v13;
	v5 =	vld.idx.msk [tilespmem:v16+s20+$0x0], $0xffff;
	v16 =	vor.u32 $0x32, v6;
	[tilespmem:v57+s31+$0x0] =	vst.idx.msk $0xffff, v11  }
0xb2: {  	v2 =	vor.u32 v0, v2;
	v23 =	vor.u32 $0x37, v6;
	v7 =	vld.idx.msk [tilespmem:v7+s20+$0x0], $0xffff;
	[tilespmem:v54+s31+$0x0] =	vst.idx.msk $0xffff, v17  }
0xb3: {  	v25 =	vor.u32 $0x33, v6;
	v57 =	vor.u32 $0x32, v2;
	v54 =	vor.u32 $0x37, v2;
	v24 =	vld.idx.msk [tilespmem:v12+s22+$0x0], $0xffff;
	[tilespmem:v53+s31+$0x0] =	vst.idx.msk $0xffff, v63  }
0xb4: {  	v26 =	vor.u32 $0x38, v6;
	v53 =	vor.u32 $0x33, v2;
	v11 =	vld.idx.msk [tilespmem:v3+s22+$0x0], $0xffff;
	[tilespmem:v55+s31+$0x0] =	vst.idx.msk $0xffff, v15;
	v55 =	vor.u32 $0x38, v2  }
.Ltmp2:
0xb5: {  	v9 =	vor.u32 $0x39, v2;
	v15 =	vor.u32 $0x34, v6;
	v12 =	vld.idx.msk [tilespmem:v8+s22+$0x0], $0xffff;
	[tilespmem:v56+s31+$0x0] =	vst.idx.msk $0xffff, v61;
	v56 =	vor.u32 $0x34, v2;
	(pc) =	sbr.rel @p0 .LBB2_3-.Ltmp2, $4  }
0xb6: {  	v10 =	vor.u32 $0x35, v2;
	v8 =	vor.u32 $0x3A, v2;
	v13 =	vld.idx.msk [tilespmem:v13+s22+$0x0], $0xffff;
	[tilespmem:v16+s31+$0x0] =	vst.idx.msk $0xffff, v20;
	v16 =	vor.u32 $0x39, v6  }
0xb7: {  	v17 =	vor.u32 $0x35, v6;
	v3 =	vor.u32 $0x36, v2;
	v2 =	vor.u32 $0x3B, v2;
	v63 =	vld.idx.msk [tilespmem:v14+s20+$0x0], $0xffff;
	[tilespmem:v23+s31+$0x0] =	vst.idx.msk $0xffff, v21  }
0xb8: {  	v61 =	vld.idx.msk [tilespmem:v18+s20+$0x0], $0xffff;
	[tilespmem:v25+s31+$0x0] =	vst.idx.msk $0xffff, v22;
	v18 =	vor.u32 $0x3A, v6  }
0xb9: {  	s15 =	sadd.s32 $0x20, s15;
	v14 =	vld.idx.msk [tilespmem:v19+s20+$0x0], $0xffff;
	[tilespmem:v26+s31+$0x0] =	vst.idx.msk $0xffff, v24;
	v19 =	vor.u32 $0x36, v6  }
0xba: {  	_ =	sdelay $0x3  }
0xbb: {  	[tilespmem:v15+s31+$0x0] =	vst.idx.msk $0xffff, v4  }
0xbc: {  	v4 =	vor.u32 $0x3B, v6;
	[tilespmem:v44+s31+$0x0] =	vst.idx.msk $0xffff, v43  }
0xbd: {  	[tilespmem:v16+s31+$0x0] =	vst.idx.msk $0xffff, v11  }
0xbe: {  	[tilespmem:v17+s31+$0x0] =	vst.idx.msk $0xffff, v5  }
0xbf: {  	[tilespmem:v18+s31+$0x0] =	vst.idx.msk $0xffff, v12  }
0xc0: {  	v6 =	vld.idx.msk [tilespmem:v60+s22+$0x0], $0xffff;
	[tilespmem:v19+s31+$0x0] =	vst.idx.msk $0xffff, v7  }
0xc1: {  	[tilespmem:v4+s31+$0x0] =	vst.idx.msk $0xffff, v13;
	v4 =	vld.idx.msk [tilespmem:v47+s20+$0x0], $0xffff  }
0xc2: {  	[tilespmem:v45+s31+$0x0] =	vst.idx.msk $0xffff, v41;
	v7 =	vld.idx.msk [tilespmem:v51+s22+$0x0], $0xffff  }
0xc3: {  	v1 =	vld.idx.msk [tilespmem:v1+s22+$0x0], $0xffff;
	[tilespmem:v46+s31+$0x0] =	vst.idx.msk $0xffff, v52  }
0xc4: {  	v11 =	vld.idx.msk [tilespmem:v58+s22+$0x0], $0xffff;
	[tilespmem:v49+s31+$0x0] =	vst.idx.msk $0xffff, v42  }
0xc5: {  	v5 =	vld.idx.msk [tilespmem:v59+s20+$0x0], $0xffff;
	[tilespmem:v50+s31+$0x0] =	vst.idx.msk $0xffff, v48  }
0xc6: {  	v12 =	vld.idx.msk [tilespmem:v62+s22+$0x0], $0xffff;
	[tilespmem:v57+s31+$0x0] =	vst.idx.msk $0xffff, v4  }
0xc7: {  	[tilespmem:v54+s31+$0x0] =	vst.idx.msk $0xffff, v7  }
0xc8: {  	[tilespmem:v53+s31+$0x0] =	vst.idx.msk $0xffff, v63  }
0xc9: {  	[tilespmem:v55+s31+$0x0] =	vst.idx.msk $0xffff, v6  }
0xca: {  	[tilespmem:v56+s31+$0x0] =	vst.idx.msk $0xffff, v61  }
0xcb: {  	[tilespmem:v9+s31+$0x0] =	vst.idx.msk $0xffff, v11  }
0xcc: {  	[tilespmem:v10+s31+$0x0] =	vst.idx.msk $0xffff, v14  }
0xcd: {  	[tilespmem:v8+s31+$0x0] =	vst.idx.msk $0xffff, v12  }
0xce: {  	[tilespmem:v3+s31+$0x0] =	vst.idx.msk $0xffff, v5  }
0xcf: {  	[tilespmem:v2+s31+$0x0] =	vst.idx.msk $0xffff, v1  }
0xd0: {  	v1 =	vld [tilespmem:$0x6F8]  }
0xd1: {  	v2 =	vld [tilespmem:$0xD38];
	_ =	sdelay $0x3  }
0xd2: {  	v1 =	vmul.u32 $0x5, v1  }
0xd3: {  	v2 =	vmul.u32 $0x5, v2;
	_ =	sdelay $0x1  }
0xd4: {  	v3 =	vadd.s32 $0x1, v1  }
0xd5: {  	v4 =	vadd.s32 $0x2, v1  }
0xd6: {  	v11 =	vld [tilespmem:$0x1FE50];
	v5 =	vadd.s32 $0x3, v1  }
0xd7: {  	v6 =	vadd.s32 $0x4, v1;
	v7 =	vadd.s32 $0x1, v2;
	v1 =	vld.idx.msk [tilespmem:v1+s20+$0x0], $0xffff  }
0xd8: {  	v8 =	vadd.s32 $0x2, v2;
	v9 =	vadd.s32 $0x3, v2;
	v10 =	vadd.s32 $0x4, v2;
	v2 =	vld.idx.msk [tilespmem:v2+s22+$0x0], $0xffff  }
0xd9: {  	v3 =	vld.idx.msk [tilespmem:v3+s20+$0x0], $0xffff  }
0xda: {  	v4 =	vld.idx.msk [tilespmem:v4+s20+$0x0], $0xffff  }
0xdb: {  	v5 =	vld.idx.msk [tilespmem:v5+s20+$0x0], $0xffff  }
0xdc: {  	v6 =	vld.idx.msk [tilespmem:v6+s20+$0x0], $0xffff  }
0xdd: {  	v7 =	vld.idx.msk [tilespmem:v7+s22+$0x0], $0xffff  }
0xde: {  	v8 =	vld.idx.msk [tilespmem:v8+s22+$0x0], $0xffff  }
0xdf: {  	v9 =	vld.idx.msk [tilespmem:v9+s22+$0x0], $0xffff  }
0xe0: {  	v10 =	vld.idx.msk [tilespmem:v10+s22+$0x0], $0xffff  }
0xe1: {  	[tilespmem:v11+s31+$0x0] =	vst.idx.msk $0xffff, v1;
	v1 =	vld [tilespmem:$0x1FE60];
	_ =	sdelay $0x7  }
0xe2: {  	[tilespmem:v1+s31+$0x0] =	vst.idx.msk $0xffff, v2;
	v1 =	vld [tilespmem:$0x1FE70];
	_ =	sdelay $0x7  }
0xe3: {  	[tilespmem:v1+s31+$0x0] =	vst.idx.msk $0xffff, v3;
	v1 =	vld [tilespmem:$0x1FE80];
	_ =	sdelay $0x7  }
0xe4: {  	[tilespmem:v1+s31+$0x0] =	vst.idx.msk $0xffff, v7;
	v1 =	vld [tilespmem:$0x1FE90];
	_ =	sdelay $0x7  }
0xe5: {  	[tilespmem:v1+s31+$0x0] =	vst.idx.msk $0xffff, v4;
	v1 =	vld [tilespmem:$0x1FEA0];
	_ =	sdelay $0x7  }
0xe6: {  	[tilespmem:v1+s31+$0x0] =	vst.idx.msk $0xffff, v8;
	v1 =	vld [tilespmem:$0x1FEB0];
	_ =	sdelay $0x7  }
0xe7: {  	[tilespmem:v1+s31+$0x0] =	vst.idx.msk $0xffff, v5;
	v1 =	vld [tilespmem:$0x1FEC0];
	_ =	sdelay $0x7  }
0xe8: {  	[tilespmem:v1+s31+$0x0] =	vst.idx.msk $0xffff, v9;
	v1 =	vld [tilespmem:$0x1FED0];
	_ =	sdelay $0x7  }
0xe9: {  	[tilespmem:v1+s31+$0x0] =	vst.idx.msk $0xffff, v6;
	v1 =	vld [tilespmem:$0x1FEE0];
	_ =	sdelay $0x7  }
0xea: {  	s12 =	simm.s32 $0x718;
	[tilespmem:v1+s31+$0x0] =	vst.idx.msk $0xffff, v10  }
0xeb: {  	s13 =	simm.s32 $0xD58;
	v1 =	vld [tilespmem:s12+$0x0]  }
0xec: {  	v2 =	vld [tilespmem:s13+$0x0]  }
0xed: {  	v6 =	vld [tilespmem:s13+$0xFFFFFFF0];
	_ =	sdelay $0x2  }
0xee: {  	v1 =	vmul.u32 $0x5, v1  }
0xef: {  	s15 =	simm.s32 $0x738;
	v4 =	vld [tilespmem:s12+$0xFFFFFFF0];
	v2 =	vmul.u32 $0x5, v2  }
0xf0: {  	v18 =	vld [tilespmem:s15+$0x0];
	v6 =	vmul.u32 $0x5, v6  }
0xf1: {  	s12 =	simm.s32 $0xD78;
	v25 =	vld [tilespmem:s15+$0xFFFFFFF0]  }
0xf2: {  	v22 =	vld [tilespmem:s12+$0x0];
	v3 =	vadd.s32 $0x1, v1  }
0xf3: {  	v50 =	vld [tilespmem:s12+$0xFFFFFFF0];
	v5 =	vadd.s32 $0x2, v1  }
0xf4: {  	v7 =	vadd.s32 $0x3, v1;
	v8 =	vld.idx.msk [tilespmem:v1+s20+$0x0], $0xffff  }
0xf5: {  	v10 =	vadd.s32 $0x1, v2;
	v9 =	vld.idx.msk [tilespmem:v2+s22+$0x0], $0xffff  }
0xf6: {  	v4 =	vmul.u32 $0x5, v4;
	v11 =	vadd.s32 $0x2, v2;
	v55 =	vld.idx.msk [tilespmem:v6+s22+$0x0], $0xffff  }
0xf7: {  	v12 =	vadd.s32 $0x3, v2;
	v3 =	vld.idx.msk [tilespmem:v3+s20+$0x0], $0xffff  }
0xf8: {  	v13 =	vadd.s32 $0x1, v4;
	v5 =	vld.idx.msk [tilespmem:v5+s20+$0x0], $0xffff  }
0xf9: {  	s14 =	simm.s32 $0xD8;
	v14 =	vadd.s32 $0x2, v4;
	v7 =	vld.idx.msk [tilespmem:v7+s20+$0x0], $0xffff  }
0xfa: {  	v16 =	vmov s14;
	v15 =	vadd.s32 $0x3, v4;
	v10 =	vld.idx.msk [tilespmem:v10+s22+$0x0], $0xffff  }
0xfb: {  	v16 =	vshll.u32 v16, $0x6;
	v17 =	vadd.s32 $0x4, v4;
	v11 =	vld.idx.msk [tilespmem:v11+s22+$0x0], $0xffff  }
0xfc: {  	s14 =	simm.s32 $0xC8;
	v16 =	vadd.s32 v0, v16;
	v1 =	vadd.s32 $0x4, v1;
	v12 =	vld.idx.msk [tilespmem:v12+s22+$0x0], $0xffff  }
0xfd: {  	v20 =	vmov s14;
	v21 =	vor.u32 $0x32, v16;
	v2 =	vadd.s32 $0x4, v2;
	v13 =	vld.idx.msk [tilespmem:v13+s20+$0x0], $0xffff  }
0xfe: {  	v20 =	vshll.u32 v20, $0x6;
	v24 =	vor.u32 $0x37, v16;
	v19 =	vadd.s32 $0x2, v6;
	v14 =	vld.idx.msk [tilespmem:v14+s20+$0x0], $0xffff  }
0xff: {  	v20 =	vadd.s32 v0, v20;
	v58 =	vor.u32 $0x33, v16;
	v23 =	vadd.s32 $0x3, v6;
	v41 =	vld.idx.msk [tilespmem:v15+s20+$0x0], $0xffff  }
0x100: {  	v59 =	vor.u32 $0x38, v16;
	v18 =	vmul.u32 $0x5, v18;
	v26 =	vadd.s32 $0x4, v6;
	v42 =	vld.idx.msk [tilespmem:v17+s20+$0x0], $0xffff  }
0x101: {  	v60 =	vor.u32 $0x34, v16;
	v44 =	vor.u32 $0x39, v20;
	v45 =	vor.u32 $0x35, v20;
	v1 =	vld.idx.msk [tilespmem:v1+s20+$0x0], $0xffff  }
0x102: {  	v46 =	vor.u32 $0x3A, v20;
	v62 =	vadd.s32 $0x1, v18;
	v2 =	vld.idx.msk [tilespmem:v2+s22+$0x0], $0xffff;
	[tilespmem:v21+s31+$0x0] =	vst.idx.msk $0xffff, v8;
	v8 =	vor.u32 $0x39, v16  }
0x103: {  	v48 =	vor.u32 $0x36, v20;
	v15 =	vadd.s32 $0x1, v6;
	v43 =	vld.idx.msk [tilespmem:v19+s22+$0x0], $0xffff;
	[tilespmem:v24+s31+$0x0] =	vst.idx.msk $0xffff, v9;
	v9 =	vor.u32 $0x35, v16  }
0x104: {  	v51 =	vor.u32 $0x3B, v20;
	v61 =	vmul.u32 $0x5, v22;
	v52 =	vld.idx.msk [tilespmem:v23+s22+$0x0], $0xffff;
	[tilespmem:v58+s31+$0x0] =	vst.idx.msk $0xffff, v3;
	v3 =	vor.u32 $0x3A, v16  }
0x105: {  	v54 =	vor.u32 $0x33, v20;
	v53 =	vor.u32 $0x32, v20;
	v49 =	vld.idx.msk [tilespmem:v26+s22+$0x0], $0xffff;
	[tilespmem:v59+s31+$0x0] =	vst.idx.msk $0xffff, v10;
	v10 =	vor.u32 $0x36, v16  }
0x106: {  	v22 =	vor.u32 $0x34, v20;
	v63 =	vadd.s32 $0x2, v18;
	v17 =	vor.u32 $0x37, v20;
	v26 =	vld.idx.msk [tilespmem:v4+s20+$0x0], $0xffff;
	[tilespmem:v60+s31+$0x0] =	vst.idx.msk $0xffff, v5  }
0x107: {  	v19 =	vor.u32 $0x38, v20;
	v20 =	vld.idx.msk [tilespmem:v62+s20+$0x0], $0xffff;
	v5 =	vor.u32 $0x3B, v16;
	v16 =	vadd.s32 $0x3, v18;
	[tilespmem:v8+s31+$0x0] =	vst.idx.msk $0xffff, v11  }
0x108: {  	s13 =	simm.s32 $0xF8;
	v15 =	vld.idx.msk [tilespmem:v15+s22+$0x0], $0xffff;
	v11 =	vadd.s32 $0x4, v18;
	[tilespmem:v9+s31+$0x0] =	vst.idx.msk $0xffff, v7  }
0x109: {  	v47 =	vmul.u32 $0x5, v25;
	v4 =	vmov s13;
	v8 =	vld.idx.msk [tilespmem:v18+s20+$0x0], $0xffff;
	v9 =	vadd.s32 $0x1, v61;
	[tilespmem:v3+s31+$0x0] =	vst.idx.msk $0xffff, v12  }
0x10a: {  	v50 =	vmul.u32 $0x5, v50;
	v18 =	vld.idx.msk [tilespmem:v61+s22+$0x0], $0xffff;
	v12 =	vadd.s32 $0x2, v61;
	[tilespmem:v10+s31+$0x0] =	vst.idx.msk $0xffff, v1;
	v1 =	vshll.u32 v4, $0x6  }
0x10b: {  	v23 =	vadd.s32 $0x2, v47;
	[tilespmem:v53+s31+$0x0] =	vst.idx.msk $0xffff, v26;
	v4 =	vld.idx.msk [tilespmem:v63+s20+$0x0], $0xffff;
	v10 =	vadd.s32 $0x3, v61;
	v6 =	vadd.s32 v0, v1  }
0x10c: {  	v62 =	vadd.s32 $0x3, v50;
	[tilespmem:v5+s31+$0x0] =	vst.idx.msk $0xffff, v2;
	v5 =	vld.idx.msk [tilespmem:v16+s20+$0x0], $0xffff;
	v2 =	vadd.s32 $0x4, v61;
	v16 =	vor.u32 $0x32, v6  }
0x10d: {  	s16 =	simm.s32 $0xE8;
	v24 =	vadd.s32 $0x3, v47;
	v58 =	vadd.s32 $0x2, v50;
	[tilespmem:v17+s31+$0x0] =	vst.idx.msk $0xffff, v55;
	v7 =	vld.idx.msk [tilespmem:v11+s20+$0x0], $0xffff;
	v21 =	vor.u32 $0x37, v6  }
0x10e: {  	v59 =	vadd.s32 $0x4, v47;
	[tilespmem:v54+s31+$0x0] =	vst.idx.msk $0xffff, v13;
	v1 =	vmov s16;
	v17 =	vor.u32 $0x33, v6;
	v25 =	vld.idx.msk [tilespmem:v9+s22+$0x0], $0xffff  }
0x10f: {  	v60 =	vadd.s32 $0x1, v50;
	[tilespmem:v19+s31+$0x0] =	vst.idx.msk $0xffff, v15;
	v3 =	vadd.s32 $0x1, v47;
	v9 =	vshll.u32 v1, $0x6;
	v11 =	vld.idx.msk [tilespmem:v12+s22+$0x0], $0xffff  }
0x110: {  	[tilespmem:v22+s31+$0x0] =	vst.idx.msk $0xffff, v14;
	v27 =	vor.u32 $0x38, v6;
	v15 =	vor.u32 $0x34, v6;
	v26 =	vadd.s32 v0, v9;
	v12 =	vld.idx.msk [tilespmem:v10+s22+$0x0], $0xffff  }
0x111: {  	v19 =	vor.u32 $0x36, v6;
	v1 =	vadd.s32 $0x4, v50;
	v57 =	vor.u32 $0x32, v26;
	v13 =	vld.idx.msk [tilespmem:v2+s22+$0x0], $0xffff;
	[tilespmem:v16+s31+$0x0] =	vst.idx.msk $0xffff, v8  }
0x112: {  	v54 =	vor.u32 $0x37, v26;
	v53 =	vor.u32 $0x33, v26;
	v16 =	vor.u32 $0x39, v6;
	[tilespmem:v21+s31+$0x0] =	vst.idx.msk $0xffff, v18  }
0x113: {  	v14 =	vld.idx.msk [tilespmem:v24+s20+$0x0], $0xffff;
	v55 =	vor.u32 $0x38, v26;
	v56 =	vor.u32 $0x34, v26;
	[tilespmem:v17+s31+$0x0] =	vst.idx.msk $0xffff, v20;
	v17 =	vor.u32 $0x35, v6  }
0x114: {  	v61 =	vld.idx.msk [tilespmem:v23+s20+$0x0], $0xffff;
	v9 =	vor.u32 $0x39, v26;
	v10 =	vor.u32 $0x35, v26;
	v18 =	vor.u32 $0x3A, v6  }
0x115: {  	s14 =	simm.s32 $0x2;
	s15 =	simm.s32 $0x758;
	v63 =	vld.idx.msk [tilespmem:v3+s20+$0x0], $0xffff;
	v3 =	vor.u32 $0x36, v26;
	v2 =	vor.u32 $0x3B, v26;
	v8 =	vor.u32 $0x3A, v26;
	[tilespmem:v27+s31+$0x0] =	vst.idx.msk $0xffff, v25  }
.LBB2_5:
0x116: {  	v20 =	vld [tilespmem:s15+$0x0];
	[tilespmem:v15+s31+$0x0] =	vst.idx.msk $0xffff, v4;
	v4 =	vor.u32 $0x3B, v6;
	s12 =	sadd.s32 $0x20, s12  }
0x117: {  	v6 =	vld [tilespmem:s12+$0x0];
	[tilespmem:v16+s31+$0x0] =	vst.idx.msk $0xffff, v11  }
0x118: {  	v11 =	vld [tilespmem:s15+$0xFFFFFFF0];
	[tilespmem:v17+s31+$0x0] =	vst.idx.msk $0xffff, v5  }
0x119: {  	v5 =	vld [tilespmem:s12+$0xFFFFFFF0];
	[tilespmem:v18+s31+$0x0] =	vst.idx.msk $0xffff, v12  }
0x11a: {  	v12 =	vld.idx.msk [tilespmem:v59+s20+$0x0], $0xffff;
	[tilespmem:v19+s31+$0x0] =	vst.idx.msk $0xffff, v7  }
0x11b: {  	v7 =	vmul.u32 $0x5, v20;
	v15 =	vld.idx.msk [tilespmem:v60+s22+$0x0], $0xffff;
	[tilespmem:v4+s31+$0x0] =	vst.idx.msk $0xffff, v13  }
0x11c: {  	v13 =	vmul.u32 $0x5, v6;
	[tilespmem:v44+s31+$0x0] =	vst.idx.msk $0xffff, v43;
	v43 =	vld.idx.msk [tilespmem:v58+s22+$0x0], $0xffff;
	v44 =	vmov v9  }
0x11d: {  	v4 =	vmul.u32 $0x5, v11;
	v6 =	vld.idx.msk [tilespmem:v62+s22+$0x0], $0xffff;
	[tilespmem:v45+s31+$0x0] =	vst.idx.msk $0xffff, v41;
	v45 =	vmov v10;
	v41 =	vmov v14  }
0x11e: {  	v9 =	vadd.s32 $0x1, v7;
	v5 =	vmul.u32 $0x5, v5;
	v10 =	vld.idx.msk [tilespmem:v1+s22+$0x0], $0xffff;
	[tilespmem:v46+s31+$0x0] =	vst.idx.msk $0xffff, v52;
	v46 =	vmov v8  }
0x11f: {  	v8 =	vadd.s32 $0x2, v7;
	v14 =	vadd.s32 $0x1, v4;
	v18 =	vadd.s32 $0x2, v4;
	v11 =	vld.idx.msk [tilespmem:v47+s20+$0x0], $0xffff;
	[tilespmem:v48+s31+$0x0] =	vst.idx.msk $0xffff, v42;
	v47 =	vmovc v4  }
0x120: {  	v16 =	vadd.s32 $0x3, v7;
	v42 =	vmovc v12;
	v19 =	vadd.s32 $0x3, v47;
	v59 =	vadd.s32 $0x4, v47;
	v17 =	vld.idx.msk [tilespmem:v50+s22+$0x0], $0xffff;
	[tilespmem:v51+s31+$0x0] =	vst.idx.msk $0xffff, v49  }
0x121: {  	s14 =	sadd.s32 $0x2, s14;
	s13 =	sadd.s32 $0x20, s13;
	v48 =	vmovc v3;
	v60 =	vadd.s32 $0x1, v5;
	v58 =	vadd.s32 $0x2, v5;
	v50 =	vmovc v5;
	v20 =	vld.idx.msk [tilespmem:v7+s20+$0x0], $0xffff;
	v7 =	vadd.s32 $0x4, v7  }
0x122: {  	s16 =	sadd.s32 $0xFFFFFFF0, s13;
	p0 =	slt.u32 s14, $0xA;
	v3 =	vmov s13;
	v12 =	vadd.s32 $0x1, v13;
	v51 =	vmovc v2;
	v62 =	vadd.s32 $0x3, v50;
	v21 =	vld.idx.msk [tilespmem:v13+s22+$0x0], $0xffff  }
0x123: {  	v2 =	vshll.u32 v3, $0x6;
	v3 =	vadd.s32 $0x2, v13;
	v1 =	vadd.s32 $0x4, v50;
	v52 =	vmovc v6;
	v22 =	vld.idx.msk [tilespmem:v9+s20+$0x0], $0xffff  }
0x124: {  	v5 =	vmov s16;
	v6 =	vadd.s32 v0, v2;
	v49 =	vmovc v10;
	v4 =	vld.idx.msk [tilespmem:v8+s20+$0x0], $0xffff;
	v8 =	vadd.s32 $0x3, v13  }
0x125: {  	v2 =	vshll.u32 v5, $0x6;
	v13 =	vadd.s32 $0x4, v13;
	v5 =	vld.idx.msk [tilespmem:v16+s20+$0x0], $0xffff;
	v16 =	vor.u32 $0x32, v6;
	[tilespmem:v57+s31+$0x0] =	vst.idx.msk $0xffff, v11  }
0x126: {  	v2 =	vadd.s32 v0, v2;
	v23 =	vor.u32 $0x37, v6;
	v7 =	vld.idx.msk [tilespmem:v7+s20+$0x0], $0xffff;
	[tilespmem:v54+s31+$0x0] =	vst.idx.msk $0xffff, v17  }
0x127: {  	v25 =	vor.u32 $0x33, v6;
	v57 =	vor.u32 $0x32, v2;
	v54 =	vor.u32 $0x37, v2;
	v24 =	vld.idx.msk [tilespmem:v12+s22+$0x0], $0xffff;
	[tilespmem:v53+s31+$0x0] =	vst.idx.msk $0xffff, v63  }
0x128: {  	v26 =	vor.u32 $0x38, v6;
	v53 =	vor.u32 $0x33, v2;
	v11 =	vld.idx.msk [tilespmem:v3+s22+$0x0], $0xffff;
	[tilespmem:v55+s31+$0x0] =	vst.idx.msk $0xffff, v15;
	v55 =	vor.u32 $0x38, v2  }
.Ltmp3:
0x129: {  	v9 =	vor.u32 $0x39, v2;
	v15 =	vor.u32 $0x34, v6;
	v12 =	vld.idx.msk [tilespmem:v8+s22+$0x0], $0xffff;
	[tilespmem:v56+s31+$0x0] =	vst.idx.msk $0xffff, v61;
	v56 =	vor.u32 $0x34, v2;
	(pc) =	sbr.rel @p0 .LBB2_5-.Ltmp3, $4  }
0x12a: {  	v10 =	vor.u32 $0x35, v2;
	v8 =	vor.u32 $0x3A, v2;
	v13 =	vld.idx.msk [tilespmem:v13+s22+$0x0], $0xffff;
	[tilespmem:v16+s31+$0x0] =	vst.idx.msk $0xffff, v20;
	v16 =	vor.u32 $0x39, v6  }
0x12b: {  	v17 =	vor.u32 $0x35, v6;
	v3 =	vor.u32 $0x36, v2;
	v2 =	vor.u32 $0x3B, v2;
	v63 =	vld.idx.msk [tilespmem:v14+s20+$0x0], $0xffff;
	[tilespmem:v23+s31+$0x0] =	vst.idx.msk $0xffff, v21  }
0x12c: {  	v61 =	vld.idx.msk [tilespmem:v18+s20+$0x0], $0xffff;
	[tilespmem:v25+s31+$0x0] =	vst.idx.msk $0xffff, v22;
	v18 =	vor.u32 $0x3A, v6  }
0x12d: {  	s15 =	sadd.s32 $0x20, s15;
	v14 =	vld.idx.msk [tilespmem:v19+s20+$0x0], $0xffff;
	[tilespmem:v26+s31+$0x0] =	vst.idx.msk $0xffff, v24;
	v19 =	vor.u32 $0x36, v6  }
0x12e: {  	_ =	sdelay $0x3  }
0x12f: {  	[tilespmem:v15+s31+$0x0] =	vst.idx.msk $0xffff, v4  }
0x130: {  	v4 =	vor.u32 $0x3B, v6;
	[tilespmem:v44+s31+$0x0] =	vst.idx.msk $0xffff, v43  }
0x131: {  	[tilespmem:v16+s31+$0x0] =	vst.idx.msk $0xffff, v11  }
0x132: {  	[tilespmem:v17+s31+$0x0] =	vst.idx.msk $0xffff, v5  }
0x133: {  	[tilespmem:v18+s31+$0x0] =	vst.idx.msk $0xffff, v12  }
0x134: {  	v6 =	vld.idx.msk [tilespmem:v60+s22+$0x0], $0xffff;
	[tilespmem:v19+s31+$0x0] =	vst.idx.msk $0xffff, v7  }
0x135: {  	[tilespmem:v4+s31+$0x0] =	vst.idx.msk $0xffff, v13;
	v4 =	vld.idx.msk [tilespmem:v47+s20+$0x0], $0xffff  }
0x136: {  	[tilespmem:v45+s31+$0x0] =	vst.idx.msk $0xffff, v41;
	v7 =	vld.idx.msk [tilespmem:v50+s22+$0x0], $0xffff  }
0x137: {  	v1 =	vld.idx.msk [tilespmem:v1+s22+$0x0], $0xffff;
	[tilespmem:v46+s31+$0x0] =	vst.idx.msk $0xffff, v52  }
0x138: {  	v11 =	vld.idx.msk [tilespmem:v58+s22+$0x0], $0xffff;
	[tilespmem:v48+s31+$0x0] =	vst.idx.msk $0xffff, v42  }
0x139: {  	v5 =	vld.idx.msk [tilespmem:v59+s20+$0x0], $0xffff;
	[tilespmem:v51+s31+$0x0] =	vst.idx.msk $0xffff, v49  }
0x13a: {  	v12 =	vld.idx.msk [tilespmem:v62+s22+$0x0], $0xffff;
	[tilespmem:v57+s31+$0x0] =	vst.idx.msk $0xffff, v4  }
0x13b: {  	[tilespmem:v54+s31+$0x0] =	vst.idx.msk $0xffff, v7  }
0x13c: {  	[tilespmem:v53+s31+$0x0] =	vst.idx.msk $0xffff, v63  }
0x13d: {  	[tilespmem:v55+s31+$0x0] =	vst.idx.msk $0xffff, v6  }
0x13e: {  	[tilespmem:v56+s31+$0x0] =	vst.idx.msk $0xffff, v61  }
0x13f: {  	[tilespmem:v9+s31+$0x0] =	vst.idx.msk $0xffff, v11  }
0x140: {  	[tilespmem:v10+s31+$0x0] =	vst.idx.msk $0xffff, v14  }
0x141: {  	[tilespmem:v8+s31+$0x0] =	vst.idx.msk $0xffff, v12  }
0x142: {  	[tilespmem:v3+s31+$0x0] =	vst.idx.msk $0xffff, v5  }
0x143: {  	[tilespmem:v2+s31+$0x0] =	vst.idx.msk $0xffff, v1  }
0x144: {  	v1 =	vld [tilespmem:$0x7C0]  }
0x145: {  	v2 =	vld [tilespmem:$0xE00];
	_ =	sdelay $0x3  }
0x146: {  	v1 =	vmul.u32 $0x5, v1  }
0x147: {  	v2 =	vmul.u32 $0x5, v2;
	_ =	sdelay $0x1  }
0x148: {  	v3 =	vadd.s32 $0x1, v1  }
0x149: {  	v4 =	vadd.s32 $0x2, v1  }
0x14a: {  	v11 =	vld [tilespmem:$0x1FEF0];
	v5 =	vadd.s32 $0x3, v1  }
0x14b: {  	v6 =	vadd.s32 $0x4, v1;
	v7 =	vadd.s32 $0x1, v2;
	v1 =	vld.idx.msk [tilespmem:v1+s20+$0x0], $0xffff  }
0x14c: {  	v8 =	vadd.s32 $0x2, v2;
	v9 =	vadd.s32 $0x3, v2;
	v10 =	vadd.s32 $0x4, v2;
	v2 =	vld.idx.msk [tilespmem:v2+s22+$0x0], $0xffff  }
0x14d: {  	v3 =	vld.idx.msk [tilespmem:v3+s20+$0x0], $0xffff  }
0x14e: {  	v4 =	vld.idx.msk [tilespmem:v4+s20+$0x0], $0xffff  }
0x14f: {  	v5 =	vld.idx.msk [tilespmem:v5+s20+$0x0], $0xffff  }
0x150: {  	v6 =	vld.idx.msk [tilespmem:v6+s20+$0x0], $0xffff  }
0x151: {  	v7 =	vld.idx.msk [tilespmem:v7+s22+$0x0], $0xffff  }
0x152: {  	v8 =	vld.idx.msk [tilespmem:v8+s22+$0x0], $0xffff  }
0x153: {  	v9 =	vld.idx.msk [tilespmem:v9+s22+$0x0], $0xffff  }
0x154: {  	v10 =	vld.idx.msk [tilespmem:v10+s22+$0x0], $0xffff  }
0x155: {  	[tilespmem:v11+s31+$0x0] =	vst.idx.msk $0xffff, v1;
	v1 =	vld [tilespmem:$0x1FF00];
	_ =	sdelay $0x7  }
0x156: {  	[tilespmem:v1+s31+$0x0] =	vst.idx.msk $0xffff, v2;
	v1 =	vld [tilespmem:$0x1FF10];
	_ =	sdelay $0x7  }
0x157: {  	[tilespmem:v1+s31+$0x0] =	vst.idx.msk $0xffff, v3;
	v1 =	vld [tilespmem:$0x1FF20];
	_ =	sdelay $0x7  }
0x158: {  	[tilespmem:v1+s31+$0x0] =	vst.idx.msk $0xffff, v7;
	v1 =	vld [tilespmem:$0x1FF30];
	_ =	sdelay $0x7  }
0x159: {  	[tilespmem:v1+s31+$0x0] =	vst.idx.msk $0xffff, v4;
	v1 =	vld [tilespmem:$0x1FF40];
	_ =	sdelay $0x7  }
0x15a: {  	[tilespmem:v1+s31+$0x0] =	vst.idx.msk $0xffff, v8;
	v1 =	vld [tilespmem:$0x1FF50];
	_ =	sdelay $0x7  }
0x15b: {  	[tilespmem:v1+s31+$0x0] =	vst.idx.msk $0xffff, v5;
	v1 =	vld [tilespmem:$0x1FF60];
	_ =	sdelay $0x7  }
0x15c: {  	[tilespmem:v1+s31+$0x0] =	vst.idx.msk $0xffff, v9;
	v1 =	vld [tilespmem:$0x1FF70];
	_ =	sdelay $0x7  }
0x15d: {  	[tilespmem:v1+s31+$0x0] =	vst.idx.msk $0xffff, v6;
	v1 =	vld [tilespmem:$0x1FF80];
	_ =	sdelay $0x7  }
0x15e: {  	s12 =	simm.s32 $0x7E0;
	[tilespmem:v1+s31+$0x0] =	vst.idx.msk $0xffff, v10  }
0x15f: {  	s13 =	simm.s32 $0xE20;
	v1 =	vld [tilespmem:s12+$0x0]  }
0x160: {  	v2 =	vld [tilespmem:s13+$0x0]  }
0x161: {  	v4 =	vld [tilespmem:s12+$0xFFFFFFF0];
	_ =	sdelay $0x2  }
0x162: {  	v1 =	vmul.u32 $0x5, v1  }
0x163: {  	s15 =	simm.s32 $0x800;
	v6 =	vld [tilespmem:s13+$0xFFFFFFF0];
	v2 =	vmul.u32 $0x5, v2  }
0x164: {  	v18 =	vld [tilespmem:s15+$0x0];
	v4 =	vmul.u32 $0x5, v4  }
0x165: {  	s12 =	simm.s32 $0xE40;
	v25 =	vld [tilespmem:s15+$0xFFFFFFF0]  }
0x166: {  	v22 =	vld [tilespmem:s12+$0x0];
	v3 =	vadd.s32 $0x1, v1  }
0x167: {  	v58 =	vld [tilespmem:s12+$0xFFFFFFF0];
	v5 =	vadd.s32 $0x2, v1  }
0x168: {  	v7 =	vadd.s32 $0x3, v1;
	v8 =	vld.idx.msk [tilespmem:v1+s20+$0x0], $0xffff  }
0x169: {  	v10 =	vadd.s32 $0x1, v2;
	v9 =	vld.idx.msk [tilespmem:v2+s22+$0x0], $0xffff  }
0x16a: {  	v11 =	vadd.s32 $0x2, v2;
	v55 =	vld.idx.msk [tilespmem:v4+s20+$0x0], $0xffff  }
0x16b: {  	v12 =	vadd.s32 $0x3, v2;
	v3 =	vld.idx.msk [tilespmem:v3+s20+$0x0], $0xffff  }
0x16c: {  	v13 =	vadd.s32 $0x1, v4;
	v5 =	vld.idx.msk [tilespmem:v5+s20+$0x0], $0xffff  }
0x16d: {  	s14 =	simm.s32 $0x1A0;
	v14 =	vadd.s32 $0x2, v4;
	v7 =	vld.idx.msk [tilespmem:v7+s20+$0x0], $0xffff  }
0x16e: {  	v16 =	vmov s14;
	s14 =	simm.s32 $0x190;
	v15 =	vadd.s32 $0x3, v4;
	v10 =	vld.idx.msk [tilespmem:v10+s22+$0x0], $0xffff  }
0x16f: {  	v16 =	vshll.u32 v16, $0x6;
	v20 =	vmov s14;
	v17 =	vadd.s32 $0x4, v4;
	v11 =	vld.idx.msk [tilespmem:v11+s22+$0x0], $0xffff  }
0x170: {  	v16 =	vor.u32 v0, v16;
	v6 =	vmul.u32 $0x5, v6;
	v1 =	vadd.s32 $0x4, v1;
	v12 =	vld.idx.msk [tilespmem:v12+s22+$0x0], $0xffff  }
0x171: {  	v20 =	vshll.u32 v20, $0x6;
	v21 =	vor.u32 $0x32, v16;
	v2 =	vadd.s32 $0x4, v2;
	v13 =	vld.idx.msk [tilespmem:v13+s20+$0x0], $0xffff  }
0x172: {  	v24 =	vor.u32 $0x37, v16;
	v20 =	vor.u32 v0, v20;
	v19 =	vadd.s32 $0x2, v6;
	v14 =	vld.idx.msk [tilespmem:v14+s20+$0x0], $0xffff  }
0x173: {  	v27 =	vor.u32 $0x33, v16;
	v18 =	vmul.u32 $0x5, v18;
	v23 =	vadd.s32 $0x3, v6;
	v41 =	vld.idx.msk [tilespmem:v15+s20+$0x0], $0xffff  }
0x174: {  	v59 =	vor.u32 $0x38, v16;
	v60 =	vor.u32 $0x34, v16;
	v26 =	vadd.s32 $0x4, v6;
	v42 =	vld.idx.msk [tilespmem:v17+s20+$0x0], $0xffff  }
0x175: {  	v44 =	vor.u32 $0x39, v20;
	v45 =	vor.u32 $0x35, v20;
	v62 =	vadd.s32 $0x1, v18;
	v1 =	vld.idx.msk [tilespmem:v1+s20+$0x0], $0xffff  }
0x176: {  	v46 =	vor.u32 $0x3A, v20;
	v15 =	vadd.s32 $0x1, v6;
	v2 =	vld.idx.msk [tilespmem:v2+s22+$0x0], $0xffff;
	[tilespmem:v21+s31+$0x0] =	vst.idx.msk $0xffff, v8;
	v8 =	vor.u32 $0x39, v16  }
0x177: {  	v48 =	vor.u32 $0x36, v20;
	v51 =	vor.u32 $0x3B, v20;
	v43 =	vld.idx.msk [tilespmem:v19+s22+$0x0], $0xffff;
	[tilespmem:v24+s31+$0x0] =	vst.idx.msk $0xffff, v9;
	v9 =	vor.u32 $0x35, v16  }
0x178: {  	v54 =	vor.u32 $0x33, v20;
	v61 =	vmul.u32 $0x5, v22;
	v52 =	vld.idx.msk [tilespmem:v23+s22+$0x0], $0xffff;
	[tilespmem:v27+s31+$0x0] =	vst.idx.msk $0xffff, v3;
	v3 =	vor.u32 $0x3A, v16  }
0x179: {  	v53 =	vor.u32 $0x32, v20;
	v22 =	vor.u32 $0x34, v20;
	v49 =	vld.idx.msk [tilespmem:v26+s22+$0x0], $0xffff;
	[tilespmem:v59+s31+$0x0] =	vst.idx.msk $0xffff, v10;
	v10 =	vor.u32 $0x36, v16  }
0x17a: {  	v63 =	vadd.s32 $0x2, v18;
	v17 =	vor.u32 $0x37, v20;
	v19 =	vor.u32 $0x38, v20;
	v20 =	vld.idx.msk [tilespmem:v62+s20+$0x0], $0xffff;
	[tilespmem:v60+s31+$0x0] =	vst.idx.msk $0xffff, v5  }
0x17b: {  	v15 =	vld.idx.msk [tilespmem:v15+s22+$0x0], $0xffff;
	v5 =	vor.u32 $0x3B, v16;
	v16 =	vadd.s32 $0x3, v18;
	[tilespmem:v8+s31+$0x0] =	vst.idx.msk $0xffff, v11  }
0x17c: {  	s13 =	simm.s32 $0x1C0;
	v27 =	vld.idx.msk [tilespmem:v6+s22+$0x0], $0xffff;
	v11 =	vadd.s32 $0x4, v18;
	[tilespmem:v9+s31+$0x0] =	vst.idx.msk $0xffff, v7  }
0x17d: {  	v50 =	vmul.u32 $0x5, v58;
	v4 =	vmov s13;
	v8 =	vld.idx.msk [tilespmem:v18+s20+$0x0], $0xffff;
	v9 =	vadd.s32 $0x1, v61;
	[tilespmem:v3+s31+$0x0] =	vst.idx.msk $0xffff, v12  }
0x17e: {  	v47 =	vmul.u32 $0x5, v25;
	v18 =	vld.idx.msk [tilespmem:v61+s22+$0x0], $0xffff;
	v12 =	vadd.s32 $0x2, v61;
	[tilespmem:v10+s31+$0x0] =	vst.idx.msk $0xffff, v1;
	v1 =	vshll.u32 v4, $0x6  }
0x17f: {  	v58 =	vadd.s32 $0x2, v50;
	v4 =	vld.idx.msk [tilespmem:v63+s20+$0x0], $0xffff;
	v10 =	vadd.s32 $0x3, v61;
	v6 =	vor.u32 v0, v1  }
0x180: {  	v23 =	vadd.s32 $0x2, v47;
	[tilespmem:v5+s31+$0x0] =	vst.idx.msk $0xffff, v2;
	v5 =	vld.idx.msk [tilespmem:v16+s20+$0x0], $0xffff;
	v2 =	vadd.s32 $0x4, v61;
	v16 =	vor.u32 $0x32, v6  }
0x181: {  	s16 =	simm.s32 $0x1B0;
	v62 =	vadd.s32 $0x3, v50;
	v24 =	vadd.s32 $0x3, v47;
	[tilespmem:v53+s31+$0x0] =	vst.idx.msk $0xffff, v55;
	v7 =	vld.idx.msk [tilespmem:v11+s20+$0x0], $0xffff;
	v21 =	vor.u32 $0x37, v6  }
0x182: {  	v59 =	vadd.s32 $0x4, v47;
	[tilespmem:v17+s31+$0x0] =	vst.idx.msk $0xffff, v27;
	v1 =	vmov s16;
	v17 =	vor.u32 $0x33, v6;
	v25 =	vld.idx.msk [tilespmem:v9+s22+$0x0], $0xffff  }
0x183: {  	v60 =	vadd.s32 $0x1, v50;
	v3 =	vadd.s32 $0x1, v47;
	[tilespmem:v54+s31+$0x0] =	vst.idx.msk $0xffff, v13;
	v9 =	vshll.u32 v1, $0x6;
	v11 =	vld.idx.msk [tilespmem:v12+s22+$0x0], $0xffff  }
0x184: {  	[tilespmem:v19+s31+$0x0] =	vst.idx.msk $0xffff, v15;
	v27 =	vor.u32 $0x38, v6;
	v15 =	vor.u32 $0x34, v6;
	v26 =	vor.u32 v0, v9;
	v12 =	vld.idx.msk [tilespmem:v10+s22+$0x0], $0xffff  }
0x185: {  	v19 =	vor.u32 $0x36, v6;
	v1 =	vadd.s32 $0x4, v50;
	v57 =	vor.u32 $0x32, v26;
	v13 =	vld.idx.msk [tilespmem:v2+s22+$0x0], $0xffff;
	[tilespmem:v16+s31+$0x0] =	vst.idx.msk $0xffff, v8  }
0x186: {  	v54 =	vor.u32 $0x37, v26;
	v53 =	vor.u32 $0x33, v26;
	v16 =	vor.u32 $0x39, v6;
	[tilespmem:v21+s31+$0x0] =	vst.idx.msk $0xffff, v18  }
0x187: {  	v61 =	vld.idx.msk [tilespmem:v23+s20+$0x0], $0xffff;
	v55 =	vor.u32 $0x38, v26;
	v56 =	vor.u32 $0x34, v26;
	[tilespmem:v17+s31+$0x0] =	vst.idx.msk $0xffff, v20;
	v17 =	vor.u32 $0x35, v6  }
0x188: {  	[tilespmem:v22+s31+$0x0] =	vst.idx.msk $0xffff, v14;
	v14 =	vld.idx.msk [tilespmem:v24+s20+$0x0], $0xffff;
	v9 =	vor.u32 $0x39, v26;
	v10 =	vor.u32 $0x35, v26;
	v18 =	vor.u32 $0x3A, v6  }
0x189: {  	s14 =	simm.s32 $0x2;
	s15 =	simm.s32 $0x820;
	v63 =	vld.idx.msk [tilespmem:v3+s20+$0x0], $0xffff;
	v3 =	vor.u32 $0x36, v26;
	v2 =	vor.u32 $0x3B, v26;
	v8 =	vor.u32 $0x3A, v26;
	[tilespmem:v27+s31+$0x0] =	vst.idx.msk $0xffff, v25  }
.LBB2_7:
0x18a: {  	v20 =	vld [tilespmem:s15+$0x0];
	[tilespmem:v15+s31+$0x0] =	vst.idx.msk $0xffff, v4;
	v4 =	vor.u32 $0x3B, v6;
	s12 =	sadd.s32 $0x20, s12  }
0x18b: {  	v6 =	vld [tilespmem:s12+$0x0];
	[tilespmem:v16+s31+$0x0] =	vst.idx.msk $0xffff, v11  }
0x18c: {  	v11 =	vld [tilespmem:s15+$0xFFFFFFF0];
	[tilespmem:v17+s31+$0x0] =	vst.idx.msk $0xffff, v5  }
0x18d: {  	v5 =	vld [tilespmem:s12+$0xFFFFFFF0];
	[tilespmem:v18+s31+$0x0] =	vst.idx.msk $0xffff, v12  }
0x18e: {  	v12 =	vld.idx.msk [tilespmem:v59+s20+$0x0], $0xffff;
	[tilespmem:v19+s31+$0x0] =	vst.idx.msk $0xffff, v7  }
0x18f: {  	v7 =	vmul.u32 $0x5, v20;
	v15 =	vld.idx.msk [tilespmem:v60+s22+$0x0], $0xffff;
	[tilespmem:v4+s31+$0x0] =	vst.idx.msk $0xffff, v13  }
0x190: {  	v13 =	vmul.u32 $0x5, v6;
	[tilespmem:v44+s31+$0x0] =	vst.idx.msk $0xffff, v43;
	v43 =	vld.idx.msk [tilespmem:v58+s22+$0x0], $0xffff;
	v44 =	vmov v9  }
0x191: {  	v4 =	vmul.u32 $0x5, v11;
	v6 =	vld.idx.msk [tilespmem:v62+s22+$0x0], $0xffff;
	[tilespmem:v45+s31+$0x0] =	vst.idx.msk $0xffff, v41;
	v45 =	vmov v10;
	v41 =	vmov v14  }
0x192: {  	v9 =	vadd.s32 $0x1, v7;
	v5 =	vmul.u32 $0x5, v5;
	v10 =	vld.idx.msk [tilespmem:v1+s22+$0x0], $0xffff;
	[tilespmem:v46+s31+$0x0] =	vst.idx.msk $0xffff, v52;
	v46 =	vmov v8  }
0x193: {  	v8 =	vadd.s32 $0x2, v7;
	v14 =	vadd.s32 $0x1, v4;
	v18 =	vadd.s32 $0x2, v4;
	v11 =	vld.idx.msk [tilespmem:v47+s20+$0x0], $0xffff;
	[tilespmem:v48+s31+$0x0] =	vst.idx.msk $0xffff, v42;
	v47 =	vmovc v4  }
0x194: {  	v16 =	vadd.s32 $0x3, v7;
	v42 =	vmovc v12;
	v19 =	vadd.s32 $0x3, v47;
	v59 =	vadd.s32 $0x4, v47;
	v17 =	vld.idx.msk [tilespmem:v50+s22+$0x0], $0xffff;
	[tilespmem:v51+s31+$0x0] =	vst.idx.msk $0xffff, v49  }
0x195: {  	s14 =	sadd.s32 $0x2, s14;
	s13 =	sadd.s32 $0x20, s13;
	v48 =	vmovc v3;
	v60 =	vadd.s32 $0x1, v5;
	v58 =	vadd.s32 $0x2, v5;
	v50 =	vmovc v5;
	v20 =	vld.idx.msk [tilespmem:v7+s20+$0x0], $0xffff;
	v7 =	vadd.s32 $0x4, v7  }
0x196: {  	s16 =	sadd.s32 $0xFFFFFFF0, s13;
	p0 =	slt.u32 s14, $0xA;
	v3 =	vmov s13;
	v12 =	vadd.s32 $0x1, v13;
	v51 =	vmovc v2;
	v62 =	vadd.s32 $0x3, v50;
	v21 =	vld.idx.msk [tilespmem:v13+s22+$0x0], $0xffff  }
0x197: {  	v2 =	vshll.u32 v3, $0x6;
	v3 =	vadd.s32 $0x2, v13;
	v1 =	vadd.s32 $0x4, v50;
	v52 =	vmovc v6;
	v22 =	vld.idx.msk [tilespmem:v9+s20+$0x0], $0xffff  }
0x198: {  	v5 =	vmov s16;
	v6 =	vor.u32 v0, v2;
	v49 =	vmovc v10;
	v4 =	vld.idx.msk [tilespmem:v8+s20+$0x0], $0xffff;
	v8 =	vadd.s32 $0x3, v13  }
0x199: {  	v2 =	vshll.u32 v5, $0x6;
	v13 =	vadd.s32 $0x4, v13;
	v5 =	vld.idx.msk [tilespmem:v16+s20+$0x0], $0xffff;
	v16 =	vor.u32 $0x32, v6;
	[tilespmem:v57+s31+$0x0] =	vst.idx.msk $0xffff, v11  }
0x19a: {  	v2 =	vor.u32 v0, v2;
	v23 =	vor.u32 $0x37, v6;
	v7 =	vld.idx.msk [tilespmem:v7+s20+$0x0], $0xffff;
	[tilespmem:v54+s31+$0x0] =	vst.idx.msk $0xffff, v17  }
0x19b: {  	v25 =	vor.u32 $0x33, v6;
	v57 =	vor.u32 $0x32, v2;
	v54 =	vor.u32 $0x37, v2;
	v24 =	vld.idx.msk [tilespmem:v12+s22+$0x0], $0xffff;
	[tilespmem:v53+s31+$0x0] =	vst.idx.msk $0xffff, v63  }
0x19c: {  	v26 =	vor.u32 $0x38, v6;
	v53 =	vor.u32 $0x33, v2;
	v11 =	vld.idx.msk [tilespmem:v3+s22+$0x0], $0xffff;
	[tilespmem:v55+s31+$0x0] =	vst.idx.msk $0xffff, v15;
	v55 =	vor.u32 $0x38, v2  }
.Ltmp4:
0x19d: {  	v9 =	vor.u32 $0x39, v2;
	v15 =	vor.u32 $0x34, v6;
	v12 =	vld.idx.msk [tilespmem:v8+s22+$0x0], $0xffff;
	[tilespmem:v56+s31+$0x0] =	vst.idx.msk $0xffff, v61;
	v56 =	vor.u32 $0x34, v2;
	(pc) =	sbr.rel @p0 .LBB2_7-.Ltmp4, $4  }
0x19e: {  	v10 =	vor.u32 $0x35, v2;
	v8 =	vor.u32 $0x3A, v2;
	v13 =	vld.idx.msk [tilespmem:v13+s22+$0x0], $0xffff;
	[tilespmem:v16+s31+$0x0] =	vst.idx.msk $0xffff, v20;
	v16 =	vor.u32 $0x39, v6  }
0x19f: {  	v17 =	vor.u32 $0x35, v6;
	v3 =	vor.u32 $0x36, v2;
	v2 =	vor.u32 $0x3B, v2;
	v63 =	vld.idx.msk [tilespmem:v14+s20+$0x0], $0xffff;
	[tilespmem:v23+s31+$0x0] =	vst.idx.msk $0xffff, v21  }
0x1a0: {  	v61 =	vld.idx.msk [tilespmem:v18+s20+$0x0], $0xffff;
	[tilespmem:v25+s31+$0x0] =	vst.idx.msk $0xffff, v22;
	v18 =	vor.u32 $0x3A, v6  }
0x1a1: {  	s15 =	sadd.s32 $0x20, s15;
	v14 =	vld.idx.msk [tilespmem:v19+s20+$0x0], $0xffff;
	[tilespmem:v26+s31+$0x0] =	vst.idx.msk $0xffff, v24;
	v19 =	vor.u32 $0x36, v6  }
0x1a2: {  	_ =	sdelay $0x3  }
0x1a3: {  	[tilespmem:v15+s31+$0x0] =	vst.idx.msk $0xffff, v4  }
0x1a4: {  	v4 =	vor.u32 $0x3B, v6;
	[tilespmem:v44+s31+$0x0] =	vst.idx.msk $0xffff, v43  }
0x1a5: {  	[tilespmem:v16+s31+$0x0] =	vst.idx.msk $0xffff, v11  }
0x1a6: {  	[tilespmem:v17+s31+$0x0] =	vst.idx.msk $0xffff, v5  }
0x1a7: {  	[tilespmem:v18+s31+$0x0] =	vst.idx.msk $0xffff, v12  }
0x1a8: {  	v6 =	vld.idx.msk [tilespmem:v60+s22+$0x0], $0xffff;
	[tilespmem:v19+s31+$0x0] =	vst.idx.msk $0xffff, v7  }
0x1a9: {  	[tilespmem:v4+s31+$0x0] =	vst.idx.msk $0xffff, v13;
	v4 =	vld.idx.msk [tilespmem:v47+s20+$0x0], $0xffff  }
0x1aa: {  	[tilespmem:v45+s31+$0x0] =	vst.idx.msk $0xffff, v41;
	v7 =	vld.idx.msk [tilespmem:v50+s22+$0x0], $0xffff  }
0x1ab: {  	v1 =	vld.idx.msk [tilespmem:v1+s22+$0x0], $0xffff;
	[tilespmem:v46+s31+$0x0] =	vst.idx.msk $0xffff, v52  }
0x1ac: {  	v11 =	vld.idx.msk [tilespmem:v58+s22+$0x0], $0xffff;
	[tilespmem:v48+s31+$0x0] =	vst.idx.msk $0xffff, v42  }
0x1ad: {  	v5 =	vld.idx.msk [tilespmem:v59+s20+$0x0], $0xffff;
	[tilespmem:v51+s31+$0x0] =	vst.idx.msk $0xffff, v49  }
0x1ae: {  	v12 =	vld.idx.msk [tilespmem:v62+s22+$0x0], $0xffff;
	[tilespmem:v57+s31+$0x0] =	vst.idx.msk $0xffff, v4  }
0x1af: {  	[tilespmem:v54+s31+$0x0] =	vst.idx.msk $0xffff, v7  }
0x1b0: {  	[tilespmem:v53+s31+$0x0] =	vst.idx.msk $0xffff, v63  }
0x1b1: {  	[tilespmem:v55+s31+$0x0] =	vst.idx.msk $0xffff, v6  }
0x1b2: {  	[tilespmem:v56+s31+$0x0] =	vst.idx.msk $0xffff, v61  }
0x1b3: {  	[tilespmem:v9+s31+$0x0] =	vst.idx.msk $0xffff, v11  }
0x1b4: {  	[tilespmem:v10+s31+$0x0] =	vst.idx.msk $0xffff, v14  }
0x1b5: {  	[tilespmem:v8+s31+$0x0] =	vst.idx.msk $0xffff, v12  }
0x1b6: {  	[tilespmem:v3+s31+$0x0] =	vst.idx.msk $0xffff, v5  }
0x1b7: {  	[tilespmem:v2+s31+$0x0] =	vst.idx.msk $0xffff, v1  }
0x1b8: {  	v1 =	vld [tilespmem:$0x888]  }
0x1b9: {  	v2 =	vld [tilespmem:$0xEC8];
	_ =	sdelay $0x3  }
0x1ba: {  	v1 =	vmul.u32 $0x5, v1  }
0x1bb: {  	v2 =	vmul.u32 $0x5, v2;
	_ =	sdelay $0x1  }
0x1bc: {  	v3 =	vadd.s32 $0x1, v1  }
0x1bd: {  	v4 =	vadd.s32 $0x2, v1  }
0x1be: {  	v11 =	vld [tilespmem:$0x1FF90];
	v5 =	vadd.s32 $0x3, v1  }
0x1bf: {  	v6 =	vadd.s32 $0x4, v1;
	v7 =	vadd.s32 $0x1, v2;
	v1 =	vld.idx.msk [tilespmem:v1+s20+$0x0], $0xffff  }
0x1c0: {  	v8 =	vadd.s32 $0x2, v2;
	v9 =	vadd.s32 $0x3, v2;
	v10 =	vadd.s32 $0x4, v2;
	v2 =	vld.idx.msk [tilespmem:v2+s22+$0x0], $0xffff  }
0x1c1: {  	v3 =	vld.idx.msk [tilespmem:v3+s20+$0x0], $0xffff  }
0x1c2: {  	v4 =	vld.idx.msk [tilespmem:v4+s20+$0x0], $0xffff  }
0x1c3: {  	v5 =	vld.idx.msk [tilespmem:v5+s20+$0x0], $0xffff  }
0x1c4: {  	v6 =	vld.idx.msk [tilespmem:v6+s20+$0x0], $0xffff  }
0x1c5: {  	v7 =	vld.idx.msk [tilespmem:v7+s22+$0x0], $0xffff  }
0x1c6: {  	v8 =	vld.idx.msk [tilespmem:v8+s22+$0x0], $0xffff  }
0x1c7: {  	v9 =	vld.idx.msk [tilespmem:v9+s22+$0x0], $0xffff  }
0x1c8: {  	v10 =	vld.idx.msk [tilespmem:v10+s22+$0x0], $0xffff  }
0x1c9: {  	[tilespmem:v11+s31+$0x0] =	vst.idx.msk $0xffff, v1;
	v1 =	vld [tilespmem:$0x1FFA0];
	_ =	sdelay $0x7  }
0x1ca: {  	[tilespmem:v1+s31+$0x0] =	vst.idx.msk $0xffff, v2;
	v1 =	vld [tilespmem:$0x1FFB0];
	_ =	sdelay $0x7  }
0x1cb: {  	[tilespmem:v1+s31+$0x0] =	vst.idx.msk $0xffff, v3;
	v1 =	vld [tilespmem:$0x1FFC0];
	_ =	sdelay $0x7  }
0x1cc: {  	[tilespmem:v1+s31+$0x0] =	vst.idx.msk $0xffff, v7;
	v1 =	vld [tilespmem:$0x1FFD0];
	_ =	sdelay $0x7  }
0x1cd: {  	[tilespmem:v1+s31+$0x0] =	vst.idx.msk $0xffff, v4;
	v1 =	vld [tilespmem:$0x1FFE0];
	_ =	sdelay $0x7  }
0x1ce: {  	[tilespmem:v1+s31+$0x0] =	vst.idx.msk $0xffff, v8;
	v1 =	vld [tilespmem:$0x1FFF0];
	_ =	sdelay $0x7  }
0x1cf: {  	[tilespmem:v1+s31+$0x0] =	vst.idx.msk $0xffff, v5  }
0x1d0: {  	[tilespmem:v28+s31+$0x0] =	vst.idx.msk $0xffff, v9  }
0x1d1: {  	[tilespmem:v29+s31+$0x0] =	vst.idx.msk $0xffff, v6  }
0x1d2: {  	s12 =	simm.s32 $0x8A8;
	[tilespmem:v30+s31+$0x0] =	vst.idx.msk $0xffff, v10  }
0x1d3: {  	s13 =	simm.s32 $0xEE8;
	v1 =	vld [tilespmem:s12+$0x0]  }
0x1d4: {  	v2 =	vld [tilespmem:s13+$0x0]  }
0x1d5: {  	v4 =	vld [tilespmem:s12+$0xFFFFFFF0];
	_ =	sdelay $0x2  }
0x1d6: {  	v1 =	vmul.u32 $0x5, v1  }
0x1d7: {  	s15 =	simm.s32 $0x8C8;
	v6 =	vld [tilespmem:s13+$0xFFFFFFF0];
	v2 =	vmul.u32 $0x5, v2  }
0x1d8: {  	v18 =	vld [tilespmem:s15+$0x0];
	v4 =	vmul.u32 $0x5, v4  }
0x1d9: {  	s12 =	simm.s32 $0xF08;
	v25 =	vld [tilespmem:s15+$0xFFFFFFF0]  }
0x1da: {  	v22 =	vld [tilespmem:s12+$0x0];
	v3 =	vadd.s32 $0x1, v1  }
0x1db: {  	v58 =	vld [tilespmem:s12+$0xFFFFFFF0];
	v5 =	vadd.s32 $0x2, v1  }
0x1dc: {  	v7 =	vadd.s32 $0x3, v1;
	v8 =	vld.idx.msk [tilespmem:v1+s20+$0x0], $0xffff  }
0x1dd: {  	v10 =	vadd.s32 $0x1, v2;
	v9 =	vld.idx.msk [tilespmem:v2+s22+$0x0], $0xffff  }
0x1de: {  	v11 =	vadd.s32 $0x2, v2;
	v55 =	vld.idx.msk [tilespmem:v4+s20+$0x0], $0xffff  }
0x1df: {  	v12 =	vadd.s32 $0x3, v2;
	v3 =	vld.idx.msk [tilespmem:v3+s20+$0x0], $0xffff  }
0x1e0: {  	v13 =	vadd.s32 $0x1, v4;
	v5 =	vld.idx.msk [tilespmem:v5+s20+$0x0], $0xffff  }
0x1e1: {  	s14 =	simm.s32 $0x268;
	v14 =	vadd.s32 $0x2, v4;
	v7 =	vld.idx.msk [tilespmem:v7+s20+$0x0], $0xffff  }
0x1e2: {  	v16 =	vmov s14;
	s14 =	simm.s32 $0x258;
	v15 =	vadd.s32 $0x3, v4;
	v10 =	vld.idx.msk [tilespmem:v10+s22+$0x0], $0xffff  }
0x1e3: {  	v16 =	vshll.u32 v16, $0x6;
	v20 =	vmov s14;
	v17 =	vadd.s32 $0x4, v4;
	v11 =	vld.idx.msk [tilespmem:v11+s22+$0x0], $0xffff  }
0x1e4: {  	v16 =	vadd.s32 v0, v16;
	v6 =	vmul.u32 $0x5, v6;
	v1 =	vadd.s32 $0x4, v1;
	v12 =	vld.idx.msk [tilespmem:v12+s22+$0x0], $0xffff  }
0x1e5: {  	v20 =	vshll.u32 v20, $0x6;
	v21 =	vor.u32 $0x32, v16;
	v2 =	vadd.s32 $0x4, v2;
	v13 =	vld.idx.msk [tilespmem:v13+s20+$0x0], $0xffff  }
0x1e6: {  	v24 =	vor.u32 $0x37, v16;
	v20 =	vadd.s32 v0, v20;
	v19 =	vadd.s32 $0x2, v6;
	v14 =	vld.idx.msk [tilespmem:v14+s20+$0x0], $0xffff  }
0x1e7: {  	v27 =	vor.u32 $0x33, v16;
	v18 =	vmul.u32 $0x5, v18;
	v23 =	vadd.s32 $0x3, v6;
	v41 =	vld.idx.msk [tilespmem:v15+s20+$0x0], $0xffff  }
0x1e8: {  	v59 =	vor.u32 $0x38, v16;
	v60 =	vor.u32 $0x34, v16;
	v26 =	vadd.s32 $0x4, v6;
	v42 =	vld.idx.msk [tilespmem:v17+s20+$0x0], $0xffff  }
0x1e9: {  	v44 =	vor.u32 $0x39, v20;
	v45 =	vor.u32 $0x35, v20;
	v62 =	vadd.s32 $0x1, v18;
	v1 =	vld.idx.msk [tilespmem:v1+s20+$0x0], $0xffff  }
0x1ea: {  	v46 =	vor.u32 $0x3A, v20;
	v15 =	vadd.s32 $0x1, v6;
	v2 =	vld.idx.msk [tilespmem:v2+s22+$0x0], $0xffff;
	[tilespmem:v21+s31+$0x0] =	vst.idx.msk $0xffff, v8;
	v8 =	vor.u32 $0x39, v16  }
0x1eb: {  	v48 =	vor.u32 $0x36, v20;
	v51 =	vor.u32 $0x3B, v20;
	v43 =	vld.idx.msk [tilespmem:v19+s22+$0x0], $0xffff;
	[tilespmem:v24+s31+$0x0] =	vst.idx.msk $0xffff, v9;
	v9 =	vor.u32 $0x35, v16  }
0x1ec: {  	v54 =	vor.u32 $0x33, v20;
	v61 =	vmul.u32 $0x5, v22;
	v52 =	vld.idx.msk [tilespmem:v23+s22+$0x0], $0xffff;
	[tilespmem:v27+s31+$0x0] =	vst.idx.msk $0xffff, v3;
	v3 =	vor.u32 $0x3A, v16  }
0x1ed: {  	v53 =	vor.u32 $0x32, v20;
	v22 =	vor.u32 $0x34, v20;
	v49 =	vld.idx.msk [tilespmem:v26+s22+$0x0], $0xffff;
	[tilespmem:v59+s31+$0x0] =	vst.idx.msk $0xffff, v10;
	v10 =	vor.u32 $0x36, v16  }
0x1ee: {  	v63 =	vadd.s32 $0x2, v18;
	v17 =	vor.u32 $0x37, v20;
	v19 =	vor.u32 $0x38, v20;
	v20 =	vld.idx.msk [tilespmem:v62+s20+$0x0], $0xffff;
	[tilespmem:v60+s31+$0x0] =	vst.idx.msk $0xffff, v5  }
0x1ef: {  	v15 =	vld.idx.msk [tilespmem:v15+s22+$0x0], $0xffff;
	v5 =	vor.u32 $0x3B, v16;
	v16 =	vadd.s32 $0x3, v18;
	[tilespmem:v8+s31+$0x0] =	vst.idx.msk $0xffff, v11  }
0x1f0: {  	s13 =	simm.s32 $0x288;
	v27 =	vld.idx.msk [tilespmem:v6+s22+$0x0], $0xffff;
	v11 =	vadd.s32 $0x4, v18;
	[tilespmem:v9+s31+$0x0] =	vst.idx.msk $0xffff, v7  }
0x1f1: {  	v50 =	vmul.u32 $0x5, v58;
	v4 =	vmov s13;
	v8 =	vld.idx.msk [tilespmem:v18+s20+$0x0], $0xffff;
	v9 =	vadd.s32 $0x1, v61;
	[tilespmem:v3+s31+$0x0] =	vst.idx.msk $0xffff, v12  }
0x1f2: {  	v47 =	vmul.u32 $0x5, v25;
	v18 =	vld.idx.msk [tilespmem:v61+s22+$0x0], $0xffff;
	v12 =	vadd.s32 $0x2, v61;
	[tilespmem:v10+s31+$0x0] =	vst.idx.msk $0xffff, v1;
	v1 =	vshll.u32 v4, $0x6  }
0x1f3: {  	v58 =	vadd.s32 $0x2, v50;
	v4 =	vld.idx.msk [tilespmem:v63+s20+$0x0], $0xffff;
	v10 =	vadd.s32 $0x3, v61;
	v6 =	vadd.s32 v0, v1  }
0x1f4: {  	v23 =	vadd.s32 $0x2, v47;
	[tilespmem:v5+s31+$0x0] =	vst.idx.msk $0xffff, v2;
	v5 =	vld.idx.msk [tilespmem:v16+s20+$0x0], $0xffff;
	v2 =	vadd.s32 $0x4, v61;
	v16 =	vor.u32 $0x32, v6  }
0x1f5: {  	s16 =	simm.s32 $0x278;
	v62 =	vadd.s32 $0x3, v50;
	v24 =	vadd.s32 $0x3, v47;
	[tilespmem:v53+s31+$0x0] =	vst.idx.msk $0xffff, v55;
	v7 =	vld.idx.msk [tilespmem:v11+s20+$0x0], $0xffff;
	v21 =	vor.u32 $0x37, v6  }
0x1f6: {  	v59 =	vadd.s32 $0x4, v47;
	[tilespmem:v17+s31+$0x0] =	vst.idx.msk $0xffff, v27;
	v1 =	vmov s16;
	v17 =	vor.u32 $0x33, v6;
	v25 =	vld.idx.msk [tilespmem:v9+s22+$0x0], $0xffff  }
0x1f7: {  	v60 =	vadd.s32 $0x1, v50;
	v3 =	vadd.s32 $0x1, v47;
	[tilespmem:v54+s31+$0x0] =	vst.idx.msk $0xffff, v13;
	v9 =	vshll.u32 v1, $0x6;
	v11 =	vld.idx.msk [tilespmem:v12+s22+$0x0], $0xffff  }
0x1f8: {  	[tilespmem:v19+s31+$0x0] =	vst.idx.msk $0xffff, v15;
	v27 =	vor.u32 $0x38, v6;
	v15 =	vor.u32 $0x34, v6;
	v26 =	vadd.s32 v0, v9;
	v12 =	vld.idx.msk [tilespmem:v10+s22+$0x0], $0xffff  }
0x1f9: {  	v19 =	vor.u32 $0x36, v6;
	v1 =	vadd.s32 $0x4, v50;
	v57 =	vor.u32 $0x32, v26;
	v13 =	vld.idx.msk [tilespmem:v2+s22+$0x0], $0xffff;
	[tilespmem:v16+s31+$0x0] =	vst.idx.msk $0xffff, v8  }
0x1fa: {  	v54 =	vor.u32 $0x37, v26;
	v53 =	vor.u32 $0x33, v26;
	v16 =	vor.u32 $0x39, v6;
	[tilespmem:v21+s31+$0x0] =	vst.idx.msk $0xffff, v18  }
0x1fb: {  	v61 =	vld.idx.msk [tilespmem:v23+s20+$0x0], $0xffff;
	v55 =	vor.u32 $0x38, v26;
	v56 =	vor.u32 $0x34, v26;
	[tilespmem:v17+s31+$0x0] =	vst.idx.msk $0xffff, v20;
	v17 =	vor.u32 $0x35, v6  }
0x1fc: {  	[tilespmem:v22+s31+$0x0] =	vst.idx.msk $0xffff, v14;
	v14 =	vld.idx.msk [tilespmem:v24+s20+$0x0], $0xffff;
	v9 =	vor.u32 $0x39, v26;
	v10 =	vor.u32 $0x35, v26;
	v18 =	vor.u32 $0x3A, v6  }
0x1fd: {  	s14 =	simm.s32 $0x2;
	s15 =	simm.s32 $0x8E8;
	v63 =	vld.idx.msk [tilespmem:v3+s20+$0x0], $0xffff;
	v3 =	vor.u32 $0x36, v26;
	v2 =	vor.u32 $0x3B, v26;
	v8 =	vor.u32 $0x3A, v26;
	[tilespmem:v27+s31+$0x0] =	vst.idx.msk $0xffff, v25  }
.LBB2_9:
0x1fe: {  	v20 =	vld [tilespmem:s15+$0x0];
	[tilespmem:v15+s31+$0x0] =	vst.idx.msk $0xffff, v4;
	v4 =	vor.u32 $0x3B, v6;
	s12 =	sadd.s32 $0x20, s12  }
0x1ff: {  	v6 =	vld [tilespmem:s12+$0x0];
	[tilespmem:v16+s31+$0x0] =	vst.idx.msk $0xffff, v11  }
0x200: {  	v11 =	vld [tilespmem:s15+$0xFFFFFFF0];
	[tilespmem:v17+s31+$0x0] =	vst.idx.msk $0xffff, v5  }
0x201: {  	v5 =	vld [tilespmem:s12+$0xFFFFFFF0];
	[tilespmem:v18+s31+$0x0] =	vst.idx.msk $0xffff, v12  }
0x202: {  	v12 =	vld.idx.msk [tilespmem:v59+s20+$0x0], $0xffff;
	[tilespmem:v19+s31+$0x0] =	vst.idx.msk $0xffff, v7  }
0x203: {  	v7 =	vmul.u32 $0x5, v20;
	v15 =	vld.idx.msk [tilespmem:v60+s22+$0x0], $0xffff;
	[tilespmem:v4+s31+$0x0] =	vst.idx.msk $0xffff, v13  }
0x204: {  	v13 =	vmul.u32 $0x5, v6;
	[tilespmem:v44+s31+$0x0] =	vst.idx.msk $0xffff, v43;
	v43 =	vld.idx.msk [tilespmem:v58+s22+$0x0], $0xffff;
	v44 =	vmov v9  }
0x205: {  	v4 =	vmul.u32 $0x5, v11;
	v6 =	vld.idx.msk [tilespmem:v62+s22+$0x0], $0xffff;
	[tilespmem:v45+s31+$0x0] =	vst.idx.msk $0xffff, v41;
	v45 =	vmov v10;
	v41 =	vmov v14  }
0x206: {  	v9 =	vadd.s32 $0x1, v7;
	v5 =	vmul.u32 $0x5, v5;
	v10 =	vld.idx.msk [tilespmem:v1+s22+$0x0], $0xffff;
	[tilespmem:v46+s31+$0x0] =	vst.idx.msk $0xffff, v52;
	v46 =	vmov v8  }
0x207: {  	v8 =	vadd.s32 $0x2, v7;
	v14 =	vadd.s32 $0x1, v4;
	v18 =	vadd.s32 $0x2, v4;
	v11 =	vld.idx.msk [tilespmem:v47+s20+$0x0], $0xffff;
	[tilespmem:v48+s31+$0x0] =	vst.idx.msk $0xffff, v42;
	v47 =	vmovc v4  }
0x208: {  	v16 =	vadd.s32 $0x3, v7;
	v42 =	vmovc v12;
	v19 =	vadd.s32 $0x3, v47;
	v59 =	vadd.s32 $0x4, v47;
	v17 =	vld.idx.msk [tilespmem:v50+s22+$0x0], $0xffff;
	[tilespmem:v51+s31+$0x0] =	vst.idx.msk $0xffff, v49  }
0x209: {  	s14 =	sadd.s32 $0x2, s14;
	s13 =	sadd.s32 $0x20, s13;
	v48 =	vmovc v3;
	v60 =	vadd.s32 $0x1, v5;
	v58 =	vadd.s32 $0x2, v5;
	v50 =	vmovc v5;
	v20 =	vld.idx.msk [tilespmem:v7+s20+$0x0], $0xffff;
	v7 =	vadd.s32 $0x4, v7  }
0x20a: {  	s16 =	sadd.s32 $0xFFFFFFF0, s13;
	p0 =	slt.u32 s14, $0xA;
	v3 =	vmov s13;
	v12 =	vadd.s32 $0x1, v13;
	v51 =	vmovc v2;
	v62 =	vadd.s32 $0x3, v50;
	v21 =	vld.idx.msk [tilespmem:v13+s22+$0x0], $0xffff  }
0x20b: {  	v2 =	vshll.u32 v3, $0x6;
	v3 =	vadd.s32 $0x2, v13;
	v1 =	vadd.s32 $0x4, v50;
	v52 =	vmovc v6;
	v22 =	vld.idx.msk [tilespmem:v9+s20+$0x0], $0xffff  }
0x20c: {  	v5 =	vmov s16;
	v6 =	vadd.s32 v0, v2;
	v49 =	vmovc v10;
	v4 =	vld.idx.msk [tilespmem:v8+s20+$0x0], $0xffff;
	v8 =	vadd.s32 $0x3, v13  }
0x20d: {  	v2 =	vshll.u32 v5, $0x6;
	v13 =	vadd.s32 $0x4, v13;
	v5 =	vld.idx.msk [tilespmem:v16+s20+$0x0], $0xffff;
	v16 =	vor.u32 $0x32, v6;
	[tilespmem:v57+s31+$0x0] =	vst.idx.msk $0xffff, v11  }
0x20e: {  	v2 =	vadd.s32 v0, v2;
	v23 =	vor.u32 $0x37, v6;
	v7 =	vld.idx.msk [tilespmem:v7+s20+$0x0], $0xffff;
	[tilespmem:v54+s31+$0x0] =	vst.idx.msk $0xffff, v17  }
0x20f: {  	v25 =	vor.u32 $0x33, v6;
	v57 =	vor.u32 $0x32, v2;
	v54 =	vor.u32 $0x37, v2;
	v24 =	vld.idx.msk [tilespmem:v12+s22+$0x0], $0xffff;
	[tilespmem:v53+s31+$0x0] =	vst.idx.msk $0xffff, v63  }
0x210: {  	v26 =	vor.u32 $0x38, v6;
	v53 =	vor.u32 $0x33, v2;
	v11 =	vld.idx.msk [tilespmem:v3+s22+$0x0], $0xffff;
	[tilespmem:v55+s31+$0x0] =	vst.idx.msk $0xffff, v15;
	v55 =	vor.u32 $0x38, v2  }
.Ltmp5:
0x211: {  	v9 =	vor.u32 $0x39, v2;
	v15 =	vor.u32 $0x34, v6;
	v12 =	vld.idx.msk [tilespmem:v8+s22+$0x0], $0xffff;
	[tilespmem:v56+s31+$0x0] =	vst.idx.msk $0xffff, v61;
	v56 =	vor.u32 $0x34, v2;
	(pc) =	sbr.rel @p0 .LBB2_9-.Ltmp5, $4  }
0x212: {  	v10 =	vor.u32 $0x35, v2;
	v8 =	vor.u32 $0x3A, v2;
	v13 =	vld.idx.msk [tilespmem:v13+s22+$0x0], $0xffff;
	[tilespmem:v16+s31+$0x0] =	vst.idx.msk $0xffff, v20;
	v16 =	vor.u32 $0x39, v6  }
0x213: {  	v17 =	vor.u32 $0x35, v6;
	v3 =	vor.u32 $0x36, v2;
	v2 =	vor.u32 $0x3B, v2;
	v63 =	vld.idx.msk [tilespmem:v14+s20+$0x0], $0xffff;
	[tilespmem:v23+s31+$0x0] =	vst.idx.msk $0xffff, v21  }
0x214: {  	v61 =	vld.idx.msk [tilespmem:v18+s20+$0x0], $0xffff;
	[tilespmem:v25+s31+$0x0] =	vst.idx.msk $0xffff, v22;
	v18 =	vor.u32 $0x3A, v6  }
0x215: {  	s15 =	sadd.s32 $0x20, s15;
	v14 =	vld.idx.msk [tilespmem:v19+s20+$0x0], $0xffff;
	[tilespmem:v26+s31+$0x0] =	vst.idx.msk $0xffff, v24;
	v19 =	vor.u32 $0x36, v6  }
0x216: {  	_ =	sdelay $0x3  }
0x217: {  	[tilespmem:v15+s31+$0x0] =	vst.idx.msk $0xffff, v4  }
0x218: {  	v4 =	vor.u32 $0x3B, v6;
	[tilespmem:v44+s31+$0x0] =	vst.idx.msk $0xffff, v43  }
0x219: {  	[tilespmem:v16+s31+$0x0] =	vst.idx.msk $0xffff, v11  }
0x21a: {  	[tilespmem:v17+s31+$0x0] =	vst.idx.msk $0xffff, v5  }
0x21b: {  	[tilespmem:v18+s31+$0x0] =	vst.idx.msk $0xffff, v12  }
0x21c: {  	v6 =	vld.idx.msk [tilespmem:v60+s22+$0x0], $0xffff;
	[tilespmem:v19+s31+$0x0] =	vst.idx.msk $0xffff, v7  }
0x21d: {  	[tilespmem:v4+s31+$0x0] =	vst.idx.msk $0xffff, v13;
	v4 =	vld.idx.msk [tilespmem:v47+s20+$0x0], $0xffff  }
0x21e: {  	[tilespmem:v45+s31+$0x0] =	vst.idx.msk $0xffff, v41;
	v7 =	vld.idx.msk [tilespmem:v50+s22+$0x0], $0xffff  }
0x21f: {  	v1 =	vld.idx.msk [tilespmem:v1+s22+$0x0], $0xffff;
	[tilespmem:v46+s31+$0x0] =	vst.idx.msk $0xffff, v52  }
0x220: {  	v11 =	vld.idx.msk [tilespmem:v58+s22+$0x0], $0xffff;
	[tilespmem:v48+s31+$0x0] =	vst.idx.msk $0xffff, v42  }
0x221: {  	v5 =	vld.idx.msk [tilespmem:v59+s20+$0x0], $0xffff;
	[tilespmem:v51+s31+$0x0] =	vst.idx.msk $0xffff, v49  }
0x222: {  	v12 =	vld.idx.msk [tilespmem:v62+s22+$0x0], $0xffff;
	[tilespmem:v57+s31+$0x0] =	vst.idx.msk $0xffff, v4  }
0x223: {  	[tilespmem:v54+s31+$0x0] =	vst.idx.msk $0xffff, v7  }
0x224: {  	[tilespmem:v53+s31+$0x0] =	vst.idx.msk $0xffff, v63  }
0x225: {  	[tilespmem:v55+s31+$0x0] =	vst.idx.msk $0xffff, v6  }
0x226: {  	[tilespmem:v56+s31+$0x0] =	vst.idx.msk $0xffff, v61  }
0x227: {  	[tilespmem:v9+s31+$0x0] =	vst.idx.msk $0xffff, v11  }
0x228: {  	[tilespmem:v10+s31+$0x0] =	vst.idx.msk $0xffff, v14  }
0x229: {  	[tilespmem:v8+s31+$0x0] =	vst.idx.msk $0xffff, v12  }
0x22a: {  	[tilespmem:v3+s31+$0x0] =	vst.idx.msk $0xffff, v5  }
0x22b: {  	[tilespmem:v2+s31+$0x0] =	vst.idx.msk $0xffff, v1  }
0x22c: {  	v1 =	vld [tilespmem:$0x950]  }
0x22d: {  	v2 =	vld [tilespmem:$0xF90];
	_ =	sdelay $0x3  }
0x22e: {  	v1 =	vmul.u32 $0x5, v1  }
0x22f: {  	v2 =	vmul.u32 $0x5, v2;
	_ =	sdelay $0x1  }
0x230: {  	v3 =	vadd.s32 $0x1, v1  }
0x231: {  	v4 =	vadd.s32 $0x2, v1  }
0x232: {  	v5 =	vadd.s32 $0x3, v1  }
0x233: {  	v6 =	vadd.s32 $0x4, v1;
	v7 =	vadd.s32 $0x1, v2;
	v1 =	vld.idx.msk [tilespmem:v1+s20+$0x0], $0xffff  }
0x234: {  	v8 =	vadd.s32 $0x2, v2;
	v9 =	vadd.s32 $0x3, v2;
	v10 =	vadd.s32 $0x4, v2;
	v2 =	vld.idx.msk [tilespmem:v2+s22+$0x0], $0xffff  }
0x235: {  	v3 =	vld.idx.msk [tilespmem:v3+s20+$0x0], $0xffff  }
0x236: {  	v4 =	vld.idx.msk [tilespmem:v4+s20+$0x0], $0xffff  }
0x237: {  	v5 =	vld.idx.msk [tilespmem:v5+s20+$0x0], $0xffff  }
0x238: {  	v6 =	vld.idx.msk [tilespmem:v6+s20+$0x0], $0xffff  }
0x239: {  	v7 =	vld.idx.msk [tilespmem:v7+s22+$0x0], $0xffff  }
0x23a: {  	v8 =	vld.idx.msk [tilespmem:v8+s22+$0x0], $0xffff  }
0x23b: {  	v9 =	vld.idx.msk [tilespmem:v9+s22+$0x0], $0xffff  }
0x23c: {  	v10 =	vld.idx.msk [tilespmem:v10+s22+$0x0], $0xffff;
	[tilespmem:v31+s31+$0x0] =	vst.idx.msk $0xffff, v1  }
0x23d: {  	[tilespmem:v32+s31+$0x0] =	vst.idx.msk $0xffff, v2  }
0x23e: {  	[tilespmem:v33+s31+$0x0] =	vst.idx.msk $0xffff, v3  }
0x23f: {  	[tilespmem:v34+s31+$0x0] =	vst.idx.msk $0xffff, v7  }
0x240: {  	[tilespmem:v35+s31+$0x0] =	vst.idx.msk $0xffff, v4  }
0x241: {  	[tilespmem:v36+s31+$0x0] =	vst.idx.msk $0xffff, v8  }
0x242: {  	s12 =	sadd.s32 s6, s11;
	[tilespmem:v37+s31+$0x0] =	vst.idx.msk $0xffff, v5  }
0x243: {  	p0 =	seq.s32 s9, $0xF;
	s12 =	smul.u32 $0x640, s12;
	[tilespmem:v38+s31+$0x0] =	vst.idx.msk $0xffff, v9  }
0x244: {  	s13 =	sadd.s32 @!p0 s11, s17;
	[tilespmem:v39+s31+$0x0] =	vst.idx.msk $0xffff, v6  }
0x245: {  	s13 =	smul.u32 @!p0 $0x19, s13;
	s12 =	sadd.s32 s10, s12;
	[tilespmem:v40+s31+$0x0] =	vst.idx.msk $0xffff, v10  }
0x246: {  	[hbm4b:s12+s3] =	stream.linear.scatter [tilespmem:s31], [sflag:$0x5], $0xC800, $0x38;
	[tilespmem:$0x1B260] =	vst v63  }
0x247: {  	s14 =	simm.s32 @!p0 $0x0;
	s12 =	sadd.s32 @!p0 s4, s13  }
0x248: {  	[tilespmem:s14], [sflag:$0x1] =	stream.linear.gather @!p0 [hbm4b:s12+s14], $0x320, $0x38;
	[tilespmem:$0x1B260] =	vst v63  }
0x249: {  	s15 =	simm.s32 @!p0 $0x640;
	s12 =	sadd.s32 @!p0 s5, s13  }
0x24a: {  	[tilespmem:s15], [sflag:$0x1] =	stream.linear.gather @!p0 [hbm4b:s12+s14], $0x320, $0x38;
	[tilespmem:$0x1B260] =	vst v63  }
0x24b: {  	s12 =	sadd.s32 @!p0 s7, s13;
	s13 =	simm.s32 @!p0 $0xC80  }
0x24c: {  	[tilespmem:s13], [sflag:$0x1] =	stream.linear.gather @!p0 [hbm4b:s12+s14], $0x320, $0x38;
	[tilespmem:$0x1B260] =	vst v63  }
0x24d: {  	s12 =	simm.s32 @!p0 $0x5  }
0x24e: {  	_ =	swait.ge @!p0 [sflag:s12], $0xC800  }
0x24f: {  	[sflag:s12] =	ssyncset.done @!p0 $0x0  }
0x250: {  	[sflag:s12] =	ssyncadd.s32 @!p0 $0xFFFF3800;
	s12 =	simm.s32 @!p0 $0x1  }
0x251: {  	_ =	swait.ge @!p0 [sflag:s12], $0x320  }
0x252: {  	[sflag:s12] =	ssyncset.done @!p0 $0x0  }
0x253: {  	[sflag:s12] =	ssyncadd.s32 @!p0 $0xFFFFFCE0  }
0x254: {  	_ =	swait.ge @!p0 [sflag:s12], $0x320  }
0x255: {  	[sflag:s12] =	ssyncset.done @!p0 $0x0  }
0x256: {  	[sflag:s12] =	ssyncadd.s32 @!p0 $0xFFFFFCE0  }
0x257: {  	_ =	swait.ge @!p0 [sflag:s12], $0x320  }
0x258: {  	[sflag:s12] =	ssyncset.done @!p0 $0x0  }
0x259: {  	s13 =	simm.s32 @!p0 $0x12C0;
	[sflag:s12] =	ssyncadd.s32 @!p0 $0xFFFFFCE0;
	s12 =	simm.s32 @!p0 $0x80  }
0x25a: {  	[tilespmem:s13], [sflag:$0x3] =	stream.indirect.gather @!p0 [hbm4b:s1+s12], $0x40, s14, s12, $0xb8;
	[tilespmem:$0x1B260] =	vst v63  }
0x25b: {  	s13 =	simm.s32 @!p0 $0x48;
	s14 =	simm.s32 @!p0 $0x32C0  }
0x25c: {  	[tilespmem:s14], [sflag:$0x3] =	stream.indirect.gather @!p0 [hbm4b:s1+s13], $0x40, s12, s13, $0xb8;
	[tilespmem:$0x1B260] =	vst v63  }
0x25d: {  	s15 =	simm.s32 @!p0 $0x44C0;
	s14 =	simm.s32 @!p0 $0xC8  }
0x25e: {  	[tilespmem:s15], [sflag:$0x3] =	stream.indirect.gather @!p0 [hbm4b:s1+s12], $0x40, s14, s12, $0xb8;
	[tilespmem:$0x1B260] =	vst v63  }
0x25f: {  	s14 =	simm.s32 @!p0 $0x148;
	s15 =	simm.s32 @!p0 $0x64C0  }
0x260: {  	[tilespmem:s15], [sflag:$0x3] =	stream.indirect.gather @!p0 [hbm4b:s1+s13], $0x40, s14, s13, $0xb8;
	[tilespmem:$0x1B260] =	vst v63  }
0x261: {  	s14 =	simm.s32 @!p0 $0x190;
	s15 =	simm.s32 @!p0 $0x76C0  }
0x262: {  	[tilespmem:s15], [sflag:$0x3] =	stream.indirect.gather @!p0 [hbm4b:s1+s12], $0x40, s14, s12, $0xb8;
	[tilespmem:$0x1B260] =	vst v63  }
0x263: {  	s14 =	simm.s32 @!p0 $0x210;
	s15 =	simm.s32 @!p0 $0x96C0  }
0x264: {  	[tilespmem:s15], [sflag:$0x3] =	stream.indirect.gather @!p0 [hbm4b:s1+s13], $0x40, s14, s13, $0xb8;
	[tilespmem:$0x1B260] =	vst v63  }
0x265: {  	s14 =	simm.s32 @!p0 $0x258;
	s15 =	simm.s32 @!p0 $0xA8C0  }
0x266: {  	[tilespmem:s15], [sflag:$0x3] =	stream.indirect.gather @!p0 [hbm4b:s1+s12], $0x40, s14, s12, $0xb8;
	[tilespmem:$0x1B260] =	vst v63  }
0x267: {  	s12 =	simm.s32 @!p0 $0x2D8;
	s14 =	simm.s32 @!p0 $0xC8C0  }
0x268: {  	[tilespmem:s14], [sflag:$0x3] =	stream.indirect.gather @!p0 [hbm4b:s1+s13], $0x40, s12, s13, $0xb8;
	[tilespmem:$0x1B260] =	vst v63  }
0x269: {  	_ =	swait.ge [sflag:s8], $0xC800  }
0x26a: {  	[sflag:s8] =	ssyncset.done $0x0  }
0x26b: {  	s13 =	simm.s32 $0x970;
	[sflag:s8] =	ssyncadd.s32 $0xFFFF3800  }
0x26c: {  	s14 =	simm.s32 $0xFB0;
	v1 =	vld [tilespmem:s13+$0x0]  }
0x26d: {  	v2 =	vld [tilespmem:s14+$0x0]  }
0x26e: {  	v4 =	vld [tilespmem:s13+$0xFFFFFFF0];
	_ =	sdelay $0x2  }
0x26f: {  	v1 =	vmul.u32 $0x5, v1  }
0x270: {  	s16 =	simm.s32 $0x990;
	v6 =	vld [tilespmem:s14+$0xFFFFFFF0];
	v2 =	vmul.u32 $0x5, v2  }
0x271: {  	s12 =	simm.s32 $0xFD0;
	v18 =	vld [tilespmem:s16+$0x0];
	v4 =	vmul.u32 $0x5, v4  }
0x272: {  	v22 =	vld [tilespmem:s12+$0x0]  }
0x273: {  	v25 =	vld [tilespmem:s16+$0xFFFFFFF0];
	v3 =	vadd.s32 $0x1, v1  }
0x274: {  	v58 =	vld [tilespmem:s12+$0xFFFFFFF0];
	v5 =	vadd.s32 $0x2, v1  }
0x275: {  	v7 =	vadd.s32 $0x3, v1;
	v8 =	vld.idx.msk [tilespmem:v1+s20+$0x0], $0xffff  }
0x276: {  	v10 =	vadd.s32 $0x1, v2;
	v9 =	vld.idx.msk [tilespmem:v2+s22+$0x0], $0xffff  }
0x277: {  	v11 =	vadd.s32 $0x2, v2;
	v55 =	vld.idx.msk [tilespmem:v4+s20+$0x0], $0xffff  }
0x278: {  	v12 =	vadd.s32 $0x3, v2;
	v3 =	vld.idx.msk [tilespmem:v3+s20+$0x0], $0xffff  }
0x279: {  	v13 =	vadd.s32 $0x1, v4;
	v5 =	vld.idx.msk [tilespmem:v5+s20+$0x0], $0xffff  }
0x27a: {  	s15 =	simm.s32 $0x10;
	v14 =	vadd.s32 $0x2, v4;
	v7 =	vld.idx.msk [tilespmem:v7+s20+$0x0], $0xffff  }
0x27b: {  	v16 =	vmov s15;
	s15 =	simm.s32 $0x0;
	v15 =	vadd.s32 $0x3, v4;
	v10 =	vld.idx.msk [tilespmem:v10+s22+$0x0], $0xffff  }
0x27c: {  	v16 =	vshll.u32 v16, $0x6;
	v20 =	vmov s15;
	v17 =	vadd.s32 $0x4, v4;
	v11 =	vld.idx.msk [tilespmem:v11+s22+$0x0], $0xffff  }
0x27d: {  	v16 =	vor.u32 v0, v16;
	v6 =	vmul.u32 $0x5, v6;
	v1 =	vadd.s32 $0x4, v1;
	v12 =	vld.idx.msk [tilespmem:v12+s22+$0x0], $0xffff  }
0x27e: {  	v20 =	vshll.u32 v20, $0x6;
	v21 =	vor.u32 $0x32, v16;
	v2 =	vadd.s32 $0x4, v2;
	v13 =	vld.idx.msk [tilespmem:v13+s20+$0x0], $0xffff  }
0x27f: {  	v24 =	vor.u32 $0x37, v16;
	v20 =	vor.u32 v0, v20;
	v19 =	vadd.s32 $0x2, v6;
	v14 =	vld.idx.msk [tilespmem:v14+s20+$0x0], $0xffff  }
0x280: {  	v27 =	vor.u32 $0x33, v16;
	v18 =	vmul.u32 $0x5, v18;
	v23 =	vadd.s32 $0x3, v6;
	v41 =	vld.idx.msk [tilespmem:v15+s20+$0x0], $0xffff  }
0x281: {  	v59 =	vor.u32 $0x38, v16;
	v60 =	vor.u32 $0x34, v16;
	v26 =	vadd.s32 $0x4, v6;
	v42 =	vld.idx.msk [tilespmem:v17+s20+$0x0], $0xffff  }
0x282: {  	v53 =	vor.u32 $0x32, v20;
	v54 =	vor.u32 $0x33, v20;
	v62 =	vadd.s32 $0x1, v18;
	v1 =	vld.idx.msk [tilespmem:v1+s20+$0x0], $0xffff  }
0x283: {  	v44 =	vor.u32 $0x39, v20;
	v15 =	vadd.s32 $0x1, v6;
	v2 =	vld.idx.msk [tilespmem:v2+s22+$0x0], $0xffff;
	[tilespmem:v21+s24+$0x0] =	vst.idx.msk $0xffff, v8;
	v8 =	vor.u32 $0x39, v16  }
0x284: {  	v45 =	vor.u32 $0x35, v20;
	v46 =	vor.u32 $0x3A, v20;
	v43 =	vld.idx.msk [tilespmem:v19+s22+$0x0], $0xffff;
	[tilespmem:v24+s24+$0x0] =	vst.idx.msk $0xffff, v9;
	v9 =	vor.u32 $0x35, v16  }
0x285: {  	v49 =	vor.u32 $0x36, v20;
	v61 =	vmul.u32 $0x5, v22;
	v52 =	vld.idx.msk [tilespmem:v23+s22+$0x0], $0xffff;
	[tilespmem:v27+s24+$0x0] =	vst.idx.msk $0xffff, v3;
	v3 =	vor.u32 $0x3A, v16  }
0x286: {  	v50 =	vor.u32 $0x3B, v20;
	v22 =	vor.u32 $0x34, v20;
	v48 =	vld.idx.msk [tilespmem:v26+s22+$0x0], $0xffff;
	[tilespmem:v59+s24+$0x0] =	vst.idx.msk $0xffff, v10;
	v10 =	vor.u32 $0x36, v16  }
0x287: {  	v63 =	vadd.s32 $0x2, v18;
	v17 =	vor.u32 $0x37, v20;
	v19 =	vor.u32 $0x38, v20;
	v20 =	vld.idx.msk [tilespmem:v62+s20+$0x0], $0xffff;
	[tilespmem:v60+s24+$0x0] =	vst.idx.msk $0xffff, v5  }
0x288: {  	v15 =	vld.idx.msk [tilespmem:v15+s22+$0x0], $0xffff;
	v5 =	vor.u32 $0x3B, v16;
	v16 =	vadd.s32 $0x3, v18;
	[tilespmem:v8+s24+$0x0] =	vst.idx.msk $0xffff, v11  }
0x289: {  	s16 =	simm.s32 $0x30;
	v27 =	vld.idx.msk [tilespmem:v6+s22+$0x0], $0xffff;
	v11 =	vadd.s32 $0x4, v18;
	[tilespmem:v9+s24+$0x0] =	vst.idx.msk $0xffff, v7  }
0x28a: {  	v51 =	vmul.u32 $0x5, v58;
	v4 =	vmov s16;
	v8 =	vld.idx.msk [tilespmem:v18+s20+$0x0], $0xffff;
	v9 =	vadd.s32 $0x1, v61;
	[tilespmem:v3+s24+$0x0] =	vst.idx.msk $0xffff, v12  }
0x28b: {  	v47 =	vmul.u32 $0x5, v25;
	v18 =	vld.idx.msk [tilespmem:v61+s22+$0x0], $0xffff;
	v12 =	vadd.s32 $0x2, v61;
	[tilespmem:v10+s24+$0x0] =	vst.idx.msk $0xffff, v1;
	v1 =	vshll.u32 v4, $0x6  }
0x28c: {  	v58 =	vadd.s32 $0x2, v51;
	v4 =	vld.idx.msk [tilespmem:v63+s20+$0x0], $0xffff;
	v10 =	vadd.s32 $0x3, v61;
	v6 =	vor.u32 v0, v1  }
0x28d: {  	v23 =	vadd.s32 $0x2, v47;
	[tilespmem:v5+s24+$0x0] =	vst.idx.msk $0xffff, v2;
	v5 =	vld.idx.msk [tilespmem:v16+s20+$0x0], $0xffff;
	v2 =	vadd.s32 $0x4, v61;
	v16 =	vor.u32 $0x32, v6  }
0x28e: {  	s13 =	simm.s32 $0x20;
	v62 =	vadd.s32 $0x3, v51;
	v24 =	vadd.s32 $0x3, v47;
	[tilespmem:v53+s24+$0x0] =	vst.idx.msk $0xffff, v55;
	v7 =	vld.idx.msk [tilespmem:v11+s20+$0x0], $0xffff;
	v21 =	vor.u32 $0x37, v6  }
0x28f: {  	v59 =	vadd.s32 $0x4, v47;
	[tilespmem:v17+s24+$0x0] =	vst.idx.msk $0xffff, v27;
	v1 =	vmov s13;
	v17 =	vor.u32 $0x33, v6;
	v25 =	vld.idx.msk [tilespmem:v9+s22+$0x0], $0xffff  }
0x290: {  	v60 =	vadd.s32 $0x1, v51;
	v3 =	vadd.s32 $0x1, v47;
	[tilespmem:v54+s24+$0x0] =	vst.idx.msk $0xffff, v13;
	v9 =	vshll.u32 v1, $0x6;
	v11 =	vld.idx.msk [tilespmem:v12+s22+$0x0], $0xffff  }
0x291: {  	[tilespmem:v19+s24+$0x0] =	vst.idx.msk $0xffff, v15;
	v27 =	vor.u32 $0x38, v6;
	v15 =	vor.u32 $0x34, v6;
	v26 =	vor.u32 v0, v9;
	v12 =	vld.idx.msk [tilespmem:v10+s22+$0x0], $0xffff  }
0x292: {  	v19 =	vor.u32 $0x36, v6;
	v1 =	vadd.s32 $0x4, v51;
	v57 =	vor.u32 $0x32, v26;
	v13 =	vld.idx.msk [tilespmem:v2+s22+$0x0], $0xffff;
	[tilespmem:v16+s24+$0x0] =	vst.idx.msk $0xffff, v8  }
0x293: {  	v54 =	vor.u32 $0x37, v26;
	v53 =	vor.u32 $0x33, v26;
	v16 =	vor.u32 $0x39, v6;
	[tilespmem:v21+s24+$0x0] =	vst.idx.msk $0xffff, v18  }
0x294: {  	v61 =	vld.idx.msk [tilespmem:v23+s20+$0x0], $0xffff;
	v55 =	vor.u32 $0x38, v26;
	v56 =	vor.u32 $0x34, v26;
	[tilespmem:v17+s24+$0x0] =	vst.idx.msk $0xffff, v20;
	v17 =	vor.u32 $0x35, v6  }
0x295: {  	[tilespmem:v22+s24+$0x0] =	vst.idx.msk $0xffff, v14;
	v14 =	vld.idx.msk [tilespmem:v24+s20+$0x0], $0xffff;
	v9 =	vor.u32 $0x39, v26;
	v10 =	vor.u32 $0x35, v26;
	v18 =	vor.u32 $0x3A, v6  }
0x296: {  	s15 =	simm.s32 $0x9B0;
	s14 =	simm.s32 $0x2;
	v63 =	vld.idx.msk [tilespmem:v3+s20+$0x0], $0xffff;
	v3 =	vor.u32 $0x36, v26;
	v2 =	vor.u32 $0x3B, v26;
	v8 =	vor.u32 $0x3A, v26;
	[tilespmem:v27+s24+$0x0] =	vst.idx.msk $0xffff, v25  }
.LBB2_11:
0x297: {  	v20 =	vld [tilespmem:s15+$0x0];
	[tilespmem:v15+s24+$0x0] =	vst.idx.msk $0xffff, v4;
	v4 =	vor.u32 $0x3B, v6;
	s12 =	sadd.s32 $0x20, s12  }
0x298: {  	v6 =	vld [tilespmem:s12+$0x0];
	[tilespmem:v16+s24+$0x0] =	vst.idx.msk $0xffff, v11  }
0x299: {  	v11 =	vld [tilespmem:s15+$0xFFFFFFF0];
	[tilespmem:v17+s24+$0x0] =	vst.idx.msk $0xffff, v5  }
0x29a: {  	v5 =	vld [tilespmem:s12+$0xFFFFFFF0];
	[tilespmem:v18+s24+$0x0] =	vst.idx.msk $0xffff, v12  }
0x29b: {  	v12 =	vld.idx.msk [tilespmem:v59+s20+$0x0], $0xffff;
	[tilespmem:v19+s24+$0x0] =	vst.idx.msk $0xffff, v7  }
0x29c: {  	v7 =	vmul.u32 $0x5, v20;
	v15 =	vld.idx.msk [tilespmem:v60+s22+$0x0], $0xffff;
	[tilespmem:v4+s24+$0x0] =	vst.idx.msk $0xffff, v13  }
0x29d: {  	v13 =	vmul.u32 $0x5, v6;
	[tilespmem:v44+s24+$0x0] =	vst.idx.msk $0xffff, v43;
	v43 =	vld.idx.msk [tilespmem:v58+s22+$0x0], $0xffff;
	v44 =	vmov v9  }
0x29e: {  	v4 =	vmul.u32 $0x5, v11;
	v6 =	vld.idx.msk [tilespmem:v62+s22+$0x0], $0xffff;
	[tilespmem:v45+s24+$0x0] =	vst.idx.msk $0xffff, v41;
	v45 =	vmov v10;
	v41 =	vmov v14  }
0x29f: {  	v9 =	vadd.s32 $0x1, v7;
	v5 =	vmul.u32 $0x5, v5;
	v10 =	vld.idx.msk [tilespmem:v1+s22+$0x0], $0xffff;
	[tilespmem:v46+s24+$0x0] =	vst.idx.msk $0xffff, v52;
	v46 =	vmov v8  }
0x2a0: {  	v8 =	vadd.s32 $0x2, v7;
	v14 =	vadd.s32 $0x1, v4;
	v18 =	vadd.s32 $0x2, v4;
	v11 =	vld.idx.msk [tilespmem:v47+s20+$0x0], $0xffff;
	[tilespmem:v49+s24+$0x0] =	vst.idx.msk $0xffff, v42;
	v47 =	vmovc v4  }
0x2a1: {  	s13 =	sadd.s32 $0x20, s13;
	v16 =	vadd.s32 $0x3, v7;
	v42 =	vmovc v12;
	v19 =	vadd.s32 $0x3, v47;
	v59 =	vadd.s32 $0x4, v47;
	v17 =	vld.idx.msk [tilespmem:v51+s22+$0x0], $0xffff;
	[tilespmem:v50+s24+$0x0] =	vst.idx.msk $0xffff, v48  }
0x2a2: {  	s14 =	sadd.s32 $0x2, s14;
	s16 =	sadd.s32 $0x10, s13;
	v49 =	vmovc v3;
	v60 =	vadd.s32 $0x1, v5;
	v58 =	vadd.s32 $0x2, v5;
	v51 =	vmovc v5;
	v20 =	vld.idx.msk [tilespmem:v7+s20+$0x0], $0xffff;
	v7 =	vadd.s32 $0x4, v7  }
0x2a3: {  	p1 =	slt.u32 s14, $0xA;
	v3 =	vmov s16;
	v12 =	vadd.s32 $0x1, v13;
	v50 =	vmovc v2;
	v62 =	vadd.s32 $0x3, v51;
	v21 =	vld.idx.msk [tilespmem:v13+s22+$0x0], $0xffff  }
0x2a4: {  	v2 =	vshll.u32 v3, $0x6;
	v3 =	vadd.s32 $0x2, v13;
	v1 =	vadd.s32 $0x4, v51;
	v52 =	vmovc v6;
	v22 =	vld.idx.msk [tilespmem:v9+s20+$0x0], $0xffff  }
0x2a5: {  	v5 =	vmov s13;
	v6 =	vor.u32 v0, v2;
	v48 =	vmovc v10;
	v4 =	vld.idx.msk [tilespmem:v8+s20+$0x0], $0xffff;
	v8 =	vadd.s32 $0x3, v13  }
0x2a6: {  	v2 =	vshll.u32 v5, $0x6;
	v13 =	vadd.s32 $0x4, v13;
	v5 =	vld.idx.msk [tilespmem:v16+s20+$0x0], $0xffff;
	v16 =	vor.u32 $0x32, v6;
	[tilespmem:v57+s24+$0x0] =	vst.idx.msk $0xffff, v11  }
0x2a7: {  	v2 =	vor.u32 v0, v2;
	v23 =	vor.u32 $0x37, v6;
	v7 =	vld.idx.msk [tilespmem:v7+s20+$0x0], $0xffff;
	[tilespmem:v54+s24+$0x0] =	vst.idx.msk $0xffff, v17  }
0x2a8: {  	v25 =	vor.u32 $0x33, v6;
	v57 =	vor.u32 $0x32, v2;
	v54 =	vor.u32 $0x37, v2;
	v24 =	vld.idx.msk [tilespmem:v12+s22+$0x0], $0xffff;
	[tilespmem:v53+s24+$0x0] =	vst.idx.msk $0xffff, v63  }
0x2a9: {  	v26 =	vor.u32 $0x38, v6;
	v53 =	vor.u32 $0x33, v2;
	v11 =	vld.idx.msk [tilespmem:v3+s22+$0x0], $0xffff;
	[tilespmem:v55+s24+$0x0] =	vst.idx.msk $0xffff, v15;
	v55 =	vor.u32 $0x38, v2  }
.Ltmp6:
0x2aa: {  	v9 =	vor.u32 $0x39, v2;
	v15 =	vor.u32 $0x34, v6;
	v12 =	vld.idx.msk [tilespmem:v8+s22+$0x0], $0xffff;
	[tilespmem:v56+s24+$0x0] =	vst.idx.msk $0xffff, v61;
	v56 =	vor.u32 $0x34, v2;
	(pc) =	sbr.rel @p1 .LBB2_11-.Ltmp6, $4  }
0x2ab: {  	v10 =	vor.u32 $0x35, v2;
	v8 =	vor.u32 $0x3A, v2;
	v13 =	vld.idx.msk [tilespmem:v13+s22+$0x0], $0xffff;
	[tilespmem:v16+s24+$0x0] =	vst.idx.msk $0xffff, v20;
	v16 =	vor.u32 $0x39, v6  }
0x2ac: {  	v17 =	vor.u32 $0x35, v6;
	v3 =	vor.u32 $0x36, v2;
	v2 =	vor.u32 $0x3B, v2;
	v63 =	vld.idx.msk [tilespmem:v14+s20+$0x0], $0xffff;
	[tilespmem:v23+s24+$0x0] =	vst.idx.msk $0xffff, v21  }
0x2ad: {  	v61 =	vld.idx.msk [tilespmem:v18+s20+$0x0], $0xffff;
	[tilespmem:v25+s24+$0x0] =	vst.idx.msk $0xffff, v22;
	v18 =	vor.u32 $0x3A, v6  }
0x2ae: {  	s15 =	sadd.s32 $0x20, s15;
	v14 =	vld.idx.msk [tilespmem:v19+s20+$0x0], $0xffff;
	[tilespmem:v26+s24+$0x0] =	vst.idx.msk $0xffff, v24;
	v19 =	vor.u32 $0x36, v6  }
0x2af: {  	_ =	sdelay $0x3  }
0x2b0: {  	[tilespmem:v15+s24+$0x0] =	vst.idx.msk $0xffff, v4  }
0x2b1: {  	v4 =	vor.u32 $0x3B, v6;
	[tilespmem:v44+s24+$0x0] =	vst.idx.msk $0xffff, v43  }
0x2b2: {  	[tilespmem:v16+s24+$0x0] =	vst.idx.msk $0xffff, v11  }
0x2b3: {  	[tilespmem:v17+s24+$0x0] =	vst.idx.msk $0xffff, v5  }
0x2b4: {  	[tilespmem:v18+s24+$0x0] =	vst.idx.msk $0xffff, v12  }
0x2b5: {  	v6 =	vld.idx.msk [tilespmem:v60+s22+$0x0], $0xffff;
	[tilespmem:v19+s24+$0x0] =	vst.idx.msk $0xffff, v7  }
0x2b6: {  	[tilespmem:v4+s24+$0x0] =	vst.idx.msk $0xffff, v13;
	v4 =	vld.idx.msk [tilespmem:v47+s20+$0x0], $0xffff  }
0x2b7: {  	[tilespmem:v45+s24+$0x0] =	vst.idx.msk $0xffff, v41;
	v7 =	vld.idx.msk [tilespmem:v51+s22+$0x0], $0xffff  }
0x2b8: {  	v1 =	vld.idx.msk [tilespmem:v1+s22+$0x0], $0xffff;
	[tilespmem:v46+s24+$0x0] =	vst.idx.msk $0xffff, v52  }
0x2b9: {  	v11 =	vld.idx.msk [tilespmem:v58+s22+$0x0], $0xffff;
	[tilespmem:v49+s24+$0x0] =	vst.idx.msk $0xffff, v42  }
0x2ba: {  	v5 =	vld.idx.msk [tilespmem:v59+s20+$0x0], $0xffff;
	[tilespmem:v50+s24+$0x0] =	vst.idx.msk $0xffff, v48  }
0x2bb: {  	v12 =	vld.idx.msk [tilespmem:v62+s22+$0x0], $0xffff;
	[tilespmem:v57+s24+$0x0] =	vst.idx.msk $0xffff, v4  }
0x2bc: {  	[tilespmem:v54+s24+$0x0] =	vst.idx.msk $0xffff, v7  }
0x2bd: {  	[tilespmem:v53+s24+$0x0] =	vst.idx.msk $0xffff, v63  }
0x2be: {  	[tilespmem:v55+s24+$0x0] =	vst.idx.msk $0xffff, v6  }
0x2bf: {  	[tilespmem:v56+s24+$0x0] =	vst.idx.msk $0xffff, v61  }
0x2c0: {  	[tilespmem:v9+s24+$0x0] =	vst.idx.msk $0xffff, v11  }
0x2c1: {  	[tilespmem:v10+s24+$0x0] =	vst.idx.msk $0xffff, v14  }
0x2c2: {  	[tilespmem:v8+s24+$0x0] =	vst.idx.msk $0xffff, v12  }
0x2c3: {  	[tilespmem:v3+s24+$0x0] =	vst.idx.msk $0xffff, v5  }
0x2c4: {  	[tilespmem:v2+s24+$0x0] =	vst.idx.msk $0xffff, v1  }
0x2c5: {  	v1 =	vld [tilespmem:$0xA18]  }
0x2c6: {  	v2 =	vld [tilespmem:$0x1058];
	_ =	sdelay $0x3  }
0x2c7: {  	v1 =	vmul.u32 $0x5, v1  }
0x2c8: {  	v2 =	vmul.u32 $0x5, v2;
	_ =	sdelay $0x1  }
0x2c9: {  	v3 =	vadd.s32 $0x1, v1  }
0x2ca: {  	v4 =	vadd.s32 $0x2, v1  }
0x2cb: {  	v11 =	vld [tilespmem:$0x1FE50];
	v5 =	vadd.s32 $0x3, v1  }
0x2cc: {  	v6 =	vadd.s32 $0x4, v1;
	v7 =	vadd.s32 $0x1, v2;
	v1 =	vld.idx.msk [tilespmem:v1+s20+$0x0], $0xffff  }
0x2cd: {  	v8 =	vadd.s32 $0x2, v2;
	v9 =	vadd.s32 $0x3, v2;
	v10 =	vadd.s32 $0x4, v2;
	v2 =	vld.idx.msk [tilespmem:v2+s22+$0x0], $0xffff  }
0x2ce: {  	v3 =	vld.idx.msk [tilespmem:v3+s20+$0x0], $0xffff  }
0x2cf: {  	v4 =	vld.idx.msk [tilespmem:v4+s20+$0x0], $0xffff  }
0x2d0: {  	v5 =	vld.idx.msk [tilespmem:v5+s20+$0x0], $0xffff  }
0x2d1: {  	v6 =	vld.idx.msk [tilespmem:v6+s20+$0x0], $0xffff  }
0x2d2: {  	v7 =	vld.idx.msk [tilespmem:v7+s22+$0x0], $0xffff  }
0x2d3: {  	v8 =	vld.idx.msk [tilespmem:v8+s22+$0x0], $0xffff  }
0x2d4: {  	v9 =	vld.idx.msk [tilespmem:v9+s22+$0x0], $0xffff  }
0x2d5: {  	v10 =	vld.idx.msk [tilespmem:v10+s22+$0x0], $0xffff  }
0x2d6: {  	[tilespmem:v11+s24+$0x0] =	vst.idx.msk $0xffff, v1;
	v1 =	vld [tilespmem:$0x1FE60];
	_ =	sdelay $0x7  }
0x2d7: {  	[tilespmem:v1+s24+$0x0] =	vst.idx.msk $0xffff, v2;
	v1 =	vld [tilespmem:$0x1FE70];
	_ =	sdelay $0x7  }
0x2d8: {  	[tilespmem:v1+s24+$0x0] =	vst.idx.msk $0xffff, v3;
	v1 =	vld [tilespmem:$0x1FE80];
	_ =	sdelay $0x7  }
0x2d9: {  	[tilespmem:v1+s24+$0x0] =	vst.idx.msk $0xffff, v7;
	v1 =	vld [tilespmem:$0x1FE90];
	_ =	sdelay $0x7  }
0x2da: {  	[tilespmem:v1+s24+$0x0] =	vst.idx.msk $0xffff, v4;
	v1 =	vld [tilespmem:$0x1FEA0];
	_ =	sdelay $0x7  }
0x2db: {  	[tilespmem:v1+s24+$0x0] =	vst.idx.msk $0xffff, v8;
	v1 =	vld [tilespmem:$0x1FEB0];
	_ =	sdelay $0x7  }
0x2dc: {  	[tilespmem:v1+s24+$0x0] =	vst.idx.msk $0xffff, v5;
	v1 =	vld [tilespmem:$0x1FEC0];
	_ =	sdelay $0x7  }
0x2dd: {  	[tilespmem:v1+s24+$0x0] =	vst.idx.msk $0xffff, v9;
	v1 =	vld [tilespmem:$0x1FED0];
	_ =	sdelay $0x7  }
0x2de: {  	[tilespmem:v1+s24+$0x0] =	vst.idx.msk $0xffff, v6;
	v1 =	vld [tilespmem:$0x1FEE0];
	_ =	sdelay $0x7  }
0x2df: {  	s12 =	simm.s32 $0xA38;
	[tilespmem:v1+s24+$0x0] =	vst.idx.msk $0xffff, v10  }
0x2e0: {  	s13 =	simm.s32 $0x1078;
	v1 =	vld [tilespmem:s12+$0x0]  }
0x2e1: {  	v2 =	vld [tilespmem:s13+$0x0]  }
0x2e2: {  	v4 =	vld [tilespmem:s12+$0xFFFFFFF0];
	_ =	sdelay $0x2  }
0x2e3: {  	v1 =	vmul.u32 $0x5, v1  }
0x2e4: {  	s15 =	simm.s32 $0xA58;
	v6 =	vld [tilespmem:s13+$0xFFFFFFF0];
	v2 =	vmul.u32 $0x5, v2  }
0x2e5: {  	v18 =	vld [tilespmem:s15+$0x0];
	v4 =	vmul.u32 $0x5, v4  }
0x2e6: {  	s12 =	simm.s32 $0x1098;
	v25 =	vld [tilespmem:s15+$0xFFFFFFF0]  }
0x2e7: {  	v22 =	vld [tilespmem:s12+$0x0];
	v3 =	vadd.s32 $0x1, v1  }
0x2e8: {  	v50 =	vld [tilespmem:s12+$0xFFFFFFF0];
	v5 =	vadd.s32 $0x2, v1  }
0x2e9: {  	v7 =	vadd.s32 $0x3, v1;
	v8 =	vld.idx.msk [tilespmem:v1+s20+$0x0], $0xffff  }
0x2ea: {  	v10 =	vadd.s32 $0x1, v2;
	v9 =	vld.idx.msk [tilespmem:v2+s22+$0x0], $0xffff  }
0x2eb: {  	v11 =	vadd.s32 $0x2, v2;
	v55 =	vld.idx.msk [tilespmem:v4+s20+$0x0], $0xffff  }
0x2ec: {  	v12 =	vadd.s32 $0x3, v2;
	v3 =	vld.idx.msk [tilespmem:v3+s20+$0x0], $0xffff  }
0x2ed: {  	v13 =	vadd.s32 $0x1, v4;
	v5 =	vld.idx.msk [tilespmem:v5+s20+$0x0], $0xffff  }
0x2ee: {  	s14 =	simm.s32 $0xD8;
	v14 =	vadd.s32 $0x2, v4;
	v7 =	vld.idx.msk [tilespmem:v7+s20+$0x0], $0xffff  }
0x2ef: {  	v16 =	vmov s14;
	s14 =	simm.s32 $0xC8;
	v15 =	vadd.s32 $0x3, v4;
	v10 =	vld.idx.msk [tilespmem:v10+s22+$0x0], $0xffff  }
0x2f0: {  	v16 =	vshll.u32 v16, $0x6;
	v20 =	vmov s14;
	v17 =	vadd.s32 $0x4, v4;
	v11 =	vld.idx.msk [tilespmem:v11+s22+$0x0], $0xffff  }
0x2f1: {  	v16 =	vadd.s32 v0, v16;
	v6 =	vmul.u32 $0x5, v6;
	v1 =	vadd.s32 $0x4, v1;
	v12 =	vld.idx.msk [tilespmem:v12+s22+$0x0], $0xffff  }
0x2f2: {  	v20 =	vshll.u32 v20, $0x6;
	v21 =	vor.u32 $0x32, v16;
	v2 =	vadd.s32 $0x4, v2;
	v13 =	vld.idx.msk [tilespmem:v13+s20+$0x0], $0xffff  }
0x2f3: {  	v24 =	vor.u32 $0x37, v16;
	v20 =	vadd.s32 v0, v20;
	v19 =	vadd.s32 $0x2, v6;
	v14 =	vld.idx.msk [tilespmem:v14+s20+$0x0], $0xffff  }
0x2f4: {  	v27 =	vor.u32 $0x33, v16;
	v18 =	vmul.u32 $0x5, v18;
	v23 =	vadd.s32 $0x3, v6;
	v41 =	vld.idx.msk [tilespmem:v15+s20+$0x0], $0xffff  }
0x2f5: {  	v59 =	vor.u32 $0x38, v16;
	v60 =	vor.u32 $0x34, v16;
	v26 =	vadd.s32 $0x4, v6;
	v42 =	vld.idx.msk [tilespmem:v17+s20+$0x0], $0xffff  }
0x2f6: {  	v44 =	vor.u32 $0x39, v20;
	v45 =	vor.u32 $0x35, v20;
	v62 =	vadd.s32 $0x1, v18;
	v1 =	vld.idx.msk [tilespmem:v1+s20+$0x0], $0xffff  }
0x2f7: {  	v46 =	vor.u32 $0x3A, v20;
	v15 =	vadd.s32 $0x1, v6;
	v2 =	vld.idx.msk [tilespmem:v2+s22+$0x0], $0xffff;
	[tilespmem:v21+s24+$0x0] =	vst.idx.msk $0xffff, v8;
	v8 =	vor.u32 $0x39, v16  }
0x2f8: {  	v48 =	vor.u32 $0x36, v20;
	v51 =	vor.u32 $0x3B, v20;
	v43 =	vld.idx.msk [tilespmem:v19+s22+$0x0], $0xffff;
	[tilespmem:v24+s24+$0x0] =	vst.idx.msk $0xffff, v9;
	v9 =	vor.u32 $0x35, v16  }
0x2f9: {  	v54 =	vor.u32 $0x33, v20;
	v61 =	vmul.u32 $0x5, v22;
	v52 =	vld.idx.msk [tilespmem:v23+s22+$0x0], $0xffff;
	[tilespmem:v27+s24+$0x0] =	vst.idx.msk $0xffff, v3;
	v3 =	vor.u32 $0x3A, v16  }
0x2fa: {  	v53 =	vor.u32 $0x32, v20;
	v22 =	vor.u32 $0x34, v20;
	v49 =	vld.idx.msk [tilespmem:v26+s22+$0x0], $0xffff;
	[tilespmem:v59+s24+$0x0] =	vst.idx.msk $0xffff, v10;
	v10 =	vor.u32 $0x36, v16  }
0x2fb: {  	v63 =	vadd.s32 $0x2, v18;
	v17 =	vor.u32 $0x37, v20;
	v19 =	vor.u32 $0x38, v20;
	v20 =	vld.idx.msk [tilespmem:v62+s20+$0x0], $0xffff;
	[tilespmem:v60+s24+$0x0] =	vst.idx.msk $0xffff, v5  }
0x2fc: {  	v15 =	vld.idx.msk [tilespmem:v15+s22+$0x0], $0xffff;
	v5 =	vor.u32 $0x3B, v16;
	v16 =	vadd.s32 $0x3, v18;
	[tilespmem:v8+s24+$0x0] =	vst.idx.msk $0xffff, v11  }
0x2fd: {  	s13 =	simm.s32 $0xF8;
	v27 =	vld.idx.msk [tilespmem:v6+s22+$0x0], $0xffff;
	v11 =	vadd.s32 $0x4, v18;
	[tilespmem:v9+s24+$0x0] =	vst.idx.msk $0xffff, v7  }
0x2fe: {  	v50 =	vmul.u32 $0x5, v50;
	v4 =	vmov s13;
	v8 =	vld.idx.msk [tilespmem:v18+s20+$0x0], $0xffff;
	v9 =	vadd.s32 $0x1, v61;
	[tilespmem:v3+s24+$0x0] =	vst.idx.msk $0xffff, v12  }
0x2ff: {  	v47 =	vmul.u32 $0x5, v25;
	v18 =	vld.idx.msk [tilespmem:v61+s22+$0x0], $0xffff;
	v12 =	vadd.s32 $0x2, v61;
	[tilespmem:v10+s24+$0x0] =	vst.idx.msk $0xffff, v1;
	v1 =	vshll.u32 v4, $0x6  }
0x300: {  	v58 =	vadd.s32 $0x2, v50;
	v4 =	vld.idx.msk [tilespmem:v63+s20+$0x0], $0xffff;
	v10 =	vadd.s32 $0x3, v61;
	v6 =	vadd.s32 v0, v1  }
0x301: {  	v23 =	vadd.s32 $0x2, v47;
	[tilespmem:v5+s24+$0x0] =	vst.idx.msk $0xffff, v2;
	v5 =	vld.idx.msk [tilespmem:v16+s20+$0x0], $0xffff;
	v2 =	vadd.s32 $0x4, v61;
	v16 =	vor.u32 $0x32, v6  }
0x302: {  	s16 =	simm.s32 $0xE8;
	v62 =	vadd.s32 $0x3, v50;
	v24 =	vadd.s32 $0x3, v47;
	[tilespmem:v53+s24+$0x0] =	vst.idx.msk $0xffff, v55;
	v7 =	vld.idx.msk [tilespmem:v11+s20+$0x0], $0xffff;
	v21 =	vor.u32 $0x37, v6  }
0x303: {  	v59 =	vadd.s32 $0x4, v47;
	[tilespmem:v17+s24+$0x0] =	vst.idx.msk $0xffff, v27;
	v1 =	vmov s16;
	v17 =	vor.u32 $0x33, v6;
	v25 =	vld.idx.msk [tilespmem:v9+s22+$0x0], $0xffff  }
0x304: {  	v60 =	vadd.s32 $0x1, v50;
	v3 =	vadd.s32 $0x1, v47;
	[tilespmem:v54+s24+$0x0] =	vst.idx.msk $0xffff, v13;
	v9 =	vshll.u32 v1, $0x6;
	v11 =	vld.idx.msk [tilespmem:v12+s22+$0x0], $0xffff  }
0x305: {  	[tilespmem:v19+s24+$0x0] =	vst.idx.msk $0xffff, v15;
	v27 =	vor.u32 $0x38, v6;
	v15 =	vor.u32 $0x34, v6;
	v26 =	vadd.s32 v0, v9;
	v12 =	vld.idx.msk [tilespmem:v10+s22+$0x0], $0xffff  }
0x306: {  	v19 =	vor.u32 $0x36, v6;
	v1 =	vadd.s32 $0x4, v50;
	v57 =	vor.u32 $0x32, v26;
	v13 =	vld.idx.msk [tilespmem:v2+s22+$0x0], $0xffff;
	[tilespmem:v16+s24+$0x0] =	vst.idx.msk $0xffff, v8  }
0x307: {  	v54 =	vor.u32 $0x37, v26;
	v53 =	vor.u32 $0x33, v26;
	v16 =	vor.u32 $0x39, v6;
	[tilespmem:v21+s24+$0x0] =	vst.idx.msk $0xffff, v18  }
0x308: {  	v61 =	vld.idx.msk [tilespmem:v23+s20+$0x0], $0xffff;
	v55 =	vor.u32 $0x38, v26;
	v56 =	vor.u32 $0x34, v26;
	[tilespmem:v17+s24+$0x0] =	vst.idx.msk $0xffff, v20;
	v17 =	vor.u32 $0x35, v6  }
0x309: {  	[tilespmem:v22+s24+$0x0] =	vst.idx.msk $0xffff, v14;
	v14 =	vld.idx.msk [tilespmem:v24+s20+$0x0], $0xffff;
	v9 =	vor.u32 $0x39, v26;
	v10 =	vor.u32 $0x35, v26;
	v18 =	vor.u32 $0x3A, v6  }
0x30a: {  	s14 =	simm.s32 $0x2;
	s15 =	simm.s32 $0xA78;
	v63 =	vld.idx.msk [tilespmem:v3+s20+$0x0], $0xffff;
	v3 =	vor.u32 $0x36, v26;
	v2 =	vor.u32 $0x3B, v26;
	v8 =	vor.u32 $0x3A, v26;
	[tilespmem:v27+s24+$0x0] =	vst.idx.msk $0xffff, v25  }
.LBB2_13:
0x30b: {  	v20 =	vld [tilespmem:s15+$0x0];
	[tilespmem:v15+s24+$0x0] =	vst.idx.msk $0xffff, v4;
	v4 =	vor.u32 $0x3B, v6;
	s12 =	sadd.s32 $0x20, s12  }
0x30c: {  	v6 =	vld [tilespmem:s12+$0x0];
	[tilespmem:v16+s24+$0x0] =	vst.idx.msk $0xffff, v11  }
0x30d: {  	v11 =	vld [tilespmem:s15+$0xFFFFFFF0];
	[tilespmem:v17+s24+$0x0] =	vst.idx.msk $0xffff, v5  }
0x30e: {  	v5 =	vld [tilespmem:s12+$0xFFFFFFF0];
	[tilespmem:v18+s24+$0x0] =	vst.idx.msk $0xffff, v12  }
0x30f: {  	v12 =	vld.idx.msk [tilespmem:v59+s20+$0x0], $0xffff;
	[tilespmem:v19+s24+$0x0] =	vst.idx.msk $0xffff, v7  }
0x310: {  	v7 =	vmul.u32 $0x5, v20;
	v15 =	vld.idx.msk [tilespmem:v60+s22+$0x0], $0xffff;
	[tilespmem:v4+s24+$0x0] =	vst.idx.msk $0xffff, v13  }
0x311: {  	v13 =	vmul.u32 $0x5, v6;
	[tilespmem:v44+s24+$0x0] =	vst.idx.msk $0xffff, v43;
	v43 =	vld.idx.msk [tilespmem:v58+s22+$0x0], $0xffff;
	v44 =	vmov v9  }
0x312: {  	v4 =	vmul.u32 $0x5, v11;
	v6 =	vld.idx.msk [tilespmem:v62+s22+$0x0], $0xffff;
	[tilespmem:v45+s24+$0x0] =	vst.idx.msk $0xffff, v41;
	v45 =	vmov v10;
	v41 =	vmov v14  }
0x313: {  	v9 =	vadd.s32 $0x1, v7;
	v5 =	vmul.u32 $0x5, v5;
	v10 =	vld.idx.msk [tilespmem:v1+s22+$0x0], $0xffff;
	[tilespmem:v46+s24+$0x0] =	vst.idx.msk $0xffff, v52;
	v46 =	vmov v8  }
0x314: {  	v8 =	vadd.s32 $0x2, v7;
	v14 =	vadd.s32 $0x1, v4;
	v18 =	vadd.s32 $0x2, v4;
	v11 =	vld.idx.msk [tilespmem:v47+s20+$0x0], $0xffff;
	[tilespmem:v48+s24+$0x0] =	vst.idx.msk $0xffff, v42;
	v47 =	vmovc v4  }
0x315: {  	v16 =	vadd.s32 $0x3, v7;
	v42 =	vmovc v12;
	v19 =	vadd.s32 $0x3, v47;
	v59 =	vadd.s32 $0x4, v47;
	v17 =	vld.idx.msk [tilespmem:v50+s22+$0x0], $0xffff;
	[tilespmem:v51+s24+$0x0] =	vst.idx.msk $0xffff, v49  }
0x316: {  	s14 =	sadd.s32 $0x2, s14;
	s13 =	sadd.s32 $0x20, s13;
	v48 =	vmovc v3;
	v60 =	vadd.s32 $0x1, v5;
	v58 =	vadd.s32 $0x2, v5;
	v50 =	vmovc v5;
	v20 =	vld.idx.msk [tilespmem:v7+s20+$0x0], $0xffff;
	v7 =	vadd.s32 $0x4, v7  }
0x317: {  	s16 =	sadd.s32 $0xFFFFFFF0, s13;
	p1 =	slt.u32 s14, $0xA;
	v3 =	vmov s13;
	v12 =	vadd.s32 $0x1, v13;
	v51 =	vmovc v2;
	v62 =	vadd.s32 $0x3, v50;
	v21 =	vld.idx.msk [tilespmem:v13+s22+$0x0], $0xffff  }
0x318: {  	v2 =	vshll.u32 v3, $0x6;
	v3 =	vadd.s32 $0x2, v13;
	v1 =	vadd.s32 $0x4, v50;
	v52 =	vmovc v6;
	v22 =	vld.idx.msk [tilespmem:v9+s20+$0x0], $0xffff  }
0x319: {  	v5 =	vmov s16;
	v6 =	vadd.s32 v0, v2;
	v49 =	vmovc v10;
	v4 =	vld.idx.msk [tilespmem:v8+s20+$0x0], $0xffff;
	v8 =	vadd.s32 $0x3, v13  }
0x31a: {  	v2 =	vshll.u32 v5, $0x6;
	v13 =	vadd.s32 $0x4, v13;
	v5 =	vld.idx.msk [tilespmem:v16+s20+$0x0], $0xffff;
	v16 =	vor.u32 $0x32, v6;
	[tilespmem:v57+s24+$0x0] =	vst.idx.msk $0xffff, v11  }
0x31b: {  	v2 =	vadd.s32 v0, v2;
	v23 =	vor.u32 $0x37, v6;
	v7 =	vld.idx.msk [tilespmem:v7+s20+$0x0], $0xffff;
	[tilespmem:v54+s24+$0x0] =	vst.idx.msk $0xffff, v17  }
0x31c: {  	v25 =	vor.u32 $0x33, v6;
	v57 =	vor.u32 $0x32, v2;
	v54 =	vor.u32 $0x37, v2;
	v24 =	vld.idx.msk [tilespmem:v12+s22+$0x0], $0xffff;
	[tilespmem:v53+s24+$0x0] =	vst.idx.msk $0xffff, v63  }
0x31d: {  	v26 =	vor.u32 $0x38, v6;
	v53 =	vor.u32 $0x33, v2;
	v11 =	vld.idx.msk [tilespmem:v3+s22+$0x0], $0xffff;
	[tilespmem:v55+s24+$0x0] =	vst.idx.msk $0xffff, v15;
	v55 =	vor.u32 $0x38, v2  }
.Ltmp7:
0x31e: {  	v9 =	vor.u32 $0x39, v2;
	v15 =	vor.u32 $0x34, v6;
	v12 =	vld.idx.msk [tilespmem:v8+s22+$0x0], $0xffff;
	[tilespmem:v56+s24+$0x0] =	vst.idx.msk $0xffff, v61;
	v56 =	vor.u32 $0x34, v2;
	(pc) =	sbr.rel @p1 .LBB2_13-.Ltmp7, $4  }
0x31f: {  	v10 =	vor.u32 $0x35, v2;
	v8 =	vor.u32 $0x3A, v2;
	v13 =	vld.idx.msk [tilespmem:v13+s22+$0x0], $0xffff;
	[tilespmem:v16+s24+$0x0] =	vst.idx.msk $0xffff, v20;
	v16 =	vor.u32 $0x39, v6  }
0x320: {  	v17 =	vor.u32 $0x35, v6;
	v3 =	vor.u32 $0x36, v2;
	v2 =	vor.u32 $0x3B, v2;
	v63 =	vld.idx.msk [tilespmem:v14+s20+$0x0], $0xffff;
	[tilespmem:v23+s24+$0x0] =	vst.idx.msk $0xffff, v21  }
0x321: {  	v61 =	vld.idx.msk [tilespmem:v18+s20+$0x0], $0xffff;
	[tilespmem:v25+s24+$0x0] =	vst.idx.msk $0xffff, v22;
	v18 =	vor.u32 $0x3A, v6  }
0x322: {  	s15 =	sadd.s32 $0x20, s15;
	v14 =	vld.idx.msk [tilespmem:v19+s20+$0x0], $0xffff;
	[tilespmem:v26+s24+$0x0] =	vst.idx.msk $0xffff, v24;
	v19 =	vor.u32 $0x36, v6  }
0x323: {  	_ =	sdelay $0x3  }
0x324: {  	[tilespmem:v15+s24+$0x0] =	vst.idx.msk $0xffff, v4  }
0x325: {  	v4 =	vor.u32 $0x3B, v6;
	[tilespmem:v44+s24+$0x0] =	vst.idx.msk $0xffff, v43  }
0x326: {  	[tilespmem:v16+s24+$0x0] =	vst.idx.msk $0xffff, v11  }
0x327: {  	[tilespmem:v17+s24+$0x0] =	vst.idx.msk $0xffff, v5  }
0x328: {  	[tilespmem:v18+s24+$0x0] =	vst.idx.msk $0xffff, v12  }
0x329: {  	v6 =	vld.idx.msk [tilespmem:v60+s22+$0x0], $0xffff;
	[tilespmem:v19+s24+$0x0] =	vst.idx.msk $0xffff, v7  }
0x32a: {  	[tilespmem:v4+s24+$0x0] =	vst.idx.msk $0xffff, v13;
	v4 =	vld.idx.msk [tilespmem:v47+s20+$0x0], $0xffff  }
0x32b: {  	[tilespmem:v45+s24+$0x0] =	vst.idx.msk $0xffff, v41;
	v7 =	vld.idx.msk [tilespmem:v50+s22+$0x0], $0xffff  }
0x32c: {  	v1 =	vld.idx.msk [tilespmem:v1+s22+$0x0], $0xffff;
	[tilespmem:v46+s24+$0x0] =	vst.idx.msk $0xffff, v52  }
0x32d: {  	v11 =	vld.idx.msk [tilespmem:v58+s22+$0x0], $0xffff;
	[tilespmem:v48+s24+$0x0] =	vst.idx.msk $0xffff, v42  }
0x32e: {  	v5 =	vld.idx.msk [tilespmem:v59+s20+$0x0], $0xffff;
	[tilespmem:v51+s24+$0x0] =	vst.idx.msk $0xffff, v49  }
0x32f: {  	v12 =	vld.idx.msk [tilespmem:v62+s22+$0x0], $0xffff;
	[tilespmem:v57+s24+$0x0] =	vst.idx.msk $0xffff, v4  }
0x330: {  	[tilespmem:v54+s24+$0x0] =	vst.idx.msk $0xffff, v7  }
0x331: {  	[tilespmem:v53+s24+$0x0] =	vst.idx.msk $0xffff, v63  }
0x332: {  	[tilespmem:v55+s24+$0x0] =	vst.idx.msk $0xffff, v6  }
0x333: {  	[tilespmem:v56+s24+$0x0] =	vst.idx.msk $0xffff, v61  }
0x334: {  	[tilespmem:v9+s24+$0x0] =	vst.idx.msk $0xffff, v11  }
0x335: {  	[tilespmem:v10+s24+$0x0] =	vst.idx.msk $0xffff, v14  }
0x336: {  	[tilespmem:v8+s24+$0x0] =	vst.idx.msk $0xffff, v12  }
0x337: {  	[tilespmem:v3+s24+$0x0] =	vst.idx.msk $0xffff, v5  }
0x338: {  	[tilespmem:v2+s24+$0x0] =	vst.idx.msk $0xffff, v1  }
0x339: {  	v1 =	vld [tilespmem:$0xAE0]  }
0x33a: {  	v2 =	vld [tilespmem:$0x1120];
	_ =	sdelay $0x3  }
0x33b: {  	v1 =	vmul.u32 $0x5, v1  }
0x33c: {  	v2 =	vmul.u32 $0x5, v2;
	_ =	sdelay $0x1  }
0x33d: {  	v3 =	vadd.s32 $0x1, v1  }
0x33e: {  	v4 =	vadd.s32 $0x2, v1  }
0x33f: {  	v11 =	vld [tilespmem:$0x1FEF0];
	v5 =	vadd.s32 $0x3, v1  }
0x340: {  	v6 =	vadd.s32 $0x4, v1;
	v7 =	vadd.s32 $0x1, v2;
	v1 =	vld.idx.msk [tilespmem:v1+s20+$0x0], $0xffff  }
0x341: {  	v8 =	vadd.s32 $0x2, v2;
	v9 =	vadd.s32 $0x3, v2;
	v10 =	vadd.s32 $0x4, v2;
	v2 =	vld.idx.msk [tilespmem:v2+s22+$0x0], $0xffff  }
0x342: {  	v3 =	vld.idx.msk [tilespmem:v3+s20+$0x0], $0xffff  }
0x343: {  	v4 =	vld.idx.msk [tilespmem:v4+s20+$0x0], $0xffff  }
0x344: {  	v5 =	vld.idx.msk [tilespmem:v5+s20+$0x0], $0xffff  }
0x345: {  	v6 =	vld.idx.msk [tilespmem:v6+s20+$0x0], $0xffff  }
0x346: {  	v7 =	vld.idx.msk [tilespmem:v7+s22+$0x0], $0xffff  }
0x347: {  	v8 =	vld.idx.msk [tilespmem:v8+s22+$0x0], $0xffff  }
0x348: {  	v9 =	vld.idx.msk [tilespmem:v9+s22+$0x0], $0xffff  }
0x349: {  	v10 =	vld.idx.msk [tilespmem:v10+s22+$0x0], $0xffff  }
0x34a: {  	[tilespmem:v11+s24+$0x0] =	vst.idx.msk $0xffff, v1;
	v1 =	vld [tilespmem:$0x1FF00];
	_ =	sdelay $0x7  }
0x34b: {  	[tilespmem:v1+s24+$0x0] =	vst.idx.msk $0xffff, v2;
	v1 =	vld [tilespmem:$0x1FF10];
	_ =	sdelay $0x7  }
0x34c: {  	[tilespmem:v1+s24+$0x0] =	vst.idx.msk $0xffff, v3;
	v1 =	vld [tilespmem:$0x1FF20];
	_ =	sdelay $0x7  }
0x34d: {  	[tilespmem:v1+s24+$0x0] =	vst.idx.msk $0xffff, v7;
	v1 =	vld [tilespmem:$0x1FF30];
	_ =	sdelay $0x7  }
0x34e: {  	[tilespmem:v1+s24+$0x0] =	vst.idx.msk $0xffff, v4;
	v1 =	vld [tilespmem:$0x1FF40];
	_ =	sdelay $0x7  }
0x34f: {  	[tilespmem:v1+s24+$0x0] =	vst.idx.msk $0xffff, v8;
	v1 =	vld [tilespmem:$0x1FF50];
	_ =	sdelay $0x7  }
0x350: {  	[tilespmem:v1+s24+$0x0] =	vst.idx.msk $0xffff, v5;
	v1 =	vld [tilespmem:$0x1FF60];
	_ =	sdelay $0x7  }
0x351: {  	[tilespmem:v1+s24+$0x0] =	vst.idx.msk $0xffff, v9;
	v1 =	vld [tilespmem:$0x1FF70];
	_ =	sdelay $0x7  }
0x352: {  	[tilespmem:v1+s24+$0x0] =	vst.idx.msk $0xffff, v6;
	v1 =	vld [tilespmem:$0x1FF80];
	_ =	sdelay $0x7  }
0x353: {  	s12 =	simm.s32 $0xB00;
	[tilespmem:v1+s24+$0x0] =	vst.idx.msk $0xffff, v10  }
0x354: {  	s13 =	simm.s32 $0x1140;
	v1 =	vld [tilespmem:s12+$0x0]  }
0x355: {  	v2 =	vld [tilespmem:s13+$0x0]  }
0x356: {  	v4 =	vld [tilespmem:s12+$0xFFFFFFF0];
	_ =	sdelay $0x2  }
0x357: {  	v1 =	vmul.u32 $0x5, v1  }
0x358: {  	s15 =	simm.s32 $0xB20;
	v6 =	vld [tilespmem:s13+$0xFFFFFFF0];
	v2 =	vmul.u32 $0x5, v2  }
0x359: {  	v18 =	vld [tilespmem:s15+$0x0];
	v4 =	vmul.u32 $0x5, v4  }
0x35a: {  	s12 =	simm.s32 $0x1160;
	v25 =	vld [tilespmem:s15+$0xFFFFFFF0]  }
0x35b: {  	v22 =	vld [tilespmem:s12+$0x0];
	v3 =	vadd.s32 $0x1, v1  }
0x35c: {  	v58 =	vld [tilespmem:s12+$0xFFFFFFF0];
	v5 =	vadd.s32 $0x2, v1  }
0x35d: {  	v7 =	vadd.s32 $0x3, v1;
	v8 =	vld.idx.msk [tilespmem:v1+s20+$0x0], $0xffff  }
0x35e: {  	v10 =	vadd.s32 $0x1, v2;
	v9 =	vld.idx.msk [tilespmem:v2+s22+$0x0], $0xffff  }
0x35f: {  	v11 =	vadd.s32 $0x2, v2;
	v55 =	vld.idx.msk [tilespmem:v4+s20+$0x0], $0xffff  }
0x360: {  	v12 =	vadd.s32 $0x3, v2;
	v3 =	vld.idx.msk [tilespmem:v3+s20+$0x0], $0xffff  }
0x361: {  	v13 =	vadd.s32 $0x1, v4;
	v5 =	vld.idx.msk [tilespmem:v5+s20+$0x0], $0xffff  }
0x362: {  	s14 =	simm.s32 $0x1A0;
	v14 =	vadd.s32 $0x2, v4;
	v7 =	vld.idx.msk [tilespmem:v7+s20+$0x0], $0xffff  }
0x363: {  	v16 =	vmov s14;
	s14 =	simm.s32 $0x190;
	v15 =	vadd.s32 $0x3, v4;
	v10 =	vld.idx.msk [tilespmem:v10+s22+$0x0], $0xffff  }
0x364: {  	v16 =	vshll.u32 v16, $0x6;
	v20 =	vmov s14;
	v17 =	vadd.s32 $0x4, v4;
	v11 =	vld.idx.msk [tilespmem:v11+s22+$0x0], $0xffff  }
0x365: {  	v16 =	vor.u32 v0, v16;
	v6 =	vmul.u32 $0x5, v6;
	v1 =	vadd.s32 $0x4, v1;
	v12 =	vld.idx.msk [tilespmem:v12+s22+$0x0], $0xffff  }
0x366: {  	v20 =	vshll.u32 v20, $0x6;
	v21 =	vor.u32 $0x32, v16;
	v2 =	vadd.s32 $0x4, v2;
	v13 =	vld.idx.msk [tilespmem:v13+s20+$0x0], $0xffff  }
0x367: {  	v24 =	vor.u32 $0x37, v16;
	v20 =	vor.u32 v0, v20;
	v19 =	vadd.s32 $0x2, v6;
	v14 =	vld.idx.msk [tilespmem:v14+s20+$0x0], $0xffff  }
0x368: {  	v27 =	vor.u32 $0x33, v16;
	v18 =	vmul.u32 $0x5, v18;
	v23 =	vadd.s32 $0x3, v6;
	v41 =	vld.idx.msk [tilespmem:v15+s20+$0x0], $0xffff  }
0x369: {  	v59 =	vor.u32 $0x38, v16;
	v60 =	vor.u32 $0x34, v16;
	v26 =	vadd.s32 $0x4, v6;
	v42 =	vld.idx.msk [tilespmem:v17+s20+$0x0], $0xffff  }
0x36a: {  	v44 =	vor.u32 $0x39, v20;
	v45 =	vor.u32 $0x35, v20;
	v62 =	vadd.s32 $0x1, v18;
	v1 =	vld.idx.msk [tilespmem:v1+s20+$0x0], $0xffff  }
0x36b: {  	v46 =	vor.u32 $0x3A, v20;
	v15 =	vadd.s32 $0x1, v6;
	v2 =	vld.idx.msk [tilespmem:v2+s22+$0x0], $0xffff;
	[tilespmem:v21+s24+$0x0] =	vst.idx.msk $0xffff, v8;
	v8 =	vor.u32 $0x39, v16  }
0x36c: {  	v48 =	vor.u32 $0x36, v20;
	v51 =	vor.u32 $0x3B, v20;
	v43 =	vld.idx.msk [tilespmem:v19+s22+$0x0], $0xffff;
	[tilespmem:v24+s24+$0x0] =	vst.idx.msk $0xffff, v9;
	v9 =	vor.u32 $0x35, v16  }
0x36d: {  	v54 =	vor.u32 $0x33, v20;
	v61 =	vmul.u32 $0x5, v22;
	v52 =	vld.idx.msk [tilespmem:v23+s22+$0x0], $0xffff;
	[tilespmem:v27+s24+$0x0] =	vst.idx.msk $0xffff, v3;
	v3 =	vor.u32 $0x3A, v16  }
0x36e: {  	v53 =	vor.u32 $0x32, v20;
	v22 =	vor.u32 $0x34, v20;
	v49 =	vld.idx.msk [tilespmem:v26+s22+$0x0], $0xffff;
	[tilespmem:v59+s24+$0x0] =	vst.idx.msk $0xffff, v10;
	v10 =	vor.u32 $0x36, v16  }
0x36f: {  	v63 =	vadd.s32 $0x2, v18;
	v17 =	vor.u32 $0x37, v20;
	v19 =	vor.u32 $0x38, v20;
	v20 =	vld.idx.msk [tilespmem:v62+s20+$0x0], $0xffff;
	[tilespmem:v60+s24+$0x0] =	vst.idx.msk $0xffff, v5  }
0x370: {  	v15 =	vld.idx.msk [tilespmem:v15+s22+$0x0], $0xffff;
	v5 =	vor.u32 $0x3B, v16;
	v16 =	vadd.s32 $0x3, v18;
	[tilespmem:v8+s24+$0x0] =	vst.idx.msk $0xffff, v11  }
0x371: {  	s13 =	simm.s32 $0x1C0;
	v27 =	vld.idx.msk [tilespmem:v6+s22+$0x0], $0xffff;
	v11 =	vadd.s32 $0x4, v18;
	[tilespmem:v9+s24+$0x0] =	vst.idx.msk $0xffff, v7  }
0x372: {  	v50 =	vmul.u32 $0x5, v58;
	v4 =	vmov s13;
	v8 =	vld.idx.msk [tilespmem:v18+s20+$0x0], $0xffff;
	v9 =	vadd.s32 $0x1, v61;
	[tilespmem:v3+s24+$0x0] =	vst.idx.msk $0xffff, v12  }
0x373: {  	v47 =	vmul.u32 $0x5, v25;
	v18 =	vld.idx.msk [tilespmem:v61+s22+$0x0], $0xffff;
	v12 =	vadd.s32 $0x2, v61;
	[tilespmem:v10+s24+$0x0] =	vst.idx.msk $0xffff, v1;
	v1 =	vshll.u32 v4, $0x6  }
0x374: {  	v58 =	vadd.s32 $0x2, v50;
	v4 =	vld.idx.msk [tilespmem:v63+s20+$0x0], $0xffff;
	v10 =	vadd.s32 $0x3, v61;
	v6 =	vor.u32 v0, v1  }
0x375: {  	v23 =	vadd.s32 $0x2, v47;
	[tilespmem:v5+s24+$0x0] =	vst.idx.msk $0xffff, v2;
	v5 =	vld.idx.msk [tilespmem:v16+s20+$0x0], $0xffff;
	v2 =	vadd.s32 $0x4, v61;
	v16 =	vor.u32 $0x32, v6  }
0x376: {  	s16 =	simm.s32 $0x1B0;
	v62 =	vadd.s32 $0x3, v50;
	v24 =	vadd.s32 $0x3, v47;
	[tilespmem:v53+s24+$0x0] =	vst.idx.msk $0xffff, v55;
	v7 =	vld.idx.msk [tilespmem:v11+s20+$0x0], $0xffff;
	v21 =	vor.u32 $0x37, v6  }
0x377: {  	v59 =	vadd.s32 $0x4, v47;
	[tilespmem:v17+s24+$0x0] =	vst.idx.msk $0xffff, v27;
	v1 =	vmov s16;
	v17 =	vor.u32 $0x33, v6;
	v25 =	vld.idx.msk [tilespmem:v9+s22+$0x0], $0xffff  }
0x378: {  	v60 =	vadd.s32 $0x1, v50;
	v3 =	vadd.s32 $0x1, v47;
	[tilespmem:v54+s24+$0x0] =	vst.idx.msk $0xffff, v13;
	v9 =	vshll.u32 v1, $0x6;
	v11 =	vld.idx.msk [tilespmem:v12+s22+$0x0], $0xffff  }
0x379: {  	[tilespmem:v19+s24+$0x0] =	vst.idx.msk $0xffff, v15;
	v27 =	vor.u32 $0x38, v6;
	v15 =	vor.u32 $0x34, v6;
	v26 =	vor.u32 v0, v9;
	v12 =	vld.idx.msk [tilespmem:v10+s22+$0x0], $0xffff  }
0x37a: {  	v19 =	vor.u32 $0x36, v6;
	v1 =	vadd.s32 $0x4, v50;
	v57 =	vor.u32 $0x32, v26;
	v13 =	vld.idx.msk [tilespmem:v2+s22+$0x0], $0xffff;
	[tilespmem:v16+s24+$0x0] =	vst.idx.msk $0xffff, v8  }
0x37b: {  	v54 =	vor.u32 $0x37, v26;
	v53 =	vor.u32 $0x33, v26;
	v16 =	vor.u32 $0x39, v6;
	[tilespmem:v21+s24+$0x0] =	vst.idx.msk $0xffff, v18  }
0x37c: {  	v61 =	vld.idx.msk [tilespmem:v23+s20+$0x0], $0xffff;
	v55 =	vor.u32 $0x38, v26;
	v56 =	vor.u32 $0x34, v26;
	[tilespmem:v17+s24+$0x0] =	vst.idx.msk $0xffff, v20;
	v17 =	vor.u32 $0x35, v6  }
0x37d: {  	[tilespmem:v22+s24+$0x0] =	vst.idx.msk $0xffff, v14;
	v14 =	vld.idx.msk [tilespmem:v24+s20+$0x0], $0xffff;
	v9 =	vor.u32 $0x39, v26;
	v10 =	vor.u32 $0x35, v26;
	v18 =	vor.u32 $0x3A, v6  }
0x37e: {  	s14 =	simm.s32 $0x2;
	s15 =	simm.s32 $0xB40;
	v63 =	vld.idx.msk [tilespmem:v3+s20+$0x0], $0xffff;
	v3 =	vor.u32 $0x36, v26;
	v2 =	vor.u32 $0x3B, v26;
	v8 =	vor.u32 $0x3A, v26;
	[tilespmem:v27+s24+$0x0] =	vst.idx.msk $0xffff, v25  }
.LBB2_15:
0x37f: {  	v20 =	vld [tilespmem:s15+$0x0];
	[tilespmem:v15+s24+$0x0] =	vst.idx.msk $0xffff, v4;
	v4 =	vor.u32 $0x3B, v6;
	s12 =	sadd.s32 $0x20, s12  }
0x380: {  	v6 =	vld [tilespmem:s12+$0x0];
	[tilespmem:v16+s24+$0x0] =	vst.idx.msk $0xffff, v11  }
0x381: {  	v11 =	vld [tilespmem:s15+$0xFFFFFFF0];
	[tilespmem:v17+s24+$0x0] =	vst.idx.msk $0xffff, v5  }
0x382: {  	v5 =	vld [tilespmem:s12+$0xFFFFFFF0];
	[tilespmem:v18+s24+$0x0] =	vst.idx.msk $0xffff, v12  }
0x383: {  	v12 =	vld.idx.msk [tilespmem:v59+s20+$0x0], $0xffff;
	[tilespmem:v19+s24+$0x0] =	vst.idx.msk $0xffff, v7  }
0x384: {  	v7 =	vmul.u32 $0x5, v20;
	v15 =	vld.idx.msk [tilespmem:v60+s22+$0x0], $0xffff;
	[tilespmem:v4+s24+$0x0] =	vst.idx.msk $0xffff, v13  }
0x385: {  	v13 =	vmul.u32 $0x5, v6;
	[tilespmem:v44+s24+$0x0] =	vst.idx.msk $0xffff, v43;
	v43 =	vld.idx.msk [tilespmem:v58+s22+$0x0], $0xffff;
	v44 =	vmov v9  }
0x386: {  	v4 =	vmul.u32 $0x5, v11;
	v6 =	vld.idx.msk [tilespmem:v62+s22+$0x0], $0xffff;
	[tilespmem:v45+s24+$0x0] =	vst.idx.msk $0xffff, v41;
	v45 =	vmov v10;
	v41 =	vmov v14  }
0x387: {  	v9 =	vadd.s32 $0x1, v7;
	v5 =	vmul.u32 $0x5, v5;
	v10 =	vld.idx.msk [tilespmem:v1+s22+$0x0], $0xffff;
	[tilespmem:v46+s24+$0x0] =	vst.idx.msk $0xffff, v52;
	v46 =	vmov v8  }
0x388: {  	v8 =	vadd.s32 $0x2, v7;
	v14 =	vadd.s32 $0x1, v4;
	v18 =	vadd.s32 $0x2, v4;
	v11 =	vld.idx.msk [tilespmem:v47+s20+$0x0], $0xffff;
	[tilespmem:v48+s24+$0x0] =	vst.idx.msk $0xffff, v42;
	v47 =	vmovc v4  }
0x389: {  	v16 =	vadd.s32 $0x3, v7;
	v42 =	vmovc v12;
	v19 =	vadd.s32 $0x3, v47;
	v59 =	vadd.s32 $0x4, v47;
	v17 =	vld.idx.msk [tilespmem:v50+s22+$0x0], $0xffff;
	[tilespmem:v51+s24+$0x0] =	vst.idx.msk $0xffff, v49  }
0x38a: {  	s14 =	sadd.s32 $0x2, s14;
	s13 =	sadd.s32 $0x20, s13;
	v48 =	vmovc v3;
	v60 =	vadd.s32 $0x1, v5;
	v58 =	vadd.s32 $0x2, v5;
	v50 =	vmovc v5;
	v20 =	vld.idx.msk [tilespmem:v7+s20+$0x0], $0xffff;
	v7 =	vadd.s32 $0x4, v7  }
0x38b: {  	s16 =	sadd.s32 $0xFFFFFFF0, s13;
	p1 =	slt.u32 s14, $0xA;
	v3 =	vmov s13;
	v12 =	vadd.s32 $0x1, v13;
	v51 =	vmovc v2;
	v62 =	vadd.s32 $0x3, v50;
	v21 =	vld.idx.msk [tilespmem:v13+s22+$0x0], $0xffff  }
0x38c: {  	v2 =	vshll.u32 v3, $0x6;
	v3 =	vadd.s32 $0x2, v13;
	v1 =	vadd.s32 $0x4, v50;
	v52 =	vmovc v6;
	v22 =	vld.idx.msk [tilespmem:v9+s20+$0x0], $0xffff  }
0x38d: {  	v5 =	vmov s16;
	v6 =	vor.u32 v0, v2;
	v49 =	vmovc v10;
	v4 =	vld.idx.msk [tilespmem:v8+s20+$0x0], $0xffff;
	v8 =	vadd.s32 $0x3, v13  }
0x38e: {  	v2 =	vshll.u32 v5, $0x6;
	v13 =	vadd.s32 $0x4, v13;
	v5 =	vld.idx.msk [tilespmem:v16+s20+$0x0], $0xffff;
	v16 =	vor.u32 $0x32, v6;
	[tilespmem:v57+s24+$0x0] =	vst.idx.msk $0xffff, v11  }
0x38f: {  	v2 =	vor.u32 v0, v2;
	v23 =	vor.u32 $0x37, v6;
	v7 =	vld.idx.msk [tilespmem:v7+s20+$0x0], $0xffff;
	[tilespmem:v54+s24+$0x0] =	vst.idx.msk $0xffff, v17  }
0x390: {  	v25 =	vor.u32 $0x33, v6;
	v57 =	vor.u32 $0x32, v2;
	v54 =	vor.u32 $0x37, v2;
	v24 =	vld.idx.msk [tilespmem:v12+s22+$0x0], $0xffff;
	[tilespmem:v53+s24+$0x0] =	vst.idx.msk $0xffff, v63  }
0x391: {  	v26 =	vor.u32 $0x38, v6;
	v53 =	vor.u32 $0x33, v2;
	v11 =	vld.idx.msk [tilespmem:v3+s22+$0x0], $0xffff;
	[tilespmem:v55+s24+$0x0] =	vst.idx.msk $0xffff, v15;
	v55 =	vor.u32 $0x38, v2  }
.Ltmp8:
0x392: {  	v9 =	vor.u32 $0x39, v2;
	v15 =	vor.u32 $0x34, v6;
	v12 =	vld.idx.msk [tilespmem:v8+s22+$0x0], $0xffff;
	[tilespmem:v56+s24+$0x0] =	vst.idx.msk $0xffff, v61;
	v56 =	vor.u32 $0x34, v2;
	(pc) =	sbr.rel @p1 .LBB2_15-.Ltmp8, $4  }
0x393: {  	v10 =	vor.u32 $0x35, v2;
	v8 =	vor.u32 $0x3A, v2;
	v13 =	vld.idx.msk [tilespmem:v13+s22+$0x0], $0xffff;
	[tilespmem:v16+s24+$0x0] =	vst.idx.msk $0xffff, v20;
	v16 =	vor.u32 $0x39, v6  }
0x394: {  	v17 =	vor.u32 $0x35, v6;
	v3 =	vor.u32 $0x36, v2;
	v2 =	vor.u32 $0x3B, v2;
	v63 =	vld.idx.msk [tilespmem:v14+s20+$0x0], $0xffff;
	[tilespmem:v23+s24+$0x0] =	vst.idx.msk $0xffff, v21  }
0x395: {  	v61 =	vld.idx.msk [tilespmem:v18+s20+$0x0], $0xffff;
	[tilespmem:v25+s24+$0x0] =	vst.idx.msk $0xffff, v22;
	v18 =	vor.u32 $0x3A, v6  }
0x396: {  	s15 =	sadd.s32 $0x20, s15;
	v14 =	vld.idx.msk [tilespmem:v19+s20+$0x0], $0xffff;
	[tilespmem:v26+s24+$0x0] =	vst.idx.msk $0xffff, v24;
	v19 =	vor.u32 $0x36, v6  }
0x397: {  	_ =	sdelay $0x3  }
0x398: {  	[tilespmem:v15+s24+$0x0] =	vst.idx.msk $0xffff, v4  }
0x399: {  	v4 =	vor.u32 $0x3B, v6;
	[tilespmem:v44+s24+$0x0] =	vst.idx.msk $0xffff, v43  }
0x39a: {  	[tilespmem:v16+s24+$0x0] =	vst.idx.msk $0xffff, v11  }
0x39b: {  	[tilespmem:v17+s24+$0x0] =	vst.idx.msk $0xffff, v5  }
0x39c: {  	[tilespmem:v18+s24+$0x0] =	vst.idx.msk $0xffff, v12  }
0x39d: {  	v6 =	vld.idx.msk [tilespmem:v60+s22+$0x0], $0xffff;
	[tilespmem:v19+s24+$0x0] =	vst.idx.msk $0xffff, v7  }
0x39e: {  	[tilespmem:v4+s24+$0x0] =	vst.idx.msk $0xffff, v13;
	v4 =	vld.idx.msk [tilespmem:v47+s20+$0x0], $0xffff  }
0x39f: {  	[tilespmem:v45+s24+$0x0] =	vst.idx.msk $0xffff, v41;
	v7 =	vld.idx.msk [tilespmem:v50+s22+$0x0], $0xffff  }
0x3a0: {  	v1 =	vld.idx.msk [tilespmem:v1+s22+$0x0], $0xffff;
	[tilespmem:v46+s24+$0x0] =	vst.idx.msk $0xffff, v52  }
0x3a1: {  	v11 =	vld.idx.msk [tilespmem:v58+s22+$0x0], $0xffff;
	[tilespmem:v48+s24+$0x0] =	vst.idx.msk $0xffff, v42  }
0x3a2: {  	v5 =	vld.idx.msk [tilespmem:v59+s20+$0x0], $0xffff;
	[tilespmem:v51+s24+$0x0] =	vst.idx.msk $0xffff, v49  }
0x3a3: {  	v12 =	vld.idx.msk [tilespmem:v62+s22+$0x0], $0xffff;
	[tilespmem:v57+s24+$0x0] =	vst.idx.msk $0xffff, v4  }
0x3a4: {  	[tilespmem:v54+s24+$0x0] =	vst.idx.msk $0xffff, v7  }
0x3a5: {  	[tilespmem:v53+s24+$0x0] =	vst.idx.msk $0xffff, v63  }
0x3a6: {  	[tilespmem:v55+s24+$0x0] =	vst.idx.msk $0xffff, v6  }
0x3a7: {  	[tilespmem:v56+s24+$0x0] =	vst.idx.msk $0xffff, v61  }
0x3a8: {  	[tilespmem:v9+s24+$0x0] =	vst.idx.msk $0xffff, v11  }
0x3a9: {  	[tilespmem:v10+s24+$0x0] =	vst.idx.msk $0xffff, v14  }
0x3aa: {  	[tilespmem:v8+s24+$0x0] =	vst.idx.msk $0xffff, v12  }
0x3ab: {  	[tilespmem:v3+s24+$0x0] =	vst.idx.msk $0xffff, v5  }
0x3ac: {  	[tilespmem:v2+s24+$0x0] =	vst.idx.msk $0xffff, v1  }
0x3ad: {  	v1 =	vld [tilespmem:$0xBA8]  }
0x3ae: {  	v2 =	vld [tilespmem:$0x11E8];
	_ =	sdelay $0x3  }
0x3af: {  	v1 =	vmul.u32 $0x5, v1  }
0x3b0: {  	v2 =	vmul.u32 $0x5, v2;
	_ =	sdelay $0x1  }
0x3b1: {  	v3 =	vadd.s32 $0x1, v1  }
0x3b2: {  	v4 =	vadd.s32 $0x2, v1  }
0x3b3: {  	v11 =	vld [tilespmem:$0x1FF90];
	v5 =	vadd.s32 $0x3, v1  }
0x3b4: {  	v6 =	vadd.s32 $0x4, v1;
	v7 =	vadd.s32 $0x1, v2;
	v1 =	vld.idx.msk [tilespmem:v1+s20+$0x0], $0xffff  }
0x3b5: {  	v8 =	vadd.s32 $0x2, v2;
	v9 =	vadd.s32 $0x3, v2;
	v10 =	vadd.s32 $0x4, v2;
	v2 =	vld.idx.msk [tilespmem:v2+s22+$0x0], $0xffff  }
0x3b6: {  	v3 =	vld.idx.msk [tilespmem:v3+s20+$0x0], $0xffff  }
0x3b7: {  	v4 =	vld.idx.msk [tilespmem:v4+s20+$0x0], $0xffff  }
0x3b8: {  	v5 =	vld.idx.msk [tilespmem:v5+s20+$0x0], $0xffff  }
0x3b9: {  	v6 =	vld.idx.msk [tilespmem:v6+s20+$0x0], $0xffff  }
0x3ba: {  	v7 =	vld.idx.msk [tilespmem:v7+s22+$0x0], $0xffff  }
0x3bb: {  	v8 =	vld.idx.msk [tilespmem:v8+s22+$0x0], $0xffff  }
0x3bc: {  	v9 =	vld.idx.msk [tilespmem:v9+s22+$0x0], $0xffff  }
0x3bd: {  	v10 =	vld.idx.msk [tilespmem:v10+s22+$0x0], $0xffff  }
0x3be: {  	[tilespmem:v11+s24+$0x0] =	vst.idx.msk $0xffff, v1;
	v1 =	vld [tilespmem:$0x1FFA0];
	_ =	sdelay $0x7  }
0x3bf: {  	[tilespmem:v1+s24+$0x0] =	vst.idx.msk $0xffff, v2;
	v1 =	vld [tilespmem:$0x1FFB0];
	_ =	sdelay $0x7  }
0x3c0: {  	[tilespmem:v1+s24+$0x0] =	vst.idx.msk $0xffff, v3;
	v1 =	vld [tilespmem:$0x1FFC0];
	_ =	sdelay $0x7  }
0x3c1: {  	[tilespmem:v1+s24+$0x0] =	vst.idx.msk $0xffff, v7;
	v1 =	vld [tilespmem:$0x1FFD0];
	_ =	sdelay $0x7  }
0x3c2: {  	[tilespmem:v1+s24+$0x0] =	vst.idx.msk $0xffff, v4;
	v1 =	vld [tilespmem:$0x1FFE0];
	_ =	sdelay $0x7  }
0x3c3: {  	[tilespmem:v1+s24+$0x0] =	vst.idx.msk $0xffff, v8;
	v1 =	vld [tilespmem:$0x1FFF0];
	_ =	sdelay $0x7  }
0x3c4: {  	[tilespmem:v1+s24+$0x0] =	vst.idx.msk $0xffff, v5  }
0x3c5: {  	[tilespmem:v28+s24+$0x0] =	vst.idx.msk $0xffff, v9  }
0x3c6: {  	[tilespmem:v29+s24+$0x0] =	vst.idx.msk $0xffff, v6  }
0x3c7: {  	s12 =	simm.s32 $0xBC8;
	[tilespmem:v30+s24+$0x0] =	vst.idx.msk $0xffff, v10  }
0x3c8: {  	s13 =	simm.s32 $0x1208;
	v1 =	vld [tilespmem:s12+$0x0]  }
0x3c9: {  	v2 =	vld [tilespmem:s13+$0x0]  }
0x3ca: {  	v4 =	vld [tilespmem:s12+$0xFFFFFFF0];
	_ =	sdelay $0x2  }
0x3cb: {  	v1 =	vmul.u32 $0x5, v1  }
0x3cc: {  	s15 =	simm.s32 $0xBE8;
	v6 =	vld [tilespmem:s13+$0xFFFFFFF0];
	v2 =	vmul.u32 $0x5, v2  }
0x3cd: {  	v18 =	vld [tilespmem:s15+$0x0];
	v4 =	vmul.u32 $0x5, v4  }
0x3ce: {  	s12 =	simm.s32 $0x1228;
	v25 =	vld [tilespmem:s15+$0xFFFFFFF0]  }
0x3cf: {  	v22 =	vld [tilespmem:s12+$0x0];
	v3 =	vadd.s32 $0x1, v1  }
0x3d0: {  	v58 =	vld [tilespmem:s12+$0xFFFFFFF0];
	v5 =	vadd.s32 $0x2, v1  }
0x3d1: {  	v7 =	vadd.s32 $0x3, v1;
	v8 =	vld.idx.msk [tilespmem:v1+s20+$0x0], $0xffff  }
0x3d2: {  	v10 =	vadd.s32 $0x1, v2;
	v9 =	vld.idx.msk [tilespmem:v2+s22+$0x0], $0xffff  }
0x3d3: {  	v11 =	vadd.s32 $0x2, v2;
	v55 =	vld.idx.msk [tilespmem:v4+s20+$0x0], $0xffff  }
0x3d4: {  	v12 =	vadd.s32 $0x3, v2;
	v3 =	vld.idx.msk [tilespmem:v3+s20+$0x0], $0xffff  }
0x3d5: {  	v13 =	vadd.s32 $0x1, v4;
	v5 =	vld.idx.msk [tilespmem:v5+s20+$0x0], $0xffff  }
0x3d6: {  	s14 =	simm.s32 $0x268;
	v14 =	vadd.s32 $0x2, v4;
	v7 =	vld.idx.msk [tilespmem:v7+s20+$0x0], $0xffff  }
0x3d7: {  	v16 =	vmov s14;
	s14 =	simm.s32 $0x258;
	v15 =	vadd.s32 $0x3, v4;
	v10 =	vld.idx.msk [tilespmem:v10+s22+$0x0], $0xffff  }
0x3d8: {  	v16 =	vshll.u32 v16, $0x6;
	v20 =	vmov s14;
	v17 =	vadd.s32 $0x4, v4;
	v11 =	vld.idx.msk [tilespmem:v11+s22+$0x0], $0xffff  }
0x3d9: {  	v16 =	vadd.s32 v0, v16;
	v6 =	vmul.u32 $0x5, v6;
	v1 =	vadd.s32 $0x4, v1;
	v12 =	vld.idx.msk [tilespmem:v12+s22+$0x0], $0xffff  }
0x3da: {  	v20 =	vshll.u32 v20, $0x6;
	v21 =	vor.u32 $0x32, v16;
	v2 =	vadd.s32 $0x4, v2;
	v13 =	vld.idx.msk [tilespmem:v13+s20+$0x0], $0xffff  }
0x3db: {  	v24 =	vor.u32 $0x37, v16;
	v20 =	vadd.s32 v0, v20;
	v19 =	vadd.s32 $0x2, v6;
	v14 =	vld.idx.msk [tilespmem:v14+s20+$0x0], $0xffff  }
0x3dc: {  	v27 =	vor.u32 $0x33, v16;
	v18 =	vmul.u32 $0x5, v18;
	v23 =	vadd.s32 $0x3, v6;
	v41 =	vld.idx.msk [tilespmem:v15+s20+$0x0], $0xffff  }
0x3dd: {  	v59 =	vor.u32 $0x38, v16;
	v60 =	vor.u32 $0x34, v16;
	v26 =	vadd.s32 $0x4, v6;
	v42 =	vld.idx.msk [tilespmem:v17+s20+$0x0], $0xffff  }
0x3de: {  	v44 =	vor.u32 $0x39, v20;
	v45 =	vor.u32 $0x35, v20;
	v62 =	vadd.s32 $0x1, v18;
	v1 =	vld.idx.msk [tilespmem:v1+s20+$0x0], $0xffff  }
0x3df: {  	v46 =	vor.u32 $0x3A, v20;
	v15 =	vadd.s32 $0x1, v6;
	v2 =	vld.idx.msk [tilespmem:v2+s22+$0x0], $0xffff;
	[tilespmem:v21+s24+$0x0] =	vst.idx.msk $0xffff, v8;
	v8 =	vor.u32 $0x39, v16  }
0x3e0: {  	v48 =	vor.u32 $0x36, v20;
	v51 =	vor.u32 $0x3B, v20;
	v43 =	vld.idx.msk [tilespmem:v19+s22+$0x0], $0xffff;
	[tilespmem:v24+s24+$0x0] =	vst.idx.msk $0xffff, v9;
	v9 =	vor.u32 $0x35, v16  }
0x3e1: {  	v54 =	vor.u32 $0x33, v20;
	v61 =	vmul.u32 $0x5, v22;
	v52 =	vld.idx.msk [tilespmem:v23+s22+$0x0], $0xffff;
	[tilespmem:v27+s24+$0x0] =	vst.idx.msk $0xffff, v3;
	v3 =	vor.u32 $0x3A, v16  }
0x3e2: {  	v53 =	vor.u32 $0x32, v20;
	v22 =	vor.u32 $0x34, v20;
	v49 =	vld.idx.msk [tilespmem:v26+s22+$0x0], $0xffff;
	[tilespmem:v59+s24+$0x0] =	vst.idx.msk $0xffff, v10;
	v10 =	vor.u32 $0x36, v16  }
0x3e3: {  	v63 =	vadd.s32 $0x2, v18;
	v17 =	vor.u32 $0x37, v20;
	v19 =	vor.u32 $0x38, v20;
	v20 =	vld.idx.msk [tilespmem:v62+s20+$0x0], $0xffff;
	[tilespmem:v60+s24+$0x0] =	vst.idx.msk $0xffff, v5  }
0x3e4: {  	v15 =	vld.idx.msk [tilespmem:v15+s22+$0x0], $0xffff;
	v5 =	vor.u32 $0x3B, v16;
	v16 =	vadd.s32 $0x3, v18;
	[tilespmem:v8+s24+$0x0] =	vst.idx.msk $0xffff, v11  }
0x3e5: {  	s13 =	simm.s32 $0x288;
	v27 =	vld.idx.msk [tilespmem:v6+s22+$0x0], $0xffff;
	v11 =	vadd.s32 $0x4, v18;
	[tilespmem:v9+s24+$0x0] =	vst.idx.msk $0xffff, v7  }
0x3e6: {  	v50 =	vmul.u32 $0x5, v58;
	v4 =	vmov s13;
	v8 =	vld.idx.msk [tilespmem:v18+s20+$0x0], $0xffff;
	v9 =	vadd.s32 $0x1, v61;
	[tilespmem:v3+s24+$0x0] =	vst.idx.msk $0xffff, v12  }
0x3e7: {  	v47 =	vmul.u32 $0x5, v25;
	v18 =	vld.idx.msk [tilespmem:v61+s22+$0x0], $0xffff;
	v12 =	vadd.s32 $0x2, v61;
	[tilespmem:v10+s24+$0x0] =	vst.idx.msk $0xffff, v1;
	v1 =	vshll.u32 v4, $0x6  }
0x3e8: {  	v58 =	vadd.s32 $0x2, v50;
	v4 =	vld.idx.msk [tilespmem:v63+s20+$0x0], $0xffff;
	v10 =	vadd.s32 $0x3, v61;
	v6 =	vadd.s32 v0, v1  }
0x3e9: {  	v23 =	vadd.s32 $0x2, v47;
	[tilespmem:v5+s24+$0x0] =	vst.idx.msk $0xffff, v2;
	v5 =	vld.idx.msk [tilespmem:v16+s20+$0x0], $0xffff;
	v2 =	vadd.s32 $0x4, v61;
	v16 =	vor.u32 $0x32, v6  }
0x3ea: {  	s16 =	simm.s32 $0x278;
	v62 =	vadd.s32 $0x3, v50;
	v24 =	vadd.s32 $0x3, v47;
	[tilespmem:v53+s24+$0x0] =	vst.idx.msk $0xffff, v55;
	v7 =	vld.idx.msk [tilespmem:v11+s20+$0x0], $0xffff;
	v21 =	vor.u32 $0x37, v6  }
0x3eb: {  	v59 =	vadd.s32 $0x4, v47;
	[tilespmem:v17+s24+$0x0] =	vst.idx.msk $0xffff, v27;
	v1 =	vmov s16;
	v17 =	vor.u32 $0x33, v6;
	v25 =	vld.idx.msk [tilespmem:v9+s22+$0x0], $0xffff  }
0x3ec: {  	v60 =	vadd.s32 $0x1, v50;
	v3 =	vadd.s32 $0x1, v47;
	[tilespmem:v54+s24+$0x0] =	vst.idx.msk $0xffff, v13;
	v9 =	vshll.u32 v1, $0x6;
	v11 =	vld.idx.msk [tilespmem:v12+s22+$0x0], $0xffff  }
0x3ed: {  	[tilespmem:v19+s24+$0x0] =	vst.idx.msk $0xffff, v15;
	v27 =	vor.u32 $0x38, v6;
	v15 =	vor.u32 $0x34, v6;
	v26 =	vadd.s32 v0, v9;
	v12 =	vld.idx.msk [tilespmem:v10+s22+$0x0], $0xffff  }
0x3ee: {  	v19 =	vor.u32 $0x36, v6;
	v1 =	vadd.s32 $0x4, v50;
	v57 =	vor.u32 $0x32, v26;
	v13 =	vld.idx.msk [tilespmem:v2+s22+$0x0], $0xffff;
	[tilespmem:v16+s24+$0x0] =	vst.idx.msk $0xffff, v8  }
0x3ef: {  	v54 =	vor.u32 $0x37, v26;
	v53 =	vor.u32 $0x33, v26;
	v16 =	vor.u32 $0x39, v6;
	[tilespmem:v21+s24+$0x0] =	vst.idx.msk $0xffff, v18  }
0x3f0: {  	v61 =	vld.idx.msk [tilespmem:v23+s20+$0x0], $0xffff;
	v55 =	vor.u32 $0x38, v26;
	v56 =	vor.u32 $0x34, v26;
	[tilespmem:v17+s24+$0x0] =	vst.idx.msk $0xffff, v20;
	v17 =	vor.u32 $0x35, v6  }
0x3f1: {  	[tilespmem:v22+s24+$0x0] =	vst.idx.msk $0xffff, v14;
	v14 =	vld.idx.msk [tilespmem:v24+s20+$0x0], $0xffff;
	v9 =	vor.u32 $0x39, v26;
	v10 =	vor.u32 $0x35, v26;
	v18 =	vor.u32 $0x3A, v6  }
0x3f2: {  	s14 =	simm.s32 $0x2;
	s15 =	simm.s32 $0xC08;
	v63 =	vld.idx.msk [tilespmem:v3+s20+$0x0], $0xffff;
	v3 =	vor.u32 $0x36, v26;
	v2 =	vor.u32 $0x3B, v26;
	v8 =	vor.u32 $0x3A, v26;
	[tilespmem:v27+s24+$0x0] =	vst.idx.msk $0xffff, v25  }
.LBB2_17:
0x3f3: {  	v20 =	vld [tilespmem:s15+$0x0];
	[tilespmem:v15+s24+$0x0] =	vst.idx.msk $0xffff, v4;
	v4 =	vor.u32 $0x3B, v6;
	s12 =	sadd.s32 $0x20, s12  }
0x3f4: {  	v6 =	vld [tilespmem:s12+$0x0];
	[tilespmem:v16+s24+$0x0] =	vst.idx.msk $0xffff, v11  }
0x3f5: {  	v11 =	vld [tilespmem:s15+$0xFFFFFFF0];
	[tilespmem:v17+s24+$0x0] =	vst.idx.msk $0xffff, v5  }
0x3f6: {  	v5 =	vld [tilespmem:s12+$0xFFFFFFF0];
	[tilespmem:v18+s24+$0x0] =	vst.idx.msk $0xffff, v12  }
0x3f7: {  	v12 =	vld.idx.msk [tilespmem:v59+s20+$0x0], $0xffff;
	[tilespmem:v19+s24+$0x0] =	vst.idx.msk $0xffff, v7  }
0x3f8: {  	v7 =	vmul.u32 $0x5, v20;
	v15 =	vld.idx.msk [tilespmem:v60+s22+$0x0], $0xffff;
	[tilespmem:v4+s24+$0x0] =	vst.idx.msk $0xffff, v13  }
0x3f9: {  	v13 =	vmul.u32 $0x5, v6;
	[tilespmem:v44+s24+$0x0] =	vst.idx.msk $0xffff, v43;
	v43 =	vld.idx.msk [tilespmem:v58+s22+$0x0], $0xffff;
	v44 =	vmov v9  }
0x3fa: {  	v4 =	vmul.u32 $0x5, v11;
	v6 =	vld.idx.msk [tilespmem:v62+s22+$0x0], $0xffff;
	[tilespmem:v45+s24+$0x0] =	vst.idx.msk $0xffff, v41;
	v45 =	vmov v10;
	v41 =	vmov v14  }
0x3fb: {  	v9 =	vadd.s32 $0x1, v7;
	v5 =	vmul.u32 $0x5, v5;
	v10 =	vld.idx.msk [tilespmem:v1+s22+$0x0], $0xffff;
	[tilespmem:v46+s24+$0x0] =	vst.idx.msk $0xffff, v52;
	v46 =	vmov v8  }
0x3fc: {  	v8 =	vadd.s32 $0x2, v7;
	v14 =	vadd.s32 $0x1, v4;
	v18 =	vadd.s32 $0x2, v4;
	v11 =	vld.idx.msk [tilespmem:v47+s20+$0x0], $0xffff;
	[tilespmem:v48+s24+$0x0] =	vst.idx.msk $0xffff, v42;
	v47 =	vmovc v4  }
0x3fd: {  	v16 =	vadd.s32 $0x3, v7;
	v42 =	vmovc v12;
	v19 =	vadd.s32 $0x3, v47;
	v59 =	vadd.s32 $0x4, v47;
	v17 =	vld.idx.msk [tilespmem:v50+s22+$0x0], $0xffff;
	[tilespmem:v51+s24+$0x0] =	vst.idx.msk $0xffff, v49  }
0x3fe: {  	s14 =	sadd.s32 $0x2, s14;
	s13 =	sadd.s32 $0x20, s13;
	v48 =	vmovc v3;
	v60 =	vadd.s32 $0x1, v5;
	v58 =	vadd.s32 $0x2, v5;
	v50 =	vmovc v5;
	v20 =	vld.idx.msk [tilespmem:v7+s20+$0x0], $0xffff;
	v7 =	vadd.s32 $0x4, v7  }
0x3ff: {  	s16 =	sadd.s32 $0xFFFFFFF0, s13;
	p1 =	slt.u32 s14, $0xA;
	v3 =	vmov s13;
	v12 =	vadd.s32 $0x1, v13;
	v51 =	vmovc v2;
	v62 =	vadd.s32 $0x3, v50;
	v21 =	vld.idx.msk [tilespmem:v13+s22+$0x0], $0xffff  }
0x400: {  	v2 =	vshll.u32 v3, $0x6;
	v3 =	vadd.s32 $0x2, v13;
	v1 =	vadd.s32 $0x4, v50;
	v52 =	vmovc v6;
	v22 =	vld.idx.msk [tilespmem:v9+s20+$0x0], $0xffff  }
0x401: {  	v5 =	vmov s16;
	v6 =	vadd.s32 v0, v2;
	v49 =	vmovc v10;
	v4 =	vld.idx.msk [tilespmem:v8+s20+$0x0], $0xffff;
	v8 =	vadd.s32 $0x3, v13  }
0x402: {  	v2 =	vshll.u32 v5, $0x6;
	v13 =	vadd.s32 $0x4, v13;
	v5 =	vld.idx.msk [tilespmem:v16+s20+$0x0], $0xffff;
	v16 =	vor.u32 $0x32, v6;
	[tilespmem:v57+s24+$0x0] =	vst.idx.msk $0xffff, v11  }
0x403: {  	v2 =	vadd.s32 v0, v2;
	v23 =	vor.u32 $0x37, v6;
	v7 =	vld.idx.msk [tilespmem:v7+s20+$0x0], $0xffff;
	[tilespmem:v54+s24+$0x0] =	vst.idx.msk $0xffff, v17  }
0x404: {  	v25 =	vor.u32 $0x33, v6;
	v57 =	vor.u32 $0x32, v2;
	v54 =	vor.u32 $0x37, v2;
	v24 =	vld.idx.msk [tilespmem:v12+s22+$0x0], $0xffff;
	[tilespmem:v53+s24+$0x0] =	vst.idx.msk $0xffff, v63  }
0x405: {  	v26 =	vor.u32 $0x38, v6;
	v53 =	vor.u32 $0x33, v2;
	v11 =	vld.idx.msk [tilespmem:v3+s22+$0x0], $0xffff;
	[tilespmem:v55+s24+$0x0] =	vst.idx.msk $0xffff, v15;
	v55 =	vor.u32 $0x38, v2  }
.Ltmp9:
0x406: {  	v9 =	vor.u32 $0x39, v2;
	v15 =	vor.u32 $0x34, v6;
	v12 =	vld.idx.msk [tilespmem:v8+s22+$0x0], $0xffff;
	[tilespmem:v56+s24+$0x0] =	vst.idx.msk $0xffff, v61;
	v56 =	vor.u32 $0x34, v2;
	(pc) =	sbr.rel @p1 .LBB2_17-.Ltmp9, $4  }
0x407: {  	v10 =	vor.u32 $0x35, v2;
	v8 =	vor.u32 $0x3A, v2;
	v13 =	vld.idx.msk [tilespmem:v13+s22+$0x0], $0xffff;
	[tilespmem:v16+s24+$0x0] =	vst.idx.msk $0xffff, v20;
	v16 =	vor.u32 $0x39, v6  }
0x408: {  	v17 =	vor.u32 $0x35, v6;
	v3 =	vor.u32 $0x36, v2;
	v2 =	vor.u32 $0x3B, v2;
	v63 =	vld.idx.msk [tilespmem:v14+s20+$0x0], $0xffff;
	[tilespmem:v23+s24+$0x0] =	vst.idx.msk $0xffff, v21  }
0x409: {  	v61 =	vld.idx.msk [tilespmem:v18+s20+$0x0], $0xffff;
	[tilespmem:v25+s24+$0x0] =	vst.idx.msk $0xffff, v22;
	v18 =	vor.u32 $0x3A, v6  }
0x40a: {  	s15 =	sadd.s32 $0x20, s15;
	v14 =	vld.idx.msk [tilespmem:v19+s20+$0x0], $0xffff;
	[tilespmem:v26+s24+$0x0] =	vst.idx.msk $0xffff, v24;
	v19 =	vor.u32 $0x36, v6  }
0x40b: {  	_ =	sdelay $0x3  }
0x40c: {  	[tilespmem:v15+s24+$0x0] =	vst.idx.msk $0xffff, v4  }
0x40d: {  	[tilespmem:v44+s24+$0x0] =	vst.idx.msk $0xffff, v43  }
0x40e: {  	[tilespmem:v16+s24+$0x0] =	vst.idx.msk $0xffff, v11  }
0x40f: {  	[tilespmem:v45+s24+$0x0] =	vst.idx.msk $0xffff, v41  }
0x410: {  	[tilespmem:v17+s24+$0x0] =	vst.idx.msk $0xffff, v5  }
0x411: {  	v24 =	vor.u32 $0x3B, v6;
	v25 =	vld.idx.msk [tilespmem:v59+s20+$0x0], $0xffff;
	[tilespmem:v46+s24+$0x0] =	vst.idx.msk $0xffff, v52  }
0x412: {  	v44 =	vld.idx.msk [tilespmem:v47+s20+$0x0], $0xffff;
	[tilespmem:v18+s24+$0x0] =	vst.idx.msk $0xffff, v12  }
0x413: {  	v47 =	vld.idx.msk [tilespmem:v50+s22+$0x0], $0xffff;
	[tilespmem:v48+s24+$0x0] =	vst.idx.msk $0xffff, v42  }
0x414: {  	v26 =	vld.idx.msk [tilespmem:v60+s22+$0x0], $0xffff;
	[tilespmem:v19+s24+$0x0] =	vst.idx.msk $0xffff, v7  }
0x415: {  	v50 =	vld.idx.msk [tilespmem:v58+s22+$0x0], $0xffff;
	[tilespmem:v51+s24+$0x0] =	vst.idx.msk $0xffff, v49  }
0x416: {  	v1 =	vld.idx.msk [tilespmem:v1+s22+$0x0], $0xffff;
	[tilespmem:v24+s24+$0x0] =	vst.idx.msk $0xffff, v13  }
0x417: {  	v52 =	vld.idx.msk [tilespmem:v62+s22+$0x0], $0xffff;
	[tilespmem:v57+s24+$0x0] =	vst.idx.msk $0xffff, v44  }
0x418: {  	[tilespmem:v54+s24+$0x0] =	vst.idx.msk $0xffff, v47  }
0x419: {  	[tilespmem:v53+s24+$0x0] =	vst.idx.msk $0xffff, v63  }
0x41a: {  	[tilespmem:v55+s24+$0x0] =	vst.idx.msk $0xffff, v26  }
0x41b: {  	[tilespmem:v56+s24+$0x0] =	vst.idx.msk $0xffff, v61  }
0x41c: {  	[tilespmem:v9+s24+$0x0] =	vst.idx.msk $0xffff, v50  }
0x41d: {  	[tilespmem:v10+s24+$0x0] =	vst.idx.msk $0xffff, v14  }
0x41e: {  	[tilespmem:v8+s24+$0x0] =	vst.idx.msk $0xffff, v52  }
0x41f: {  	[tilespmem:v3+s24+$0x0] =	vst.idx.msk $0xffff, v25  }
0x420: {  	[tilespmem:v2+s24+$0x0] =	vst.idx.msk $0xffff, v1  }
0x421: {  	v1 =	vld [tilespmem:$0xC70]  }
0x422: {  	v2 =	vld [tilespmem:$0x12B0];
	_ =	sdelay $0x3  }
0x423: {  	v1 =	vmul.u32 $0x5, v1  }
0x424: {  	v2 =	vmul.u32 $0x5, v2;
	_ =	sdelay $0x1  }
0x425: {  	v3 =	vadd.s32 $0x1, v1  }
0x426: {  	v57 =	vadd.s32 $0x2, v1  }
0x427: {  	v58 =	vadd.s32 $0x3, v1  }
0x428: {  	v59 =	vadd.s32 $0x4, v1;
	v60 =	vadd.s32 $0x1, v2;
	v1 =	vld.idx.msk [tilespmem:v1+s20+$0x0], $0xffff  }
0x429: {  	v61 =	vadd.s32 $0x2, v2;
	v62 =	vadd.s32 $0x3, v2;
	v63 =	vadd.s32 $0x4, v2;
	v2 =	vld.idx.msk [tilespmem:v2+s22+$0x0], $0xffff  }
0x42a: {  	v3 =	vld.idx.msk [tilespmem:v3+s20+$0x0], $0xffff  }
0x42b: {  	v4 =	vld.idx.msk [tilespmem:v57+s20+$0x0], $0xffff  }
0x42c: {  	v5 =	vld.idx.msk [tilespmem:v58+s20+$0x0], $0xffff  }
0x42d: {  	v6 =	vld.idx.msk [tilespmem:v59+s20+$0x0], $0xffff  }
0x42e: {  	v7 =	vld.idx.msk [tilespmem:v60+s22+$0x0], $0xffff  }
0x42f: {  	v8 =	vld.idx.msk [tilespmem:v61+s22+$0x0], $0xffff  }
0x430: {  	v9 =	vld.idx.msk [tilespmem:v62+s22+$0x0], $0xffff  }
0x431: {  	v10 =	vld.idx.msk [tilespmem:v63+s22+$0x0], $0xffff;
	[tilespmem:v31+s24+$0x0] =	vst.idx.msk $0xffff, v1  }
0x432: {  	[tilespmem:v32+s24+$0x0] =	vst.idx.msk $0xffff, v2  }
0x433: {  	[tilespmem:v33+s24+$0x0] =	vst.idx.msk $0xffff, v3  }
0x434: {  	[tilespmem:v34+s24+$0x0] =	vst.idx.msk $0xffff, v7  }
0x435: {  	s12 =	sadd.s32 s11, s6;
	[tilespmem:v35+s24+$0x0] =	vst.idx.msk $0xffff, v4  }
0x436: {  	s12 =	smul.u32 $0x640, s12;
	[tilespmem:v36+s24+$0x0] =	vst.idx.msk $0xffff, v8  }
.Ltmp10:
0x437: {  	[tilespmem:v37+s24+$0x0] =	vst.idx.msk $0xffff, v5;
	(pc) =	sbr.rel @p0 .LBB2_20-.Ltmp10, $4  }
0x438: {  	[tilespmem:v38+s24+$0x0] =	vst.idx.msk $0xffff, v9  }
0x439: {  	s12 =	sadd.s32 s10, s12;
	[tilespmem:v39+s24+$0x0] =	vst.idx.msk $0xffff, v6  }
0x43a: {  	s12 =	sadd.s32 $0x1900, s12;
	[tilespmem:v40+s24+$0x0] =	vst.idx.msk $0xffff, v10  }
0x43b: {  	[hbm4b:s12+s3] =	stream.linear.scatter [tilespmem:s24], [sflag:$0x6], $0xC800, $0x38;
	[tilespmem:$0x1B260] =	vst v63  }
0x43c: {  	s11 =	sadd.s32 s11, s18  }
0x43d: {  	s11 =	smul.u32 $0x19, s11;
	_ =	sdelay $0x1  }
0x43e: {  	s12 =	sadd.s32 s4, s11  }
0x43f: {  	[tilespmem:s25], [sflag:$0x2] =	stream.linear.gather [hbm4b:s12+s3], $0x320, $0x38;
	[tilespmem:$0x1B260] =	vst v63  }
.Ltmp11:
0x440: {  	_ = 	snop;
	(pc) =	sbr.rel .LBB2_2-.Ltmp11, $4  }
0x441: {  	s13 =	simm.s32 $0x960;
	s15 =	sadd.s32 s5, s11  }
0x442: {  	[tilespmem:s13], [sflag:$0x2] =	stream.linear.gather [hbm4b:s15+s3], $0x320, $0x38;
	[tilespmem:$0x1B260] =	vst v63  }
0x443: {  	s16 =	simm.s32 $0xFA0;
	s9 =	sadd.s32 $0x1, s9;
	s11 =	sadd.s32 s7, s11  }
0x444: {  	[tilespmem:s16], [sflag:$0x2] =	stream.linear.gather [hbm4b:s11+s3], $0x320, $0x38;
	[tilespmem:$0x1B260] =	vst v63  }
.LBB2_21:
0x445: {  	_ =	sfence.sel $0x180000  }
0x446: {  	[bflag:$0x0] =	sbarrier.arrive $0xFFFF  }
0x447: {  	_ =	strace $0x90000047  }
0x448: {  	s0 =	stileid.u32;
	[bflag:$0x2] =	sbarrier.arrive $0xFFFF  }
0x449: {  	p0 =	sne.s32 s0, $0x0;
	s0 =	rddreg [dreg:$0x2]  }
0x44a: {  	s0 =	sadd.s32 @!p0 $0x100000, s0  }
0x44b: {  	[sflag:s0] =	ssyncadd.tile.s32 @!p0 $0x1;
	_ =	shalt  }
.Lfunc_end2:
_tile_overlayer_lowered:
.L_overlay_start_2:
0x44c: {  	(tag) =	ssettag $0x2  }
0x44d: {  	s0 =	rddreg [dreg:$0x0];
	s2 =	stileid.u32  }
0x44e: {  	s1 =	rddreg [dreg:$0x1];
	p0 =	sne.s32 s2, $0x0  }
0x44f: {  	s3 =	rddreg [dreg:$0x2];
	[bflag:$0x3] =	sbarrier.arrive $0xFFFF;
	s2 =	simm.s32 @!p0 $0x1C07  }
0x450: {  	[timem:s3], [sflag:s2] =	dma.local @!p0 [hbm:s0], s1  }
0x451: {  	s0 =	simm.s32 @!p0 $0x7  }
0x452: {  	_ =	swait.ge @!p0 [sflag:s0], s1  }
0x453: {  	s1 =	ssub.s32 @!p0 $0x0, s1;
	[sflag:s0] =	ssyncset.done @!p0 $0x0  }
0x454: {  	[sflag:s0] =	ssyncadd.s32 @!p0 s1  }
0x455: {  	[bflag:$0x3] =	sbarrier.arrive $0xFFFF  }
0x456: {  	_ =	shalt  }

// kernel: sparse-core-data-format-call.cloned.1.call-start
scs
called_computation_lowered:
.L_overlay_start_0:
0x0: {  	s2 =	sld [smem:$0x3FD9]  }
0x1: {  	s3 =	sld [smem:$0x3FFE];
	_ =	sdelay $0x1  }
0x2: {  	s1 =	srdreg.scid  }
0x3: {  	s0 =	sand.u32 $0x1, s1  }
0x4: {  	s18 =	sshll.u32 s0, $0xA;
	s2 =	sadd.s32 s3, s2  }
0x5: {  	s2 =	sadd.s32 s2, s18  }
0x6: {  	[smem:$0x3FC2] =	sst s2  }
0x7: {  	_ = 	snop  }
0x8: {  	s2 =	sld [smem:$0x3FD0];
	(tm) =	ssettm $0x1  }
0x9: {  	s19 =	sld [smem:$0x3FFB];
	_ =	sdelay $0x3  }
0xa: {  	_ =	strace s19  }
0xb: {  	s3 =	sld [smem:$0x3FFC];
	_ =	sdelay $0x3  }
0xc: {  	_ =	strace s3  }
0xd: {  	s3 =	sld [smem:$0x3FFD];
	_ =	sdelay $0x3  }
0xe: {  	_ =	strace s3  }
0xf: {  	_ =	strace $0x8FFFFFFF  }
0x10: {  	s20 =	sld [smem:$0x3FDB];
	_ =	sdelay $0x1  }
0x11: {  	s4 =	simm.s32 $_scs_section_size  }
0x12: {  	s5 =	simm.s32 $_size__tile_overlayer_lowered;
	s6 =	simm.s32 $_tile_overlayer_lowered  }
0x13: {  	s23 =	simm.s32 $0x1BFF;
	s22 =	sshll.u32 s6, $0x1;
	s3 =	sadd.s32 s4, s20  }
0x14: {  	s7 =	simm.s32 $0x0;
	s21 =	sshll.u32 s5, $0x1;
	s5 =	sadd.s32 s22, s3  }
0x15: {  	[timem:s7], [sflag:s23] =	dma.local [hbm:s5], s21  }
0x16: {  	_ =	swait.ge [sflag:s23], s21  }
0x17: {  	s4 =	ssub.s32 $0x0, s21;
	[sflag:s23] =	ssyncset.done $0x0  }
0x18: {  	[sflag:s23] =	ssyncadd.s32 s4;
	_ =	sdelay $0x1  }
0x19: {  	s24 =	simm.s32 $0x1B8B  }
0x1a: {  	_ =	swait.ge [sflag:s24], $0x1  }
0x1b: {  	[sflag:s24] =	ssyncset.done $0x0  }
0x1c: {  	s26 =	simm.s32 $0x1B8E;
	s25 =	sld [smem:$0x3FFE];
	[sflag:s24] =	ssyncadd.s32 $0xFFFFFFFF  }
0x1d: {  	s27 =	simm.s32 $execute0_lowered;
	[smem:$0x3FD2] =	sst s26  }
0x1e: {  	s5 =	sshll.u32 s27, $0x1;
	_ =	strace $0x80000049;
	[dreg:$0x1] =	wrdreg $0xFFFFFFFF  }
0x1f: {  	s28 =	simm.s32 $_size_execute0_lowered;
	s3 =	sadd.s32 s3, s5;
	[dreg:$0x0] =	wrdreg $0x0  }
0x20: {  	s5 =	sshll.u32 s28, $0x1;
	[dreg:$0x2] =	wrdreg s3  }
0x21: {  	[dreg:$0x3] =	wrdreg s5  }
0x22: {  	[dreg:$0x4] =	wrdreg $0xC0  }
0x23: {  	_ =	task [dreg:s7], $0x5FFFF  }
0x24: {  	[dreg:$0x1] =	wrdreg $0xFFFFFFFF  }
0x25: {  	[dreg:$0x0] =	wrdreg $0x60  }
0x26: {  	[dreg:$0x2] =	wrdreg s25  }
0x27: {  	[dreg:$0x3] =	wrdreg s2  }
0x28: {  	[dreg:$0x4] =	wrdreg $0x9  }
0x29: {  	_ =	task.clear_ibuf [dreg:s7], $0x5FFFF;
	_ =	strace $0x90000049  }
0x2a: {  	s29 =	simm.s32 $0x9;
	_ =	strace $0x8000004B  }
0x2b: {  	_ =	swait.ge [sflag:s29], $0x1  }
0x2c: {  	[sflag:s29] =	ssyncadd.s32 $0xFFFFFFFF  }
0x2d: {  	_ =	strace $0x9000004B  }
0x2e: {  	_ =	sfence  }
0x2f: {  	s30 =	sld [smem:$0x0];
	_ =	sdelay $0x2  }
0x30: {  	s31 =	sshll.u32 s1, $0xD;
	s1 =	sshrl.u32 s1, $0x2  }
0x31: {  	s3 =	sand.u32 $0x4000, s31;
	s1 =	sadd.s32 s1, s30  }
0x32: {  	s0 =	sor.u32 s3, s0;
	s1 =	sshll.u32 s1, $0x11  }
0x33: {  	s0 =	sor.u32 s1, s0  }
0x34: {  	s0 =	sadd.s32 $0x8F2B, s0  }
0x35: {  	[sflag:s0] =	ssyncadd.remote.s32 $0x1  }
0x36: {  	_ =	sfence.sel $0xFFFF  }
0x37: {  	[dreg:$0x0] =	wrdreg $0xFFFFFFFF;
	(pc) =	sbr.abs _section_cstart, $3  }
0x38: {  	[dreg:$0x1] =	wrdreg $0xFFFFFFFF  }
0x39: {  	_ =	task.clear_ibuf [dreg:s7], $0x2FFFF;
	_ =	strace $0x9FFFFFFF  }
0x3a: {  	(tm) =	ssettm $0x7FFFFFFF  }
0x3b: {  	_ =	shalt  }
tec
execute0_lowered:
.L_overlay_start_1:
0x0: {  	(tag) =	ssettag $0x1  }
0x1: {  	s0 =	srdreg.scid  }
0x2: {  	s1 =	sshll.u32 s0, $0x4  }
0x3: {  	s6 =	rddreg [dreg:$0x0];
	s0 =	stileid.u32;
	s1 =	sand.u32 $0x10, s1  }
0x4: {  	s3 =	rddreg [dreg:$0x1];
	s1 =	sor.u32 s0, s1  }
0x5: {  	s5 =	simm.s32 $0x1;
	s31 =	simm.s32 $0x2;
	s2 =	sshll.u32 s1, $0x7  }
0x6: {  	s15 =	simm.s32 $0x0;
	s8 =	simm.s32 $0xC8000;
	s4 =	ssub.s32 $0x1000, s2  }
0x7: {  	s14 =	simm.s32 $0x0;
	s9 =	simm.s32 $0x0;
	s30 =	sand.u32 $0xF80, s4  }
0x8: {  	s10 =	simm.s32 $0x0;
	s11 =	simm.s32 $0x0;
	p0 =	sne.s32 s30, $0x0  }
.Ltmp0:
0x9: {  	s7 =	sshrl.u32 s4, $0xC;
	s5 =	simm.s32 @!p0 $0x0;
	(pc) =	sbr.rel .LBB1_1-.Ltmp0, $4  }
0xa: {  	s13 =	simm.s32 $0x0;
	s1 =	rddreg [dreg:$0x2];
	s5 =	sadd.s32 s5, s7  }
0xb: {  	_ =	strace $0x8000004A;
	s4 =	simm.s32 $0x1;
	s5 =	smul.u32 $0xC8, s5  }
0xc: {  	s6 =	sadd.s32 $0x68D800, s6;
	s12 =	smov.u32 s2;
	[sflag:s4] =	ssyncpa.u1 $0x0  }
0xd: {  	[sflag:s31] =	ssyncpa.u1 $0x0;
	p0 =	por $0x0, $0x0;
	s7 =	sor.u32 $0x1, s5  }
.LBB1_4:
0xe: {  	s18 =	sshll.u32 s9, $0xC;
	s19 =	sand.u32 $0x78, s10;
	s20 =	sshll.u32 s10, $0x3  }
0xf: {  	s22 =	sshll.u32 s9, $0x7;
	p1 =	sgt.s32 s9, $0xC7;
	s25 =	sshra.s32 s9, $0x1F  }
0x10: {  	s23 =	smov.u32 s10;
	s24 =	sshra.s32 s10, $0x1F;
	s29 =	sand.u32 $0x7, s10  }
0x11: {  	s18 =	sand.u32 $0xFFFF8000, s18;
	s21 =	sand.u32 $0xFFFFFC00, s20;
	s20 =	sand.u32 $0xC00, s20  }
0x12: {  	s30 =	sand.u32 $0x380, s22;
	s22 =	sand.u32 s25, s9;
	s18 =	sadd.s32 s21, s18  }
0x13: {  	s19 =	sor.u32 s19, s20;
	s20 =	smov.u32 s9;
	s18 =	sshrl.u32 s18, $0xC  }
0x14: {  	s20 =	simm.s32 @!p1 $0xC7;
	p1 =	sgt.s32 s10, $0xF80;
	s31 =	smulhi.u32 $0x147AE15, s18  }
0x15: {  	s26 =	sand.u32 s24, s10;
	s20 =	ssub.s32 s20, s22;
	s23 =	simm.s32 @!p1 $0xF80  }
0x16: {  	s27 =	ssub.s32 $0xC8, s20;
	s22 =	ssub.s32 s23, s26;
	s21 =	smul.u32 $0xC8, s31  }
0x17: {  	s20 =	sadd.s32 $0xFFFFFF39, s20;
	s23 =	smul.u32 $0x3C, s27;
	s28 =	sadd.s32 $0xFFFFF080, s22  }
0x18: {  	p1 =	sgt.s32 s20, $0x0;
	s20 =	ssub.s32 $0x1000, s22;
	p2 =	sgt.s32 s28, $0x7F  }
0x19: {  	s19 =	sor.u32 s30, s19;
	s23 =	simm.s32 @p1 $0x0;
	s20 =	simm.s32 @p2 $0x0  }
0x1a: {  	[tilespmem:s17+$0x810 ss:$0x81] =	vst.msk $0xffff, v2;
	s19 =	sshrl.u32 s19, $0x3;
	s18 =	ssub.s32 s18, s21;
	s20 =	smul.u32 s20, s23  }
0x1b: {  	[tilespmem:s17+$0x1020 ss:$0x81] =	vst.msk $0xffff, v0;
	s19 =	sadd.s32 s3, s19;
	s21 =	sshll.u32 s29, $0x12;
	s18 =	sshll.u32 s18, $0x9  }
0x1c: {  	[tilespmem:s17+$0x0 ss:$0x81] =	vst.msk $0xffff, v1;
	s31 =	sor.u32 $0x80, s21;
	s18 =	sadd.s32 s18, s19;
	s30 =	sand.u32 $0x3FFFFFFC, s20  }
0x1d: {  	[hbm4b:s18+s31] =	stream.strided.scatter [tilespmem:s16], [sflag:$0x2], s30, s8, s31, $0x20;
	[tilespmem:$0x8080] =	vst v63  }
.LBB1_5:
0x1e: {  	p1 =	slt.u32 s13, $0x2  }
0x1f: {  	s17 =	smov.u32 s15;
	p2 =	sgt.s32 @!p1 s15, $0xC7;
	s16 =	sshra.s32 @!p1 s15, $0x1F  }
0x20: {  	p3 =	sgt.s32 @!p1 s14, $0xF80;
	s18 =	sshra.s32 @!p1 s14, $0x1F;
	p2 =	por !p2, p1  }
0x21: {  	s15 =	sand.u32 @!p1 s16, s15;
	p3 =	por !p3, p1;
	s16 =	smov.u32 s14  }
0x22: {  	s14 =	sand.u32 @!p1 s18, s14;
	s17 =	simm.s32 @p2 $0xC7;
	s16 =	simm.s32 @p3 $0xF80  }
0x23: {  	s18 =	smov.u32 s12;
	s15 =	ssub.s32 @!p1 s17, s15;
	s14 =	ssub.s32 @!p1 s16, s14  }
0x24: {  	s16 =	sadd.s32 @!p1 $0xFFFFFF39, s15;
	s15 =	ssub.s32 @!p1 $0xC8, s15;
	s17 =	sadd.s32 @!p1 $0xFFFFF080, s14  }
0x25: {  	p2 =	sgt.s32 @!p1 s16, $0x0;
	s15 =	smul.u32 @!p1 $0x3C, s15;
	p3 =	sgt.s32 @!p1 s17, $0x7F  }
0x26: {  	s14 =	ssub.s32 @!p1 $0x1000, s14;
	p2 =	por !p2, p1;
	p3 =	por !p3, p1  }
0x27: {  	s16 =	sadd.s32 $0x1, s11;
	s15 =	simm.s32 @!p2 $0x0;
	s14 =	simm.s32 @!p3 $0x0  }
0x28: {  	p2 =	sgt.s32 s16, $0xC7;
	s14 =	smul.u32 @!p1 s14, s15;
	s15 =	sadd.s32 $0x1000, s12  }
0x29: {  	s18 =	smov.u32 @p2 s15  }
0x2a: {  	s16 =	simm.s32 @p2 $0x0;
	p2 =	sgt.s32 s18, $0xFFF  }
0x2b: {  	s18 =	smov.u32 @p2 s2;
	p2 =	sne.s32 s13, s7  }
.Ltmp1:
0x2c: {  	p0 =	por !p0, !p0;
	s17 =	simm.s32 @!p1 $0x2;
	(pc) =	sbr.rel @!p2 .LBB1_6-.Ltmp1, $4  }
0x2d: {  	s15 =	smov.u32 s9;
	s9 =	smov.u32 s11;
	s14 =	sand.u32 @!p1 $0x3FFFFFFC, s14  }
0x2e: {  	s11 =	smov.u32 s16;
	_ =	swait.ge @!p1 [sflag:s17], s14;
	s19 =	ssub.s32 @!p1 $0x0, s14  }
0x2f: {  	s14 =	smov.u32 s10;
	s13 =	sadd.s32 $0x1, s13;
	[sflag:s17] =	ssyncset.done @!p1 $0x0  }
0x30: {  	s10 =	smov.u32 s12;
	s12 =	smov.u32 s18;
	[sflag:s17] =	ssyncadd.s32 @!p1 s19  }
.LBB1_1:
0x31: {  	p1 =	sge.u32 s13, s5  }
0x32: {  	s16 =	sand.u32 @!p1 $0x1FFFFFF, s11  }
0x33: {  	s17 =	smulhi.u32 @!p1 $0x147AE15, s16;
	_ =	sdelay $0x1  }
0x34: {  	s17 =	smul.u32 @!p1 $0xC8, s17  }
0x35: {  	s18 =	sxor.u32 @!p1 $0xFFFFFFFF, s13;
	s19 =	smul.u32 @!p1 $0xC80, s12  }
0x36: {  	s31 =	sadd.s32 $0xFFFFFFFF, s13;
	s18 =	sshll.u32 @!p1 s18, $0xD;
	s16 =	ssub.s32 @!p1 s16, s17  }
0x37: {  	s17 =	sand.u32 @!p1 $0x2000, s18;
	s18 =	sadd.s32 @!p1 s6, s19;
	s16 =	sshll.u32 @!p1 s16, $0x4  }
0x38: {  	s19 =	simm.s32 @!p1 $0x6400;
	s16 =	sadd.s32 @!p1 s16, s18;
	s18 =	simm.s32 @!p1 $0x40  }
0x39: {  	[tilespmem:s17], [sflag:$0x1] =	stream.strided.gather @!p1 [hbm4b:s16+s18], $0x2000, s19, s18, $0x38;
	[tilespmem:$0x8080] =	vst v63  }
0x3a: {  	p1 =	sge.u32 s31, s5  }
.Ltmp2:
0x3b: {  	_ = 	snop;
	(pc) =	sbr.rel @p1 .LBB1_5-.Ltmp2, $1  }
0x3c: {  	_ =	sdelay $0x3  }
0x3d: {  	s16 =	simm.s32 $0x1  }
0x3e: {  	_ =	swait.ge [sflag:s4], $0x2000;
	s16 =	simm.s32 @!p0 $0x0  }
0x3f: {  	[sflag:s4] =	ssyncset.done $0x0;
	s17 =	sshll.u32 s16, $0xD  }
0x40: {  	[sflag:s4] =	ssyncadd.s32 $0xFFFFE000;
	s20 =	sor.u32 $0x20, s17  }
0x41: {  	s16 =	smul.u32 $0x8100, s16;
	v3 =	vld [tilespmem:s20+$0x10]  }
0x42: {  	s30 =	sand.u32 $0x1, s13;
	v2 =	vld [tilespmem:s20+$0xFFFFFFF0]  }
0x43: {  	s17 =	smul.u32 $0x8100, s30;
	s16 =	sshrl.u32 s16, $0x2;
	v0 =	vld [tilespmem:s20+$0x0]  }
0x44: {  	v1 =	vld [tilespmem:s20+$0xFFFFFFE0];
	s18 =	sor.u32 $0x4000, s16  }
0x45: {  	s31 =	sshrl.u32 s17, $0x2;
	s17 =	sadd.s32 $0x0, s18  }
0x46: {  	s19 =	simm.s32 $0x4;
	s20 =	sadd.s32 $0x40, s20;
	s16 =	sor.u32 $0x4000, s31;
	[tilespmem:s17+$0x1830 ss:$0x81] =	vst.msk $0xffff, v3  }
.LBB1_3:
0x47: {  	v3 =	vld [tilespmem:s20+$0x10];
	p1 =	sne.s32 s19, $0x1FC;
	[tilespmem:s17+$0x810 ss:$0x81] =	vst.msk $0xffff, v2;
	s21 =	smov.u32 s19;
	s19 =	sadd.s32 $0x4, s19  }
.Ltmp3:
0x48: {  	v2 =	vld [tilespmem:s20+$0xFFFFFFF0];
	[tilespmem:s17+$0x1020 ss:$0x81] =	vst.msk $0xffff, v0;
	(pc) =	sbr.rel @p1 .LBB1_3-.Ltmp3, $4  }
0x49: {  	v0 =	vld [tilespmem:s20+$0x0];
	[tilespmem:s17+$0x0 ss:$0x81] =	vst.msk $0xffff, v1  }
0x4a: {  	s17 =	sshra.s32 s21, $0x2;
	v1 =	vld [tilespmem:s20+$0xFFFFFFE0]  }
0x4b: {  	s17 =	sadd.s32 s17, s18  }
0x4c: {  	s20 =	sadd.s32 $0x40, s20;
	[tilespmem:s17+$0x1830 ss:$0x81] =	vst.msk $0xffff, v3  }
.Ltmp4:
0x4d: {  	_ = 	snop;
	(pc) =	sbr.rel .LBB1_4-.Ltmp4, $1  }
0x4e: {  	_ =	sdelay $0x3  }
.LBB1_6:
0x4f: {  	_ =	sfence.sel $0x180000  }
0x50: {  	s2 =	simm.s32 $0x1;
	[bflag:$0x0] =	sbarrier.arrive $0xFFFF  }
0x51: {  	s31 =	simm.s32 $0x2;
	[sflag:s2] =	ssyncpa.u1 $0x1  }
0x52: {  	[sflag:s31] =	ssyncpa.u1 $0x1  }
0x53: {  	p0 =	sne.s32 s0, $0x0;
	_ =	strace $0x9000004A  }
0x54: {  	s0 =	sadd.s32 @!p0 $0x100000, s1;
	[bflag:$0x2] =	sbarrier.arrive $0xFFFF  }
0x55: {  	[sflag:s0] =	ssyncadd.tile.s32 @!p0 $0x1;
	_ =	shalt  }
.Lfunc_end1:
_tile_overlayer_lowered:
.L_overlay_start_2:
0x56: {  	(tag) =	ssettag $0x2  }
0x57: {  	s0 =	rddreg [dreg:$0x0];
	s2 =	stileid.u32  }
0x58: {  	s1 =	rddreg [dreg:$0x1];
	p0 =	sne.s32 s2, $0x0  }
0x59: {  	s3 =	rddreg [dreg:$0x2];
	[bflag:$0x3] =	sbarrier.arrive $0xFFFF;
	s2 =	simm.s32 @!p0 $0x1C01  }
0x5a: {  	[timem:s3], [sflag:s2] =	dma.local @!p0 [hbm:s0], s1  }
0x5b: {  	s0 =	simm.s32 @!p0 $0x1  }
0x5c: {  	_ =	swait.ge @!p0 [sflag:s0], s1  }
0x5d: {  	s1 =	ssub.s32 @!p0 $0x0, s1;
	[sflag:s0] =	ssyncset.done @!p0 $0x0  }
0x5e: {  	[sflag:s0] =	ssyncadd.s32 @!p0 s1  }
0x5f: {  	[bflag:$0x3] =	sbarrier.arrive $0xFFFF  }
0x60: {  	_ =	shalt  }

</sc_bundles>
